<compile_context>
chip_gen: v7x
topology: tpu7x:2x2x1
jax: 0.10.2.dev20260603
libtpu: 0.0.44.dev20260713+nightly
codegen_flags: <defaults>
</compile_context>

<pallas_src>
import functools

import jax
import jax.numpy as jnp
from jax import lax
from jax.experimental import pallas as pl
from jax.experimental.pallas import tpu as pltpu
from jax.experimental.pallas import tpu_sc as plsc

_NC = 2
_NS = 16
_L = 16
_CH = 128


def _make_pool(B, T, D):
  ch = 32
  nw = _NC * _NS
  b_per_w = B // nw
  cpr = T // ch
  total = cpr * b_per_w
  sh = cpr.bit_length() - 1
  nd = D // _L
  nbuf = 8
  mesh = plsc.VectorSubcoreMesh(core_axis_name="c", subcore_axis_name="s")

  @functools.partial(
      pl.kernel,
      out_type=jax.ShapeDtypeStruct((B, D), jnp.float32),
      mesh=mesh,
      scratch_types=[
          pltpu.VMEM((b_per_w, T), jnp.int32),
          pltpu.VMEM((nbuf, ch, D), jnp.float32),
          pltpu.VMEM((D,), jnp.float32),
          pltpu.SemaphoreType.DMA,
          pltpu.SemaphoreType.DMA,
          pltpu.SemaphoreType.DMA,
          pltpu.SemaphoreType.DMA,
          pltpu.SemaphoreType.DMA,
          pltpu.SemaphoreType.DMA,
          pltpu.SemaphoreType.DMA,
          pltpu.SemaphoreType.DMA,
      ],
  )
  def pool(ids_hbm, table_hbm, out_hbm, idx_v, rows_v, acc_v, sem0, sem1,
           sem2, sem3, sem4, sem5, sem6, sem7):
    sems = (sem0, sem1, sem2, sem3, sem4, sem5, sem6, sem7)
    wid = lax.axis_index("s") * _NC + lax.axis_index("c")
    pltpu.sync_copy(ids_hbm.at[pl.ds(wid * b_per_w, b_per_w)], idx_v)

    def start(g, buf):
      row = lax.shift_right_logical(g, sh)
      col = lax.bitwise_and(g, cpr - 1)
      pltpu.async_copy(
          table_hbm.at[idx_v.at[row, pl.ds(col * ch, ch)]], rows_v.at[buf],
          sems[buf])

    def wait(buf):
      pltpu.make_async_copy(
          table_hbm.at[idx_v.at[0, pl.ds(0, ch)]], rows_v.at[buf],
          sems[buf]).wait()

    def accum(buf, accs):
      def body(r2, accs):
        r = r2 * 2
        accs = tuple(
            accs[d] + rows_v[buf, r, pl.ds(d * _L, _L)] for d in range(nd))
        return tuple(
            accs[d] + rows_v[buf, r + 1, pl.ds(d * _L, _L)]
            for d in range(nd))
      return lax.fori_loop(0, ch // 2, body, accs)

    def process(g, buf, accs):
      wait(buf)
      accs = accum(buf, accs)
      start(jnp.minimum(g + nbuf, total - 1), buf)
      boundary = lax.bitwise_and(g, cpr - 1) == (cpr - 1)
      row = lax.shift_right_logical(g, sh)

      @pl.when(boundary)
      def _():
        inv = jnp.float32(1.0 / T)
        for d in range(nd):
          acc_v[pl.ds(d * _L, _L)] = accs[d] * inv
        pltpu.sync_copy(acc_v, out_hbm.at[wid * b_per_w + row])

      keep = jnp.where(boundary, jnp.float32(0.0), jnp.float32(1.0))
      return tuple(a * keep for a in accs)

    for b in range(nbuf):
      start(jnp.int32(b), b)
    accs0 = tuple(jnp.zeros((_L,), jnp.float32) for _ in range(nd))

    def outer(gn, accs):
      g = gn * nbuf
      for j in range(nbuf):
        accs = process(g + j, j, accs)
      return accs

    lax.fori_loop(0, total // nbuf, outer, accs0)
    for j in range(nbuf):
      wait(j)

  return pool


def _mlp_body(x_ref, w1_ref, b1_ref, w2_ref, b2_ref, scale_ref, flag_ref,
              out_ref):
  x = x_ref[...]
  h = jnp.dot(x, w1_ref[...], preferred_element_type=jnp.float32) + b1_ref[...]
  h = 0.5 * h * (1.0 + lax.erf(h * jnp.float32(0.7071067811865476)))
  logits = (jnp.dot(h, w2_ref[...], preferred_element_type=jnp.float32)
            + b2_ref[...])
  logits = logits * scale_ref[...]
  bq, m = logits.shape
  idx = lax.broadcasted_iota(jnp.int32, (bq, m), 1)
  work = logits
  mask = jnp.zeros_like(logits)
  for _ in range(8):
    mx = jnp.max(work, axis=1, keepdims=True)
    cand = work == mx
    cidx = jnp.where(cand, idx, m)
    pick = jnp.min(cidx, axis=1, keepdims=True)
    sel = idx == pick
    mask = jnp.where(sel, 1.0, mask)
    work = jnp.where(sel, -jnp.inf, work)
  masked = logits * mask + (1.0 - mask) * jnp.float32(-1e9)
  l = jnp.where(flag_ref[...] > 0, masked, logits)
  mx2 = jnp.max(l, axis=1, keepdims=True)
  e = jnp.exp(l - mx2)
  out_ref[...] = e / jnp.sum(e, axis=1, keepdims=True)


def kernel(input_ids, top_k, W_emb, W1, b1, W2, b2, temperature):
  B, T = input_ids.shape
  V, D = W_emb.shape
  N = W2.shape[1]
  ids = input_ids.astype(jnp.int32)
  x = _make_pool(B, T, D)(ids, W_emb)
  tk = jnp.asarray(top_k)
  flag = ((tk > 0) & (tk < N)).astype(jnp.float32)
  scale = 1.0 / jnp.maximum(jnp.abs(temperature.astype(jnp.float32)),
                            jnp.float32(0.1))
  scale_row = jnp.full((1, N), scale, dtype=jnp.float32)
  flag_row = jnp.full((1, N), flag, dtype=jnp.float32)
  weights = pl.pallas_call(
      _mlp_body,
      out_shape=jax.ShapeDtypeStruct((B, N), jnp.float32),
  )(x, W1, b1.reshape(1, -1), W2, b2.reshape(1, -1), scale_row, flag_row)
  return weights

# --- scband reference (transcript-rebuilt; emitter-appended) ---
"""Pipeline reference for scband-orchestra-router-31078383354618 (READ-ONLY COPY).

The authoritative reference and input builder live on the scoring server;
editing this copy changes nothing except your own understanding.
"""

import jax, jax.numpy as jnp
import numpy as np

VOCAB = 100000
D_ROUTER = 256
N_MODELS = 64
B, T = 128, 2048


def setup_inputs(seed: int = 0) -> dict:
    key = jax.random.key(seed)
    ks = jax.random.split(key, 8)
    input_ids = jax.random.randint(ks[0], (B, T), 0, VOCAB)
    W_emb = jax.random.normal(ks[1], (VOCAB, D_ROUTER), dtype=jnp.float32)
    W1 = jax.random.normal(ks[2], (D_ROUTER, D_ROUTER * 2), dtype=jnp.float32) * (1.0 / np.sqrt(D_ROUTER))
    b1 = jnp.zeros((D_ROUTER * 2,), dtype=jnp.float32)
    W2 = jax.random.normal(ks[3], (D_ROUTER * 2, N_MODELS), dtype=jnp.float32) * (1.0 / np.sqrt(D_ROUTER * 2))
    b2 = jnp.zeros((N_MODELS,), dtype=jnp.float32)
    temperature = jnp.asarray(1.0, dtype=jnp.float32)
    return {
        'input_ids': input_ids,
        'top_k': 8,
        'W_emb': W_emb,
        'W1': W1,
        'b1': b1,
        'W2': W2,
        'b2': b2,
        'temperature': temperature,
    }


def reference(input_ids, top_k, W_emb, W1, b1, W2, b2, temperature):
    # embedding lookup (SparseCore gather) + mean pool over tokens
    x = jnp.take(W_emb, input_ids, axis=0).mean(axis=1)  # (B, d_router)
    # router MLP: Linear -> GELU (exact, torch default) -> (Dropout is identity in eval) -> Linear
    h = jax.nn.gelu(x @ W1 + b1, approximate=False)
    logits = h @ W2 + b2
    logits = logits / jnp.clip(jnp.abs(temperature), 0.1, None)
    n_models = logits.shape[-1]
    k_static = 8
    topk_vals, topk_idx = jax.lax.top_k(logits, k_static)
    rows = jnp.arange(logits.shape[0])[:, None]
    mask = jnp.zeros_like(logits).at[rows, topk_idx].set(1.0)
    masked_logits = logits * mask + (1.0 - mask) * (-1000000000.0)
    apply_topk = (top_k > 0) & (top_k < n_models)
    logits = jnp.where(apply_topk, masked_logits, logits)
    weights = jax.nn.softmax(logits, axis=-1)
    return weights

if __name__ == "__main__":
    import jax
    _d = setup_inputs()
    print(jax.jit(kernel)(*tuple(_d.values())))

</pallas_src>

<mosaic_0001>
#map = affine_map<(d0, d1) -> (0, 0)>
module attributes {stable_mosaic.version = 14 : i64} {
  func.func @pool(%arg0: i32, %arg1: i32, %arg2: memref<128x2048xi32, #tpu.memory_space<hbm>>, %arg3: memref<100000x256xf32, #tpu.memory_space<hbm>>, %arg4: memref<128x256xf32, #tpu.memory_space<hbm>>, %arg5: memref<4x2048xi32, #tpu.memory_space<vmem>>, %arg6: memref<8x32x256xf32, #tpu.memory_space<vmem>>, %arg7: memref<256xf32, #tpu.memory_space<vmem>>, %arg8: memref<!tpu.dma_semaphore, #tpu.memory_space<semaphore_mem>>, %arg9: memref<!tpu.dma_semaphore, #tpu.memory_space<semaphore_mem>>, %arg10: memref<!tpu.dma_semaphore, #tpu.memory_space<semaphore_mem>>, %arg11: memref<!tpu.dma_semaphore, #tpu.memory_space<semaphore_mem>>, %arg12: memref<!tpu.dma_semaphore, #tpu.memory_space<semaphore_mem>>, %arg13: memref<!tpu.dma_semaphore, #tpu.memory_space<semaphore_mem>>, %arg14: memref<!tpu.dma_semaphore, #tpu.memory_space<semaphore_mem>>, %arg15: memref<!tpu.dma_semaphore, #tpu.memory_space<semaphore_mem>>) attributes {dimension_semantics = [#tpu.dimension_semantics<core_parallel>, #tpu.dimension_semantics<subcore_parallel>], iteration_bounds = array<i64: 2, 16>, scalar_prefetch = 0 : i64, scratch_operands = 11 : i64, tpu.core_type = #tpu.core_type<sc_vector_subcore>, window_params = [{transform_indices = #map}, {transform_indices = #map}, {transform_indices = #map}]} {
    %mul3A = arith.constant 2 : i32
    %mul3A_0 = arith.muli %arg1, %mul3A : i32
    %add3A = arith.addi %mul3A_0, %arg0 : i32
    %mul3A_1 = arith.constant 4 : i32
    %mul3A_2 = arith.muli %add3A, %mul3A_1 : i32
    "tpu.region"() ({
      %run_scoped3A = tpu.sem_alloc : memref<!tpu.dma_semaphore, #tpu.memory_space<semaphore_mem>>
      %dma_start3A_275 = arith.constant 0 : i32
      %dma_start3A_276 = tpu.memref_slice %arg2[%mul3A_2, %dma_start3A_275] : memref<128x2048xi32, #tpu.memory_space<hbm>> -> memref<4x2048xi32, #tpu.memory_space<hbm>>
      %dma_start3A_277 = arith.constant 0 : i32
      %dma_start3A_278 = tpu.memref_slice %arg2[%mul3A_2, %dma_start3A_277] : memref<128x2048xi32, #tpu.memory_space<hbm>> -> memref<4x2048xi32, #tpu.memory_space<hbm>>
      tpu.enqueue_dma source(%dma_start3A_278 : memref<4x2048xi32, #tpu.memory_space<hbm>>) target(%arg5 : memref<4x2048xi32, #tpu.memory_space<vmem>>) target_semaphore(%run_scoped3A : memref<!tpu.dma_semaphore, #tpu.memory_space<semaphore_mem>>)
      %dma_wait3A_279 = arith.constant 0 : i32
      %dma_wait3A_280 = tpu.memref_slice %arg2[%mul3A_2, %dma_wait3A_279] : memref<128x2048xi32, #tpu.memory_space<hbm>> -> memref<4x2048xi32, #tpu.memory_space<hbm>>
      %dma_wait3A_281 = arith.constant 0 : i32
      %dma_wait3A_282 = tpu.memref_slice %arg2[%mul3A_2, %dma_wait3A_281] : memref<128x2048xi32, #tpu.memory_space<hbm>> -> memref<4x2048xi32, #tpu.memory_space<hbm>>
      tpu.wait_dma2 semaphore(%run_scoped3A : memref<!tpu.dma_semaphore, #tpu.memory_space<semaphore_mem>>) src(%dma_wait3A_282 : memref<4x2048xi32, #tpu.memory_space<hbm>>) dst(%arg5 : memref<4x2048xi32, #tpu.memory_space<vmem>>)
      tpu.yield
    }) : () -> ()
    %shift_right_logical3A = arith.constant 0 : i32
    %shift_right_logical3A_3 = arith.constant 6 : i32
    %shift_right_logical3A_4 = arith.shrui %shift_right_logical3A, %shift_right_logical3A_3 : i32
    %and3A = arith.constant 0 : i32
    %and3A_5 = arith.constant 63 : i32
    %and3A_6 = arith.andi %and3A, %and3A_5 : i32
    %mul3A_7 = arith.constant 32 : i32
    %mul3A_8 = arith.muli %and3A_6, %mul3A_7 : i32
    %dma_start3A = arith.constant 0 : i32
    %dma_start3A_9 = arith.constant 0 : i32
    %dma_start3A_10 = arith.constant 0 : i32
    %dma_start3A_11 = tpu.memref_slice %arg6[%dma_start3A, %dma_start3A_9, %dma_start3A_10] : memref<8x32x256xf32, #tpu.memory_space<vmem>> -> memref<1x32x256xf32, #tpu.memory_space<vmem>>
    %dma_start3A_12 = tpu.memref_squeeze %dma_start3A_11 : memref<1x32x256xf32, #tpu.memory_space<vmem>> -> memref<32x256xf32, #tpu.memory_space<vmem>>
    %dma_start3A_13 = tpu.memref_slice %arg5[%shift_right_logical3A_4, %mul3A_8] : memref<4x2048xi32, #tpu.memory_space<vmem>> -> memref<1x32xi32, #tpu.memory_space<vmem>>
    %dma_start3A_14 = tpu.memref_squeeze %dma_start3A_13 : memref<1x32xi32, #tpu.memory_space<vmem>> -> memref<32xi32, #tpu.memory_space<vmem>>
    %dma_start3A_15 = arith.constant 0 : i32
    %dma_start3A_16 = arith.constant 0 : i32
    %dma_start3A_17 = tpu.memref_slice %arg3[%dma_start3A_15, %dma_start3A_16] : memref<100000x256xf32, #tpu.memory_space<hbm>> -> memref<100000x256xf32, #tpu.memory_space<hbm>>
    tpu.enqueue_indirect_dma source(%dma_start3A_17 : memref<100000x256xf32, #tpu.memory_space<hbm>>) target(%dma_start3A_12 : memref<32x256xf32, #tpu.memory_space<vmem>>) offsets(%dma_start3A_14 : memref<32xi32, #tpu.memory_space<vmem>>) semaphore(%arg8 : memref<!tpu.dma_semaphore, #tpu.memory_space<semaphore_mem>>)
    %shift_right_logical3A_18 = arith.constant 1 : i32
    %shift_right_logical3A_19 = arith.constant 6 : i32
    %shift_right_logical3A_20 = arith.shrui %shift_right_logical3A_18, %shift_right_logical3A_19 : i32
    %and3A_21 = arith.constant 1 : i32
    %and3A_22 = arith.constant 63 : i32
    %and3A_23 = arith.andi %and3A_21, %and3A_22 : i32
    %mul3A_24 = arith.constant 32 : i32
    %mul3A_25 = arith.muli %and3A_23, %mul3A_24 : i32
    %dma_start3A_26 = arith.constant 1 : i32
    %dma_start3A_27 = arith.constant 0 : i32
    %dma_start3A_28 = arith.constant 0 : i32
    %dma_start3A_29 = tpu.memref_slice %arg6[%dma_start3A_26, %dma_start3A_27, %dma_start3A_28] : memref<8x32x256xf32, #tpu.memory_space<vmem>> -> memref<1x32x256xf32, #tpu.memory_space<vmem>>
    %dma_start3A_30 = tpu.memref_squeeze %dma_start3A_29 : memref<1x32x256xf32, #tpu.memory_space<vmem>> -> memref<32x256xf32, #tpu.memory_space<vmem>>
    %dma_start3A_31 = tpu.memref_slice %arg5[%shift_right_logical3A_20, %mul3A_25] : memref<4x2048xi32, #tpu.memory_space<vmem>> -> memref<1x32xi32, #tpu.memory_space<vmem>>
    %dma_start3A_32 = tpu.memref_squeeze %dma_start3A_31 : memref<1x32xi32, #tpu.memory_space<vmem>> -> memref<32xi32, #tpu.memory_space<vmem>>
    %dma_start3A_33 = arith.constant 0 : i32
    %dma_start3A_34 = arith.constant 0 : i32
    %dma_start3A_35 = tpu.memref_slice %arg3[%dma_start3A_33, %dma_start3A_34] : memref<100000x256xf32, #tpu.memory_space<hbm>> -> memref<100000x256xf32, #tpu.memory_space<hbm>>
    tpu.enqueue_indirect_dma source(%dma_start3A_35 : memref<100000x256xf32, #tpu.memory_space<hbm>>) target(%dma_start3A_30 : memref<32x256xf32, #tpu.memory_space<vmem>>) offsets(%dma_start3A_32 : memref<32xi32, #tpu.memory_space<vmem>>) semaphore(%arg9 : memref<!tpu.dma_semaphore, #tpu.memory_space<semaphore_mem>>)
    %shift_right_logical3A_36 = arith.constant 2 : i32
    %shift_right_logical3A_37 = arith.constant 6 : i32
    %shift_right_logical3A_38 = arith.shrui %shift_right_logical3A_36, %shift_right_logical3A_37 : i32
    %and3A_39 = arith.constant 2 : i32
    %and3A_40 = arith.constant 63 : i32
    %and3A_41 = arith.andi %and3A_39, %and3A_40 : i32
    %mul3A_42 = arith.constant 32 : i32
    %mul3A_43 = arith.muli %and3A_41, %mul3A_42 : i32
    %dma_start3A_44 = arith.constant 2 : i32
    %dma_start3A_45 = arith.constant 0 : i32
    %dma_start3A_46 = arith.constant 0 : i32
    %dma_start3A_47 = tpu.memref_slice %arg6[%dma_start3A_44, %dma_start3A_45, %dma_start3A_46] : memref<8x32x256xf32, #tpu.memory_space<vmem>> -> memref<1x32x256xf32, #tpu.memory_space<vmem>>
    %dma_start3A_48 = tpu.memref_squeeze %dma_start3A_47 : memref<1x32x256xf32, #tpu.memory_space<vmem>> -> memref<32x256xf32, #tpu.memory_space<vmem>>
    %dma_start3A_49 = tpu.memref_slice %arg5[%shift_right_logical3A_38, %mul3A_43] : memref<4x2048xi32, #tpu.memory_space<vmem>> -> memref<1x32xi32, #tpu.memory_space<vmem>>
    %dma_start3A_50 = tpu.memref_squeeze %dma_start3A_49 : memref<1x32xi32, #tpu.memory_space<vmem>> -> memref<32xi32, #tpu.memory_space<vmem>>
    %dma_start3A_51 = arith.constant 0 : i32
    %dma_start3A_52 = arith.constant 0 : i32
    %dma_start3A_53 = tpu.memref_slice %arg3[%dma_start3A_51, %dma_start3A_52] : memref<100000x256xf32, #tpu.memory_space<hbm>> -> memref<100000x256xf32, #tpu.memory_space<hbm>>
    tpu.enqueue_indirect_dma source(%dma_start3A_53 : memref<100000x256xf32, #tpu.memory_space<hbm>>) target(%dma_start3A_48 : memref<32x256xf32, #tpu.memory_space<vmem>>) offsets(%dma_start3A_50 : memref<32xi32, #tpu.memory_space<vmem>>) semaphore(%arg10 : memref<!tpu.dma_semaphore, #tpu.memory_space<semaphore_mem>>)
    %shift_right_logical3A_54 = arith.constant 3 : i32
    %shift_right_logical3A_55 = arith.constant 6 : i32
    %shift_right_logical3A_56 = arith.shrui %shift_right_logical3A_54, %shift_right_logical3A_55 : i32
    %and3A_57 = arith.constant 3 : i32
    %and3A_58 = arith.constant 63 : i32
    %and3A_59 = arith.andi %and3A_57, %and3A_58 : i32
    %mul3A_60 = arith.constant 32 : i32
    %mul3A_61 = arith.muli %and3A_59, %mul3A_60 : i32
    %dma_start3A_62 = arith.constant 3 : i32
    %dma_start3A_63 = arith.constant 0 : i32
    %dma_start3A_64 = arith.constant 0 : i32
    %dma_start3A_65 = tpu.memref_slice %arg6[%dma_start3A_62, %dma_start3A_63, %dma_start3A_64] : memref<8x32x256xf32, #tpu.memory_space<vmem>> -> memref<1x32x256xf32, #tpu.memory_space<vmem>>
    %dma_start3A_66 = tpu.memref_squeeze %dma_start3A_65 : memref<1x32x256xf32, #tpu.memory_space<vmem>> -> memref<32x256xf32, #tpu.memory_space<vmem>>
    %dma_start3A_67 = tpu.memref_slice %arg5[%shift_right_logical3A_56, %mul3A_61] : memref<4x2048xi32, #tpu.memory_space<vmem>> -> memref<1x32xi32, #tpu.memory_space<vmem>>
    %dma_start3A_68 = tpu.memref_squeeze %dma_start3A_67 : memref<1x32xi32, #tpu.memory_space<vmem>> -> memref<32xi32, #tpu.memory_space<vmem>>
    %dma_start3A_69 = arith.constant 0 : i32
    %dma_start3A_70 = arith.constant 0 : i32
    %dma_start3A_71 = tpu.memref_slice %arg3[%dma_start3A_69, %dma_start3A_70] : memref<100000x256xf32, #tpu.memory_space<hbm>> -> memref<100000x256xf32, #tpu.memory_space<hbm>>
    tpu.enqueue_indirect_dma source(%dma_start3A_71 : memref<100000x256xf32, #tpu.memory_space<hbm>>) target(%dma_start3A_66 : memref<32x256xf32, #tpu.memory_space<vmem>>) offsets(%dma_start3A_68 : memref<32xi32, #tpu.memory_space<vmem>>) semaphore(%arg11 : memref<!tpu.dma_semaphore, #tpu.memory_space<semaphore_mem>>)
    %shift_right_logical3A_72 = arith.constant 4 : i32
    %shift_right_logical3A_73 = arith.constant 6 : i32
    %shift_right_logical3A_74 = arith.shrui %shift_right_logical3A_72, %shift_right_logical3A_73 : i32
    %and3A_75 = arith.constant 4 : i32
    %and3A_76 = arith.constant 63 : i32
    %and3A_77 = arith.andi %and3A_75, %and3A_76 : i32
    %mul3A_78 = arith.constant 32 : i32
    %mul3A_79 = arith.muli %and3A_77, %mul3A_78 : i32
    %dma_start3A_80 = arith.constant 4 : i32
    %dma_start3A_81 = arith.constant 0 : i32
    %dma_start3A_82 = arith.constant 0 : i32
    %dma_start3A_83 = tpu.memref_slice %arg6[%dma_start3A_80, %dma_start3A_81, %dma_start3A_82] : memref<8x32x256xf32, #tpu.memory_space<vmem>> -> memref<1x32x256xf32, #tpu.memory_space<vmem>>
    %dma_start3A_84 = tpu.memref_squeeze %dma_start3A_83 : memref<1x32x256xf32, #tpu.memory_space<vmem>> -> memref<32x256xf32, #tpu.memory_space<vmem>>
    %dma_start3A_85 = tpu.memref_slice %arg5[%shift_right_logical3A_74, %mul3A_79] : memref<4x2048xi32, #tpu.memory_space<vmem>> -> memref<1x32xi32, #tpu.memory_space<vmem>>
    %dma_start3A_86 = tpu.memref_squeeze %dma_start3A_85 : memref<1x32xi32, #tpu.memory_space<vmem>> -> memref<32xi32, #tpu.memory_space<vmem>>
    %dma_start3A_87 = arith.constant 0 : i32
    %dma_start3A_88 = arith.constant 0 : i32
    %dma_start3A_89 = tpu.memref_slice %arg3[%dma_start3A_87, %dma_start3A_88] : memref<100000x256xf32, #tpu.memory_space<hbm>> -> memref<100000x256xf32, #tpu.memory_space<hbm>>
    tpu.enqueue_indirect_dma source(%dma_start3A_89 : memref<100000x256xf32, #tpu.memory_space<hbm>>) target(%dma_start3A_84 : memref<32x256xf32, #tpu.memory_space<vmem>>) offsets(%dma_start3A_86 : memref<32xi32, #tpu.memory_space<vmem>>) semaphore(%arg12 : memref<!tpu.dma_semaphore, #tpu.memory_space<semaphore_mem>>)
    %shift_right_logical3A_90 = arith.constant 5 : i32
    %shift_right_logical3A_91 = arith.constant 6 : i32
    %shift_right_logical3A_92 = arith.shrui %shift_right_logical3A_90, %shift_right_logical3A_91 : i32
    %and3A_93 = arith.constant 5 : i32
    %and3A_94 = arith.constant 63 : i32
    %and3A_95 = arith.andi %and3A_93, %and3A_94 : i32
    %mul3A_96 = arith.constant 32 : i32
    %mul3A_97 = arith.muli %and3A_95, %mul3A_96 : i32
    %dma_start3A_98 = arith.constant 5 : i32
    %dma_start3A_99 = arith.constant 0 : i32
    %dma_start3A_100 = arith.constant 0 : i32
    %dma_start3A_101 = tpu.memref_slice %arg6[%dma_start3A_98, %dma_start3A_99, %dma_start3A_100] : memref<8x32x256xf32, #tpu.memory_space<vmem>> -> memref<1x32x256xf32, #tpu.memory_space<vmem>>
    %dma_start3A_102 = tpu.memref_squeeze %dma_start3A_101 : memref<1x32x256xf32, #tpu.memory_space<vmem>> -> memref<32x256xf32, #tpu.memory_space<vmem>>
    %dma_start3A_103 = tpu.memref_slice %arg5[%shift_right_logical3A_92, %mul3A_97] : memref<4x2048xi32, #tpu.memory_space<vmem>> -> memref<1x32xi32, #tpu.memory_space<vmem>>
    %dma_start3A_104 = tpu.memref_squeeze %dma_start3A_103 : memref<1x32xi32, #tpu.memory_space<vmem>> -> memref<32xi32, #tpu.memory_space<vmem>>
    %dma_start3A_105 = arith.constant 0 : i32
    %dma_start3A_106 = arith.constant 0 : i32
    %dma_start3A_107 = tpu.memref_slice %arg3[%dma_start3A_105, %dma_start3A_106] : memref<100000x256xf32, #tpu.memory_space<hbm>> -> memref<100000x256xf32, #tpu.memory_space<hbm>>
    tpu.enqueue_indirect_dma source(%dma_start3A_107 : memref<100000x256xf32, #tpu.memory_space<hbm>>) target(%dma_start3A_102 : memref<32x256xf32, #tpu.memory_space<vmem>>) offsets(%dma_start3A_104 : memref<32xi32, #tpu.memory_space<vmem>>) semaphore(%arg13 : memref<!tpu.dma_semaphore, #tpu.memory_space<semaphore_mem>>)
    %shift_right_logical3A_108 = arith.constant 6 : i32
    %shift_right_logical3A_109 = arith.constant 6 : i32
    %shift_right_logical3A_110 = arith.shrui %shift_right_logical3A_108, %shift_right_logical3A_109 : i32
    %and3A_111 = arith.constant 6 : i32
    %and3A_112 = arith.constant 63 : i32
    %and3A_113 = arith.andi %and3A_111, %and3A_112 : i32
    %mul3A_114 = arith.constant 32 : i32
    %mul3A_115 = arith.muli %and3A_113, %mul3A_114 : i32
    %dma_start3A_116 = arith.constant 6 : i32
    %dma_start3A_117 = arith.constant 0 : i32
    %dma_start3A_118 = arith.constant 0 : i32
    %dma_start3A_119 = tpu.memref_slice %arg6[%dma_start3A_116, %dma_start3A_117, %dma_start3A_118] : memref<8x32x256xf32, #tpu.memory_space<vmem>> -> memref<1x32x256xf32, #tpu.memory_space<vmem>>
    %dma_start3A_120 = tpu.memref_squeeze %dma_start3A_119 : memref<1x32x256xf32, #tpu.memory_space<vmem>> -> memref<32x256xf32, #tpu.memory_space<vmem>>
    %dma_start3A_121 = tpu.memref_slice %arg5[%shift_right_logical3A_110, %mul3A_115] : memref<4x2048xi32, #tpu.memory_space<vmem>> -> memref<1x32xi32, #tpu.memory_space<vmem>>
    %dma_start3A_122 = tpu.memref_squeeze %dma_start3A_121 : memref<1x32xi32, #tpu.memory_space<vmem>> -> memref<32xi32, #tpu.memory_space<vmem>>
    %dma_start3A_123 = arith.constant 0 : i32
    %dma_start3A_124 = arith.constant 0 : i32
    %dma_start3A_125 = tpu.memref_slice %arg3[%dma_start3A_123, %dma_start3A_124] : memref<100000x256xf32, #tpu.memory_space<hbm>> -> memref<100000x256xf32, #tpu.memory_space<hbm>>
    tpu.enqueue_indirect_dma source(%dma_start3A_125 : memref<100000x256xf32, #tpu.memory_space<hbm>>) target(%dma_start3A_120 : memref<32x256xf32, #tpu.memory_space<vmem>>) offsets(%dma_start3A_122 : memref<32xi32, #tpu.memory_space<vmem>>) semaphore(%arg14 : memref<!tpu.dma_semaphore, #tpu.memory_space<semaphore_mem>>)
    %shift_right_logical3A_126 = arith.constant 7 : i32
    %shift_right_logical3A_127 = arith.constant 6 : i32
    %shift_right_logical3A_128 = arith.shrui %shift_right_logical3A_126, %shift_right_logical3A_127 : i32
    %and3A_129 = arith.constant 7 : i32
    %and3A_130 = arith.constant 63 : i32
    %and3A_131 = arith.andi %and3A_129, %and3A_130 : i32
    %mul3A_132 = arith.constant 32 : i32
    %mul3A_133 = arith.muli %and3A_131, %mul3A_132 : i32
    %dma_start3A_134 = arith.constant 7 : i32
    %dma_start3A_135 = arith.constant 0 : i32
    %dma_start3A_136 = arith.constant 0 : i32
    %dma_start3A_137 = tpu.memref_slice %arg6[%dma_start3A_134, %dma_start3A_135, %dma_start3A_136] : memref<8x32x256xf32, #tpu.memory_space<vmem>> -> memref<1x32x256xf32, #tpu.memory_space<vmem>>
    %dma_start3A_138 = tpu.memref_squeeze %dma_start3A_137 : memref<1x32x256xf32, #tpu.memory_space<vmem>> -> memref<32x256xf32, #tpu.memory_space<vmem>>
    %dma_start3A_139 = tpu.memref_slice %arg5[%shift_right_logical3A_128, %mul3A_133] : memref<4x2048xi32, #tpu.memory_space<vmem>> -> memref<1x32xi32, #tpu.memory_space<vmem>>
    %dma_start3A_140 = tpu.memref_squeeze %dma_start3A_139 : memref<1x32xi32, #tpu.memory_space<vmem>> -> memref<32xi32, #tpu.memory_space<vmem>>
    %dma_start3A_141 = arith.constant 0 : i32
    %dma_start3A_142 = arith.constant 0 : i32
    %dma_start3A_143 = tpu.memref_slice %arg3[%dma_start3A_141, %dma_start3A_142] : memref<100000x256xf32, #tpu.memory_space<hbm>> -> memref<100000x256xf32, #tpu.memory_space<hbm>>
    tpu.enqueue_indirect_dma source(%dma_start3A_143 : memref<100000x256xf32, #tpu.memory_space<hbm>>) target(%dma_start3A_138 : memref<32x256xf32, #tpu.memory_space<vmem>>) offsets(%dma_start3A_140 : memref<32xi32, #tpu.memory_space<vmem>>) semaphore(%arg15 : memref<!tpu.dma_semaphore, #tpu.memory_space<semaphore_mem>>)
    %broadcast_in_dim3A = arith.constant 0.000000e+00 : f32
    %broadcast_in_dim3A_144 = vector.broadcast %broadcast_in_dim3A : f32 to vector<16xf32>
    %broadcast_in_dim3A_145 = arith.constant 0.000000e+00 : f32
    %broadcast_in_dim3A_146 = vector.broadcast %broadcast_in_dim3A_145 : f32 to vector<16xf32>
    %broadcast_in_dim3A_147 = arith.constant 0.000000e+00 : f32
    %broadcast_in_dim3A_148 = vector.broadcast %broadcast_in_dim3A_147 : f32 to vector<16xf32>
    %broadcast_in_dim3A_149 = arith.constant 0.000000e+00 : f32
    %broadcast_in_dim3A_150 = vector.broadcast %broadcast_in_dim3A_149 : f32 to vector<16xf32>
    %broadcast_in_dim3A_151 = arith.constant 0.000000e+00 : f32
    %broadcast_in_dim3A_152 = vector.broadcast %broadcast_in_dim3A_151 : f32 to vector<16xf32>
    %broadcast_in_dim3A_153 = arith.constant 0.000000e+00 : f32
    %broadcast_in_dim3A_154 = vector.broadcast %broadcast_in_dim3A_153 : f32 to vector<16xf32>
    %broadcast_in_dim3A_155 = arith.constant 0.000000e+00 : f32
    %broadcast_in_dim3A_156 = vector.broadcast %broadcast_in_dim3A_155 : f32 to vector<16xf32>
    %broadcast_in_dim3A_157 = arith.constant 0.000000e+00 : f32
    %broadcast_in_dim3A_158 = vector.broadcast %broadcast_in_dim3A_157 : f32 to vector<16xf32>
    %broadcast_in_dim3A_159 = arith.constant 0.000000e+00 : f32
    %broadcast_in_dim3A_160 = vector.broadcast %broadcast_in_dim3A_159 : f32 to vector<16xf32>
    %broadcast_in_dim3A_161 = arith.constant 0.000000e+00 : f32
    %broadcast_in_dim3A_162 = vector.broadcast %broadcast_in_dim3A_161 : f32 to vector<16xf32>
    %broadcast_in_dim3A_163 = arith.constant 0.000000e+00 : f32
    %broadcast_in_dim3A_164 = vector.broadcast %broadcast_in_dim3A_163 : f32 to vector<16xf32>
    %broadcast_in_dim3A_165 = arith.constant 0.000000e+00 : f32
    %broadcast_in_dim3A_166 = vector.broadcast %broadcast_in_dim3A_165 : f32 to vector<16xf32>
    %broadcast_in_dim3A_167 = arith.constant 0.000000e+00 : f32
    %broadcast_in_dim3A_168 = vector.broadcast %broadcast_in_dim3A_167 : f32 to vector<16xf32>
    %broadcast_in_dim3A_169 = arith.constant 0.000000e+00 : f32
    %broadcast_in_dim3A_170 = vector.broadcast %broadcast_in_dim3A_169 : f32 to vector<16xf32>
    %broadcast_in_dim3A_171 = arith.constant 0.000000e+00 : f32
    %broadcast_in_dim3A_172 = vector.broadcast %broadcast_in_dim3A_171 : f32 to vector<16xf32>
    %broadcast_in_dim3A_173 = arith.constant 0.000000e+00 : f32
    %broadcast_in_dim3A_174 = vector.broadcast %broadcast_in_dim3A_173 : f32 to vector<16xf32>
    %scan3A = arith.constant 0 : i32
    %scan3A_175 = arith.constant 32 : i32
    %scan3A_176 = arith.addi %scan3A, %scan3A_175 : i32
    %scan3A_177 = arith.constant 1 : i32
    %scan3A_178:16 = scf.for %scan3A_275 = %scan3A to %scan3A_176 step %scan3A_177 iter_args(%scan3A_276 = %broadcast_in_dim3A_144, %scan3A_277 = %broadcast_in_dim3A_146, %scan3A_278 = %broadcast_in_dim3A_148, %scan3A_279 = %broadcast_in_dim3A_150, %scan3A_280 = %broadcast_in_dim3A_152, %scan3A_281 = %broadcast_in_dim3A_154, %scan3A_282 = %broadcast_in_dim3A_156, %scan3A_283 = %broadcast_in_dim3A_158, %scan3A_284 = %broadcast_in_dim3A_160, %scan3A_285 = %broadcast_in_dim3A_162, %scan3A_286 = %broadcast_in_dim3A_164, %scan3A_287 = %broadcast_in_dim3A_166, %scan3A_288 = %broadcast_in_dim3A_168, %scan3A_289 = %broadcast_in_dim3A_170, %scan3A_290 = %broadcast_in_dim3A_172, %scan3A_291 = %broadcast_in_dim3A_174) -> (vector<16xf32>, vector<16xf32>, vector<16xf32>, vector<16xf32>, vector<16xf32>, vector<16xf32>, vector<16xf32>, vector<16xf32>, vector<16xf32>, vector<16xf32>, vector<16xf32>, vector<16xf32>, vector<16xf32>, vector<16xf32>, vector<16xf32>, vector<16xf32>)  : i32 {
      %mul3A_292 = arith.constant 8 : i32
      %mul3A_293 = arith.muli %scan3A_275, %mul3A_292 : i32
      %add3A_294 = arith.constant 0 : i32
      %add3A_295 = arith.addi %mul3A_293, %add3A_294 : i32
      %dma_wait3A_296 = arith.constant 0 : i32
      %dma_wait3A_297 = arith.constant 0 : i32
      %dma_wait3A_298 = arith.constant 0 : i32
      %dma_wait3A_299 = arith.constant 0 : i32
      %dma_wait3A_300 = tpu.memref_slice %arg6[%dma_wait3A_297, %dma_wait3A_298, %dma_wait3A_299] : memref<8x32x256xf32, #tpu.memory_space<vmem>> -> memref<1x32x256xf32, #tpu.memory_space<vmem>>
      %dma_wait3A_301 = tpu.memref_squeeze %dma_wait3A_300 : memref<1x32x256xf32, #tpu.memory_space<vmem>> -> memref<32x256xf32, #tpu.memory_space<vmem>>
      %dma_wait3A_302 = arith.constant 0 : i32
      %dma_wait3A_303 = tpu.memref_slice %arg5[%dma_wait3A_296, %dma_wait3A_302] : memref<4x2048xi32, #tpu.memory_space<vmem>> -> memref<1x32xi32, #tpu.memory_space<vmem>>
      %dma_wait3A_304 = tpu.memref_squeeze %dma_wait3A_303 : memref<1x32xi32, #tpu.memory_space<vmem>> -> memref<32xi32, #tpu.memory_space<vmem>>
      %dma_wait3A_305 = arith.constant 0 : i32
      %dma_wait3A_306 = arith.constant 0 : i32
      %dma_wait3A_307 = tpu.memref_slice %arg3[%dma_wait3A_305, %dma_wait3A_306] : memref<100000x256xf32, #tpu.memory_space<hbm>> -> memref<100000x256xf32, #tpu.memory_space<hbm>>
      tpu.wait_indirect_dma semaphore(%arg8 : memref<!tpu.dma_semaphore, #tpu.memory_space<semaphore_mem>>) src(%dma_wait3A_307 : memref<100000x256xf32, #tpu.memory_space<hbm>>) dst(%dma_wait3A_301 : memref<32x256xf32, #tpu.memory_space<vmem>>)
      %scan3A_308 = arith.constant 0 : i32
      %scan3A_309 = arith.constant 16 : i32
      %scan3A_310 = arith.addi %scan3A_308, %scan3A_309 : i32
      %scan3A_311 = arith.constant 1 : i32
      %scan3A_312:16 = scf.for %scan3A_960 = %scan3A_308 to %scan3A_310 step %scan3A_311 iter_args(%scan3A_961 = %scan3A_276, %scan3A_962 = %scan3A_277, %scan3A_963 = %scan3A_278, %scan3A_964 = %scan3A_279, %scan3A_965 = %scan3A_280, %scan3A_966 = %scan3A_281, %scan3A_967 = %scan3A_282, %scan3A_968 = %scan3A_283, %scan3A_969 = %scan3A_284, %scan3A_970 = %scan3A_285, %scan3A_971 = %scan3A_286, %scan3A_972 = %scan3A_287, %scan3A_973 = %scan3A_288, %scan3A_974 = %scan3A_289, %scan3A_975 = %scan3A_290, %scan3A_976 = %scan3A_291) -> (vector<16xf32>, vector<16xf32>, vector<16xf32>, vector<16xf32>, vector<16xf32>, vector<16xf32>, vector<16xf32>, vector<16xf32>, vector<16xf32>, vector<16xf32>, vector<16xf32>, vector<16xf32>, vector<16xf32>, vector<16xf32>, vector<16xf32>, vector<16xf32>)  : i32 {
        %mul3A_977 = arith.constant 2 : i32
        %mul3A_978 = arith.muli %scan3A_960, %mul3A_977 : i32
        %get3A = arith.constant 0 : i32
        %get3A_979 = arith.index_cast %get3A : i32 to index
        %get3A_980 = arith.index_cast %mul3A_978 : i32 to index
        %get3A_981 = arith.constant 0 : index
        %get3A_982 = tpu.vector_load %arg6[%get3A_979, %get3A_980, %get3A_981] {strides = array<i32>} : memref<8x32x256xf32, #tpu.memory_space<vmem>>, vector<1x1x16xf32>,
        %get3A_983 = vector.shape_cast %get3A_982 : vector<1x1x16xf32> to vector<16xf32>
        %add3A_984 = arith.addf %scan3A_961, %get3A_983 : vector<16xf32>
        %get3A_985 = arith.constant 0 : i32
        %get3A_986 = arith.index_cast %get3A_985 : i32 to index
        %get3A_987 = arith.index_cast %mul3A_978 : i32 to index
        %get3A_988 = arith.constant 16 : index
        %get3A_989 = tpu.vector_load %arg6[%get3A_986, %get3A_987, %get3A_988] {strides = array<i32>} : memref<8x32x256xf32, #tpu.memory_space<vmem>>, vector<1x1x16xf32>,
        %get3A_990 = vector.shape_cast %get3A_989 : vector<1x1x16xf32> to vector<16xf32>
        %add3A_991 = arith.addf %scan3A_962, %get3A_990 : vector<16xf32>
        %get3A_992 = arith.constant 0 : i32
        %get3A_993 = arith.index_cast %get3A_992 : i32 to index
        %get3A_994 = arith.index_cast %mul3A_978 : i32 to index
        %get3A_995 = arith.constant 32 : index
        %get3A_996 = tpu.vector_load %arg6[%get3A_993, %get3A_994, %get3A_995] {strides = array<i32>} : memref<8x32x256xf32, #tpu.memory_space<vmem>>, vector<1x1x16xf32>,
        %get3A_997 = vector.shape_cast %get3A_996 : vector<1x1x16xf32> to vector<16xf32>
        %add3A_998 = arith.addf %scan3A_963, %get3A_997 : vector<16xf32>
        %get3A_999 = arith.constant 0 : i32
        %get3A_1000 = arith.index_cast %get3A_999 : i32 to index
        %get3A_1001 = arith.index_cast %mul3A_978 : i32 to index
        %get3A_1002 = arith.constant 48 : index
        %get3A_1003 = tpu.vector_load %arg6[%get3A_1000, %get3A_1001, %get3A_1002] {strides = array<i32>} : memref<8x32x256xf32, #tpu.memory_space<vmem>>, vector<1x1x16xf32>,
        %get3A_1004 = vector.shape_cast %get3A_1003 : vector<1x1x16xf32> to vector<16xf32>
        %add3A_1005 = arith.addf %scan3A_964, %get3A_1004 : vector<16xf32>
        %get3A_1006 = arith.constant 0 : i32
        %get3A_1007 = arith.index_cast %get3A_1006 : i32 to index
        %get3A_1008 = arith.index_cast %mul3A_978 : i32 to index
        %get3A_1009 = arith.constant 64 : index
        %get3A_1010 = tpu.vector_load %arg6[%get3A_1007, %get3A_1008, %get3A_1009] {strides = array<i32>} : memref<8x32x256xf32, #tpu.memory_space<vmem>>, vector<1x1x16xf32>,
        %get3A_1011 = vector.shape_cast %get3A_1010 : vector<1x1x16xf32> to vector<16xf32>
        %add3A_1012 = arith.addf %scan3A_965, %get3A_1011 : vector<16xf32>
        %get3A_1013 = arith.constant 0 : i32
        %get3A_1014 = arith.index_cast %get3A_1013 : i32 to index
        %get3A_1015 = arith.index_cast %mul3A_978 : i32 to index
        %get3A_1016 = arith.constant 80 : index
        %get3A_1017 = tpu.vector_load %arg6[%get3A_1014, %get3A_1015, %get3A_1016] {strides = array<i32>} : memref<8x32x256xf32, #tpu.memory_space<vmem>>, vector<1x1x16xf32>,
        %get3A_1018 = vector.shape_cast %get3A_1017 : vector<1x1x16xf32> to vector<16xf32>
        %add3A_1019 = arith.addf %scan3A_966, %get3A_1018 : vector<16xf32>
        %get3A_1020 = arith.constant 0 : i32
        %get3A_1021 = arith.index_cast %get3A_1020 : i32 to index
        %get3A_1022 = arith.index_cast %mul3A_978 : i32 to index
        %get3A_1023 = arith.constant 96 : index
        %get3A_1024 = tpu.vector_load %arg6[%get3A_1021, %get3A_1022, %get3A_1023] {strides = array<i32>} : memref<8x32x256xf32, #tpu.memory_space<vmem>>, vector<1x1x16xf32>,
        %get3A_1025 = vector.shape_cast %get3A_1024 : vector<1x1x16xf32> to vector<16xf32>
        %add3A_1026 = arith.addf %scan3A_967, %get3A_1025 : vector<16xf32>
        %get3A_1027 = arith.constant 0 : i32
        %get3A_1028 = arith.index_cast %get3A_1027 : i32 to index
        %get3A_1029 = arith.index_cast %mul3A_978 : i32 to index
        %get3A_1030 = arith.constant 112 : index
        %get3A_1031 = tpu.vector_load %arg6[%get3A_1028, %get3A_1029, %get3A_1030] {strides = array<i32>} : memref<8x32x256xf32, #tpu.memory_space<vmem>>, vector<1x1x16xf32>,
        %get3A_1032 = vector.shape_cast %get3A_1031 : vector<1x1x16xf32> to vector<16xf32>
        %add3A_1033 = arith.addf %scan3A_968, %get3A_1032 : vector<16xf32>
        %get3A_1034 = arith.constant 0 : i32
        %get3A_1035 = arith.index_cast %get3A_1034 : i32 to index
        %get3A_1036 = arith.index_cast %mul3A_978 : i32 to index
        %get3A_1037 = arith.constant 128 : index
        %get3A_1038 = tpu.vector_load %arg6[%get3A_1035, %get3A_1036, %get3A_1037] {strides = array<i32>} : memref<8x32x256xf32, #tpu.memory_space<vmem>>, vector<1x1x16xf32>,
        %get3A_1039 = vector.shape_cast %get3A_1038 : vector<1x1x16xf32> to vector<16xf32>
        %add3A_1040 = arith.addf %scan3A_969, %get3A_1039 : vector<16xf32>
        %get3A_1041 = arith.constant 0 : i32
        %get3A_1042 = arith.index_cast %get3A_1041 : i32 to index
        %get3A_1043 = arith.index_cast %mul3A_978 : i32 to index
        %get3A_1044 = arith.constant 144 : index
        %get3A_1045 = tpu.vector_load %arg6[%get3A_1042, %get3A_1043, %get3A_1044] {strides = array<i32>} : memref<8x32x256xf32, #tpu.memory_space<vmem>>, vector<1x1x16xf32>,
        %get3A_1046 = vector.shape_cast %get3A_1045 : vector<1x1x16xf32> to vector<16xf32>
        %add3A_1047 = arith.addf %scan3A_970, %get3A_1046 : vector<16xf32>
        %get3A_1048 = arith.constant 0 : i32
        %get3A_1049 = arith.index_cast %get3A_1048 : i32 to index
        %get3A_1050 = arith.index_cast %mul3A_978 : i32 to index
        %get3A_1051 = arith.constant 160 : index
        %get3A_1052 = tpu.vector_load %arg6[%get3A_1049, %get3A_1050, %get3A_1051] {strides = array<i32>} : memref<8x32x256xf32, #tpu.memory_space<vmem>>, vector<1x1x16xf32>,
        %get3A_1053 = vector.shape_cast %get3A_1052 : vector<1x1x16xf32> to vector<16xf32>
        %add3A_1054 = arith.addf %scan3A_971, %get3A_1053 : vector<16xf32>
        %get3A_1055 = arith.constant 0 : i32
        %get3A_1056 = arith.index_cast %get3A_1055 : i32 to index
        %get3A_1057 = arith.index_cast %mul3A_978 : i32 to index
        %get3A_1058 = arith.constant 176 : index
        %get3A_1059 = tpu.vector_load %arg6[%get3A_1056, %get3A_1057, %get3A_1058] {strides = array<i32>} : memref<8x32x256xf32, #tpu.memory_space<vmem>>, vector<1x1x16xf32>,
        %get3A_1060 = vector.shape_cast %get3A_1059 : vector<1x1x16xf32> to vector<16xf32>
        %add3A_1061 = arith.addf %scan3A_972, %get3A_1060 : vector<16xf32>
        %get3A_1062 = arith.constant 0 : i32
        %get3A_1063 = arith.index_cast %get3A_1062 : i32 to index
        %get3A_1064 = arith.index_cast %mul3A_978 : i32 to index
        %get3A_1065 = arith.constant 192 : index
        %get3A_1066 = tpu.vector_load %arg6[%get3A_1063, %get3A_1064, %get3A_1065] {strides = array<i32>} : memref<8x32x256xf32, #tpu.memory_space<vmem>>, vector<1x1x16xf32>,
        %get3A_1067 = vector.shape_cast %get3A_1066 : vector<1x1x16xf32> to vector<16xf32>
        %add3A_1068 = arith.addf %scan3A_973, %get3A_1067 : vector<16xf32>
        %get3A_1069 = arith.constant 0 : i32
        %get3A_1070 = arith.index_cast %get3A_1069 : i32 to index
        %get3A_1071 = arith.index_cast %mul3A_978 : i32 to index
        %get3A_1072 = arith.constant 208 : index
        %get3A_1073 = tpu.vector_load %arg6[%get3A_1070, %get3A_1071, %get3A_1072] {strides = array<i32>} : memref<8x32x256xf32, #tpu.memory_space<vmem>>, vector<1x1x16xf32>,
        %get3A_1074 = vector.shape_cast %get3A_1073 : vector<1x1x16xf32> to vector<16xf32>
        %add3A_1075 = arith.addf %scan3A_974, %get3A_1074 : vector<16xf32>
        %get3A_1076 = arith.constant 0 : i32
        %get3A_1077 = arith.index_cast %get3A_1076 : i32 to index
        %get3A_1078 = arith.index_cast %mul3A_978 : i32 to index
        %get3A_1079 = arith.constant 224 : index
        %get3A_1080 = tpu.vector_load %arg6[%get3A_1077, %get3A_1078, %get3A_1079] {strides = array<i32>} : memref<8x32x256xf32, #tpu.memory_space<vmem>>, vector<1x1x16xf32>,
        %get3A_1081 = vector.shape_cast %get3A_1080 : vector<1x1x16xf32> to vector<16xf32>
        %add3A_1082 = arith.addf %scan3A_975, %get3A_1081 : vector<16xf32>
        %get3A_1083 = arith.constant 0 : i32
        %get3A_1084 = arith.index_cast %get3A_1083 : i32 to index
        %get3A_1085 = arith.index_cast %mul3A_978 : i32 to index
        %get3A_1086 = arith.constant 240 : index
        %get3A_1087 = tpu.vector_load %arg6[%get3A_1084, %get3A_1085, %get3A_1086] {strides = array<i32>} : memref<8x32x256xf32, #tpu.memory_space<vmem>>, vector<1x1x16xf32>,
        %get3A_1088 = vector.shape_cast %get3A_1087 : vector<1x1x16xf32> to vector<16xf32>
        %add3A_1089 = arith.addf %scan3A_976, %get3A_1088 : vector<16xf32>
        %add3A_1090 = arith.constant 1 : i32
        %add3A_1091 = arith.addi %mul3A_978, %add3A_1090 : i32
        %get3A_1092 = arith.constant 0 : i32
        %get3A_1093 = arith.index_cast %get3A_1092 : i32 to index
        %get3A_1094 = arith.index_cast %add3A_1091 : i32 to index
        %get3A_1095 = arith.constant 0 : index
        %get3A_1096 = tpu.vector_load %arg6[%get3A_1093, %get3A_1094, %get3A_1095] {strides = array<i32>} : memref<8x32x256xf32, #tpu.memory_space<vmem>>, vector<1x1x16xf32>,
        %get3A_1097 = vector.shape_cast %get3A_1096 : vector<1x1x16xf32> to vector<16xf32>
        %add3A_1098 = arith.addf %add3A_984, %get3A_1097 : vector<16xf32>
        %add3A_1099 = arith.constant 1 : i32
        %add3A_1100 = arith.addi %mul3A_978, %add3A_1099 : i32
        %get3A_1101 = arith.constant 0 : i32
        %get3A_1102 = arith.index_cast %get3A_1101 : i32 to index
        %get3A_1103 = arith.index_cast %add3A_1100 : i32 to index
        %get3A_1104 = arith.constant 16 : index
        %get3A_1105 = tpu.vector_load %arg6[%get3A_1102, %get3A_1103, %get3A_1104] {strides = array<i32>} : memref<8x32x256xf32, #tpu.memory_space<vmem>>, vector<1x1x16xf32>,
        %get3A_1106 = vector.shape_cast %get3A_1105 : vector<1x1x16xf32> to vector<16xf32>
        %add3A_1107 = arith.addf %add3A_991, %get3A_1106 : vector<16xf32>
        %add3A_1108 = arith.constant 1 : i32
        %add3A_1109 = arith.addi %mul3A_978, %add3A_1108 : i32
        %get3A_1110 = arith.constant 0 : i32
        %get3A_1111 = arith.index_cast %get3A_1110 : i32 to index
        %get3A_1112 = arith.index_cast %add3A_1109 : i32 to index
        %get3A_1113 = arith.constant 32 : index
        %get3A_1114 = tpu.vector_load %arg6[%get3A_1111, %get3A_1112, %get3A_1113] {strides = array<i32>} : memref<8x32x256xf32, #tpu.memory_space<vmem>>, vector<1x1x16xf32>,
        %get3A_1115 = vector.shape_cast %get3A_1114 : vector<1x1x16xf32> to vector<16xf32>
        %add3A_1116 = arith.addf %add3A_998, %get3A_1115 : vector<16xf32>
        %add3A_1117 = arith.constant 1 : i32
        %add3A_1118 = arith.addi %mul3A_978, %add3A_1117 : i32
        %get3A_1119 = arith.constant 0 : i32
        %get3A_1120 = arith.index_cast %get3A_1119 : i32 to index
        %get3A_1121 = arith.index_cast %add3A_1118 : i32 to index
        %get3A_1122 = arith.constant 48 : index
        %get3A_1123 = tpu.vector_load %arg6[%get3A_1120, %get3A_1121, %get3A_1122] {strides = array<i32>} : memref<8x32x256xf32, #tpu.memory_space<vmem>>, vector<1x1x16xf32>,
        %get3A_1124 = vector.shape_cast %get3A_1123 : vector<1x1x16xf32> to vector<16xf32>
        %add3A_1125 = arith.addf %add3A_1005, %get3A_1124 : vector<16xf32>
        %add3A_1126 = arith.constant 1 : i32
        %add3A_1127 = arith.addi %mul3A_978, %add3A_1126 : i32
        %get3A_1128 = arith.constant 0 : i32
        %get3A_1129 = arith.index_cast %get3A_1128 : i32 to index
        %get3A_1130 = arith.index_cast %add3A_1127 : i32 to index
        %get3A_1131 = arith.constant 64 : index
        %get3A_1132 = tpu.vector_load %arg6[%get3A_1129, %get3A_1130, %get3A_1131] {strides = array<i32>} : memref<8x32x256xf32, #tpu.memory_space<vmem>>, vector<1x1x16xf32>,
        %get3A_1133 = vector.shape_cast %get3A_1132 : vector<1x1x16xf32> to vector<16xf32>
        %add3A_1134 = arith.addf %add3A_1012, %get3A_1133 : vector<16xf32>
        %add3A_1135 = arith.constant 1 : i32
        %add3A_1136 = arith.addi %mul3A_978, %add3A_1135 : i32
        %get3A_1137 = arith.constant 0 : i32
        %get3A_1138 = arith.index_cast %get3A_1137 : i32 to index
        %get3A_1139 = arith.index_cast %add3A_1136 : i32 to index
        %get3A_1140 = arith.constant 80 : index
        %get3A_1141 = tpu.vector_load %arg6[%get3A_1138, %get3A_1139, %get3A_1140] {strides = array<i32>} : memref<8x32x256xf32, #tpu.memory_space<vmem>>, vector<1x1x16xf32>,
        %get3A_1142 = vector.shape_cast %get3A_1141 : vector<1x1x16xf32> to vector<16xf32>
        %add3A_1143 = arith.addf %add3A_1019, %get3A_1142 : vector<16xf32>
        %add3A_1144 = arith.constant 1 : i32
        %add3A_1145 = arith.addi %mul3A_978, %add3A_1144 : i32
        %get3A_1146 = arith.constant 0 : i32
        %get3A_1147 = arith.index_cast %get3A_1146 : i32 to index
        %get3A_1148 = arith.index_cast %add3A_1145 : i32 to index
        %get3A_1149 = arith.constant 96 : index
        %get3A_1150 = tpu.vector_load %arg6[%get3A_1147, %get3A_1148, %get3A_1149] {strides = array<i32>} : memref<8x32x256xf32, #tpu.memory_space<vmem>>, vector<1x1x16xf32>,
        %get3A_1151 = vector.shape_cast %get3A_1150 : vector<1x1x16xf32> to vector<16xf32>
        %add3A_1152 = arith.addf %add3A_1026, %get3A_1151 : vector<16xf32>
        %add3A_1153 = arith.constant 1 : i32
        %add3A_1154 = arith.addi %mul3A_978, %add3A_1153 : i32
        %get3A_1155 = arith.constant 0 : i32
        %get3A_1156 = arith.index_cast %get3A_1155 : i32 to index
        %get3A_1157 = arith.index_cast %add3A_1154 : i32 to index
        %get3A_1158 = arith.constant 112 : index
        %get3A_1159 = tpu.vector_load %arg6[%get3A_1156, %get3A_1157, %get3A_1158] {strides = array<i32>} : memref<8x32x256xf32, #tpu.memory_space<vmem>>, vector<1x1x16xf32>,
        %get3A_1160 = vector.shape_cast %get3A_1159 : vector<1x1x16xf32> to vector<16xf32>
        %add3A_1161 = arith.addf %add3A_1033, %get3A_1160 : vector<16xf32>
        %add3A_1162 = arith.constant 1 : i32
        %add3A_1163 = arith.addi %mul3A_978, %add3A_1162 : i32
        %get3A_1164 = arith.constant 0 : i32
        %get3A_1165 = arith.index_cast %get3A_1164 : i32 to index
        %get3A_1166 = arith.index_cast %add3A_1163 : i32 to index
        %get3A_1167 = arith.constant 128 : index
        %get3A_1168 = tpu.vector_load %arg6[%get3A_1165, %get3A_1166, %get3A_1167] {strides = array<i32>} : memref<8x32x256xf32, #tpu.memory_space<vmem>>, vector<1x1x16xf32>,
        %get3A_1169 = vector.shape_cast %get3A_1168 : vector<1x1x16xf32> to vector<16xf32>
        %add3A_1170 = arith.addf %add3A_1040, %get3A_1169 : vector<16xf32>
        %add3A_1171 = arith.constant 1 : i32
        %add3A_1172 = arith.addi %mul3A_978, %add3A_1171 : i32
        %get3A_1173 = arith.constant 0 : i32
        %get3A_1174 = arith.index_cast %get3A_1173 : i32 to index
        %get3A_1175 = arith.index_cast %add3A_1172 : i32 to index
        %get3A_1176 = arith.constant 144 : index
        %get3A_1177 = tpu.vector_load %arg6[%get3A_1174, %get3A_1175, %get3A_1176] {strides = array<i32>} : memref<8x32x256xf32, #tpu.memory_space<vmem>>, vector<1x1x16xf32>,
        %get3A_1178 = vector.shape_cast %get3A_1177 : vector<1x1x16xf32> to vector<16xf32>
        %add3A_1179 = arith.addf %add3A_1047, %get3A_1178 : vector<16xf32>
        %add3A_1180 = arith.constant 1 : i32
        %add3A_1181 = arith.addi %mul3A_978, %add3A_1180 : i32
        %get3A_1182 = arith.constant 0 : i32
        %get3A_1183 = arith.index_cast %get3A_1182 : i32 to index
        %get3A_1184 = arith.index_cast %add3A_1181 : i32 to index
        %get3A_1185 = arith.constant 160 : index
        %get3A_1186 = tpu.vector_load %arg6[%get3A_1183, %get3A_1184, %get3A_1185] {strides = array<i32>} : memref<8x32x256xf32, #tpu.memory_space<vmem>>, vector<1x1x16xf32>,
        %get3A_1187 = vector.shape_cast %get3A_1186 : vector<1x1x16xf32> to vector<16xf32>
        %add3A_1188 = arith.addf %add3A_1054, %get3A_1187 : vector<16xf32>
        %add3A_1189 = arith.constant 1 : i32
        %add3A_1190 = arith.addi %mul3A_978, %add3A_1189 : i32
        %get3A_1191 = arith.constant 0 : i32
        %get3A_1192 = arith.index_cast %get3A_1191 : i32 to index
        %get3A_1193 = arith.index_cast %add3A_1190 : i32 to index
        %get3A_1194 = arith.constant 176 : index
        %get3A_1195 = tpu.vector_load %arg6[%get3A_1192, %get3A_1193, %get3A_1194] {strides = array<i32>} : memref<8x32x256xf32, #tpu.memory_space<vmem>>, vector<1x1x16xf32>,
        %get3A_1196 = vector.shape_cast %get3A_1195 : vector<1x1x16xf32> to vector<16xf32>
        %add3A_1197 = arith.addf %add3A_1061, %get3A_1196 : vector<16xf32>
        %add3A_1198 = arith.constant 1 : i32
        %add3A_1199 = arith.addi %mul3A_978, %add3A_1198 : i32
        %get3A_1200 = arith.constant 0 : i32
        %get3A_1201 = arith.index_cast %get3A_1200 : i32 to index
        %get3A_1202 = arith.index_cast %add3A_1199 : i32 to index
        %get3A_1203 = arith.constant 192 : index
        %get3A_1204 = tpu.vector_load %arg6[%get3A_1201, %get3A_1202, %get3A_1203] {strides = array<i32>} : memref<8x32x256xf32, #tpu.memory_space<vmem>>, vector<1x1x16xf32>,
        %get3A_1205 = vector.shape_cast %get3A_1204 : vector<1x1x16xf32> to vector<16xf32>
        %add3A_1206 = arith.addf %add3A_1068, %get3A_1205 : vector<16xf32>
        %add3A_1207 = arith.constant 1 : i32
        %add3A_1208 = arith.addi %mul3A_978, %add3A_1207 : i32
        %get3A_1209 = arith.constant 0 : i32
        %get3A_1210 = arith.index_cast %get3A_1209 : i32 to index
        %get3A_1211 = arith.index_cast %add3A_1208 : i32 to index
        %get3A_1212 = arith.constant 208 : index
        %get3A_1213 = tpu.vector_load %arg6[%get3A_1210, %get3A_1211, %get3A_1212] {strides = array<i32>} : memref<8x32x256xf32, #tpu.memory_space<vmem>>, vector<1x1x16xf32>,
        %get3A_1214 = vector.shape_cast %get3A_1213 : vector<1x1x16xf32> to vector<16xf32>
        %add3A_1215 = arith.addf %add3A_1075, %get3A_1214 : vector<16xf32>
        %add3A_1216 = arith.constant 1 : i32
        %add3A_1217 = arith.addi %mul3A_978, %add3A_1216 : i32
        %get3A_1218 = arith.constant 0 : i32
        %get3A_1219 = arith.index_cast %get3A_1218 : i32 to index
        %get3A_1220 = arith.index_cast %add3A_1217 : i32 to index
        %get3A_1221 = arith.constant 224 : index
        %get3A_1222 = tpu.vector_load %arg6[%get3A_1219, %get3A_1220, %get3A_1221] {strides = array<i32>} : memref<8x32x256xf32, #tpu.memory_space<vmem>>, vector<1x1x16xf32>,
        %get3A_1223 = vector.shape_cast %get3A_1222 : vector<1x1x16xf32> to vector<16xf32>
        %add3A_1224 = arith.addf %add3A_1082, %get3A_1223 : vector<16xf32>
        %add3A_1225 = arith.constant 1 : i32
        %add3A_1226 = arith.addi %mul3A_978, %add3A_1225 : i32
        %get3A_1227 = arith.constant 0 : i32
        %get3A_1228 = arith.index_cast %get3A_1227 : i32 to index
        %get3A_1229 = arith.index_cast %add3A_1226 : i32 to index
        %get3A_1230 = arith.constant 240 : index
        %get3A_1231 = tpu.vector_load %arg6[%get3A_1228, %get3A_1229, %get3A_1230] {strides = array<i32>} : memref<8x32x256xf32, #tpu.memory_space<vmem>>, vector<1x1x16xf32>,
        %get3A_1232 = vector.shape_cast %get3A_1231 : vector<1x1x16xf32> to vector<16xf32>
        %add3A_1233 = arith.addf %add3A_1089, %get3A_1232 : vector<16xf32>
        scf.yield %add3A_1098, %add3A_1107, %add3A_1116, %add3A_1125, %add3A_1134, %add3A_1143, %add3A_1152, %add3A_1161, %add3A_1170, %add3A_1179, %add3A_1188, %add3A_1197, %add3A_1206, %add3A_1215, %add3A_1224, %add3A_1233 : vector<16xf32>, vector<16xf32>, vector<16xf32>, vector<16xf32>, vector<16xf32>, vector<16xf32>, vector<16xf32>, vector<16xf32>, vector<16xf32>, vector<16xf32>, vector<16xf32>, vector<16xf32>, vector<16xf32>, vector<16xf32>, vector<16xf32>, vector<16xf32>
      }
      %scan3A_313 = arith.constant 16 : i32
      %add3A_314 = arith.constant 8 : i32
      %add3A_315 = arith.addi %add3A_295, %add3A_314 : i32
      %min3A = arith.constant 255 : i32
      %min3A_316 = arith.minsi %add3A_315, %min3A : i32
      %shift_right_logical3A_317 = arith.constant 6 : i32
      %shift_right_logical3A_318 = arith.shrui %min3A_316, %shift_right_logical3A_317 : i32
      %and3A_319 = arith.constant 63 : i32
      %and3A_320 = arith.andi %min3A_316, %and3A_319 : i32
      %mul3A_321 = arith.constant 32 : i32
      %mul3A_322 = arith.muli %and3A_320, %mul3A_321 : i32
      %dma_start3A_323 = arith.constant 0 : i32
      %dma_start3A_324 = arith.constant 0 : i32
      %dma_start3A_325 = arith.constant 0 : i32
      %dma_start3A_326 = tpu.memref_slice %arg6[%dma_start3A_323, %dma_start3A_324, %dma_start3A_325] : memref<8x32x256xf32, #tpu.memory_space<vmem>> -> memref<1x32x256xf32, #tpu.memory_space<vmem>>
      %dma_start3A_327 = tpu.memref_squeeze %dma_start3A_326 : memref<1x32x256xf32, #tpu.memory_space<vmem>> -> memref<32x256xf32, #tpu.memory_space<vmem>>
      %dma_start3A_328 = tpu.memref_slice %arg5[%shift_right_logical3A_318, %mul3A_322] : memref<4x2048xi32, #tpu.memory_space<vmem>> -> memref<1x32xi32, #tpu.memory_space<vmem>>
      %dma_start3A_329 = tpu.memref_squeeze %dma_start3A_328 : memref<1x32xi32, #tpu.memory_space<vmem>> -> memref<32xi32, #tpu.memory_space<vmem>>
      %dma_start3A_330 = arith.constant 0 : i32
      %dma_start3A_331 = arith.constant 0 : i32
      %dma_start3A_332 = tpu.memref_slice %arg3[%dma_start3A_330, %dma_start3A_331] : memref<100000x256xf32, #tpu.memory_space<hbm>> -> memref<100000x256xf32, #tpu.memory_space<hbm>>
      tpu.enqueue_indirect_dma source(%dma_start3A_332 : memref<100000x256xf32, #tpu.memory_space<hbm>>) target(%dma_start3A_327 : memref<32x256xf32, #tpu.memory_space<vmem>>) offsets(%dma_start3A_329 : memref<32xi32, #tpu.memory_space<vmem>>) semaphore(%arg8 : memref<!tpu.dma_semaphore, #tpu.memory_space<semaphore_mem>>)
      %and3A_333 = arith.constant 63 : i32
      %and3A_334 = arith.andi %add3A_295, %and3A_333 : i32
      %eq3A = arith.constant 63 : i32
      %eq3A_335 = arith.cmpi eq, %and3A_334, %eq3A : i32
      %shift_right_logical3A_336 = arith.constant 6 : i32
      %shift_right_logical3A_337 = arith.shrui %add3A_295, %shift_right_logical3A_336 : i32
      %convert_element_type3A = arith.extui %eq3A_335 : i1 to i32
      %cond3A = arith.constant 0 : i32
      %cond3A_338 = arith.cmpi ne, %convert_element_type3A, %cond3A : i32
      scf.if %cond3A_338 {
        %mul3A_960 = arith.constant 4.8828125E-4 : f32
        %mul3A_961 = vector.broadcast %mul3A_960 : f32 to vector<16xf32>
        %mul3A_962 = arith.mulf %scan3A_312#0, %mul3A_961 : vector<16xf32>
        %swap3A = arith.constant 0 : index
        %swap3A_963 = tpu.vector_load %arg7[%swap3A] {strides = array<i32>} : memref<256xf32, #tpu.memory_space<vmem>>, vector<16xf32>,
        %swap3A_964 = vector.shape_cast %swap3A_963 : vector<16xf32> to vector<16xf32>
        %swap3A_965 = vector.shape_cast %mul3A_962 : vector<16xf32> to vector<16xf32>
        tpu.vector_store %arg7[%swap3A], %swap3A_965 {strides = array<i32>} : memref<256xf32, #tpu.memory_space<vmem>>, vector<16xf32>,
        %mul3A_966 = arith.constant 4.8828125E-4 : f32
        %mul3A_967 = vector.broadcast %mul3A_966 : f32 to vector<16xf32>
        %mul3A_968 = arith.mulf %scan3A_312#1, %mul3A_967 : vector<16xf32>
        %swap3A_969 = arith.constant 16 : index
        %swap3A_970 = tpu.vector_load %arg7[%swap3A_969] {strides = array<i32>} : memref<256xf32, #tpu.memory_space<vmem>>, vector<16xf32>,
        %swap3A_971 = vector.shape_cast %swap3A_970 : vector<16xf32> to vector<16xf32>
        %swap3A_972 = vector.shape_cast %mul3A_968 : vector<16xf32> to vector<16xf32>
        tpu.vector_store %arg7[%swap3A_969], %swap3A_972 {strides = array<i32>} : memref<256xf32, #tpu.memory_space<vmem>>, vector<16xf32>,
        %mul3A_973 = arith.constant 4.8828125E-4 : f32
        %mul3A_974 = vector.broadcast %mul3A_973 : f32 to vector<16xf32>
        %mul3A_975 = arith.mulf %scan3A_312#2, %mul3A_974 : vector<16xf32>
        %swap3A_976 = arith.constant 32 : index
        %swap3A_977 = tpu.vector_load %arg7[%swap3A_976] {strides = array<i32>} : memref<256xf32, #tpu.memory_space<vmem>>, vector<16xf32>,
        %swap3A_978 = vector.shape_cast %swap3A_977 : vector<16xf32> to vector<16xf32>
        %swap3A_979 = vector.shape_cast %mul3A_975 : vector<16xf32> to vector<16xf32>
        tpu.vector_store %arg7[%swap3A_976], %swap3A_979 {strides = array<i32>} : memref<256xf32, #tpu.memory_space<vmem>>, vector<16xf32>,
        %mul3A_980 = arith.constant 4.8828125E-4 : f32
        %mul3A_981 = vector.broadcast %mul3A_980 : f32 to vector<16xf32>
        %mul3A_982 = arith.mulf %scan3A_312#3, %mul3A_981 : vector<16xf32>
        %swap3A_983 = arith.constant 48 : index
        %swap3A_984 = tpu.vector_load %arg7[%swap3A_983] {strides = array<i32>} : memref<256xf32, #tpu.memory_space<vmem>>, vector<16xf32>,
        %swap3A_985 = vector.shape_cast %swap3A_984 : vector<16xf32> to vector<16xf32>
        %swap3A_986 = vector.shape_cast %mul3A_982 : vector<16xf32> to vector<16xf32>
        tpu.vector_store %arg7[%swap3A_983], %swap3A_986 {strides = array<i32>} : memref<256xf32, #tpu.memory_space<vmem>>, vector<16xf32>,
        %mul3A_987 = arith.constant 4.8828125E-4 : f32
        %mul3A_988 = vector.broadcast %mul3A_987 : f32 to vector<16xf32>
        %mul3A_989 = arith.mulf %scan3A_312#4, %mul3A_988 : vector<16xf32>
        %swap3A_990 = arith.constant 64 : index
        %swap3A_991 = tpu.vector_load %arg7[%swap3A_990] {strides = array<i32>} : memref<256xf32, #tpu.memory_space<vmem>>, vector<16xf32>,
        %swap3A_992 = vector.shape_cast %swap3A_991 : vector<16xf32> to vector<16xf32>
        %swap3A_993 = vector.shape_cast %mul3A_989 : vector<16xf32> to vector<16xf32>
        tpu.vector_store %arg7[%swap3A_990], %swap3A_993 {strides = array<i32>} : memref<256xf32, #tpu.memory_space<vmem>>, vector<16xf32>,
        %mul3A_994 = arith.constant 4.8828125E-4 : f32
        %mul3A_995 = vector.broadcast %mul3A_994 : f32 to vector<16xf32>
        %mul3A_996 = arith.mulf %scan3A_312#5, %mul3A_995 : vector<16xf32>
        %swap3A_997 = arith.constant 80 : index
        %swap3A_998 = tpu.vector_load %arg7[%swap3A_997] {strides = array<i32>} : memref<256xf32, #tpu.memory_space<vmem>>, vector<16xf32>,
        %swap3A_999 = vector.shape_cast %swap3A_998 : vector<16xf32> to vector<16xf32>
        %swap3A_1000 = vector.shape_cast %mul3A_996 : vector<16xf32> to vector<16xf32>
        tpu.vector_store %arg7[%swap3A_997], %swap3A_1000 {strides = array<i32>} : memref<256xf32, #tpu.memory_space<vmem>>, vector<16xf32>,
        %mul3A_1001 = arith.constant 4.8828125E-4 : f32
        %mul3A_1002 = vector.broadcast %mul3A_1001 : f32 to vector<16xf32>
        %mul3A_1003 = arith.mulf %scan3A_312#6, %mul3A_1002 : vector<16xf32>
        %swap3A_1004 = arith.constant 96 : index
        %swap3A_1005 = tpu.vector_load %arg7[%swap3A_1004] {strides = array<i32>} : memref<256xf32, #tpu.memory_space<vmem>>, vector<16xf32>,
        %swap3A_1006 = vector.shape_cast %swap3A_1005 : vector<16xf32> to vector<16xf32>
        %swap3A_1007 = vector.shape_cast %mul3A_1003 : vector<16xf32> to vector<16xf32>
        tpu.vector_store %arg7[%swap3A_1004], %swap3A_1007 {strides = array<i32>} : memref<256xf32, #tpu.memory_space<vmem>>, vector<16xf32>,
        %mul3A_1008 = arith.constant 4.8828125E-4 : f32
        %mul3A_1009 = vector.broadcast %mul3A_1008 : f32 to vector<16xf32>
        %mul3A_1010 = arith.mulf %scan3A_312#7, %mul3A_1009 : vector<16xf32>
        %swap3A_1011 = arith.constant 112 : index
        %swap3A_1012 = tpu.vector_load %arg7[%swap3A_1011] {strides = array<i32>} : memref<256xf32, #tpu.memory_space<vmem>>, vector<16xf32>,
        %swap3A_1013 = vector.shape_cast %swap3A_1012 : vector<16xf32> to vector<16xf32>
        %swap3A_1014 = vector.shape_cast %mul3A_1010 : vector<16xf32> to vector<16xf32>
        tpu.vector_store %arg7[%swap3A_1011], %swap3A_1014 {strides = array<i32>} : memref<256xf32, #tpu.memory_space<vmem>>, vector<16xf32>,
        %mul3A_1015 = arith.constant 4.8828125E-4 : f32
        %mul3A_1016 = vector.broadcast %mul3A_1015 : f32 to vector<16xf32>
        %mul3A_1017 = arith.mulf %scan3A_312#8, %mul3A_1016 : vector<16xf32>
        %swap3A_1018 = arith.constant 128 : index
        %swap3A_1019 = tpu.vector_load %arg7[%swap3A_1018] {strides = array<i32>} : memref<256xf32, #tpu.memory_space<vmem>>, vector<16xf32>,
        %swap3A_1020 = vector.shape_cast %swap3A_1019 : vector<16xf32> to vector<16xf32>
        %swap3A_1021 = vector.shape_cast %mul3A_1017 : vector<16xf32> to vector<16xf32>
        tpu.vector_store %arg7[%swap3A_1018], %swap3A_1021 {strides = array<i32>} : memref<256xf32, #tpu.memory_space<vmem>>, vector<16xf32>,
        %mul3A_1022 = arith.constant 4.8828125E-4 : f32
        %mul3A_1023 = vector.broadcast %mul3A_1022 : f32 to vector<16xf32>
        %mul3A_1024 = arith.mulf %scan3A_312#9, %mul3A_1023 : vector<16xf32>
        %swap3A_1025 = arith.constant 144 : index
        %swap3A_1026 = tpu.vector_load %arg7[%swap3A_1025] {strides = array<i32>} : memref<256xf32, #tpu.memory_space<vmem>>, vector<16xf32>,
        %swap3A_1027 = vector.shape_cast %swap3A_1026 : vector<16xf32> to vector<16xf32>
        %swap3A_1028 = vector.shape_cast %mul3A_1024 : vector<16xf32> to vector<16xf32>
        tpu.vector_store %arg7[%swap3A_1025], %swap3A_1028 {strides = array<i32>} : memref<256xf32, #tpu.memory_space<vmem>>, vector<16xf32>,
        %mul3A_1029 = arith.constant 4.8828125E-4 : f32
        %mul3A_1030 = vector.broadcast %mul3A_1029 : f32 to vector<16xf32>
        %mul3A_1031 = arith.mulf %scan3A_312#10, %mul3A_1030 : vector<16xf32>
        %swap3A_1032 = arith.constant 160 : index
        %swap3A_1033 = tpu.vector_load %arg7[%swap3A_1032] {strides = array<i32>} : memref<256xf32, #tpu.memory_space<vmem>>, vector<16xf32>,
        %swap3A_1034 = vector.shape_cast %swap3A_1033 : vector<16xf32> to vector<16xf32>
        %swap3A_1035 = vector.shape_cast %mul3A_1031 : vector<16xf32> to vector<16xf32>
        tpu.vector_store %arg7[%swap3A_1032], %swap3A_1035 {strides = array<i32>} : memref<256xf32, #tpu.memory_space<vmem>>, vector<16xf32>,
        %mul3A_1036 = arith.constant 4.8828125E-4 : f32
        %mul3A_1037 = vector.broadcast %mul3A_1036 : f32 to vector<16xf32>
        %mul3A_1038 = arith.mulf %scan3A_312#11, %mul3A_1037 : vector<16xf32>
        %swap3A_1039 = arith.constant 176 : index
        %swap3A_1040 = tpu.vector_load %arg7[%swap3A_1039] {strides = array<i32>} : memref<256xf32, #tpu.memory_space<vmem>>, vector<16xf32>,
        %swap3A_1041 = vector.shape_cast %swap3A_1040 : vector<16xf32> to vector<16xf32>
        %swap3A_1042 = vector.shape_cast %mul3A_1038 : vector<16xf32> to vector<16xf32>
        tpu.vector_store %arg7[%swap3A_1039], %swap3A_1042 {strides = array<i32>} : memref<256xf32, #tpu.memory_space<vmem>>, vector<16xf32>,
        %mul3A_1043 = arith.constant 4.8828125E-4 : f32
        %mul3A_1044 = vector.broadcast %mul3A_1043 : f32 to vector<16xf32>
        %mul3A_1045 = arith.mulf %scan3A_312#12, %mul3A_1044 : vector<16xf32>
        %swap3A_1046 = arith.constant 192 : index
        %swap3A_1047 = tpu.vector_load %arg7[%swap3A_1046] {strides = array<i32>} : memref<256xf32, #tpu.memory_space<vmem>>, vector<16xf32>,
        %swap3A_1048 = vector.shape_cast %swap3A_1047 : vector<16xf32> to vector<16xf32>
        %swap3A_1049 = vector.shape_cast %mul3A_1045 : vector<16xf32> to vector<16xf32>
        tpu.vector_store %arg7[%swap3A_1046], %swap3A_1049 {strides = array<i32>} : memref<256xf32, #tpu.memory_space<vmem>>, vector<16xf32>,
        %mul3A_1050 = arith.constant 4.8828125E-4 : f32
        %mul3A_1051 = vector.broadcast %mul3A_1050 : f32 to vector<16xf32>
        %mul3A_1052 = arith.mulf %scan3A_312#13, %mul3A_1051 : vector<16xf32>
        %swap3A_1053 = arith.constant 208 : index
        %swap3A_1054 = tpu.vector_load %arg7[%swap3A_1053] {strides = array<i32>} : memref<256xf32, #tpu.memory_space<vmem>>, vector<16xf32>,
        %swap3A_1055 = vector.shape_cast %swap3A_1054 : vector<16xf32> to vector<16xf32>
        %swap3A_1056 = vector.shape_cast %mul3A_1052 : vector<16xf32> to vector<16xf32>
        tpu.vector_store %arg7[%swap3A_1053], %swap3A_1056 {strides = array<i32>} : memref<256xf32, #tpu.memory_space<vmem>>, vector<16xf32>,
        %mul3A_1057 = arith.constant 4.8828125E-4 : f32
        %mul3A_1058 = vector.broadcast %mul3A_1057 : f32 to vector<16xf32>
        %mul3A_1059 = arith.mulf %scan3A_312#14, %mul3A_1058 : vector<16xf32>
        %swap3A_1060 = arith.constant 224 : index
        %swap3A_1061 = tpu.vector_load %arg7[%swap3A_1060] {strides = array<i32>} : memref<256xf32, #tpu.memory_space<vmem>>, vector<16xf32>,
        %swap3A_1062 = vector.shape_cast %swap3A_1061 : vector<16xf32> to vector<16xf32>
        %swap3A_1063 = vector.shape_cast %mul3A_1059 : vector<16xf32> to vector<16xf32>
        tpu.vector_store %arg7[%swap3A_1060], %swap3A_1063 {strides = array<i32>} : memref<256xf32, #tpu.memory_space<vmem>>, vector<16xf32>,
        %mul3A_1064 = arith.constant 4.8828125E-4 : f32
        %mul3A_1065 = vector.broadcast %mul3A_1064 : f32 to vector<16xf32>
        %mul3A_1066 = arith.mulf %scan3A_312#15, %mul3A_1065 : vector<16xf32>
        %swap3A_1067 = arith.constant 240 : index
        %swap3A_1068 = tpu.vector_load %arg7[%swap3A_1067] {strides = array<i32>} : memref<256xf32, #tpu.memory_space<vmem>>, vector<16xf32>,
        %swap3A_1069 = vector.shape_cast %swap3A_1068 : vector<16xf32> to vector<16xf32>
        %swap3A_1070 = vector.shape_cast %mul3A_1066 : vector<16xf32> to vector<16xf32>
        tpu.vector_store %arg7[%swap3A_1067], %swap3A_1070 {strides = array<i32>} : memref<256xf32, #tpu.memory_space<vmem>>, vector<16xf32>,
        %mul3A_1071 = arith.constant 4 : i32
        %mul3A_1072 = arith.muli %add3A, %mul3A_1071 : i32
        %add3A_1073 = arith.addi %mul3A_1072, %shift_right_logical3A_337 : i32
        "tpu.region"() ({
          %run_scoped3A = tpu.sem_alloc : memref<!tpu.dma_semaphore, #tpu.memory_space<semaphore_mem>>
          %dma_start3A_1074 = arith.constant 0 : i32
          %dma_start3A_1075 = tpu.memref_slice %arg4[%add3A_1073, %dma_start3A_1074] : memref<128x256xf32, #tpu.memory_space<hbm>> -> memref<1x256xf32, #tpu.memory_space<hbm>>
          %dma_start3A_1076 = tpu.memref_squeeze %dma_start3A_1075 : memref<1x256xf32, #tpu.memory_space<hbm>> -> memref<256xf32, #tpu.memory_space<hbm>>
          %dma_start3A_1077 = arith.constant 0 : i32
          %dma_start3A_1078 = tpu.memref_slice %arg4[%add3A_1073, %dma_start3A_1077] : memref<128x256xf32, #tpu.memory_space<hbm>> -> memref<1x256xf32, #tpu.memory_space<hbm>>
          %dma_start3A_1079 = tpu.memref_squeeze %dma_start3A_1078 : memref<1x256xf32, #tpu.memory_space<hbm>> -> memref<256xf32, #tpu.memory_space<hbm>>
          tpu.enqueue_dma source(%arg7 : memref<256xf32, #tpu.memory_space<vmem>>) target(%dma_start3A_1079 : memref<256xf32, #tpu.memory_space<hbm>>) target_semaphore(%run_scoped3A : memref<!tpu.dma_semaphore, #tpu.memory_space<semaphore_mem>>)
          %dma_wait3A_1080 = arith.constant 0 : i32
          %dma_wait3A_1081 = tpu.memref_slice %arg4[%add3A_1073, %dma_wait3A_1080] : memref<128x256xf32, #tpu.memory_space<hbm>> -> memref<1x256xf32, #tpu.memory_space<hbm>>
          %dma_wait3A_1082 = tpu.memref_squeeze %dma_wait3A_1081 : memref<1x256xf32, #tpu.memory_space<hbm>> -> memref<256xf32, #tpu.memory_space<hbm>>
          %dma_wait3A_1083 = arith.constant 0 : i32
          %dma_wait3A_1084 = tpu.memref_slice %arg4[%add3A_1073, %dma_wait3A_1083] : memref<128x256xf32, #tpu.memory_space<hbm>> -> memref<1x256xf32, #tpu.memory_space<hbm>>
          %dma_wait3A_1085 = tpu.memref_squeeze %dma_wait3A_1084 : memref<1x256xf32, #tpu.memory_space<hbm>> -> memref<256xf32, #tpu.memory_space<hbm>>
          tpu.wait_dma2 semaphore(%run_scoped3A : memref<!tpu.dma_semaphore, #tpu.memory_space<semaphore_mem>>) src(%arg7 : memref<256xf32, #tpu.memory_space<vmem>>) dst(%dma_wait3A_1085 : memref<256xf32, #tpu.memory_space<hbm>>)
          tpu.yield
        }) : () -> ()
      } else {
      }
      %jit3A = arith.constant 0.000000e+00 : f32
      %jit3A_339 = arith.constant 1.000000e+00 : f32
      %select_n3A = arith.select %eq3A_335, %jit3A, %jit3A_339 : f32
      %mul3A_340 = vector.broadcast %select_n3A : f32 to vector<16xf32>
      %mul3A_341 = arith.mulf %scan3A_312#0, %mul3A_340 : vector<16xf32>
      %mul3A_342 = vector.broadcast %select_n3A : f32 to vector<16xf32>
      %mul3A_343 = arith.mulf %scan3A_312#1, %mul3A_342 : vector<16xf32>
      %mul3A_344 = vector.broadcast %select_n3A : f32 to vector<16xf32>
      %mul3A_345 = arith.mulf %scan3A_312#2, %mul3A_344 : vector<16xf32>
      %mul3A_346 = vector.broadcast %select_n3A : f32 to vector<16xf32>
      %mul3A_347 = arith.mulf %scan3A_312#3, %mul3A_346 : vector<16xf32>
      %mul3A_348 = vector.broadcast %select_n3A : f32 to vector<16xf32>
      %mul3A_349 = arith.mulf %scan3A_312#4, %mul3A_348 : vector<16xf32>
      %mul3A_350 = vector.broadcast %select_n3A : f32 to vector<16xf32>
      %mul3A_351 = arith.mulf %scan3A_312#5, %mul3A_350 : vector<16xf32>
      %mul3A_352 = vector.broadcast %select_n3A : f32 to vector<16xf32>
      %mul3A_353 = arith.mulf %scan3A_312#6, %mul3A_352 : vector<16xf32>
      %mul3A_354 = vector.broadcast %select_n3A : f32 to vector<16xf32>
      %mul3A_355 = arith.mulf %scan3A_312#7, %mul3A_354 : vector<16xf32>
      %mul3A_356 = vector.broadcast %select_n3A : f32 to vector<16xf32>
      %mul3A_357 = arith.mulf %scan3A_312#8, %mul3A_356 : vector<16xf32>
      %mul3A_358 = vector.broadcast %select_n3A : f32 to vector<16xf32>
      %mul3A_359 = arith.mulf %scan3A_312#9, %mul3A_358 : vector<16xf32>
      %mul3A_360 = vector.broadcast %select_n3A : f32 to vector<16xf32>
      %mul3A_361 = arith.mulf %scan3A_312#10, %mul3A_360 : vector<16xf32>
      %mul3A_362 = vector.broadcast %select_n3A : f32 to vector<16xf32>
      %mul3A_363 = arith.mulf %scan3A_312#11, %mul3A_362 : vector<16xf32>
      %mul3A_364 = vector.broadcast %select_n3A : f32 to vector<16xf32>
      %mul3A_365 = arith.mulf %scan3A_312#12, %mul3A_364 : vector<16xf32>
      %mul3A_366 = vector.broadcast %select_n3A : f32 to vector<16xf32>
      %mul3A_367 = arith.mulf %scan3A_312#13, %mul3A_366 : vector<16xf32>
      %mul3A_368 = vector.broadcast %select_n3A : f32 to vector<16xf32>
      %mul3A_369 = arith.mulf %scan3A_312#14, %mul3A_368 : vector<16xf32>
      %mul3A_370 = vector.broadcast %select_n3A : f32 to vector<16xf32>
      %mul3A_371 = arith.mulf %scan3A_312#15, %mul3A_370 : vector<16xf32>
      %add3A_372 = arith.constant 1 : i32
      %add3A_373 = arith.addi %mul3A_293, %add3A_372 : i32
      %dma_wait3A_374 = arith.constant 0 : i32
      %dma_wait3A_375 = arith.constant 1 : i32
      %dma_wait3A_376 = arith.constant 0 : i32
      %dma_wait3A_377 = arith.constant 0 : i32
      %dma_wait3A_378 = tpu.memref_slice %arg6[%dma_wait3A_375, %dma_wait3A_376, %dma_wait3A_377] : memref<8x32x256xf32, #tpu.memory_space<vmem>> -> memref<1x32x256xf32, #tpu.memory_space<vmem>>
      %dma_wait3A_379 = tpu.memref_squeeze %dma_wait3A_378 : memref<1x32x256xf32, #tpu.memory_space<vmem>> -> memref<32x256xf32, #tpu.memory_space<vmem>>
      %dma_wait3A_380 = arith.constant 0 : i32
      %dma_wait3A_381 = tpu.memref_slice %arg5[%dma_wait3A_374, %dma_wait3A_380] : memref<4x2048xi32, #tpu.memory_space<vmem>> -> memref<1x32xi32, #tpu.memory_space<vmem>>
      %dma_wait3A_382 = tpu.memref_squeeze %dma_wait3A_381 : memref<1x32xi32, #tpu.memory_space<vmem>> -> memref<32xi32, #tpu.memory_space<vmem>>
      %dma_wait3A_383 = arith.constant 0 : i32
      %dma_wait3A_384 = arith.constant 0 : i32
      %dma_wait3A_385 = tpu.memref_slice %arg3[%dma_wait3A_383, %dma_wait3A_384] : memref<100000x256xf32, #tpu.memory_space<hbm>> -> memref<100000x256xf32, #tpu.memory_space<hbm>>
      tpu.wait_indirect_dma semaphore(%arg9 : memref<!tpu.dma_semaphore, #tpu.memory_space<semaphore_mem>>) src(%dma_wait3A_385 : memref<100000x256xf32, #tpu.memory_space<hbm>>) dst(%dma_wait3A_379 : memref<32x256xf32, #tpu.memory_space<vmem>>)
      %scan3A_386 = arith.constant 0 : i32
      %scan3A_387 = arith.constant 16 : i32
      %scan3A_388 = arith.addi %scan3A_386, %scan3A_387 : i32
      %scan3A_389 = arith.constant 1 : i32
      %scan3A_390:16 = scf.for %scan3A_960 = %scan3A_386 to %scan3A_388 step %scan3A_389 iter_args(%scan3A_961 = %mul3A_341, %scan3A_962 = %mul3A_343, %scan3A_963 = %mul3A_345, %scan3A_964 = %mul3A_347, %scan3A_965 = %mul3A_349, %scan3A_966 = %mul3A_351, %scan3A_967 = %mul3A_353, %scan3A_968 = %mul3A_355, %scan3A_969 = %mul3A_357, %scan3A_970 = %mul3A_359, %scan3A_971 = %mul3A_361, %scan3A_972 = %mul3A_363, %scan3A_973 = %mul3A_365, %scan3A_974 = %mul3A_367, %scan3A_975 = %mul3A_369, %scan3A_976 = %mul3A_371) -> (vector<16xf32>, vector<16xf32>, vector<16xf32>, vector<16xf32>, vector<16xf32>, vector<16xf32>, vector<16xf32>, vector<16xf32>, vector<16xf32>, vector<16xf32>, vector<16xf32>, vector<16xf32>, vector<16xf32>, vector<16xf32>, vector<16xf32>, vector<16xf32>)  : i32 {
        %mul3A_977 = arith.constant 2 : i32
        %mul3A_978 = arith.muli %scan3A_960, %mul3A_977 : i32
        %get3A = arith.constant 1 : i32
        %get3A_979 = arith.index_cast %get3A : i32 to index
        %get3A_980 = arith.index_cast %mul3A_978 : i32 to index
        %get3A_981 = arith.constant 0 : index
        %get3A_982 = tpu.vector_load %arg6[%get3A_979, %get3A_980, %get3A_981] {strides = array<i32>} : memref<8x32x256xf32, #tpu.memory_space<vmem>>, vector<1x1x16xf32>,
        %get3A_983 = vector.shape_cast %get3A_982 : vector<1x1x16xf32> to vector<16xf32>
        %add3A_984 = arith.addf %scan3A_961, %get3A_983 : vector<16xf32>
        %get3A_985 = arith.constant 1 : i32
        %get3A_986 = arith.index_cast %get3A_985 : i32 to index
        %get3A_987 = arith.index_cast %mul3A_978 : i32 to index
        %get3A_988 = arith.constant 16 : index
        %get3A_989 = tpu.vector_load %arg6[%get3A_986, %get3A_987, %get3A_988] {strides = array<i32>} : memref<8x32x256xf32, #tpu.memory_space<vmem>>, vector<1x1x16xf32>,
        %get3A_990 = vector.shape_cast %get3A_989 : vector<1x1x16xf32> to vector<16xf32>
        %add3A_991 = arith.addf %scan3A_962, %get3A_990 : vector<16xf32>
        %get3A_992 = arith.constant 1 : i32
        %get3A_993 = arith.index_cast %get3A_992 : i32 to index
        %get3A_994 = arith.index_cast %mul3A_978 : i32 to index
        %get3A_995 = arith.constant 32 : index
        %get3A_996 = tpu.vector_load %arg6[%get3A_993, %get3A_994, %get3A_995] {strides = array<i32>} : memref<8x32x256xf32, #tpu.memory_space<vmem>>, vector<1x1x16xf32>,
        %get3A_997 = vector.shape_cast %get3A_996 : vector<1x1x16xf32> to vector<16xf32>
        %add3A_998 = arith.addf %scan3A_963, %get3A_997 : vector<16xf32>
        %get3A_999 = arith.constant 1 : i32
        %get3A_1000 = arith.index_cast %get3A_999 : i32 to index
        %get3A_1001 = arith.index_cast %mul3A_978 : i32 to index
        %get3A_1002 = arith.constant 48 : index
        %get3A_1003 = tpu.vector_load %arg6[%get3A_1000, %get3A_1001, %get3A_1002] {strides = array<i32>} : memref<8x32x256xf32, #tpu.memory_space<vmem>>, vector<1x1x16xf32>,
        %get3A_1004 = vector.shape_cast %get3A_1003 : vector<1x1x16xf32> to vector<16xf32>
        %add3A_1005 = arith.addf %scan3A_964, %get3A_1004 : vector<16xf32>
        %get3A_1006 = arith.constant 1 : i32
        %get3A_1007 = arith.index_cast %get3A_1006 : i32 to index
        %get3A_1008 = arith.index_cast %mul3A_978 : i32 to index
        %get3A_1009 = arith.constant 64 : index
        %get3A_1010 = tpu.vector_load %arg6[%get3A_1007, %get3A_1008, %get3A_1009] {strides = array<i32>} : memref<8x32x256xf32, #tpu.memory_space<vmem>>, vector<1x1x16xf32>,
        %get3A_1011 = vector.shape_cast %get3A_1010 : vector<1x1x16xf32> to vector<16xf32>
        %add3A_1012 = arith.addf %scan3A_965, %get3A_1011 : vector<16xf32>
        %get3A_1013 = arith.constant 1 : i32
        %get3A_1014 = arith.index_cast %get3A_1013 : i32 to index
        %get3A_1015 = arith.index_cast %mul3A_978 : i32 to index
        %get3A_1016 = arith.constant 80 : index
        %get3A_1017 = tpu.vector_load %arg6[%get3A_1014, %get3A_1015, %get3A_1016] {strides = array<i32>} : memref<8x32x256xf32, #tpu.memory_space<vmem>>, vector<1x1x16xf32>,
        %get3A_1018 = vector.shape_cast %get3A_1017 : vector<1x1x16xf32> to vector<16xf32>
        %add3A_1019 = arith.addf %scan3A_966, %get3A_1018 : vector<16xf32>
        %get3A_1020 = arith.constant 1 : i32
        %get3A_1021 = arith.index_cast %get3A_1020 : i32 to index
        %get3A_1022 = arith.index_cast %mul3A_978 : i32 to index
        %get3A_1023 = arith.constant 96 : index
        %get3A_1024 = tpu.vector_load %arg6[%get3A_1021, %get3A_1022, %get3A_1023] {strides = array<i32>} : memref<8x32x256xf32, #tpu.memory_space<vmem>>, vector<1x1x16xf32>,
        %get3A_1025 = vector.shape_cast %get3A_1024 : vector<1x1x16xf32> to vector<16xf32>
        %add3A_1026 = arith.addf %scan3A_967, %get3A_1025 : vector<16xf32>
        %get3A_1027 = arith.constant 1 : i32
        %get3A_1028 = arith.index_cast %get3A_1027 : i32 to index
        %get3A_1029 = arith.index_cast %mul3A_978 : i32 to index
        %get3A_1030 = arith.constant 112 : index
        %get3A_1031 = tpu.vector_load %arg6[%get3A_1028, %get3A_1029, %get3A_1030] {strides = array<i32>} : memref<8x32x256xf32, #tpu.memory_space<vmem>>, vector<1x1x16xf32>,
        %get3A_1032 = vector.shape_cast %get3A_1031 : vector<1x1x16xf32> to vector<16xf32>
        %add3A_1033 = arith.addf %scan3A_968, %get3A_1032 : vector<16xf32>
        %get3A_1034 = arith.constant 1 : i32
        %get3A_1035 = arith.index_cast %get3A_1034 : i32 to index
        %get3A_1036 = arith.index_cast %mul3A_978 : i32 to index
        %get3A_1037 = arith.constant 128 : index
        %get3A_1038 = tpu.vector_load %arg6[%get3A_1035, %get3A_1036, %get3A_1037] {strides = array<i32>} : memref<8x32x256xf32, #tpu.memory_space<vmem>>, vector<1x1x16xf32>,
        %get3A_1039 = vector.shape_cast %get3A_1038 : vector<1x1x16xf32> to vector<16xf32>
        %add3A_1040 = arith.addf %scan3A_969, %get3A_1039 : vector<16xf32>
        %get3A_1041 = arith.constant 1 : i32
        %get3A_1042 = arith.index_cast %get3A_1041 : i32 to index
        %get3A_1043 = arith.index_cast %mul3A_978 : i32 to index
        %get3A_1044 = arith.constant 144 : index
        %get3A_1045 = tpu.vector_load %arg6[%get3A_1042, %get3A_1043, %get3A_1044] {strides = array<i32>} : memref<8x32x256xf32, #tpu.memory_space<vmem>>, vector<1x1x16xf32>,
        %get3A_1046 = vector.shape_cast %get3A_1045 : vector<1x1x16xf32> to vector<16xf32>
        %add3A_1047 = arith.addf %scan3A_970, %get3A_1046 : vector<16xf32>
        %get3A_1048 = arith.constant 1 : i32
        %get3A_1049 = arith.index_cast %get3A_1048 : i32 to index
        %get3A_1050 = arith.index_cast %mul3A_978 : i32 to index
        %get3A_1051 = arith.constant 160 : index
        %get3A_1052 = tpu.vector_load %arg6[%get3A_1049, %get3A_1050, %get3A_1051] {strides = array<i32>} : memref<8x32x256xf32, #tpu.memory_space<vmem>>, vector<1x1x16xf32>,
        %get3A_1053 = vector.shape_cast %get3A_1052 : vector<1x1x16xf32> to vector<16xf32>
        %add3A_1054 = arith.addf %scan3A_971, %get3A_1053 : vector<16xf32>
        %get3A_1055 = arith.constant 1 : i32
        %get3A_1056 = arith.index_cast %get3A_1055 : i32 to index
        %get3A_1057 = arith.index_cast %mul3A_978 : i32 to index
        %get3A_1058 = arith.constant 176 : index
        %get3A_1059 = tpu.vector_load %arg6[%get3A_1056, %get3A_1057, %get3A_1058] {strides = array<i32>} : memref<8x32x256xf32, #tpu.memory_space<vmem>>, vector<1x1x16xf32>,
        %get3A_1060 = vector.shape_cast %get3A_1059 : vector<1x1x16xf32> to vector<16xf32>
        %add3A_1061 = arith.addf %scan3A_972, %get3A_1060 : vector<16xf32>
        %get3A_1062 = arith.constant 1 : i32
        %get3A_1063 = arith.index_cast %get3A_1062 : i32 to index
        %get3A_1064 = arith.index_cast %mul3A_978 : i32 to index
        %get3A_1065 = arith.constant 192 : index
        %get3A_1066 = tpu.vector_load %arg6[%get3A_1063, %get3A_1064, %get3A_1065] {strides = array<i32>} : memref<8x32x256xf32, #tpu.memory_space<vmem>>, vector<1x1x16xf32>,
        %get3A_1067 = vector.shape_cast %get3A_1066 : vector<1x1x16xf32> to vector<16xf32>
        %add3A_1068 = arith.addf %scan3A_973, %get3A_1067 : vector<16xf32>
        %get3A_1069 = arith.constant 1 : i32
        %get3A_1070 = arith.index_cast %get3A_1069 : i32 to index
        %get3A_1071 = arith.index_cast %mul3A_978 : i32 to index
        %get3A_1072 = arith.constant 208 : index
        %get3A_1073 = tpu.vector_load %arg6[%get3A_1070, %get3A_1071, %get3A_1072] {strides = array<i32>} : memref<8x32x256xf32, #tpu.memory_space<vmem>>, vector<1x1x16xf32>,
        %get3A_1074 = vector.shape_cast %get3A_1073 : vector<1x1x16xf32> to vector<16xf32>
        %add3A_1075 = arith.addf %scan3A_974, %get3A_1074 : vector<16xf32>
        %get3A_1076 = arith.constant 1 : i32
        %get3A_1077 = arith.index_cast %get3A_1076 : i32 to index
        %get3A_1078 = arith.index_cast %mul3A_978 : i32 to index
        %get3A_1079 = arith.constant 224 : index
        %get3A_1080 = tpu.vector_load %arg6[%get3A_1077, %get3A_1078, %get3A_1079] {strides = array<i32>} : memref<8x32x256xf32, #tpu.memory_space<vmem>>, vector<1x1x16xf32>,
        %get3A_1081 = vector.shape_cast %get3A_1080 : vector<1x1x16xf32> to vector<16xf32>
        %add3A_1082 = arith.addf %scan3A_975, %get3A_1081 : vector<16xf32>
        %get3A_1083 = arith.constant 1 : i32
        %get3A_1084 = arith.index_cast %get3A_1083 : i32 to index
        %get3A_1085 = arith.index_cast %mul3A_978 : i32 to index
        %get3A_1086 = arith.constant 240 : index
        %get3A_1087 = tpu.vector_load %arg6[%get3A_1084, %get3A_1085, %get3A_1086] {strides = array<i32>} : memref<8x32x256xf32, #tpu.memory_space<vmem>>, vector<1x1x16xf32>,
        %get3A_1088 = vector.shape_cast %get3A_1087 : vector<1x1x16xf32> to vector<16xf32>
        %add3A_1089 = arith.addf %scan3A_976, %get3A_1088 : vector<16xf32>
        %add3A_1090 = arith.constant 1 : i32
        %add3A_1091 = arith.addi %mul3A_978, %add3A_1090 : i32
        %get3A_1092 = arith.constant 1 : i32
        %get3A_1093 = arith.index_cast %get3A_1092 : i32 to index
        %get3A_1094 = arith.index_cast %add3A_1091 : i32 to index
        %get3A_1095 = arith.constant 0 : index
        %get3A_1096 = tpu.vector_load %arg6[%get3A_1093, %get3A_1094, %get3A_1095] {strides = array<i32>} : memref<8x32x256xf32, #tpu.memory_space<vmem>>, vector<1x1x16xf32>,
        %get3A_1097 = vector.shape_cast %get3A_1096 : vector<1x1x16xf32> to vector<16xf32>
        %add3A_1098 = arith.addf %add3A_984, %get3A_1097 : vector<16xf32>
        %add3A_1099 = arith.constant 1 : i32
        %add3A_1100 = arith.addi %mul3A_978, %add3A_1099 : i32
        %get3A_1101 = arith.constant 1 : i32
        %get3A_1102 = arith.index_cast %get3A_1101 : i32 to index
        %get3A_1103 = arith.index_cast %add3A_1100 : i32 to index
        %get3A_1104 = arith.constant 16 : index
        %get3A_1105 = tpu.vector_load %arg6[%get3A_1102, %get3A_1103, %get3A_1104] {strides = array<i32>} : memref<8x32x256xf32, #tpu.memory_space<vmem>>, vector<1x1x16xf32>,
        %get3A_1106 = vector.shape_cast %get3A_1105 : vector<1x1x16xf32> to vector<16xf32>
        %add3A_1107 = arith.addf %add3A_991, %get3A_1106 : vector<16xf32>
        %add3A_1108 = arith.constant 1 : i32
        %add3A_1109 = arith.addi %mul3A_978, %add3A_1108 : i32
        %get3A_1110 = arith.constant 1 : i32
        %get3A_1111 = arith.index_cast %get3A_1110 : i32 to index
        %get3A_1112 = arith.index_cast %add3A_1109 : i32 to index
        %get3A_1113 = arith.constant 32 : index
        %get3A_1114 = tpu.vector_load %arg6[%get3A_1111, %get3A_1112, %get3A_1113] {strides = array<i32>} : memref<8x32x256xf32, #tpu.memory_space<vmem>>, vector<1x1x16xf32>,
        %get3A_1115 = vector.shape_cast %get3A_1114 : vector<1x1x16xf32> to vector<16xf32>
        %add3A_1116 = arith.addf %add3A_998, %get3A_1115 : vector<16xf32>
        %add3A_1117 = arith.constant 1 : i32
        %add3A_1118 = arith.addi %mul3A_978, %add3A_1117 : i32
        %get3A_1119 = arith.constant 1 : i32
        %get3A_1120 = arith.index_cast %get3A_1119 : i32 to index
        %get3A_1121 = arith.index_cast %add3A_1118 : i32 to index
        %get3A_1122 = arith.constant 48 : index
        %get3A_1123 = tpu.vector_load %arg6[%get3A_1120, %get3A_1121, %get3A_1122] {strides = array<i32>} : memref<8x32x256xf32, #tpu.memory_space<vmem>>, vector<1x1x16xf32>,
        %get3A_1124 = vector.shape_cast %get3A_1123 : vector<1x1x16xf32> to vector<16xf32>
        %add3A_1125 = arith.addf %add3A_1005, %get3A_1124 : vector<16xf32>
        %add3A_1126 = arith.constant 1 : i32
        %add3A_1127 = arith.addi %mul3A_978, %add3A_1126 : i32
        %get3A_1128 = arith.constant 1 : i32
        %get3A_1129 = arith.index_cast %get3A_1128 : i32 to index
        %get3A_1130 = arith.index_cast %add3A_1127 : i32 to index
        %get3A_1131 = arith.constant 64 : index
        %get3A_1132 = tpu.vector_load %arg6[%get3A_1129, %get3A_1130, %get3A_1131] {strides = array<i32>} : memref<8x32x256xf32, #tpu.memory_space<vmem>>, vector<1x1x16xf32>,
        %get3A_1133 = vector.shape_cast %get3A_1132 : vector<1x1x16xf32> to vector<16xf32>
        %add3A_1134 = arith.addf %add3A_1012, %get3A_1133 : vector<16xf32>
        %add3A_1135 = arith.constant 1 : i32
        %add3A_1136 = arith.addi %mul3A_978, %add3A_1135 : i32
        %get3A_1137 = arith.constant 1 : i32
        %get3A_1138 = arith.index_cast %get3A_1137 : i32 to index
        %get3A_1139 = arith.index_cast %add3A_1136 : i32 to index
        %get3A_1140 = arith.constant 80 : index
        %get3A_1141 = tpu.vector_load %arg6[%get3A_1138, %get3A_1139, %get3A_1140] {strides = array<i32>} : memref<8x32x256xf32, #tpu.memory_space<vmem>>, vector<1x1x16xf32>,
        %get3A_1142 = vector.shape_cast %get3A_1141 : vector<1x1x16xf32> to vector<16xf32>
        %add3A_1143 = arith.addf %add3A_1019, %get3A_1142 : vector<16xf32>
        %add3A_1144 = arith.constant 1 : i32
        %add3A_1145 = arith.addi %mul3A_978, %add3A_1144 : i32
        %get3A_1146 = arith.constant 1 : i32
        %get3A_1147 = arith.index_cast %get3A_1146 : i32 to index
        %get3A_1148 = arith.index_cast %add3A_1145 : i32 to index
        %get3A_1149 = arith.constant 96 : index
        %get3A_1150 = tpu.vector_load %arg6[%get3A_1147, %get3A_1148, %get3A_1149] {strides = array<i32>} : memref<8x32x256xf32, #tpu.memory_space<vmem>>, vector<1x1x16xf32>,
        %get3A_1151 = vector.shape_cast %get3A_1150 : vector<1x1x16xf32> to vector<16xf32>
        %add3A_1152 = arith.addf %add3A_1026, %get3A_1151 : vector<16xf32>
        %add3A_1153 = arith.constant 1 : i32
        %add3A_1154 = arith.addi %mul3A_978, %add3A_1153 : i32
        %get3A_1155 = arith.constant 1 : i32
        %get3A_1156 = arith.index_cast %get3A_1155 : i32 to index
        %get3A_1157 = arith.index_cast %add3A_1154 : i32 to index
        %get3A_1158 = arith.constant 112 : index
        %get3A_1159 = tpu.vector_load %arg6[%get3A_1156, %get3A_1157, %get3A_1158] {strides = array<i32>} : memref<8x32x256xf32, #tpu.memory_space<vmem>>, vector<1x1x16xf32>,
        %get3A_1160 = vector.shape_cast %get3A_1159 : vector<1x1x16xf32> to vector<16xf32>
        %add3A_1161 = arith.addf %add3A_1033, %get3A_1160 : vector<16xf32>
        %add3A_1162 = arith.constant 1 : i32
        %add3A_1163 = arith.addi %mul3A_978, %add3A_1162 : i32
        %get3A_1164 = arith.constant 1 : i32
        %get3A_1165 = arith.index_cast %get3A_1164 : i32 to index
        %get3A_1166 = arith.index_cast %add3A_1163 : i32 to index
        %get3A_1167 = arith.constant 128 : index
        %get3A_1168 = tpu.vector_load %arg6[%get3A_1165, %get3A_1166, %get3A_1167] {strides = array<i32>} : memref<8x32x256xf32, #tpu.memory_space<vmem>>, vector<1x1x16xf32>,
        %get3A_1169 = vector.shape_cast %get3A_1168 : vector<1x1x16xf32> to vector<16xf32>
        %add3A_1170 = arith.addf %add3A_1040, %get3A_1169 : vector<16xf32>
        %add3A_1171 = arith.constant 1 : i32
        %add3A_1172 = arith.addi %mul3A_978, %add3A_1171 : i32
        %get3A_1173 = arith.constant 1 : i32
        %get3A_1174 = arith.index_cast %get3A_1173 : i32 to index
        %get3A_1175 = arith.index_cast %add3A_1172 : i32 to index
        %get3A_1176 = arith.constant 144 : index
        %get3A_1177 = tpu.vector_load %arg6[%get3A_1174, %get3A_1175, %get3A_1176] {strides = array<i32>} : memref<8x32x256xf32, #tpu.memory_space<vmem>>, vector<1x1x16xf32>,
        %get3A_1178 = vector.shape_cast %get3A_1177 : vector<1x1x16xf32> to vector<16xf32>
        %add3A_1179 = arith.addf %add3A_1047, %get3A_1178 : vector<16xf32>
        %add3A_1180 = arith.constant 1 : i32
        %add3A_1181 = arith.addi %mul3A_978, %add3A_1180 : i32
        %get3A_1182 = arith.constant 1 : i32
        %get3A_1183 = arith.index_cast %get3A_1182 : i32 to index
        %get3A_1184 = arith.index_cast %add3A_1181 : i32 to index
        %get3A_1185 = arith.constant 160 : index
        %get3A_1186 = tpu.vector_load %arg6[%get3A_1183, %get3A_1184, %get3A_1185] {strides = array<i32>} : memref<8x32x256xf32, #tpu.memory_space<vmem>>, vector<1x1x16xf32>,
        %get3A_1187 = vector.shape_cast %get3A_1186 : vector<1x1x16xf32> to vector<16xf32>
        %add3A_1188 = arith.addf %add3A_1054, %get3A_1187 : vector<16xf32>
        %add3A_1189 = arith.constant 1 : i32
        %add3A_1190 = arith.addi %mul3A_978, %add3A_1189 : i32
        %get3A_1191 = arith.constant 1 : i32
        %get3A_1192 = arith.index_cast %get3A_1191 : i32 to index
        %get3A_1193 = arith.index_cast %add3A_1190 : i32 to index
        %get3A_1194 = arith.constant 176 : index
        %get3A_1195 = tpu.vector_load %arg6[%get3A_1192, %get3A_1193, %get3A_1194] {strides = array<i32>} : memref<8x32x256xf32, #tpu.memory_space<vmem>>, vector<1x1x16xf32>,
        %get3A_1196 = vector.shape_cast %get3A_1195 : vector<1x1x16xf32> to vector<16xf32>
        %add3A_1197 = arith.addf %add3A_1061, %get3A_1196 : vector<16xf32>
        %add3A_1198 = arith.constant 1 : i32
        %add3A_1199 = arith.addi %mul3A_978, %add3A_1198 : i32
        %get3A_1200 = arith.constant 1 : i32
        %get3A_1201 = arith.index_cast %get3A_1200 : i32 to index
        %get3A_1202 = arith.index_cast %add3A_1199 : i32 to index
        %get3A_1203 = arith.constant 192 : index
        %get3A_1204 = tpu.vector_load %arg6[%get3A_1201, %get3A_1202, %get3A_1203] {strides = array<i32>} : memref<8x32x256xf32, #tpu.memory_space<vmem>>, vector<1x1x16xf32>,
        %get3A_1205 = vector.shape_cast %get3A_1204 : vector<1x1x16xf32> to vector<16xf32>
        %add3A_1206 = arith.addf %add3A_1068, %get3A_1205 : vector<16xf32>
        %add3A_1207 = arith.constant 1 : i32
        %add3A_1208 = arith.addi %mul3A_978, %add3A_1207 : i32
        %get3A_1209 = arith.constant 1 : i32
        %get3A_1210 = arith.index_cast %get3A_1209 : i32 to index
        %get3A_1211 = arith.index_cast %add3A_1208 : i32 to index
        %get3A_1212 = arith.constant 208 : index
        %get3A_1213 = tpu.vector_load %arg6[%get3A_1210, %get3A_1211, %get3A_1212] {strides = array<i32>} : memref<8x32x256xf32, #tpu.memory_space<vmem>>, vector<1x1x16xf32>,
        %get3A_1214 = vector.shape_cast %get3A_1213 : vector<1x1x16xf32> to vector<16xf32>
        %add3A_1215 = arith.addf %add3A_1075, %get3A_1214 : vector<16xf32>
        %add3A_1216 = arith.constant 1 : i32
        %add3A_1217 = arith.addi %mul3A_978, %add3A_1216 : i32
        %get3A_1218 = arith.constant 1 : i32
        %get3A_1219 = arith.index_cast %get3A_1218 : i32 to index
        %get3A_1220 = arith.index_cast %add3A_1217 : i32 to index
        %get3A_1221 = arith.constant 224 : index
        %get3A_1222 = tpu.vector_load %arg6[%get3A_1219, %get3A_1220, %get3A_1221] {strides = array<i32>} : memref<8x32x256xf32, #tpu.memory_space<vmem>>, vector<1x1x16xf32>,
        %get3A_1223 = vector.shape_cast %get3A_1222 : vector<1x1x16xf32> to vector<16xf32>
        %add3A_1224 = arith.addf %add3A_1082, %get3A_1223 : vector<16xf32>
        %add3A_1225 = arith.constant 1 : i32
        %add3A_1226 = arith.addi %mul3A_978, %add3A_1225 : i32
        %get3A_1227 = arith.constant 1 : i32
        %get3A_1228 = arith.index_cast %get3A_1227 : i32 to index
        %get3A_1229 = arith.index_cast %add3A_1226 : i32 to index
        %get3A_1230 = arith.constant 240 : index
        %get3A_1231 = tpu.vector_load %arg6[%get3A_1228, %get3A_1229, %get3A_1230] {strides = array<i32>} : memref<8x32x256xf32, #tpu.memory_space<vmem>>, vector<1x1x16xf32>,
        %get3A_1232 = vector.shape_cast %get3A_1231 : vector<1x1x16xf32> to vector<16xf32>
        %add3A_1233 = arith.addf %add3A_1089, %get3A_1232 : vector<16xf32>
        scf.yield %add3A_1098, %add3A_1107, %add3A_1116, %add3A_1125, %add3A_1134, %add3A_1143, %add3A_1152, %add3A_1161, %add3A_1170, %add3A_1179, %add3A_1188, %add3A_1197, %add3A_1206, %add3A_1215, %add3A_1224, %add3A_1233 : vector<16xf32>, vector<16xf32>, vector<16xf32>, vector<16xf32>, vector<16xf32>, vector<16xf32>, vector<16xf32>, vector<16xf32>, vector<16xf32>, vector<16xf32>, vector<16xf32>, vector<16xf32>, vector<16xf32>, vector<16xf32>, vector<16xf32>, vector<16xf32>
      }
      %scan3A_391 = arith.constant 16 : i32
      %add3A_392 = arith.constant 8 : i32
      %add3A_393 = arith.addi %add3A_373, %add3A_392 : i32
      %min3A_394 = arith.constant 255 : i32
      %min3A_395 = arith.minsi %add3A_393, %min3A_394 : i32
      %shift_right_logical3A_396 = arith.constant 6 : i32
      %shift_right_logical3A_397 = arith.shrui %min3A_395, %shift_right_logical3A_396 : i32
      %and3A_398 = arith.constant 63 : i32
      %and3A_399 = arith.andi %min3A_395, %and3A_398 : i32
      %mul3A_400 = arith.constant 32 : i32
      %mul3A_401 = arith.muli %and3A_399, %mul3A_400 : i32
      %dma_start3A_402 = arith.constant 1 : i32
      %dma_start3A_403 = arith.constant 0 : i32
      %dma_start3A_404 = arith.constant 0 : i32
      %dma_start3A_405 = tpu.memref_slice %arg6[%dma_start3A_402, %dma_start3A_403, %dma_start3A_404] : memref<8x32x256xf32, #tpu.memory_space<vmem>> -> memref<1x32x256xf32, #tpu.memory_space<vmem>>
      %dma_start3A_406 = tpu.memref_squeeze %dma_start3A_405 : memref<1x32x256xf32, #tpu.memory_space<vmem>> -> memref<32x256xf32, #tpu.memory_space<vmem>>
      %dma_start3A_407 = tpu.memref_slice %arg5[%shift_right_logical3A_397, %mul3A_401] : memref<4x2048xi32, #tpu.memory_space<vmem>> -> memref<1x32xi32, #tpu.memory_space<vmem>>
      %dma_start3A_408 = tpu.memref_squeeze %dma_start3A_407 : memref<1x32xi32, #tpu.memory_space<vmem>> -> memref<32xi32, #tpu.memory_space<vmem>>
      %dma_start3A_409 = arith.constant 0 : i32
      %dma_start3A_410 = arith.constant 0 : i32
      %dma_start3A_411 = tpu.memref_slice %arg3[%dma_start3A_409, %dma_start3A_410] : memref<100000x256xf32, #tpu.memory_space<hbm>> -> memref<100000x256xf32, #tpu.memory_space<hbm>>
      tpu.enqueue_indirect_dma source(%dma_start3A_411 : memref<100000x256xf32, #tpu.memory_space<hbm>>) target(%dma_start3A_406 : memref<32x256xf32, #tpu.memory_space<vmem>>) offsets(%dma_start3A_408 : memref<32xi32, #tpu.memory_space<vmem>>) semaphore(%arg9 : memref<!tpu.dma_semaphore, #tpu.memory_space<semaphore_mem>>)
      %and3A_412 = arith.constant 63 : i32
      %and3A_413 = arith.andi %add3A_373, %and3A_412 : i32
      %eq3A_414 = arith.constant 63 : i32
      %eq3A_415 = arith.cmpi eq, %and3A_413, %eq3A_414 : i32
      %shift_right_logical3A_416 = arith.constant 6 : i32
      %shift_right_logical3A_417 = arith.shrui %add3A_373, %shift_right_logical3A_416 : i32
      %convert_element_type3A_418 = arith.extui %eq3A_415 : i1 to i32
      %cond3A_419 = arith.constant 0 : i32
      %cond3A_420 = arith.cmpi ne, %convert_element_type3A_418, %cond3A_419 : i32
      scf.if %cond3A_420 {
        %mul3A_960 = arith.constant 4.8828125E-4 : f32
        %mul3A_961 = vector.broadcast %mul3A_960 : f32 to vector<16xf32>
        %mul3A_962 = arith.mulf %scan3A_390#0, %mul3A_961 : vector<16xf32>
        %swap3A = arith.constant 0 : index
        %swap3A_963 = tpu.vector_load %arg7[%swap3A] {strides = array<i32>} : memref<256xf32, #tpu.memory_space<vmem>>, vector<16xf32>,
        %swap3A_964 = vector.shape_cast %swap3A_963 : vector<16xf32> to vector<16xf32>
        %swap3A_965 = vector.shape_cast %mul3A_962 : vector<16xf32> to vector<16xf32>
        tpu.vector_store %arg7[%swap3A], %swap3A_965 {strides = array<i32>} : memref<256xf32, #tpu.memory_space<vmem>>, vector<16xf32>,
        %mul3A_966 = arith.constant 4.8828125E-4 : f32
        %mul3A_967 = vector.broadcast %mul3A_966 : f32 to vector<16xf32>
        %mul3A_968 = arith.mulf %scan3A_390#1, %mul3A_967 : vector<16xf32>
        %swap3A_969 = arith.constant 16 : index
        %swap3A_970 = tpu.vector_load %arg7[%swap3A_969] {strides = array<i32>} : memref<256xf32, #tpu.memory_space<vmem>>, vector<16xf32>,
        %swap3A_971 = vector.shape_cast %swap3A_970 : vector<16xf32> to vector<16xf32>
        %swap3A_972 = vector.shape_cast %mul3A_968 : vector<16xf32> to vector<16xf32>
        tpu.vector_store %arg7[%swap3A_969], %swap3A_972 {strides = array<i32>} : memref<256xf32, #tpu.memory_space<vmem>>, vector<16xf32>,
        %mul3A_973 = arith.constant 4.8828125E-4 : f32
        %mul3A_974 = vector.broadcast %mul3A_973 : f32 to vector<16xf32>
        %mul3A_975 = arith.mulf %scan3A_390#2, %mul3A_974 : vector<16xf32>
        %swap3A_976 = arith.constant 32 : index
        %swap3A_977 = tpu.vector_load %arg7[%swap3A_976] {strides = array<i32>} : memref<256xf32, #tpu.memory_space<vmem>>, vector<16xf32>,
        %swap3A_978 = vector.shape_cast %swap3A_977 : vector<16xf32> to vector<16xf32>
        %swap3A_979 = vector.shape_cast %mul3A_975 : vector<16xf32> to vector<16xf32>
        tpu.vector_store %arg7[%swap3A_976], %swap3A_979 {strides = array<i32>} : memref<256xf32, #tpu.memory_space<vmem>>, vector<16xf32>,
        %mul3A_980 = arith.constant 4.8828125E-4 : f32
        %mul3A_981 = vector.broadcast %mul3A_980 : f32 to vector<16xf32>
        %mul3A_982 = arith.mulf %scan3A_390#3, %mul3A_981 : vector<16xf32>
        %swap3A_983 = arith.constant 48 : index
        %swap3A_984 = tpu.vector_load %arg7[%swap3A_983] {strides = array<i32>} : memref<256xf32, #tpu.memory_space<vmem>>, vector<16xf32>,
        %swap3A_985 = vector.shape_cast %swap3A_984 : vector<16xf32> to vector<16xf32>
        %swap3A_986 = vector.shape_cast %mul3A_982 : vector<16xf32> to vector<16xf32>
        tpu.vector_store %arg7[%swap3A_983], %swap3A_986 {strides = array<i32>} : memref<256xf32, #tpu.memory_space<vmem>>, vector<16xf32>,
        %mul3A_987 = arith.constant 4.8828125E-4 : f32
        %mul3A_988 = vector.broadcast %mul3A_987 : f32 to vector<16xf32>
        %mul3A_989 = arith.mulf %scan3A_390#4, %mul3A_988 : vector<16xf32>
        %swap3A_990 = arith.constant 64 : index
        %swap3A_991 = tpu.vector_load %arg7[%swap3A_990] {strides = array<i32>} : memref<256xf32, #tpu.memory_space<vmem>>, vector<16xf32>,
        %swap3A_992 = vector.shape_cast %swap3A_991 : vector<16xf32> to vector<16xf32>
        %swap3A_993 = vector.shape_cast %mul3A_989 : vector<16xf32> to vector<16xf32>
        tpu.vector_store %arg7[%swap3A_990], %swap3A_993 {strides = array<i32>} : memref<256xf32, #tpu.memory_space<vmem>>, vector<16xf32>,
        %mul3A_994 = arith.constant 4.8828125E-4 : f32
        %mul3A_995 = vector.broadcast %mul3A_994 : f32 to vector<16xf32>
        %mul3A_996 = arith.mulf %scan3A_390#5, %mul3A_995 : vector<16xf32>
        %swap3A_997 = arith.constant 80 : index
        %swap3A_998 = tpu.vector_load %arg7[%swap3A_997] {strides = array<i32>} : memref<256xf32, #tpu.memory_space<vmem>>, vector<16xf32>,
        %swap3A_999 = vector.shape_cast %swap3A_998 : vector<16xf32> to vector<16xf32>
        %swap3A_1000 = vector.shape_cast %mul3A_996 : vector<16xf32> to vector<16xf32>
        tpu.vector_store %arg7[%swap3A_997], %swap3A_1000 {strides = array<i32>} : memref<256xf32, #tpu.memory_space<vmem>>, vector<16xf32>,
        %mul3A_1001 = arith.constant 4.8828125E-4 : f32
        %mul3A_1002 = vector.broadcast %mul3A_1001 : f32 to vector<16xf32>
        %mul3A_1003 = arith.mulf %scan3A_390#6, %mul3A_1002 : vector<16xf32>
        %swap3A_1004 = arith.constant 96 : index
        %swap3A_1005 = tpu.vector_load %arg7[%swap3A_1004] {strides = array<i32>} : memref<256xf32, #tpu.memory_space<vmem>>, vector<16xf32>,
        %swap3A_1006 = vector.shape_cast %swap3A_1005 : vector<16xf32> to vector<16xf32>
        %swap3A_1007 = vector.shape_cast %mul3A_1003 : vector<16xf32> to vector<16xf32>
        tpu.vector_store %arg7[%swap3A_1004], %swap3A_1007 {strides = array<i32>} : memref<256xf32, #tpu.memory_space<vmem>>, vector<16xf32>,
        %mul3A_1008 = arith.constant 4.8828125E-4 : f32
        %mul3A_1009 = vector.broadcast %mul3A_1008 : f32 to vector<16xf32>
        %mul3A_1010 = arith.mulf %scan3A_390#7, %mul3A_1009 : vector<16xf32>
        %swap3A_1011 = arith.constant 112 : index
        %swap3A_1012 = tpu.vector_load %arg7[%swap3A_1011] {strides = array<i32>} : memref<256xf32, #tpu.memory_space<vmem>>, vector<16xf32>,
        %swap3A_1013 = vector.shape_cast %swap3A_1012 : vector<16xf32> to vector<16xf32>
        %swap3A_1014 = vector.shape_cast %mul3A_1010 : vector<16xf32> to vector<16xf32>
        tpu.vector_store %arg7[%swap3A_1011], %swap3A_1014 {strides = array<i32>} : memref<256xf32, #tpu.memory_space<vmem>>, vector<16xf32>,
        %mul3A_1015 = arith.constant 4.8828125E-4 : f32
        %mul3A_1016 = vector.broadcast %mul3A_1015 : f32 to vector<16xf32>
        %mul3A_1017 = arith.mulf %scan3A_390#8, %mul3A_1016 : vector<16xf32>
        %swap3A_1018 = arith.constant 128 : index
        %swap3A_1019 = tpu.vector_load %arg7[%swap3A_1018] {strides = array<i32>} : memref<256xf32, #tpu.memory_space<vmem>>, vector<16xf32>,
        %swap3A_1020 = vector.shape_cast %swap3A_1019 : vector<16xf32> to vector<16xf32>
        %swap3A_1021 = vector.shape_cast %mul3A_1017 : vector<16xf32> to vector<16xf32>
        tpu.vector_store %arg7[%swap3A_1018], %swap3A_1021 {strides = array<i32>} : memref<256xf32, #tpu.memory_space<vmem>>, vector<16xf32>,
        %mul3A_1022 = arith.constant 4.8828125E-4 : f32
        %mul3A_1023 = vector.broadcast %mul3A_1022 : f32 to vector<16xf32>
        %mul3A_1024 = arith.mulf %scan3A_390#9, %mul3A_1023 : vector<16xf32>
        %swap3A_1025 = arith.constant 144 : index
        %swap3A_1026 = tpu.vector_load %arg7[%swap3A_1025] {strides = array<i32>} : memref<256xf32, #tpu.memory_space<vmem>>, vector<16xf32>,
        %swap3A_1027 = vector.shape_cast %swap3A_1026 : vector<16xf32> to vector<16xf32>
        %swap3A_1028 = vector.shape_cast %mul3A_1024 : vector<16xf32> to vector<16xf32>
        tpu.vector_store %arg7[%swap3A_1025], %swap3A_1028 {strides = array<i32>} : memref<256xf32, #tpu.memory_space<vmem>>, vector<16xf32>,
        %mul3A_1029 = arith.constant 4.8828125E-4 : f32
        %mul3A_1030 = vector.broadcast %mul3A_1029 : f32 to vector<16xf32>
        %mul3A_1031 = arith.mulf %scan3A_390#10, %mul3A_1030 : vector<16xf32>
        %swap3A_1032 = arith.constant 160 : index
        %swap3A_1033 = tpu.vector_load %arg7[%swap3A_1032] {strides = array<i32>} : memref<256xf32, #tpu.memory_space<vmem>>, vector<16xf32>,
        %swap3A_1034 = vector.shape_cast %swap3A_1033 : vector<16xf32> to vector<16xf32>
        %swap3A_1035 = vector.shape_cast %mul3A_1031 : vector<16xf32> to vector<16xf32>
        tpu.vector_store %arg7[%swap3A_1032], %swap3A_1035 {strides = array<i32>} : memref<256xf32, #tpu.memory_space<vmem>>, vector<16xf32>,
        %mul3A_1036 = arith.constant 4.8828125E-4 : f32
        %mul3A_1037 = vector.broadcast %mul3A_1036 : f32 to vector<16xf32>
        %mul3A_1038 = arith.mulf %scan3A_390#11, %mul3A_1037 : vector<16xf32>
        %swap3A_1039 = arith.constant 176 : index
        %swap3A_1040 = tpu.vector_load %arg7[%swap3A_1039] {strides = array<i32>} : memref<256xf32, #tpu.memory_space<vmem>>, vector<16xf32>,
        %swap3A_1041 = vector.shape_cast %swap3A_1040 : vector<16xf32> to vector<16xf32>
        %swap3A_1042 = vector.shape_cast %mul3A_1038 : vector<16xf32> to vector<16xf32>
        tpu.vector_store %arg7[%swap3A_1039], %swap3A_1042 {strides = array<i32>} : memref<256xf32, #tpu.memory_space<vmem>>, vector<16xf32>,
        %mul3A_1043 = arith.constant 4.8828125E-4 : f32
        %mul3A_1044 = vector.broadcast %mul3A_1043 : f32 to vector<16xf32>
        %mul3A_1045 = arith.mulf %scan3A_390#12, %mul3A_1044 : vector<16xf32>
        %swap3A_1046 = arith.constant 192 : index
        %swap3A_1047 = tpu.vector_load %arg7[%swap3A_1046] {strides = array<i32>} : memref<256xf32, #tpu.memory_space<vmem>>, vector<16xf32>,
        %swap3A_1048 = vector.shape_cast %swap3A_1047 : vector<16xf32> to vector<16xf32>
        %swap3A_1049 = vector.shape_cast %mul3A_1045 : vector<16xf32> to vector<16xf32>
        tpu.vector_store %arg7[%swap3A_1046], %swap3A_1049 {strides = array<i32>} : memref<256xf32, #tpu.memory_space<vmem>>, vector<16xf32>,
        %mul3A_1050 = arith.constant 4.8828125E-4 : f32
        %mul3A_1051 = vector.broadcast %mul3A_1050 : f32 to vector<16xf32>
        %mul3A_1052 = arith.mulf %scan3A_390#13, %mul3A_1051 : vector<16xf32>
        %swap3A_1053 = arith.constant 208 : index
        %swap3A_1054 = tpu.vector_load %arg7[%swap3A_1053] {strides = array<i32>} : memref<256xf32, #tpu.memory_space<vmem>>, vector<16xf32>,
        %swap3A_1055 = vector.shape_cast %swap3A_1054 : vector<16xf32> to vector<16xf32>
        %swap3A_1056 = vector.shape_cast %mul3A_1052 : vector<16xf32> to vector<16xf32>
        tpu.vector_store %arg7[%swap3A_1053], %swap3A_1056 {strides = array<i32>} : memref<256xf32, #tpu.memory_space<vmem>>, vector<16xf32>,
        %mul3A_1057 = arith.constant 4.8828125E-4 : f32
        %mul3A_1058 = vector.broadcast %mul3A_1057 : f32 to vector<16xf32>
        %mul3A_1059 = arith.mulf %scan3A_390#14, %mul3A_1058 : vector<16xf32>
        %swap3A_1060 = arith.constant 224 : index
        %swap3A_1061 = tpu.vector_load %arg7[%swap3A_1060] {strides = array<i32>} : memref<256xf32, #tpu.memory_space<vmem>>, vector<16xf32>,
        %swap3A_1062 = vector.shape_cast %swap3A_1061 : vector<16xf32> to vector<16xf32>
        %swap3A_1063 = vector.shape_cast %mul3A_1059 : vector<16xf32> to vector<16xf32>
        tpu.vector_store %arg7[%swap3A_1060], %swap3A_1063 {strides = array<i32>} : memref<256xf32, #tpu.memory_space<vmem>>, vector<16xf32>,
        %mul3A_1064 = arith.constant 4.8828125E-4 : f32
        %mul3A_1065 = vector.broadcast %mul3A_1064 : f32 to vector<16xf32>
        %mul3A_1066 = arith.mulf %scan3A_390#15, %mul3A_1065 : vector<16xf32>
        %swap3A_1067 = arith.constant 240 : index
        %swap3A_1068 = tpu.vector_load %arg7[%swap3A_1067] {strides = array<i32>} : memref<256xf32, #tpu.memory_space<vmem>>, vector<16xf32>,
        %swap3A_1069 = vector.shape_cast %swap3A_1068 : vector<16xf32> to vector<16xf32>
        %swap3A_1070 = vector.shape_cast %mul3A_1066 : vector<16xf32> to vector<16xf32>
        tpu.vector_store %arg7[%swap3A_1067], %swap3A_1070 {strides = array<i32>} : memref<256xf32, #tpu.memory_space<vmem>>, vector<16xf32>,
        %mul3A_1071 = arith.constant 4 : i32
        %mul3A_1072 = arith.muli %add3A, %mul3A_1071 : i32
        %add3A_1073 = arith.addi %mul3A_1072, %shift_right_logical3A_417 : i32
        "tpu.region"() ({
          %run_scoped3A = tpu.sem_alloc : memref<!tpu.dma_semaphore, #tpu.memory_space<semaphore_mem>>
          %dma_start3A_1074 = arith.constant 0 : i32
          %dma_start3A_1075 = tpu.memref_slice %arg4[%add3A_1073, %dma_start3A_1074] : memref<128x256xf32, #tpu.memory_space<hbm>> -> memref<1x256xf32, #tpu.memory_space<hbm>>
          %dma_start3A_1076 = tpu.memref_squeeze %dma_start3A_1075 : memref<1x256xf32, #tpu.memory_space<hbm>> -> memref<256xf32, #tpu.memory_space<hbm>>
          %dma_start3A_1077 = arith.constant 0 : i32
          %dma_start3A_1078 = tpu.memref_slice %arg4[%add3A_1073, %dma_start3A_1077] : memref<128x256xf32, #tpu.memory_space<hbm>> -> memref<1x256xf32, #tpu.memory_space<hbm>>
          %dma_start3A_1079 = tpu.memref_squeeze %dma_start3A_1078 : memref<1x256xf32, #tpu.memory_space<hbm>> -> memref<256xf32, #tpu.memory_space<hbm>>
          tpu.enqueue_dma source(%arg7 : memref<256xf32, #tpu.memory_space<vmem>>) target(%dma_start3A_1079 : memref<256xf32, #tpu.memory_space<hbm>>) target_semaphore(%run_scoped3A : memref<!tpu.dma_semaphore, #tpu.memory_space<semaphore_mem>>)
          %dma_wait3A_1080 = arith.constant 0 : i32
          %dma_wait3A_1081 = tpu.memref_slice %arg4[%add3A_1073, %dma_wait3A_1080] : memref<128x256xf32, #tpu.memory_space<hbm>> -> memref<1x256xf32, #tpu.memory_space<hbm>>
          %dma_wait3A_1082 = tpu.memref_squeeze %dma_wait3A_1081 : memref<1x256xf32, #tpu.memory_space<hbm>> -> memref<256xf32, #tpu.memory_space<hbm>>
          %dma_wait3A_1083 = arith.constant 0 : i32
          %dma_wait3A_1084 = tpu.memref_slice %arg4[%add3A_1073, %dma_wait3A_1083] : memref<128x256xf32, #tpu.memory_space<hbm>> -> memref<1x256xf32, #tpu.memory_space<hbm>>
          %dma_wait3A_1085 = tpu.memref_squeeze %dma_wait3A_1084 : memref<1x256xf32, #tpu.memory_space<hbm>> -> memref<256xf32, #tpu.memory_space<hbm>>
          tpu.wait_dma2 semaphore(%run_scoped3A : memref<!tpu.dma_semaphore, #tpu.memory_space<semaphore_mem>>) src(%arg7 : memref<256xf32, #tpu.memory_space<vmem>>) dst(%dma_wait3A_1085 : memref<256xf32, #tpu.memory_space<hbm>>)
          tpu.yield
        }) : () -> ()
      } else {
      }
      %jit3A_421 = arith.constant 0.000000e+00 : f32
      %jit3A_422 = arith.constant 1.000000e+00 : f32
      %select_n3A_423 = arith.select %eq3A_415, %jit3A_421, %jit3A_422 : f32
      %mul3A_424 = vector.broadcast %select_n3A_423 : f32 to vector<16xf32>
      %mul3A_425 = arith.mulf %scan3A_390#0, %mul3A_424 : vector<16xf32>
      %mul3A_426 = vector.broadcast %select_n3A_423 : f32 to vector<16xf32>
      %mul3A_427 = arith.mulf %scan3A_390#1, %mul3A_426 : vector<16xf32>
      %mul3A_428 = vector.broadcast %select_n3A_423 : f32 to vector<16xf32>
      %mul3A_429 = arith.mulf %scan3A_390#2, %mul3A_428 : vector<16xf32>
      %mul3A_430 = vector.broadcast %select_n3A_423 : f32 to vector<16xf32>
      %mul3A_431 = arith.mulf %scan3A_390#3, %mul3A_430 : vector<16xf32>
      %mul3A_432 = vector.broadcast %select_n3A_423 : f32 to vector<16xf32>
      %mul3A_433 = arith.mulf %scan3A_390#4, %mul3A_432 : vector<16xf32>
      %mul3A_434 = vector.broadcast %select_n3A_423 : f32 to vector<16xf32>
      %mul3A_435 = arith.mulf %scan3A_390#5, %mul3A_434 : vector<16xf32>
      %mul3A_436 = vector.broadcast %select_n3A_423 : f32 to vector<16xf32>
      %mul3A_437 = arith.mulf %scan3A_390#6, %mul3A_436 : vector<16xf32>
      %mul3A_438 = vector.broadcast %select_n3A_423 : f32 to vector<16xf32>
      %mul3A_439 = arith.mulf %scan3A_390#7, %mul3A_438 : vector<16xf32>
      %mul3A_440 = vector.broadcast %select_n3A_423 : f32 to vector<16xf32>
      %mul3A_441 = arith.mulf %scan3A_390#8, %mul3A_440 : vector<16xf32>
      %mul3A_442 = vector.broadcast %select_n3A_423 : f32 to vector<16xf32>
      %mul3A_443 = arith.mulf %scan3A_390#9, %mul3A_442 : vector<16xf32>
      %mul3A_444 = vector.broadcast %select_n3A_423 : f32 to vector<16xf32>
      %mul3A_445 = arith.mulf %scan3A_390#10, %mul3A_444 : vector<16xf32>
      %mul3A_446 = vector.broadcast %select_n3A_423 : f32 to vector<16xf32>
      %mul3A_447 = arith.mulf %scan3A_390#11, %mul3A_446 : vector<16xf32>
      %mul3A_448 = vector.broadcast %select_n3A_423 : f32 to vector<16xf32>
      %mul3A_449 = arith.mulf %scan3A_390#12, %mul3A_448 : vector<16xf32>
      %mul3A_450 = vector.broadcast %select_n3A_423 : f32 to vector<16xf32>
      %mul3A_451 = arith.mulf %scan3A_390#13, %mul3A_450 : vector<16xf32>
      %mul3A_452 = vector.broadcast %select_n3A_423 : f32 to vector<16xf32>
      %mul3A_453 = arith.mulf %scan3A_390#14, %mul3A_452 : vector<16xf32>
      %mul3A_454 = vector.broadcast %select_n3A_423 : f32 to vector<16xf32>
      %mul3A_455 = arith.mulf %scan3A_390#15, %mul3A_454 : vector<16xf32>
      %add3A_456 = arith.constant 2 : i32
      %add3A_457 = arith.addi %mul3A_293, %add3A_456 : i32
      %dma_wait3A_458 = arith.constant 0 : i32
      %dma_wait3A_459 = arith.constant 2 : i32
      %dma_wait3A_460 = arith.constant 0 : i32
      %dma_wait3A_461 = arith.constant 0 : i32
      %dma_wait3A_462 = tpu.memref_slice %arg6[%dma_wait3A_459, %dma_wait3A_460, %dma_wait3A_461] : memref<8x32x256xf32, #tpu.memory_space<vmem>> -> memref<1x32x256xf32, #tpu.memory_space<vmem>>
      %dma_wait3A_463 = tpu.memref_squeeze %dma_wait3A_462 : memref<1x32x256xf32, #tpu.memory_space<vmem>> -> memref<32x256xf32, #tpu.memory_space<vmem>>
      %dma_wait3A_464 = arith.constant 0 : i32
      %dma_wait3A_465 = tpu.memref_slice %arg5[%dma_wait3A_458, %dma_wait3A_464] : memref<4x2048xi32, #tpu.memory_space<vmem>> -> memref<1x32xi32, #tpu.memory_space<vmem>>
      %dma_wait3A_466 = tpu.memref_squeeze %dma_wait3A_465 : memref<1x32xi32, #tpu.memory_space<vmem>> -> memref<32xi32, #tpu.memory_space<vmem>>
      %dma_wait3A_467 = arith.constant 0 : i32
      %dma_wait3A_468 = arith.constant 0 : i32
      %dma_wait3A_469 = tpu.memref_slice %arg3[%dma_wait3A_467, %dma_wait3A_468] : memref<100000x256xf32, #tpu.memory_space<hbm>> -> memref<100000x256xf32, #tpu.memory_space<hbm>>
      tpu.wait_indirect_dma semaphore(%arg10 : memref<!tpu.dma_semaphore, #tpu.memory_space<semaphore_mem>>) src(%dma_wait3A_469 : memref<100000x256xf32, #tpu.memory_space<hbm>>) dst(%dma_wait3A_463 : memref<32x256xf32, #tpu.memory_space<vmem>>)
      %scan3A_470 = arith.constant 0 : i32
      %scan3A_471 = arith.constant 16 : i32
      %scan3A_472 = arith.addi %scan3A_470, %scan3A_471 : i32
      %scan3A_473 = arith.constant 1 : i32
      %scan3A_474:16 = scf.for %scan3A_960 = %scan3A_470 to %scan3A_472 step %scan3A_473 iter_args(%scan3A_961 = %mul3A_425, %scan3A_962 = %mul3A_427, %scan3A_963 = %mul3A_429, %scan3A_964 = %mul3A_431, %scan3A_965 = %mul3A_433, %scan3A_966 = %mul3A_435, %scan3A_967 = %mul3A_437, %scan3A_968 = %mul3A_439, %scan3A_969 = %mul3A_441, %scan3A_970 = %mul3A_443, %scan3A_971 = %mul3A_445, %scan3A_972 = %mul3A_447, %scan3A_973 = %mul3A_449, %scan3A_974 = %mul3A_451, %scan3A_975 = %mul3A_453, %scan3A_976 = %mul3A_455) -> (vector<16xf32>, vector<16xf32>, vector<16xf32>, vector<16xf32>, vector<16xf32>, vector<16xf32>, vector<16xf32>, vector<16xf32>, vector<16xf32>, vector<16xf32>, vector<16xf32>, vector<16xf32>, vector<16xf32>, vector<16xf32>, vector<16xf32>, vector<16xf32>)  : i32 {
        %mul3A_977 = arith.constant 2 : i32
        %mul3A_978 = arith.muli %scan3A_960, %mul3A_977 : i32
        %get3A = arith.constant 2 : i32
        %get3A_979 = arith.index_cast %get3A : i32 to index
        %get3A_980 = arith.index_cast %mul3A_978 : i32 to index
        %get3A_981 = arith.constant 0 : index
        %get3A_982 = tpu.vector_load %arg6[%get3A_979, %get3A_980, %get3A_981] {strides = array<i32>} : memref<8x32x256xf32, #tpu.memory_space<vmem>>, vector<1x1x16xf32>,
        %get3A_983 = vector.shape_cast %get3A_982 : vector<1x1x16xf32> to vector<16xf32>
        %add3A_984 = arith.addf %scan3A_961, %get3A_983 : vector<16xf32>
        %get3A_985 = arith.constant 2 : i32
        %get3A_986 = arith.index_cast %get3A_985 : i32 to index
        %get3A_987 = arith.index_cast %mul3A_978 : i32 to index
        %get3A_988 = arith.constant 16 : index
        %get3A_989 = tpu.vector_load %arg6[%get3A_986, %get3A_987, %get3A_988] {strides = array<i32>} : memref<8x32x256xf32, #tpu.memory_space<vmem>>, vector<1x1x16xf32>,
        %get3A_990 = vector.shape_cast %get3A_989 : vector<1x1x16xf32> to vector<16xf32>
        %add3A_991 = arith.addf %scan3A_962, %get3A_990 : vector<16xf32>
        %get3A_992 = arith.constant 2 : i32
        %get3A_993 = arith.index_cast %get3A_992 : i32 to index
        %get3A_994 = arith.index_cast %mul3A_978 : i32 to index
        %get3A_995 = arith.constant 32 : index
        %get3A_996 = tpu.vector_load %arg6[%get3A_993, %get3A_994, %get3A_995] {strides = array<i32>} : memref<8x32x256xf32, #tpu.memory_space<vmem>>, vector<1x1x16xf32>,
        %get3A_997 = vector.shape_cast %get3A_996 : vector<1x1x16xf32> to vector<16xf32>
        %add3A_998 = arith.addf %scan3A_963, %get3A_997 : vector<16xf32>
        %get3A_999 = arith.constant 2 : i32
        %get3A_1000 = arith.index_cast %get3A_999 : i32 to index
        %get3A_1001 = arith.index_cast %mul3A_978 : i32 to index
        %get3A_1002 = arith.constant 48 : index
        %get3A_1003 = tpu.vector_load %arg6[%get3A_1000, %get3A_1001, %get3A_1002] {strides = array<i32>} : memref<8x32x256xf32, #tpu.memory_space<vmem>>, vector<1x1x16xf32>,
        %get3A_1004 = vector.shape_cast %get3A_1003 : vector<1x1x16xf32> to vector<16xf32>
        %add3A_1005 = arith.addf %scan3A_964, %get3A_1004 : vector<16xf32>
        %get3A_1006 = arith.constant 2 : i32
        %get3A_1007 = arith.index_cast %get3A_1006 : i32 to index
        %get3A_1008 = arith.index_cast %mul3A_978 : i32 to index
        %get3A_1009 = arith.constant 64 : index
        %get3A_1010 = tpu.vector_load %arg6[%get3A_1007, %get3A_1008, %get3A_1009] {strides = array<i32>} : memref<8x32x256xf32, #tpu.memory_space<vmem>>, vector<1x1x16xf32>,
        %get3A_1011 = vector.shape_cast %get3A_1010 : vector<1x1x16xf32> to vector<16xf32>
        %add3A_1012 = arith.addf %scan3A_965, %get3A_1011 : vector<16xf32>
        %get3A_1013 = arith.constant 2 : i32
        %get3A_1014 = arith.index_cast %get3A_1013 : i32 to index
        %get3A_1015 = arith.index_cast %mul3A_978 : i32 to index
        %get3A_1016 = arith.constant 80 : index
        %get3A_1017 = tpu.vector_load %arg6[%get3A_1014, %get3A_1015, %get3A_1016] {strides = array<i32>} : memref<8x32x256xf32, #tpu.memory_space<vmem>>, vector<1x1x16xf32>,
        %get3A_1018 = vector.shape_cast %get3A_1017 : vector<1x1x16xf32> to vector<16xf32>
        %add3A_1019 = arith.addf %scan3A_966, %get3A_1018 : vector<16xf32>
        %get3A_1020 = arith.constant 2 : i32
        %get3A_1021 = arith.index_cast %get3A_1020 : i32 to index
        %get3A_1022 = arith.index_cast %mul3A_978 : i32 to index
        %get3A_1023 = arith.constant 96 : index
        %get3A_1024 = tpu.vector_load %arg6[%get3A_1021, %get3A_1022, %get3A_1023] {strides = array<i32>} : memref<8x32x256xf32, #tpu.memory_space<vmem>>, vector<1x1x16xf32>,
        %get3A_1025 = vector.shape_cast %get3A_1024 : vector<1x1x16xf32> to vector<16xf32>
        %add3A_1026 = arith.addf %scan3A_967, %get3A_1025 : vector<16xf32>
        %get3A_1027 = arith.constant 2 : i32
        %get3A_1028 = arith.index_cast %get3A_1027 : i32 to index
        %get3A_1029 = arith.index_cast %mul3A_978 : i32 to index
        %get3A_1030 = arith.constant 112 : index
        %get3A_1031 = tpu.vector_load %arg6[%get3A_1028, %get3A_1029, %get3A_1030] {strides = array<i32>} : memref<8x32x256xf32, #tpu.memory_space<vmem>>, vector<1x1x16xf32>,
        %get3A_1032 = vector.shape_cast %get3A_1031 : vector<1x1x16xf32> to vector<16xf32>
        %add3A_1033 = arith.addf %scan3A_968, %get3A_1032 : vector<16xf32>
        %get3A_1034 = arith.constant 2 : i32
        %get3A_1035 = arith.index_cast %get3A_1034 : i32 to index
        %get3A_1036 = arith.index_cast %mul3A_978 : i32 to index
        %get3A_1037 = arith.constant 128 : index
        %get3A_1038 = tpu.vector_load %arg6[%get3A_1035, %get3A_1036, %get3A_1037] {strides = array<i32>} : memref<8x32x256xf32, #tpu.memory_space<vmem>>, vector<1x1x16xf32>,
        %get3A_1039 = vector.shape_cast %get3A_1038 : vector<1x1x16xf32> to vector<16xf32>
        %add3A_1040 = arith.addf %scan3A_969, %get3A_1039 : vector<16xf32>
        %get3A_1041 = arith.constant 2 : i32
        %get3A_1042 = arith.index_cast %get3A_1041 : i32 to index
        %get3A_1043 = arith.index_cast %mul3A_978 : i32 to index
        %get3A_1044 = arith.constant 144 : index
        %get3A_1045 = tpu.vector_load %arg6[%get3A_1042, %get3A_1043, %get3A_1044] {strides = array<i32>} : memref<8x32x256xf32, #tpu.memory_space<vmem>>, vector<1x1x16xf32>,
        %get3A_1046 = vector.shape_cast %get3A_1045 : vector<1x1x16xf32> to vector<16xf32>
        %add3A_1047 = arith.addf %scan3A_970, %get3A_1046 : vector<16xf32>
        %get3A_1048 = arith.constant 2 : i32
        %get3A_1049 = arith.index_cast %get3A_1048 : i32 to index
        %get3A_1050 = arith.index_cast %mul3A_978 : i32 to index
        %get3A_1051 = arith.constant 160 : index
        %get3A_1052 = tpu.vector_load %arg6[%get3A_1049, %get3A_1050, %get3A_1051] {strides = array<i32>} : memref<8x32x256xf32, #tpu.memory_space<vmem>>, vector<1x1x16xf32>,
        %get3A_1053 = vector.shape_cast %get3A_1052 : vector<1x1x16xf32> to vector<16xf32>
        %add3A_1054 = arith.addf %scan3A_971, %get3A_1053 : vector<16xf32>
        %get3A_1055 = arith.constant 2 : i32
        %get3A_1056 = arith.index_cast %get3A_1055 : i32 to index
        %get3A_1057 = arith.index_cast %mul3A_978 : i32 to index
        %get3A_1058 = arith.constant 176 : index
        %get3A_1059 = tpu.vector_load %arg6[%get3A_1056, %get3A_1057, %get3A_1058] {strides = array<i32>} : memref<8x32x256xf32, #tpu.memory_space<vmem>>, vector<1x1x16xf32>,
        %get3A_1060 = vector.shape_cast %get3A_1059 : vector<1x1x16xf32> to vector<16xf32>
        %add3A_1061 = arith.addf %scan3A_972, %get3A_1060 : vector<16xf32>
        %get3A_1062 = arith.constant 2 : i32
        %get3A_1063 = arith.index_cast %get3A_1062 : i32 to index
        %get3A_1064 = arith.index_cast %mul3A_978 : i32 to index
        %get3A_1065 = arith.constant 192 : index
        %get3A_1066 = tpu.vector_load %arg6[%get3A_1063, %get3A_1064, %get3A_1065] {strides = array<i32>} : memref<8x32x256xf32, #tpu.memory_space<vmem>>, vector<1x1x16xf32>,
        %get3A_1067 = vector.shape_cast %get3A_1066 : vector<1x1x16xf32> to vector<16xf32>
        %add3A_1068 = arith.addf %scan3A_973, %get3A_1067 : vector<16xf32>
        %get3A_1069 = arith.constant 2 : i32
        %get3A_1070 = arith.index_cast %get3A_1069 : i32 to index
        %get3A_1071 = arith.index_cast %mul3A_978 : i32 to index
        %get3A_1072 = arith.constant 208 : index
        %get3A_1073 = tpu.vector_load %arg6[%get3A_1070, %get3A_1071, %get3A_1072] {strides = array<i32>} : memref<8x32x256xf32, #tpu.memory_space<vmem>>, vector<1x1x16xf32>,
        %get3A_1074 = vector.shape_cast %get3A_1073 : vector<1x1x16xf32> to vector<16xf32>
        %add3A_1075 = arith.addf %scan3A_974, %get3A_1074 : vector<16xf32>
        %get3A_1076 = arith.constant 2 : i32
        %get3A_1077 = arith.index_cast %get3A_1076 : i32 to index
        %get3A_1078 = arith.index_cast %mul3A_978 : i32 to index
        %get3A_1079 = arith.constant 224 : index
        %get3A_1080 = tpu.vector_load %arg6[%get3A_1077, %get3A_1078, %get3A_1079] {strides = array<i32>} : memref<8x32x256xf32, #tpu.memory_space<vmem>>, vector<1x1x16xf32>,
        %get3A_1081 = vector.shape_cast %get3A_1080 : vector<1x1x16xf32> to vector<16xf32>
        %add3A_1082 = arith.addf %scan3A_975, %get3A_1081 : vector<16xf32>
        %get3A_1083 = arith.constant 2 : i32
        %get3A_1084 = arith.index_cast %get3A_1083 : i32 to index
        %get3A_1085 = arith.index_cast %mul3A_978 : i32 to index
        %get3A_1086 = arith.constant 240 : index
        %get3A_1087 = tpu.vector_load %arg6[%get3A_1084, %get3A_1085, %get3A_1086] {strides = array<i32>} : memref<8x32x256xf32, #tpu.memory_space<vmem>>, vector<1x1x16xf32>,
        %get3A_1088 = vector.shape_cast %get3A_1087 : vector<1x1x16xf32> to vector<16xf32>
        %add3A_1089 = arith.addf %scan3A_976, %get3A_1088 : vector<16xf32>
        %add3A_1090 = arith.constant 1 : i32
        %add3A_1091 = arith.addi %mul3A_978, %add3A_1090 : i32
        %get3A_1092 = arith.constant 2 : i32
        %get3A_1093 = arith.index_cast %get3A_1092 : i32 to index
        %get3A_1094 = arith.index_cast %add3A_1091 : i32 to index
        %get3A_1095 = arith.constant 0 : index
        %get3A_1096 = tpu.vector_load %arg6[%get3A_1093, %get3A_1094, %get3A_1095] {strides = array<i32>} : memref<8x32x256xf32, #tpu.memory_space<vmem>>, vector<1x1x16xf32>,
        %get3A_1097 = vector.shape_cast %get3A_1096 : vector<1x1x16xf32> to vector<16xf32>
        %add3A_1098 = arith.addf %add3A_984, %get3A_1097 : vector<16xf32>
        %add3A_1099 = arith.constant 1 : i32
        %add3A_1100 = arith.addi %mul3A_978, %add3A_1099 : i32
        %get3A_1101 = arith.constant 2 : i32
        %get3A_1102 = arith.index_cast %get3A_1101 : i32 to index
        %get3A_1103 = arith.index_cast %add3A_1100 : i32 to index
        %get3A_1104 = arith.constant 16 : index
        %get3A_1105 = tpu.vector_load %arg6[%get3A_1102, %get3A_1103, %get3A_1104] {strides = array<i32>} : memref<8x32x256xf32, #tpu.memory_space<vmem>>, vector<1x1x16xf32>,
        %get3A_1106 = vector.shape_cast %get3A_1105 : vector<1x1x16xf32> to vector<16xf32>
        %add3A_1107 = arith.addf %add3A_991, %get3A_1106 : vector<16xf32>
        %add3A_1108 = arith.constant 1 : i32
        %add3A_1109 = arith.addi %mul3A_978, %add3A_1108 : i32
        %get3A_1110 = arith.constant 2 : i32
        %get3A_1111 = arith.index_cast %get3A_1110 : i32 to index
        %get3A_1112 = arith.index_cast %add3A_1109 : i32 to index
        %get3A_1113 = arith.constant 32 : index
        %get3A_1114 = tpu.vector_load %arg6[%get3A_1111, %get3A_1112, %get3A_1113] {strides = array<i32>} : memref<8x32x256xf32, #tpu.memory_space<vmem>>, vector<1x1x16xf32>,
        %get3A_1115 = vector.shape_cast %get3A_1114 : vector<1x1x16xf32> to vector<16xf32>
        %add3A_1116 = arith.addf %add3A_998, %get3A_1115 : vector<16xf32>
        %add3A_1117 = arith.constant 1 : i32
        %add3A_1118 = arith.addi %mul3A_978, %add3A_1117 : i32
        %get3A_1119 = arith.constant 2 : i32
        %get3A_1120 = arith.index_cast %get3A_1119 : i32 to index
        %get3A_1121 = arith.index_cast %add3A_1118 : i32 to index
        %get3A_1122 = arith.constant 48 : index
        %get3A_1123 = tpu.vector_load %arg6[%get3A_1120, %get3A_1121, %get3A_1122] {strides = array<i32>} : memref<8x32x256xf32, #tpu.memory_space<vmem>>, vector<1x1x16xf32>,
        %get3A_1124 = vector.shape_cast %get3A_1123 : vector<1x1x16xf32> to vector<16xf32>
        %add3A_1125 = arith.addf %add3A_1005, %get3A_1124 : vector<16xf32>
        %add3A_1126 = arith.constant 1 : i32
        %add3A_1127 = arith.addi %mul3A_978, %add3A_1126 : i32
        %get3A_1128 = arith.constant 2 : i32
        %get3A_1129 = arith.index_cast %get3A_1128 : i32 to index
        %get3A_1130 = arith.index_cast %add3A_1127 : i32 to index
        %get3A_1131 = arith.constant 64 : index
        %get3A_1132 = tpu.vector_load %arg6[%get3A_1129, %get3A_1130, %get3A_1131] {strides = array<i32>} : memref<8x32x256xf32, #tpu.memory_space<vmem>>, vector<1x1x16xf32>,
        %get3A_1133 = vector.shape_cast %get3A_1132 : vector<1x1x16xf32> to vector<16xf32>
        %add3A_1134 = arith.addf %add3A_1012, %get3A_1133 : vector<16xf32>
        %add3A_1135 = arith.constant 1 : i32
        %add3A_1136 = arith.addi %mul3A_978, %add3A_1135 : i32
        %get3A_1137 = arith.constant 2 : i32
        %get3A_1138 = arith.index_cast %get3A_1137 : i32 to index
        %get3A_1139 = arith.index_cast %add3A_1136 : i32 to index
        %get3A_1140 = arith.constant 80 : index
        %get3A_1141 = tpu.vector_load %arg6[%get3A_1138, %get3A_1139, %get3A_1140] {strides = array<i32>} : memref<8x32x256xf32, #tpu.memory_space<vmem>>, vector<1x1x16xf32>,
        %get3A_1142 = vector.shape_cast %get3A_1141 : vector<1x1x16xf32> to vector<16xf32>
        %add3A_1143 = arith.addf %add3A_1019, %get3A_1142 : vector<16xf32>
        %add3A_1144 = arith.constant 1 : i32
        %add3A_1145 = arith.addi %mul3A_978, %add3A_1144 : i32
        %get3A_1146 = arith.constant 2 : i32
        %get3A_1147 = arith.index_cast %get3A_1146 : i32 to index
        %get3A_1148 = arith.index_cast %add3A_1145 : i32 to index
        %get3A_1149 = arith.constant 96 : index
        %get3A_1150 = tpu.vector_load %arg6[%get3A_1147, %get3A_1148, %get3A_1149] {strides = array<i32>} : memref<8x32x256xf32, #tpu.memory_space<vmem>>, vector<1x1x16xf32>,
        %get3A_1151 = vector.shape_cast %get3A_1150 : vector<1x1x16xf32> to vector<16xf32>
        %add3A_1152 = arith.addf %add3A_1026, %get3A_1151 : vector<16xf32>
        %add3A_1153 = arith.constant 1 : i32
        %add3A_1154 = arith.addi %mul3A_978, %add3A_1153 : i32
        %get3A_1155 = arith.constant 2 : i32
        %get3A_1156 = arith.index_cast %get3A_1155 : i32 to index
        %get3A_1157 = arith.index_cast %add3A_1154 : i32 to index
        %get3A_1158 = arith.constant 112 : index
        %get3A_1159 = tpu.vector_load %arg6[%get3A_1156, %get3A_1157, %get3A_1158] {strides = array<i32>} : memref<8x32x256xf32, #tpu.memory_space<vmem>>, vector<1x1x16xf32>,
        %get3A_1160 = vector.shape_cast %get3A_1159 : vector<1x1x16xf32> to vector<16xf32>
        %add3A_1161 = arith.addf %add3A_1033, %get3A_1160 : vector<16xf32>
        %add3A_1162 = arith.constant 1 : i32
        %add3A_1163 = arith.addi %mul3A_978, %add3A_1162 : i32
        %get3A_1164 = arith.constant 2 : i32
        %get3A_1165 = arith.index_cast %get3A_1164 : i32 to index
        %get3A_1166 = arith.index_cast %add3A_1163 : i32 to index
        %get3A_1167 = arith.constant 128 : index
        %get3A_1168 = tpu.vector_load %arg6[%get3A_1165, %get3A_1166, %get3A_1167] {strides = array<i32>} : memref<8x32x256xf32, #tpu.memory_space<vmem>>, vector<1x1x16xf32>,
        %get3A_1169 = vector.shape_cast %get3A_1168 : vector<1x1x16xf32> to vector<16xf32>
        %add3A_1170 = arith.addf %add3A_1040, %get3A_1169 : vector<16xf32>
        %add3A_1171 = arith.constant 1 : i32
        %add3A_1172 = arith.addi %mul3A_978, %add3A_1171 : i32
        %get3A_1173 = arith.constant 2 : i32
        %get3A_1174 = arith.index_cast %get3A_1173 : i32 to index
        %get3A_1175 = arith.index_cast %add3A_1172 : i32 to index
        %get3A_1176 = arith.constant 144 : index
        %get3A_1177 = tpu.vector_load %arg6[%get3A_1174, %get3A_1175, %get3A_1176] {strides = array<i32>} : memref<8x32x256xf32, #tpu.memory_space<vmem>>, vector<1x1x16xf32>,
        %get3A_1178 = vector.shape_cast %get3A_1177 : vector<1x1x16xf32> to vector<16xf32>
        %add3A_1179 = arith.addf %add3A_1047, %get3A_1178 : vector<16xf32>
        %add3A_1180 = arith.constant 1 : i32
        %add3A_1181 = arith.addi %mul3A_978, %add3A_1180 : i32
        %get3A_1182 = arith.constant 2 : i32
        %get3A_1183 = arith.index_cast %get3A_1182 : i32 to index
        %get3A_1184 = arith.index_cast %add3A_1181 : i32 to index
        %get3A_1185 = arith.constant 160 : index
        %get3A_1186 = tpu.vector_load %arg6[%get3A_1183, %get3A_1184, %get3A_1185] {strides = array<i32>} : memref<8x32x256xf32, #tpu.memory_space<vmem>>, vector<1x1x16xf32>,
        %get3A_1187 = vector.shape_cast %get3A_1186 : vector<1x1x16xf32> to vector<16xf32>
        %add3A_1188 = arith.addf %add3A_1054, %get3A_1187 : vector<16xf32>
        %add3A_1189 = arith.constant 1 : i32
        %add3A_1190 = arith.addi %mul3A_978, %add3A_1189 : i32
        %get3A_1191 = arith.constant 2 : i32
        %get3A_1192 = arith.index_cast %get3A_1191 : i32 to index
        %get3A_1193 = arith.index_cast %add3A_1190 : i32 to index
        %get3A_1194 = arith.constant 176 : index
        %get3A_1195 = tpu.vector_load %arg6[%get3A_1192, %get3A_1193, %get3A_1194] {strides = array<i32>} : memref<8x32x256xf32, #tpu.memory_space<vmem>>, vector<1x1x16xf32>,
        %get3A_1196 = vector.shape_cast %get3A_1195 : vector<1x1x16xf32> to vector<16xf32>
        %add3A_1197 = arith.addf %add3A_1061, %get3A_1196 : vector<16xf32>
        %add3A_1198 = arith.constant 1 : i32
        %add3A_1199 = arith.addi %mul3A_978, %add3A_1198 : i32
        %get3A_1200 = arith.constant 2 : i32
        %get3A_1201 = arith.index_cast %get3A_1200 : i32 to index
        %get3A_1202 = arith.index_cast %add3A_1199 : i32 to index
        %get3A_1203 = arith.constant 192 : index
        %get3A_1204 = tpu.vector_load %arg6[%get3A_1201, %get3A_1202, %get3A_1203] {strides = array<i32>} : memref<8x32x256xf32, #tpu.memory_space<vmem>>, vector<1x1x16xf32>,
        %get3A_1205 = vector.shape_cast %get3A_1204 : vector<1x1x16xf32> to vector<16xf32>
        %add3A_1206 = arith.addf %add3A_1068, %get3A_1205 : vector<16xf32>
        %add3A_1207 = arith.constant 1 : i32
        %add3A_1208 = arith.addi %mul3A_978, %add3A_1207 : i32
        %get3A_1209 = arith.constant 2 : i32
        %get3A_1210 = arith.index_cast %get3A_1209 : i32 to index
        %get3A_1211 = arith.index_cast %add3A_1208 : i32 to index
        %get3A_1212 = arith.constant 208 : index
        %get3A_1213 = tpu.vector_load %arg6[%get3A_1210, %get3A_1211, %get3A_1212] {strides = array<i32>} : memref<8x32x256xf32, #tpu.memory_space<vmem>>, vector<1x1x16xf32>,
        %get3A_1214 = vector.shape_cast %get3A_1213 : vector<1x1x16xf32> to vector<16xf32>
        %add3A_1215 = arith.addf %add3A_1075, %get3A_1214 : vector<16xf32>
        %add3A_1216 = arith.constant 1 : i32
        %add3A_1217 = arith.addi %mul3A_978, %add3A_1216 : i32
        %get3A_1218 = arith.constant 2 : i32
        %get3A_1219 = arith.index_cast %get3A_1218 : i32 to index
        %get3A_1220 = arith.index_cast %add3A_1217 : i32 to index
        %get3A_1221 = arith.constant 224 : index
        %get3A_1222 = tpu.vector_load %arg6[%get3A_1219, %get3A_1220, %get3A_1221] {strides = array<i32>} : memref<8x32x256xf32, #tpu.memory_space<vmem>>, vector<1x1x16xf32>,
        %get3A_1223 = vector.shape_cast %get3A_1222 : vector<1x1x16xf32> to vector<16xf32>
        %add3A_1224 = arith.addf %add3A_1082, %get3A_1223 : vector<16xf32>
        %add3A_1225 = arith.constant 1 : i32
        %add3A_1226 = arith.addi %mul3A_978, %add3A_1225 : i32
        %get3A_1227 = arith.constant 2 : i32
        %get3A_1228 = arith.index_cast %get3A_1227 : i32 to index
        %get3A_1229 = arith.index_cast %add3A_1226 : i32 to index
        %get3A_1230 = arith.constant 240 : index
        %get3A_1231 = tpu.vector_load %arg6[%get3A_1228, %get3A_1229, %get3A_1230] {strides = array<i32>} : memref<8x32x256xf32, #tpu.memory_space<vmem>>, vector<1x1x16xf32>,
        %get3A_1232 = vector.shape_cast %get3A_1231 : vector<1x1x16xf32> to vector<16xf32>
        %add3A_1233 = arith.addf %add3A_1089, %get3A_1232 : vector<16xf32>
        scf.yield %add3A_1098, %add3A_1107, %add3A_1116, %add3A_1125, %add3A_1134, %add3A_1143, %add3A_1152, %add3A_1161, %add3A_1170, %add3A_1179, %add3A_1188, %add3A_1197, %add3A_1206, %add3A_1215, %add3A_1224, %add3A_1233 : vector<16xf32>, vector<16xf32>, vector<16xf32>, vector<16xf32>, vector<16xf32>, vector<16xf32>, vector<16xf32>, vector<16xf32>, vector<16xf32>, vector<16xf32>, vector<16xf32>, vector<16xf32>, vector<16xf32>, vector<16xf32>, vector<16xf32>, vector<16xf32>
      }
      %scan3A_475 = arith.constant 16 : i32
      %add3A_476 = arith.constant 8 : i32
      %add3A_477 = arith.addi %add3A_457, %add3A_476 : i32
      %min3A_478 = arith.constant 255 : i32
      %min3A_479 = arith.minsi %add3A_477, %min3A_478 : i32
      %shift_right_logical3A_480 = arith.constant 6 : i32
      %shift_right_logical3A_481 = arith.shrui %min3A_479, %shift_right_logical3A_480 : i32
      %and3A_482 = arith.constant 63 : i32
      %and3A_483 = arith.andi %min3A_479, %and3A_482 : i32
      %mul3A_484 = arith.constant 32 : i32
      %mul3A_485 = arith.muli %and3A_483, %mul3A_484 : i32
      %dma_start3A_486 = arith.constant 2 : i32
      %dma_start3A_487 = arith.constant 0 : i32
      %dma_start3A_488 = arith.constant 0 : i32
      %dma_start3A_489 = tpu.memref_slice %arg6[%dma_start3A_486, %dma_start3A_487, %dma_start3A_488] : memref<8x32x256xf32, #tpu.memory_space<vmem>> -> memref<1x32x256xf32, #tpu.memory_space<vmem>>
      %dma_start3A_490 = tpu.memref_squeeze %dma_start3A_489 : memref<1x32x256xf32, #tpu.memory_space<vmem>> -> memref<32x256xf32, #tpu.memory_space<vmem>>
      %dma_start3A_491 = tpu.memref_slice %arg5[%shift_right_logical3A_481, %mul3A_485] : memref<4x2048xi32, #tpu.memory_space<vmem>> -> memref<1x32xi32, #tpu.memory_space<vmem>>
      %dma_start3A_492 = tpu.memref_squeeze %dma_start3A_491 : memref<1x32xi32, #tpu.memory_space<vmem>> -> memref<32xi32, #tpu.memory_space<vmem>>
      %dma_start3A_493 = arith.constant 0 : i32
      %dma_start3A_494 = arith.constant 0 : i32
      %dma_start3A_495 = tpu.memref_slice %arg3[%dma_start3A_493, %dma_start3A_494] : memref<100000x256xf32, #tpu.memory_space<hbm>> -> memref<100000x256xf32, #tpu.memory_space<hbm>>
      tpu.enqueue_indirect_dma source(%dma_start3A_495 : memref<100000x256xf32, #tpu.memory_space<hbm>>) target(%dma_start3A_490 : memref<32x256xf32, #tpu.memory_space<vmem>>) offsets(%dma_start3A_492 : memref<32xi32, #tpu.memory_space<vmem>>) semaphore(%arg10 : memref<!tpu.dma_semaphore, #tpu.memory_space<semaphore_mem>>)
      %and3A_496 = arith.constant 63 : i32
      %and3A_497 = arith.andi %add3A_457, %and3A_496 : i32
      %eq3A_498 = arith.constant 63 : i32
      %eq3A_499 = arith.cmpi eq, %and3A_497, %eq3A_498 : i32
      %shift_right_logical3A_500 = arith.constant 6 : i32
      %shift_right_logical3A_501 = arith.shrui %add3A_457, %shift_right_logical3A_500 : i32
      %convert_element_type3A_502 = arith.extui %eq3A_499 : i1 to i32
      %cond3A_503 = arith.constant 0 : i32
      %cond3A_504 = arith.cmpi ne, %convert_element_type3A_502, %cond3A_503 : i32
      scf.if %cond3A_504 {
        %mul3A_960 = arith.constant 4.8828125E-4 : f32
        %mul3A_961 = vector.broadcast %mul3A_960 : f32 to vector<16xf32>
        %mul3A_962 = arith.mulf %scan3A_474#0, %mul3A_961 : vector<16xf32>
        %swap3A = arith.constant 0 : index
        %swap3A_963 = tpu.vector_load %arg7[%swap3A] {strides = array<i32>} : memref<256xf32, #tpu.memory_space<vmem>>, vector<16xf32>,
        %swap3A_964 = vector.shape_cast %swap3A_963 : vector<16xf32> to vector<16xf32>
        %swap3A_965 = vector.shape_cast %mul3A_962 : vector<16xf32> to vector<16xf32>
        tpu.vector_store %arg7[%swap3A], %swap3A_965 {strides = array<i32>} : memref<256xf32, #tpu.memory_space<vmem>>, vector<16xf32>,
        %mul3A_966 = arith.constant 4.8828125E-4 : f32
        %mul3A_967 = vector.broadcast %mul3A_966 : f32 to vector<16xf32>
        %mul3A_968 = arith.mulf %scan3A_474#1, %mul3A_967 : vector<16xf32>
        %swap3A_969 = arith.constant 16 : index
        %swap3A_970 = tpu.vector_load %arg7[%swap3A_969] {strides = array<i32>} : memref<256xf32, #tpu.memory_space<vmem>>, vector<16xf32>,
        %swap3A_971 = vector.shape_cast %swap3A_970 : vector<16xf32> to vector<16xf32>
        %swap3A_972 = vector.shape_cast %mul3A_968 : vector<16xf32> to vector<16xf32>
        tpu.vector_store %arg7[%swap3A_969], %swap3A_972 {strides = array<i32>} : memref<256xf32, #tpu.memory_space<vmem>>, vector<16xf32>,
        %mul3A_973 = arith.constant 4.8828125E-4 : f32
        %mul3A_974 = vector.broadcast %mul3A_973 : f32 to vector<16xf32>
        %mul3A_975 = arith.mulf %scan3A_474#2, %mul3A_974 : vector<16xf32>
        %swap3A_976 = arith.constant 32 : index
        %swap3A_977 = tpu.vector_load %arg7[%swap3A_976] {strides = array<i32>} : memref<256xf32, #tpu.memory_space<vmem>>, vector<16xf32>,
        %swap3A_978 = vector.shape_cast %swap3A_977 : vector<16xf32> to vector<16xf32>
        %swap3A_979 = vector.shape_cast %mul3A_975 : vector<16xf32> to vector<16xf32>
        tpu.vector_store %arg7[%swap3A_976], %swap3A_979 {strides = array<i32>} : memref<256xf32, #tpu.memory_space<vmem>>, vector<16xf32>,
        %mul3A_980 = arith.constant 4.8828125E-4 : f32
        %mul3A_981 = vector.broadcast %mul3A_980 : f32 to vector<16xf32>
        %mul3A_982 = arith.mulf %scan3A_474#3, %mul3A_981 : vector<16xf32>
        %swap3A_983 = arith.constant 48 : index
        %swap3A_984 = tpu.vector_load %arg7[%swap3A_983] {strides = array<i32>} : memref<256xf32, #tpu.memory_space<vmem>>, vector<16xf32>,
        %swap3A_985 = vector.shape_cast %swap3A_984 : vector<16xf32> to vector<16xf32>
        %swap3A_986 = vector.shape_cast %mul3A_982 : vector<16xf32> to vector<16xf32>
        tpu.vector_store %arg7[%swap3A_983], %swap3A_986 {strides = array<i32>} : memref<256xf32, #tpu.memory_space<vmem>>, vector<16xf32>,
        %mul3A_987 = arith.constant 4.8828125E-4 : f32
        %mul3A_988 = vector.broadcast %mul3A_987 : f32 to vector<16xf32>
        %mul3A_989 = arith.mulf %scan3A_474#4, %mul3A_988 : vector<16xf32>
        %swap3A_990 = arith.constant 64 : index
        %swap3A_991 = tpu.vector_load %arg7[%swap3A_990] {strides = array<i32>} : memref<256xf32, #tpu.memory_space<vmem>>, vector<16xf32>,
        %swap3A_992 = vector.shape_cast %swap3A_991 : vector<16xf32> to vector<16xf32>
        %swap3A_993 = vector.shape_cast %mul3A_989 : vector<16xf32> to vector<16xf32>
        tpu.vector_store %arg7[%swap3A_990], %swap3A_993 {strides = array<i32>} : memref<256xf32, #tpu.memory_space<vmem>>, vector<16xf32>,
        %mul3A_994 = arith.constant 4.8828125E-4 : f32
        %mul3A_995 = vector.broadcast %mul3A_994 : f32 to vector<16xf32>
        %mul3A_996 = arith.mulf %scan3A_474#5, %mul3A_995 : vector<16xf32>
        %swap3A_997 = arith.constant 80 : index
        %swap3A_998 = tpu.vector_load %arg7[%swap3A_997] {strides = array<i32>} : memref<256xf32, #tpu.memory_space<vmem>>, vector<16xf32>,
        %swap3A_999 = vector.shape_cast %swap3A_998 : vector<16xf32> to vector<16xf32>
        %swap3A_1000 = vector.shape_cast %mul3A_996 : vector<16xf32> to vector<16xf32>
        tpu.vector_store %arg7[%swap3A_997], %swap3A_1000 {strides = array<i32>} : memref<256xf32, #tpu.memory_space<vmem>>, vector<16xf32>,
        %mul3A_1001 = arith.constant 4.8828125E-4 : f32
        %mul3A_1002 = vector.broadcast %mul3A_1001 : f32 to vector<16xf32>
        %mul3A_1003 = arith.mulf %scan3A_474#6, %mul3A_1002 : vector<16xf32>
        %swap3A_1004 = arith.constant 96 : index
        %swap3A_1005 = tpu.vector_load %arg7[%swap3A_1004] {strides = array<i32>} : memref<256xf32, #tpu.memory_space<vmem>>, vector<16xf32>,
        %swap3A_1006 = vector.shape_cast %swap3A_1005 : vector<16xf32> to vector<16xf32>
        %swap3A_1007 = vector.shape_cast %mul3A_1003 : vector<16xf32> to vector<16xf32>
        tpu.vector_store %arg7[%swap3A_1004], %swap3A_1007 {strides = array<i32>} : memref<256xf32, #tpu.memory_space<vmem>>, vector<16xf32>,
        %mul3A_1008 = arith.constant 4.8828125E-4 : f32
        %mul3A_1009 = vector.broadcast %mul3A_1008 : f32 to vector<16xf32>
        %mul3A_1010 = arith.mulf %scan3A_474#7, %mul3A_1009 : vector<16xf32>
        %swap3A_1011 = arith.constant 112 : index
        %swap3A_1012 = tpu.vector_load %arg7[%swap3A_1011] {strides = array<i32>} : memref<256xf32, #tpu.memory_space<vmem>>, vector<16xf32>,
        %swap3A_1013 = vector.shape_cast %swap3A_1012 : vector<16xf32> to vector<16xf32>
        %swap3A_1014 = vector.shape_cast %mul3A_1010 : vector<16xf32> to vector<16xf32>
        tpu.vector_store %arg7[%swap3A_1011], %swap3A_1014 {strides = array<i32>} : memref<256xf32, #tpu.memory_space<vmem>>, vector<16xf32>,
        %mul3A_1015 = arith.constant 4.8828125E-4 : f32
        %mul3A_1016 = vector.broadcast %mul3A_1015 : f32 to vector<16xf32>
        %mul3A_1017 = arith.mulf %scan3A_474#8, %mul3A_1016 : vector<16xf32>
        %swap3A_1018 = arith.constant 128 : index
        %swap3A_1019 = tpu.vector_load %arg7[%swap3A_1018] {strides = array<i32>} : memref<256xf32, #tpu.memory_space<vmem>>, vector<16xf32>,
        %swap3A_1020 = vector.shape_cast %swap3A_1019 : vector<16xf32> to vector<16xf32>
        %swap3A_1021 = vector.shape_cast %mul3A_1017 : vector<16xf32> to vector<16xf32>
        tpu.vector_store %arg7[%swap3A_1018], %swap3A_1021 {strides = array<i32>} : memref<256xf32, #tpu.memory_space<vmem>>, vector<16xf32>,
        %mul3A_1022 = arith.constant 4.8828125E-4 : f32
        %mul3A_1023 = vector.broadcast %mul3A_1022 : f32 to vector<16xf32>
        %mul3A_1024 = arith.mulf %scan3A_474#9, %mul3A_1023 : vector<16xf32>
        %swap3A_1025 = arith.constant 144 : index
        %swap3A_1026 = tpu.vector_load %arg7[%swap3A_1025] {strides = array<i32>} : memref<256xf32, #tpu.memory_space<vmem>>, vector<16xf32>,
        %swap3A_1027 = vector.shape_cast %swap3A_1026 : vector<16xf32> to vector<16xf32>
        %swap3A_1028 = vector.shape_cast %mul3A_1024 : vector<16xf32> to vector<16xf32>
        tpu.vector_store %arg7[%swap3A_1025], %swap3A_1028 {strides = array<i32>} : memref<256xf32, #tpu.memory_space<vmem>>, vector<16xf32>,
        %mul3A_1029 = arith.constant 4.8828125E-4 : f32
        %mul3A_1030 = vector.broadcast %mul3A_1029 : f32 to vector<16xf32>
        %mul3A_1031 = arith.mulf %scan3A_474#10, %mul3A_1030 : vector<16xf32>
        %swap3A_1032 = arith.constant 160 : index
        %swap3A_1033 = tpu.vector_load %arg7[%swap3A_1032] {strides = array<i32>} : memref<256xf32, #tpu.memory_space<vmem>>, vector<16xf32>,
        %swap3A_1034 = vector.shape_cast %swap3A_1033 : vector<16xf32> to vector<16xf32>
        %swap3A_1035 = vector.shape_cast %mul3A_1031 : vector<16xf32> to vector<16xf32>
        tpu.vector_store %arg7[%swap3A_1032], %swap3A_1035 {strides = array<i32>} : memref<256xf32, #tpu.memory_space<vmem>>, vector<16xf32>,
        %mul3A_1036 = arith.constant 4.8828125E-4 : f32
        %mul3A_1037 = vector.broadcast %mul3A_1036 : f32 to vector<16xf32>
        %mul3A_1038 = arith.mulf %scan3A_474#11, %mul3A_1037 : vector<16xf32>
        %swap3A_1039 = arith.constant 176 : index
        %swap3A_1040 = tpu.vector_load %arg7[%swap3A_1039] {strides = array<i32>} : memref<256xf32, #tpu.memory_space<vmem>>, vector<16xf32>,
        %swap3A_1041 = vector.shape_cast %swap3A_1040 : vector<16xf32> to vector<16xf32>
        %swap3A_1042 = vector.shape_cast %mul3A_1038 : vector<16xf32> to vector<16xf32>
        tpu.vector_store %arg7[%swap3A_1039], %swap3A_1042 {strides = array<i32>} : memref<256xf32, #tpu.memory_space<vmem>>, vector<16xf32>,
        %mul3A_1043 = arith.constant 4.8828125E-4 : f32
        %mul3A_1044 = vector.broadcast %mul3A_1043 : f32 to vector<16xf32>
        %mul3A_1045 = arith.mulf %scan3A_474#12, %mul3A_1044 : vector<16xf32>
        %swap3A_1046 = arith.constant 192 : index
        %swap3A_1047 = tpu.vector_load %arg7[%swap3A_1046] {strides = array<i32>} : memref<256xf32, #tpu.memory_space<vmem>>, vector<16xf32>,
        %swap3A_1048 = vector.shape_cast %swap3A_1047 : vector<16xf32> to vector<16xf32>
        %swap3A_1049 = vector.shape_cast %mul3A_1045 : vector<16xf32> to vector<16xf32>
        tpu.vector_store %arg7[%swap3A_1046], %swap3A_1049 {strides = array<i32>} : memref<256xf32, #tpu.memory_space<vmem>>, vector<16xf32>,
        %mul3A_1050 = arith.constant 4.8828125E-4 : f32
        %mul3A_1051 = vector.broadcast %mul3A_1050 : f32 to vector<16xf32>
        %mul3A_1052 = arith.mulf %scan3A_474#13, %mul3A_1051 : vector<16xf32>
        %swap3A_1053 = arith.constant 208 : index
        %swap3A_1054 = tpu.vector_load %arg7[%swap3A_1053] {strides = array<i32>} : memref<256xf32, #tpu.memory_space<vmem>>, vector<16xf32>,
        %swap3A_1055 = vector.shape_cast %swap3A_1054 : vector<16xf32> to vector<16xf32>
        %swap3A_1056 = vector.shape_cast %mul3A_1052 : vector<16xf32> to vector<16xf32>
        tpu.vector_store %arg7[%swap3A_1053], %swap3A_1056 {strides = array<i32>} : memref<256xf32, #tpu.memory_space<vmem>>, vector<16xf32>,
        %mul3A_1057 = arith.constant 4.8828125E-4 : f32
        %mul3A_1058 = vector.broadcast %mul3A_1057 : f32 to vector<16xf32>
        %mul3A_1059 = arith.mulf %scan3A_474#14, %mul3A_1058 : vector<16xf32>
        %swap3A_1060 = arith.constant 224 : index
        %swap3A_1061 = tpu.vector_load %arg7[%swap3A_1060] {strides = array<i32>} : memref<256xf32, #tpu.memory_space<vmem>>, vector<16xf32>,
        %swap3A_1062 = vector.shape_cast %swap3A_1061 : vector<16xf32> to vector<16xf32>
        %swap3A_1063 = vector.shape_cast %mul3A_1059 : vector<16xf32> to vector<16xf32>
        tpu.vector_store %arg7[%swap3A_1060], %swap3A_1063 {strides = array<i32>} : memref<256xf32, #tpu.memory_space<vmem>>, vector<16xf32>,
        %mul3A_1064 = arith.constant 4.8828125E-4 : f32
        %mul3A_1065 = vector.broadcast %mul3A_1064 : f32 to vector<16xf32>
        %mul3A_1066 = arith.mulf %scan3A_474#15, %mul3A_1065 : vector<16xf32>
        %swap3A_1067 = arith.constant 240 : index
        %swap3A_1068 = tpu.vector_load %arg7[%swap3A_1067] {strides = array<i32>} : memref<256xf32, #tpu.memory_space<vmem>>, vector<16xf32>,
        %swap3A_1069 = vector.shape_cast %swap3A_1068 : vector<16xf32> to vector<16xf32>
        %swap3A_1070 = vector.shape_cast %mul3A_1066 : vector<16xf32> to vector<16xf32>
        tpu.vector_store %arg7[%swap3A_1067], %swap3A_1070 {strides = array<i32>} : memref<256xf32, #tpu.memory_space<vmem>>, vector<16xf32>,
        %mul3A_1071 = arith.constant 4 : i32
        %mul3A_1072 = arith.muli %add3A, %mul3A_1071 : i32
        %add3A_1073 = arith.addi %mul3A_1072, %shift_right_logical3A_501 : i32
        "tpu.region"() ({
          %run_scoped3A = tpu.sem_alloc : memref<!tpu.dma_semaphore, #tpu.memory_space<semaphore_mem>>
          %dma_start3A_1074 = arith.constant 0 : i32
          %dma_start3A_1075 = tpu.memref_slice %arg4[%add3A_1073, %dma_start3A_1074] : memref<128x256xf32, #tpu.memory_space<hbm>> -> memref<1x256xf32, #tpu.memory_space<hbm>>
          %dma_start3A_1076 = tpu.memref_squeeze %dma_start3A_1075 : memref<1x256xf32, #tpu.memory_space<hbm>> -> memref<256xf32, #tpu.memory_space<hbm>>
          %dma_start3A_1077 = arith.constant 0 : i32
          %dma_start3A_1078 = tpu.memref_slice %arg4[%add3A_1073, %dma_start3A_1077] : memref<128x256xf32, #tpu.memory_space<hbm>> -> memref<1x256xf32, #tpu.memory_space<hbm>>
          %dma_start3A_1079 = tpu.memref_squeeze %dma_start3A_1078 : memref<1x256xf32, #tpu.memory_space<hbm>> -> memref<256xf32, #tpu.memory_space<hbm>>
          tpu.enqueue_dma source(%arg7 : memref<256xf32, #tpu.memory_space<vmem>>) target(%dma_start3A_1079 : memref<256xf32, #tpu.memory_space<hbm>>) target_semaphore(%run_scoped3A : memref<!tpu.dma_semaphore, #tpu.memory_space<semaphore_mem>>)
          %dma_wait3A_1080 = arith.constant 0 : i32
          %dma_wait3A_1081 = tpu.memref_slice %arg4[%add3A_1073, %dma_wait3A_1080] : memref<128x256xf32, #tpu.memory_space<hbm>> -> memref<1x256xf32, #tpu.memory_space<hbm>>
          %dma_wait3A_1082 = tpu.memref_squeeze %dma_wait3A_1081 : memref<1x256xf32, #tpu.memory_space<hbm>> -> memref<256xf32, #tpu.memory_space<hbm>>
          %dma_wait3A_1083 = arith.constant 0 : i32
          %dma_wait3A_1084 = tpu.memref_slice %arg4[%add3A_1073, %dma_wait3A_1083] : memref<128x256xf32, #tpu.memory_space<hbm>> -> memref<1x256xf32, #tpu.memory_space<hbm>>
          %dma_wait3A_1085 = tpu.memref_squeeze %dma_wait3A_1084 : memref<1x256xf32, #tpu.memory_space<hbm>> -> memref<256xf32, #tpu.memory_space<hbm>>
          tpu.wait_dma2 semaphore(%run_scoped3A : memref<!tpu.dma_semaphore, #tpu.memory_space<semaphore_mem>>) src(%arg7 : memref<256xf32, #tpu.memory_space<vmem>>) dst(%dma_wait3A_1085 : memref<256xf32, #tpu.memory_space<hbm>>)
          tpu.yield
        }) : () -> ()
      } else {
      }
      %jit3A_505 = arith.constant 0.000000e+00 : f32
      %jit3A_506 = arith.constant 1.000000e+00 : f32
      %select_n3A_507 = arith.select %eq3A_499, %jit3A_505, %jit3A_506 : f32
      %mul3A_508 = vector.broadcast %select_n3A_507 : f32 to vector<16xf32>
      %mul3A_509 = arith.mulf %scan3A_474#0, %mul3A_508 : vector<16xf32>
      %mul3A_510 = vector.broadcast %select_n3A_507 : f32 to vector<16xf32>
      %mul3A_511 = arith.mulf %scan3A_474#1, %mul3A_510 : vector<16xf32>
      %mul3A_512 = vector.broadcast %select_n3A_507 : f32 to vector<16xf32>
      %mul3A_513 = arith.mulf %scan3A_474#2, %mul3A_512 : vector<16xf32>
      %mul3A_514 = vector.broadcast %select_n3A_507 : f32 to vector<16xf32>
      %mul3A_515 = arith.mulf %scan3A_474#3, %mul3A_514 : vector<16xf32>
      %mul3A_516 = vector.broadcast %select_n3A_507 : f32 to vector<16xf32>
      %mul3A_517 = arith.mulf %scan3A_474#4, %mul3A_516 : vector<16xf32>
      %mul3A_518 = vector.broadcast %select_n3A_507 : f32 to vector<16xf32>
      %mul3A_519 = arith.mulf %scan3A_474#5, %mul3A_518 : vector<16xf32>
      %mul3A_520 = vector.broadcast %select_n3A_507 : f32 to vector<16xf32>
      %mul3A_521 = arith.mulf %scan3A_474#6, %mul3A_520 : vector<16xf32>
      %mul3A_522 = vector.broadcast %select_n3A_507 : f32 to vector<16xf32>
      %mul3A_523 = arith.mulf %scan3A_474#7, %mul3A_522 : vector<16xf32>
      %mul3A_524 = vector.broadcast %select_n3A_507 : f32 to vector<16xf32>
      %mul3A_525 = arith.mulf %scan3A_474#8, %mul3A_524 : vector<16xf32>
      %mul3A_526 = vector.broadcast %select_n3A_507 : f32 to vector<16xf32>
      %mul3A_527 = arith.mulf %scan3A_474#9, %mul3A_526 : vector<16xf32>
      %mul3A_528 = vector.broadcast %select_n3A_507 : f32 to vector<16xf32>
      %mul3A_529 = arith.mulf %scan3A_474#10, %mul3A_528 : vector<16xf32>
      %mul3A_530 = vector.broadcast %select_n3A_507 : f32 to vector<16xf32>
      %mul3A_531 = arith.mulf %scan3A_474#11, %mul3A_530 : vector<16xf32>
      %mul3A_532 = vector.broadcast %select_n3A_507 : f32 to vector<16xf32>
      %mul3A_533 = arith.mulf %scan3A_474#12, %mul3A_532 : vector<16xf32>
      %mul3A_534 = vector.broadcast %select_n3A_507 : f32 to vector<16xf32>
      %mul3A_535 = arith.mulf %scan3A_474#13, %mul3A_534 : vector<16xf32>
      %mul3A_536 = vector.broadcast %select_n3A_507 : f32 to vector<16xf32>
      %mul3A_537 = arith.mulf %scan3A_474#14, %mul3A_536 : vector<16xf32>
      %mul3A_538 = vector.broadcast %select_n3A_507 : f32 to vector<16xf32>
      %mul3A_539 = arith.mulf %scan3A_474#15, %mul3A_538 : vector<16xf32>
      %add3A_540 = arith.constant 3 : i32
      %add3A_541 = arith.addi %mul3A_293, %add3A_540 : i32
      %dma_wait3A_542 = arith.constant 0 : i32
      %dma_wait3A_543 = arith.constant 3 : i32
      %dma_wait3A_544 = arith.constant 0 : i32
      %dma_wait3A_545 = arith.constant 0 : i32
      %dma_wait3A_546 = tpu.memref_slice %arg6[%dma_wait3A_543, %dma_wait3A_544, %dma_wait3A_545] : memref<8x32x256xf32, #tpu.memory_space<vmem>> -> memref<1x32x256xf32, #tpu.memory_space<vmem>>
      %dma_wait3A_547 = tpu.memref_squeeze %dma_wait3A_546 : memref<1x32x256xf32, #tpu.memory_space<vmem>> -> memref<32x256xf32, #tpu.memory_space<vmem>>
      %dma_wait3A_548 = arith.constant 0 : i32
      %dma_wait3A_549 = tpu.memref_slice %arg5[%dma_wait3A_542, %dma_wait3A_548] : memref<4x2048xi32, #tpu.memory_space<vmem>> -> memref<1x32xi32, #tpu.memory_space<vmem>>
      %dma_wait3A_550 = tpu.memref_squeeze %dma_wait3A_549 : memref<1x32xi32, #tpu.memory_space<vmem>> -> memref<32xi32, #tpu.memory_space<vmem>>
      %dma_wait3A_551 = arith.constant 0 : i32
      %dma_wait3A_552 = arith.constant 0 : i32
      %dma_wait3A_553 = tpu.memref_slice %arg3[%dma_wait3A_551, %dma_wait3A_552] : memref<100000x256xf32, #tpu.memory_space<hbm>> -> memref<100000x256xf32, #tpu.memory_space<hbm>>
      tpu.wait_indirect_dma semaphore(%arg11 : memref<!tpu.dma_semaphore, #tpu.memory_space<semaphore_mem>>) src(%dma_wait3A_553 : memref<100000x256xf32, #tpu.memory_space<hbm>>) dst(%dma_wait3A_547 : memref<32x256xf32, #tpu.memory_space<vmem>>)
      %scan3A_554 = arith.constant 0 : i32
      %scan3A_555 = arith.constant 16 : i32
      %scan3A_556 = arith.addi %scan3A_554, %scan3A_555 : i32
      %scan3A_557 = arith.constant 1 : i32
      %scan3A_558:16 = scf.for %scan3A_960 = %scan3A_554 to %scan3A_556 step %scan3A_557 iter_args(%scan3A_961 = %mul3A_509, %scan3A_962 = %mul3A_511, %scan3A_963 = %mul3A_513, %scan3A_964 = %mul3A_515, %scan3A_965 = %mul3A_517, %scan3A_966 = %mul3A_519, %scan3A_967 = %mul3A_521, %scan3A_968 = %mul3A_523, %scan3A_969 = %mul3A_525, %scan3A_970 = %mul3A_527, %scan3A_971 = %mul3A_529, %scan3A_972 = %mul3A_531, %scan3A_973 = %mul3A_533, %scan3A_974 = %mul3A_535, %scan3A_975 = %mul3A_537, %scan3A_976 = %mul3A_539) -> (vector<16xf32>, vector<16xf32>, vector<16xf32>, vector<16xf32>, vector<16xf32>, vector<16xf32>, vector<16xf32>, vector<16xf32>, vector<16xf32>, vector<16xf32>, vector<16xf32>, vector<16xf32>, vector<16xf32>, vector<16xf32>, vector<16xf32>, vector<16xf32>)  : i32 {
        %mul3A_977 = arith.constant 2 : i32
        %mul3A_978 = arith.muli %scan3A_960, %mul3A_977 : i32
        %get3A = arith.constant 3 : i32
        %get3A_979 = arith.index_cast %get3A : i32 to index
        %get3A_980 = arith.index_cast %mul3A_978 : i32 to index
        %get3A_981 = arith.constant 0 : index
        %get3A_982 = tpu.vector_load %arg6[%get3A_979, %get3A_980, %get3A_981] {strides = array<i32>} : memref<8x32x256xf32, #tpu.memory_space<vmem>>, vector<1x1x16xf32>,
        %get3A_983 = vector.shape_cast %get3A_982 : vector<1x1x16xf32> to vector<16xf32>
        %add3A_984 = arith.addf %scan3A_961, %get3A_983 : vector<16xf32>
        %get3A_985 = arith.constant 3 : i32
        %get3A_986 = arith.index_cast %get3A_985 : i32 to index
        %get3A_987 = arith.index_cast %mul3A_978 : i32 to index
        %get3A_988 = arith.constant 16 : index
        %get3A_989 = tpu.vector_load %arg6[%get3A_986, %get3A_987, %get3A_988] {strides = array<i32>} : memref<8x32x256xf32, #tpu.memory_space<vmem>>, vector<1x1x16xf32>,
        %get3A_990 = vector.shape_cast %get3A_989 : vector<1x1x16xf32> to vector<16xf32>
        %add3A_991 = arith.addf %scan3A_962, %get3A_990 : vector<16xf32>
        %get3A_992 = arith.constant 3 : i32
        %get3A_993 = arith.index_cast %get3A_992 : i32 to index
        %get3A_994 = arith.index_cast %mul3A_978 : i32 to index
        %get3A_995 = arith.constant 32 : index
        %get3A_996 = tpu.vector_load %arg6[%get3A_993, %get3A_994, %get3A_995] {strides = array<i32>} : memref<8x32x256xf32, #tpu.memory_space<vmem>>, vector<1x1x16xf32>,
        %get3A_997 = vector.shape_cast %get3A_996 : vector<1x1x16xf32> to vector<16xf32>
        %add3A_998 = arith.addf %scan3A_963, %get3A_997 : vector<16xf32>
        %get3A_999 = arith.constant 3 : i32
        %get3A_1000 = arith.index_cast %get3A_999 : i32 to index
        %get3A_1001 = arith.index_cast %mul3A_978 : i32 to index
        %get3A_1002 = arith.constant 48 : index
        %get3A_1003 = tpu.vector_load %arg6[%get3A_1000, %get3A_1001, %get3A_1002] {strides = array<i32>} : memref<8x32x256xf32, #tpu.memory_space<vmem>>, vector<1x1x16xf32>,
        %get3A_1004 = vector.shape_cast %get3A_1003 : vector<1x1x16xf32> to vector<16xf32>
        %add3A_1005 = arith.addf %scan3A_964, %get3A_1004 : vector<16xf32>
        %get3A_1006 = arith.constant 3 : i32
        %get3A_1007 = arith.index_cast %get3A_1006 : i32 to index
        %get3A_1008 = arith.index_cast %mul3A_978 : i32 to index
        %get3A_1009 = arith.constant 64 : index
        %get3A_1010 = tpu.vector_load %arg6[%get3A_1007, %get3A_1008, %get3A_1009] {strides = array<i32>} : memref<8x32x256xf32, #tpu.memory_space<vmem>>, vector<1x1x16xf32>,
        %get3A_1011 = vector.shape_cast %get3A_1010 : vector<1x1x16xf32> to vector<16xf32>
        %add3A_1012 = arith.addf %scan3A_965, %get3A_1011 : vector<16xf32>
        %get3A_1013 = arith.constant 3 : i32
        %get3A_1014 = arith.index_cast %get3A_1013 : i32 to index
        %get3A_1015 = arith.index_cast %mul3A_978 : i32 to index
        %get3A_1016 = arith.constant 80 : index
        %get3A_1017 = tpu.vector_load %arg6[%get3A_1014, %get3A_1015, %get3A_1016] {strides = array<i32>} : memref<8x32x256xf32, #tpu.memory_space<vmem>>, vector<1x1x16xf32>,
        %get3A_1018 = vector.shape_cast %get3A_1017 : vector<1x1x16xf32> to vector<16xf32>
        %add3A_1019 = arith.addf %scan3A_966, %get3A_1018 : vector<16xf32>
        %get3A_1020 = arith.constant 3 : i32
        %get3A_1021 = arith.index_cast %get3A_1020 : i32 to index
        %get3A_1022 = arith.index_cast %mul3A_978 : i32 to index
        %get3A_1023 = arith.constant 96 : index
        %get3A_1024 = tpu.vector_load %arg6[%get3A_1021, %get3A_1022, %get3A_1023] {strides = array<i32>} : memref<8x32x256xf32, #tpu.memory_space<vmem>>, vector<1x1x16xf32>,
        %get3A_1025 = vector.shape_cast %get3A_1024 : vector<1x1x16xf32> to vector<16xf32>
        %add3A_1026 = arith.addf %scan3A_967, %get3A_1025 : vector<16xf32>
        %get3A_1027 = arith.constant 3 : i32
        %get3A_1028 = arith.index_cast %get3A_1027 : i32 to index
        %get3A_1029 = arith.index_cast %mul3A_978 : i32 to index
        %get3A_1030 = arith.constant 112 : index
        %get3A_1031 = tpu.vector_load %arg6[%get3A_1028, %get3A_1029, %get3A_1030] {strides = array<i32>} : memref<8x32x256xf32, #tpu.memory_space<vmem>>, vector<1x1x16xf32>,
        %get3A_1032 = vector.shape_cast %get3A_1031 : vector<1x1x16xf32> to vector<16xf32>
        %add3A_1033 = arith.addf %scan3A_968, %get3A_1032 : vector<16xf32>
        %get3A_1034 = arith.constant 3 : i32
        %get3A_1035 = arith.index_cast %get3A_1034 : i32 to index
        %get3A_1036 = arith.index_cast %mul3A_978 : i32 to index
        %get3A_1037 = arith.constant 128 : index
        %get3A_1038 = tpu.vector_load %arg6[%get3A_1035, %get3A_1036, %get3A_1037] {strides = array<i32>} : memref<8x32x256xf32, #tpu.memory_space<vmem>>, vector<1x1x16xf32>,
        %get3A_1039 = vector.shape_cast %get3A_1038 : vector<1x1x16xf32> to vector<16xf32>
        %add3A_1040 = arith.addf %scan3A_969, %get3A_1039 : vector<16xf32>
        %get3A_1041 = arith.constant 3 : i32
        %get3A_1042 = arith.index_cast %get3A_1041 : i32 to index
        %get3A_1043 = arith.index_cast %mul3A_978 : i32 to index
        %get3A_1044 = arith.constant 144 : index
        %get3A_1045 = tpu.vector_load %arg6[%get3A_1042, %get3A_1043, %get3A_1044] {strides = array<i32>} : memref<8x32x256xf32, #tpu.memory_space<vmem>>, vector<1x1x16xf32>,
        %get3A_1046 = vector.shape_cast %get3A_1045 : vector<1x1x16xf32> to vector<16xf32>
        %add3A_1047 = arith.addf %scan3A_970, %get3A_1046 : vector<16xf32>
        %get3A_1048 = arith.constant 3 : i32
        %get3A_1049 = arith.index_cast %get3A_1048 : i32 to index
        %get3A_1050 = arith.index_cast %mul3A_978 : i32 to index
        %get3A_1051 = arith.constant 160 : index
        %get3A_1052 = tpu.vector_load %arg6[%get3A_1049, %get3A_1050, %get3A_1051] {strides = array<i32>} : memref<8x32x256xf32, #tpu.memory_space<vmem>>, vector<1x1x16xf32>,
        %get3A_1053 = vector.shape_cast %get3A_1052 : vector<1x1x16xf32> to vector<16xf32>
        %add3A_1054 = arith.addf %scan3A_971, %get3A_1053 : vector<16xf32>
        %get3A_1055 = arith.constant 3 : i32
        %get3A_1056 = arith.index_cast %get3A_1055 : i32 to index
        %get3A_1057 = arith.index_cast %mul3A_978 : i32 to index
        %get3A_1058 = arith.constant 176 : index
        %get3A_1059 = tpu.vector_load %arg6[%get3A_1056, %get3A_1057, %get3A_1058] {strides = array<i32>} : memref<8x32x256xf32, #tpu.memory_space<vmem>>, vector<1x1x16xf32>,
        %get3A_1060 = vector.shape_cast %get3A_1059 : vector<1x1x16xf32> to vector<16xf32>
        %add3A_1061 = arith.addf %scan3A_972, %get3A_1060 : vector<16xf32>
        %get3A_1062 = arith.constant 3 : i32
        %get3A_1063 = arith.index_cast %get3A_1062 : i32 to index
        %get3A_1064 = arith.index_cast %mul3A_978 : i32 to index
        %get3A_1065 = arith.constant 192 : index
        %get3A_1066 = tpu.vector_load %arg6[%get3A_1063, %get3A_1064, %get3A_1065] {strides = array<i32>} : memref<8x32x256xf32, #tpu.memory_space<vmem>>, vector<1x1x16xf32>,
        %get3A_1067 = vector.shape_cast %get3A_1066 : vector<1x1x16xf32> to vector<16xf32>
        %add3A_1068 = arith.addf %scan3A_973, %get3A_1067 : vector<16xf32>
        %get3A_1069 = arith.constant 3 : i32
        %get3A_1070 = arith.index_cast %get3A_1069 : i32 to index
        %get3A_1071 = arith.index_cast %mul3A_978 : i32 to index
        %get3A_1072 = arith.constant 208 : index
        %get3A_1073 = tpu.vector_load %arg6[%get3A_1070, %get3A_1071, %get3A_1072] {strides = array<i32>} : memref<8x32x256xf32, #tpu.memory_space<vmem>>, vector<1x1x16xf32>,
        %get3A_1074 = vector.shape_cast %get3A_1073 : vector<1x1x16xf32> to vector<16xf32>
        %add3A_1075 = arith.addf %scan3A_974, %get3A_1074 : vector<16xf32>
        %get3A_1076 = arith.constant 3 : i32
        %get3A_1077 = arith.index_cast %get3A_1076 : i32 to index
        %get3A_1078 = arith.index_cast %mul3A_978 : i32 to index
        %get3A_1079 = arith.constant 224 : index
        %get3A_1080 = tpu.vector_load %arg6[%get3A_1077, %get3A_1078, %get3A_1079] {strides = array<i32>} : memref<8x32x256xf32, #tpu.memory_space<vmem>>, vector<1x1x16xf32>,
        %get3A_1081 = vector.shape_cast %get3A_1080 : vector<1x1x16xf32> to vector<16xf32>
        %add3A_1082 = arith.addf %scan3A_975, %get3A_1081 : vector<16xf32>
        %get3A_1083 = arith.constant 3 : i32
        %get3A_1084 = arith.index_cast %get3A_1083 : i32 to index
        %get3A_1085 = arith.index_cast %mul3A_978 : i32 to index
        %get3A_1086 = arith.constant 240 : index
        %get3A_1087 = tpu.vector_load %arg6[%get3A_1084, %get3A_1085, %get3A_1086] {strides = array<i32>} : memref<8x32x256xf32, #tpu.memory_space<vmem>>, vector<1x1x16xf32>,
        %get3A_1088 = vector.shape_cast %get3A_1087 : vector<1x1x16xf32> to vector<16xf32>
        %add3A_1089 = arith.addf %scan3A_976, %get3A_1088 : vector<16xf32>
        %add3A_1090 = arith.constant 1 : i32
        %add3A_1091 = arith.addi %mul3A_978, %add3A_1090 : i32
        %get3A_1092 = arith.constant 3 : i32
        %get3A_1093 = arith.index_cast %get3A_1092 : i32 to index
        %get3A_1094 = arith.index_cast %add3A_1091 : i32 to index
        %get3A_1095 = arith.constant 0 : index
        %get3A_1096 = tpu.vector_load %arg6[%get3A_1093, %get3A_1094, %get3A_1095] {strides = array<i32>} : memref<8x32x256xf32, #tpu.memory_space<vmem>>, vector<1x1x16xf32>,
        %get3A_1097 = vector.shape_cast %get3A_1096 : vector<1x1x16xf32> to vector<16xf32>
        %add3A_1098 = arith.addf %add3A_984, %get3A_1097 : vector<16xf32>
        %add3A_1099 = arith.constant 1 : i32
        %add3A_1100 = arith.addi %mul3A_978, %add3A_1099 : i32
        %get3A_1101 = arith.constant 3 : i32
        %get3A_1102 = arith.index_cast %get3A_1101 : i32 to index
        %get3A_1103 = arith.index_cast %add3A_1100 : i32 to index
        %get3A_1104 = arith.constant 16 : index
        %get3A_1105 = tpu.vector_load %arg6[%get3A_1102, %get3A_1103, %get3A_1104] {strides = array<i32>} : memref<8x32x256xf32, #tpu.memory_space<vmem>>, vector<1x1x16xf32>,
        %get3A_1106 = vector.shape_cast %get3A_1105 : vector<1x1x16xf32> to vector<16xf32>
        %add3A_1107 = arith.addf %add3A_991, %get3A_1106 : vector<16xf32>
        %add3A_1108 = arith.constant 1 : i32
        %add3A_1109 = arith.addi %mul3A_978, %add3A_1108 : i32
        %get3A_1110 = arith.constant 3 : i32
        %get3A_1111 = arith.index_cast %get3A_1110 : i32 to index
        %get3A_1112 = arith.index_cast %add3A_1109 : i32 to index
        %get3A_1113 = arith.constant 32 : index
        %get3A_1114 = tpu.vector_load %arg6[%get3A_1111, %get3A_1112, %get3A_1113] {strides = array<i32>} : memref<8x32x256xf32, #tpu.memory_space<vmem>>, vector<1x1x16xf32>,
        %get3A_1115 = vector.shape_cast %get3A_1114 : vector<1x1x16xf32> to vector<16xf32>
        %add3A_1116 = arith.addf %add3A_998, %get3A_1115 : vector<16xf32>
        %add3A_1117 = arith.constant 1 : i32
        %add3A_1118 = arith.addi %mul3A_978, %add3A_1117 : i32
        %get3A_1119 = arith.constant 3 : i32
        %get3A_1120 = arith.index_cast %get3A_1119 : i32 to index
        %get3A_1121 = arith.index_cast %add3A_1118 : i32 to index
        %get3A_1122 = arith.constant 48 : index
        %get3A_1123 = tpu.vector_load %arg6[%get3A_1120, %get3A_1121, %get3A_1122] {strides = array<i32>} : memref<8x32x256xf32, #tpu.memory_space<vmem>>, vector<1x1x16xf32>,
        %get3A_1124 = vector.shape_cast %get3A_1123 : vector<1x1x16xf32> to vector<16xf32>
        %add3A_1125 = arith.addf %add3A_1005, %get3A_1124 : vector<16xf32>
        %add3A_1126 = arith.constant 1 : i32
        %add3A_1127 = arith.addi %mul3A_978, %add3A_1126 : i32
        %get3A_1128 = arith.constant 3 : i32
        %get3A_1129 = arith.index_cast %get3A_1128 : i32 to index
        %get3A_1130 = arith.index_cast %add3A_1127 : i32 to index
        %get3A_1131 = arith.constant 64 : index
        %get3A_1132 = tpu.vector_load %arg6[%get3A_1129, %get3A_1130, %get3A_1131] {strides = array<i32>} : memref<8x32x256xf32, #tpu.memory_space<vmem>>, vector<1x1x16xf32>,
        %get3A_1133 = vector.shape_cast %get3A_1132 : vector<1x1x16xf32> to vector<16xf32>
        %add3A_1134 = arith.addf %add3A_1012, %get3A_1133 : vector<16xf32>
        %add3A_1135 = arith.constant 1 : i32
        %add3A_1136 = arith.addi %mul3A_978, %add3A_1135 : i32
        %get3A_1137 = arith.constant 3 : i32
        %get3A_1138 = arith.index_cast %get3A_1137 : i32 to index
        %get3A_1139 = arith.index_cast %add3A_1136 : i32 to index
        %get3A_1140 = arith.constant 80 : index
        %get3A_1141 = tpu.vector_load %arg6[%get3A_1138, %get3A_1139, %get3A_1140] {strides = array<i32>} : memref<8x32x256xf32, #tpu.memory_space<vmem>>, vector<1x1x16xf32>,
        %get3A_1142 = vector.shape_cast %get3A_1141 : vector<1x1x16xf32> to vector<16xf32>
        %add3A_1143 = arith.addf %add3A_1019, %get3A_1142 : vector<16xf32>
        %add3A_1144 = arith.constant 1 : i32
        %add3A_1145 = arith.addi %mul3A_978, %add3A_1144 : i32
        %get3A_1146 = arith.constant 3 : i32
        %get3A_1147 = arith.index_cast %get3A_1146 : i32 to index
        %get3A_1148 = arith.index_cast %add3A_1145 : i32 to index
        %get3A_1149 = arith.constant 96 : index
        %get3A_1150 = tpu.vector_load %arg6[%get3A_1147, %get3A_1148, %get3A_1149] {strides = array<i32>} : memref<8x32x256xf32, #tpu.memory_space<vmem>>, vector<1x1x16xf32>,
        %get3A_1151 = vector.shape_cast %get3A_1150 : vector<1x1x16xf32> to vector<16xf32>
        %add3A_1152 = arith.addf %add3A_1026, %get3A_1151 : vector<16xf32>
        %add3A_1153 = arith.constant 1 : i32
        %add3A_1154 = arith.addi %mul3A_978, %add3A_1153 : i32
        %get3A_1155 = arith.constant 3 : i32
        %get3A_1156 = arith.index_cast %get3A_1155 : i32 to index
        %get3A_1157 = arith.index_cast %add3A_1154 : i32 to index
        %get3A_1158 = arith.constant 112 : index
        %get3A_1159 = tpu.vector_load %arg6[%get3A_1156, %get3A_1157, %get3A_1158] {strides = array<i32>} : memref<8x32x256xf32, #tpu.memory_space<vmem>>, vector<1x1x16xf32>,
        %get3A_1160 = vector.shape_cast %get3A_1159 : vector<1x1x16xf32> to vector<16xf32>
        %add3A_1161 = arith.addf %add3A_1033, %get3A_1160 : vector<16xf32>
        %add3A_1162 = arith.constant 1 : i32
        %add3A_1163 = arith.addi %mul3A_978, %add3A_1162 : i32
        %get3A_1164 = arith.constant 3 : i32
        %get3A_1165 = arith.index_cast %get3A_1164 : i32 to index
        %get3A_1166 = arith.index_cast %add3A_1163 : i32 to index
        %get3A_1167 = arith.constant 128 : index
        %get3A_1168 = tpu.vector_load %arg6[%get3A_1165, %get3A_1166, %get3A_1167] {strides = array<i32>} : memref<8x32x256xf32, #tpu.memory_space<vmem>>, vector<1x1x16xf32>,
        %get3A_1169 = vector.shape_cast %get3A_1168 : vector<1x1x16xf32> to vector<16xf32>
        %add3A_1170 = arith.addf %add3A_1040, %get3A_1169 : vector<16xf32>
        %add3A_1171 = arith.constant 1 : i32
        %add3A_1172 = arith.addi %mul3A_978, %add3A_1171 : i32
        %get3A_1173 = arith.constant 3 : i32
        %get3A_1174 = arith.index_cast %get3A_1173 : i32 to index
        %get3A_1175 = arith.index_cast %add3A_1172 : i32 to index
        %get3A_1176 = arith.constant 144 : index
        %get3A_1177 = tpu.vector_load %arg6[%get3A_1174, %get3A_1175, %get3A_1176] {strides = array<i32>} : memref<8x32x256xf32, #tpu.memory_space<vmem>>, vector<1x1x16xf32>,
        %get3A_1178 = vector.shape_cast %get3A_1177 : vector<1x1x16xf32> to vector<16xf32>
        %add3A_1179 = arith.addf %add3A_1047, %get3A_1178 : vector<16xf32>
        %add3A_1180 = arith.constant 1 : i32
        %add3A_1181 = arith.addi %mul3A_978, %add3A_1180 : i32
        %get3A_1182 = arith.constant 3 : i32
        %get3A_1183 = arith.index_cast %get3A_1182 : i32 to index
        %get3A_1184 = arith.index_cast %add3A_1181 : i32 to index
        %get3A_1185 = arith.constant 160 : index
        %get3A_1186 = tpu.vector_load %arg6[%get3A_1183, %get3A_1184, %get3A_1185] {strides = array<i32>} : memref<8x32x256xf32, #tpu.memory_space<vmem>>, vector<1x1x16xf32>,
        %get3A_1187 = vector.shape_cast %get3A_1186 : vector<1x1x16xf32> to vector<16xf32>
        %add3A_1188 = arith.addf %add3A_1054, %get3A_1187 : vector<16xf32>
        %add3A_1189 = arith.constant 1 : i32
        %add3A_1190 = arith.addi %mul3A_978, %add3A_1189 : i32
        %get3A_1191 = arith.constant 3 : i32
        %get3A_1192 = arith.index_cast %get3A_1191 : i32 to index
        %get3A_1193 = arith.index_cast %add3A_1190 : i32 to index
        %get3A_1194 = arith.constant 176 : index
        %get3A_1195 = tpu.vector_load %arg6[%get3A_1192, %get3A_1193, %get3A_1194] {strides = array<i32>} : memref<8x32x256xf32, #tpu.memory_space<vmem>>, vector<1x1x16xf32>,
        %get3A_1196 = vector.shape_cast %get3A_1195 : vector<1x1x16xf32> to vector<16xf32>
        %add3A_1197 = arith.addf %add3A_1061, %get3A_1196 : vector<16xf32>
        %add3A_1198 = arith.constant 1 : i32
        %add3A_1199 = arith.addi %mul3A_978, %add3A_1198 : i32
        %get3A_1200 = arith.constant 3 : i32
        %get3A_1201 = arith.index_cast %get3A_1200 : i32 to index
        %get3A_1202 = arith.index_cast %add3A_1199 : i32 to index
        %get3A_1203 = arith.constant 192 : index
        %get3A_1204 = tpu.vector_load %arg6[%get3A_1201, %get3A_1202, %get3A_1203] {strides = array<i32>} : memref<8x32x256xf32, #tpu.memory_space<vmem>>, vector<1x1x16xf32>,
        %get3A_1205 = vector.shape_cast %get3A_1204 : vector<1x1x16xf32> to vector<16xf32>
        %add3A_1206 = arith.addf %add3A_1068, %get3A_1205 : vector<16xf32>
        %add3A_1207 = arith.constant 1 : i32
        %add3A_1208 = arith.addi %mul3A_978, %add3A_1207 : i32
        %get3A_1209 = arith.constant 3 : i32
        %get3A_1210 = arith.index_cast %get3A_1209 : i32 to index
        %get3A_1211 = arith.index_cast %add3A_1208 : i32 to index
        %get3A_1212 = arith.constant 208 : index
        %get3A_1213 = tpu.vector_load %arg6[%get3A_1210, %get3A_1211, %get3A_1212] {strides = array<i32>} : memref<8x32x256xf32, #tpu.memory_space<vmem>>, vector<1x1x16xf32>,
        %get3A_1214 = vector.shape_cast %get3A_1213 : vector<1x1x16xf32> to vector<16xf32>
        %add3A_1215 = arith.addf %add3A_1075, %get3A_1214 : vector<16xf32>
        %add3A_1216 = arith.constant 1 : i32
        %add3A_1217 = arith.addi %mul3A_978, %add3A_1216 : i32
        %get3A_1218 = arith.constant 3 : i32
        %get3A_1219 = arith.index_cast %get3A_1218 : i32 to index
        %get3A_1220 = arith.index_cast %add3A_1217 : i32 to index
        %get3A_1221 = arith.constant 224 : index
        %get3A_1222 = tpu.vector_load %arg6[%get3A_1219, %get3A_1220, %get3A_1221] {strides = array<i32>} : memref<8x32x256xf32, #tpu.memory_space<vmem>>, vector<1x1x16xf32>,
        %get3A_1223 = vector.shape_cast %get3A_1222 : vector<1x1x16xf32> to vector<16xf32>
        %add3A_1224 = arith.addf %add3A_1082, %get3A_1223 : vector<16xf32>
        %add3A_1225 = arith.constant 1 : i32
        %add3A_1226 = arith.addi %mul3A_978, %add3A_1225 : i32
        %get3A_1227 = arith.constant 3 : i32
        %get3A_1228 = arith.index_cast %get3A_1227 : i32 to index
        %get3A_1229 = arith.index_cast %add3A_1226 : i32 to index
        %get3A_1230 = arith.constant 240 : index
        %get3A_1231 = tpu.vector_load %arg6[%get3A_1228, %get3A_1229, %get3A_1230] {strides = array<i32>} : memref<8x32x256xf32, #tpu.memory_space<vmem>>, vector<1x1x16xf32>,
        %get3A_1232 = vector.shape_cast %get3A_1231 : vector<1x1x16xf32> to vector<16xf32>
        %add3A_1233 = arith.addf %add3A_1089, %get3A_1232 : vector<16xf32>
        scf.yield %add3A_1098, %add3A_1107, %add3A_1116, %add3A_1125, %add3A_1134, %add3A_1143, %add3A_1152, %add3A_1161, %add3A_1170, %add3A_1179, %add3A_1188, %add3A_1197, %add3A_1206, %add3A_1215, %add3A_1224, %add3A_1233 : vector<16xf32>, vector<16xf32>, vector<16xf32>, vector<16xf32>, vector<16xf32>, vector<16xf32>, vector<16xf32>, vector<16xf32>, vector<16xf32>, vector<16xf32>, vector<16xf32>, vector<16xf32>, vector<16xf32>, vector<16xf32>, vector<16xf32>, vector<16xf32>
      }
      %scan3A_559 = arith.constant 16 : i32
      %add3A_560 = arith.constant 8 : i32
      %add3A_561 = arith.addi %add3A_541, %add3A_560 : i32
      %min3A_562 = arith.constant 255 : i32
      %min3A_563 = arith.minsi %add3A_561, %min3A_562 : i32
      %shift_right_logical3A_564 = arith.constant 6 : i32
      %shift_right_logical3A_565 = arith.shrui %min3A_563, %shift_right_logical3A_564 : i32
      %and3A_566 = arith.constant 63 : i32
      %and3A_567 = arith.andi %min3A_563, %and3A_566 : i32
      %mul3A_568 = arith.constant 32 : i32
      %mul3A_569 = arith.muli %and3A_567, %mul3A_568 : i32
      %dma_start3A_570 = arith.constant 3 : i32
      %dma_start3A_571 = arith.constant 0 : i32
      %dma_start3A_572 = arith.constant 0 : i32
      %dma_start3A_573 = tpu.memref_slice %arg6[%dma_start3A_570, %dma_start3A_571, %dma_start3A_572] : memref<8x32x256xf32, #tpu.memory_space<vmem>> -> memref<1x32x256xf32, #tpu.memory_space<vmem>>
      %dma_start3A_574 = tpu.memref_squeeze %dma_start3A_573 : memref<1x32x256xf32, #tpu.memory_space<vmem>> -> memref<32x256xf32, #tpu.memory_space<vmem>>
      %dma_start3A_575 = tpu.memref_slice %arg5[%shift_right_logical3A_565, %mul3A_569] : memref<4x2048xi32, #tpu.memory_space<vmem>> -> memref<1x32xi32, #tpu.memory_space<vmem>>
      %dma_start3A_576 = tpu.memref_squeeze %dma_start3A_575 : memref<1x32xi32, #tpu.memory_space<vmem>> -> memref<32xi32, #tpu.memory_space<vmem>>
      %dma_start3A_577 = arith.constant 0 : i32
      %dma_start3A_578 = arith.constant 0 : i32
      %dma_start3A_579 = tpu.memref_slice %arg3[%dma_start3A_577, %dma_start3A_578] : memref<100000x256xf32, #tpu.memory_space<hbm>> -> memref<100000x256xf32, #tpu.memory_space<hbm>>
      tpu.enqueue_indirect_dma source(%dma_start3A_579 : memref<100000x256xf32, #tpu.memory_space<hbm>>) target(%dma_start3A_574 : memref<32x256xf32, #tpu.memory_space<vmem>>) offsets(%dma_start3A_576 : memref<32xi32, #tpu.memory_space<vmem>>) semaphore(%arg11 : memref<!tpu.dma_semaphore, #tpu.memory_space<semaphore_mem>>)
      %and3A_580 = arith.constant 63 : i32
      %and3A_581 = arith.andi %add3A_541, %and3A_580 : i32
      %eq3A_582 = arith.constant 63 : i32
      %eq3A_583 = arith.cmpi eq, %and3A_581, %eq3A_582 : i32
      %shift_right_logical3A_584 = arith.constant 6 : i32
      %shift_right_logical3A_585 = arith.shrui %add3A_541, %shift_right_logical3A_584 : i32
      %convert_element_type3A_586 = arith.extui %eq3A_583 : i1 to i32
      %cond3A_587 = arith.constant 0 : i32
      %cond3A_588 = arith.cmpi ne, %convert_element_type3A_586, %cond3A_587 : i32
      scf.if %cond3A_588 {
        %mul3A_960 = arith.constant 4.8828125E-4 : f32
        %mul3A_961 = vector.broadcast %mul3A_960 : f32 to vector<16xf32>
        %mul3A_962 = arith.mulf %scan3A_558#0, %mul3A_961 : vector<16xf32>
        %swap3A = arith.constant 0 : index
        %swap3A_963 = tpu.vector_load %arg7[%swap3A] {strides = array<i32>} : memref<256xf32, #tpu.memory_space<vmem>>, vector<16xf32>,
        %swap3A_964 = vector.shape_cast %swap3A_963 : vector<16xf32> to vector<16xf32>
        %swap3A_965 = vector.shape_cast %mul3A_962 : vector<16xf32> to vector<16xf32>
        tpu.vector_store %arg7[%swap3A], %swap3A_965 {strides = array<i32>} : memref<256xf32, #tpu.memory_space<vmem>>, vector<16xf32>,
        %mul3A_966 = arith.constant 4.8828125E-4 : f32
        %mul3A_967 = vector.broadcast %mul3A_966 : f32 to vector<16xf32>
        %mul3A_968 = arith.mulf %scan3A_558#1, %mul3A_967 : vector<16xf32>
        %swap3A_969 = arith.constant 16 : index
        %swap3A_970 = tpu.vector_load %arg7[%swap3A_969] {strides = array<i32>} : memref<256xf32, #tpu.memory_space<vmem>>, vector<16xf32>,
        %swap3A_971 = vector.shape_cast %swap3A_970 : vector<16xf32> to vector<16xf32>
        %swap3A_972 = vector.shape_cast %mul3A_968 : vector<16xf32> to vector<16xf32>
        tpu.vector_store %arg7[%swap3A_969], %swap3A_972 {strides = array<i32>} : memref<256xf32, #tpu.memory_space<vmem>>, vector<16xf32>,
        %mul3A_973 = arith.constant 4.8828125E-4 : f32
        %mul3A_974 = vector.broadcast %mul3A_973 : f32 to vector<16xf32>
        %mul3A_975 = arith.mulf %scan3A_558#2, %mul3A_974 : vector<16xf32>
        %swap3A_976 = arith.constant 32 : index
        %swap3A_977 = tpu.vector_load %arg7[%swap3A_976] {strides = array<i32>} : memref<256xf32, #tpu.memory_space<vmem>>, vector<16xf32>,
        %swap3A_978 = vector.shape_cast %swap3A_977 : vector<16xf32> to vector<16xf32>
        %swap3A_979 = vector.shape_cast %mul3A_975 : vector<16xf32> to vector<16xf32>
        tpu.vector_store %arg7[%swap3A_976], %swap3A_979 {strides = array<i32>} : memref<256xf32, #tpu.memory_space<vmem>>, vector<16xf32>,
        %mul3A_980 = arith.constant 4.8828125E-4 : f32
        %mul3A_981 = vector.broadcast %mul3A_980 : f32 to vector<16xf32>
        %mul3A_982 = arith.mulf %scan3A_558#3, %mul3A_981 : vector<16xf32>
        %swap3A_983 = arith.constant 48 : index
        %swap3A_984 = tpu.vector_load %arg7[%swap3A_983] {strides = array<i32>} : memref<256xf32, #tpu.memory_space<vmem>>, vector<16xf32>,
        %swap3A_985 = vector.shape_cast %swap3A_984 : vector<16xf32> to vector<16xf32>
        %swap3A_986 = vector.shape_cast %mul3A_982 : vector<16xf32> to vector<16xf32>
        tpu.vector_store %arg7[%swap3A_983], %swap3A_986 {strides = array<i32>} : memref<256xf32, #tpu.memory_space<vmem>>, vector<16xf32>,
        %mul3A_987 = arith.constant 4.8828125E-4 : f32
        %mul3A_988 = vector.broadcast %mul3A_987 : f32 to vector<16xf32>
        %mul3A_989 = arith.mulf %scan3A_558#4, %mul3A_988 : vector<16xf32>
        %swap3A_990 = arith.constant 64 : index
        %swap3A_991 = tpu.vector_load %arg7[%swap3A_990] {strides = array<i32>} : memref<256xf32, #tpu.memory_space<vmem>>, vector<16xf32>,
        %swap3A_992 = vector.shape_cast %swap3A_991 : vector<16xf32> to vector<16xf32>
        %swap3A_993 = vector.shape_cast %mul3A_989 : vector<16xf32> to vector<16xf32>
        tpu.vector_store %arg7[%swap3A_990], %swap3A_993 {strides = array<i32>} : memref<256xf32, #tpu.memory_space<vmem>>, vector<16xf32>,
        %mul3A_994 = arith.constant 4.8828125E-4 : f32
        %mul3A_995 = vector.broadcast %mul3A_994 : f32 to vector<16xf32>
        %mul3A_996 = arith.mulf %scan3A_558#5, %mul3A_995 : vector<16xf32>
        %swap3A_997 = arith.constant 80 : index
        %swap3A_998 = tpu.vector_load %arg7[%swap3A_997] {strides = array<i32>} : memref<256xf32, #tpu.memory_space<vmem>>, vector<16xf32>,
        %swap3A_999 = vector.shape_cast %swap3A_998 : vector<16xf32> to vector<16xf32>
        %swap3A_1000 = vector.shape_cast %mul3A_996 : vector<16xf32> to vector<16xf32>
        tpu.vector_store %arg7[%swap3A_997], %swap3A_1000 {strides = array<i32>} : memref<256xf32, #tpu.memory_space<vmem>>, vector<16xf32>,
        %mul3A_1001 = arith.constant 4.8828125E-4 : f32
        %mul3A_1002 = vector.broadcast %mul3A_1001 : f32 to vector<16xf32>
        %mul3A_1003 = arith.mulf %scan3A_558#6, %mul3A_1002 : vector<16xf32>
        %swap3A_1004 = arith.constant 96 : index
        %swap3A_1005 = tpu.vector_load %arg7[%swap3A_1004] {strides = array<i32>} : memref<256xf32, #tpu.memory_space<vmem>>, vector<16xf32>,
        %swap3A_1006 = vector.shape_cast %swap3A_1005 : vector<16xf32> to vector<16xf32>
        %swap3A_1007 = vector.shape_cast %mul3A_1003 : vector<16xf32> to vector<16xf32>
        tpu.vector_store %arg7[%swap3A_1004], %swap3A_1007 {strides = array<i32>} : memref<256xf32, #tpu.memory_space<vmem>>, vector<16xf32>,
        %mul3A_1008 = arith.constant 4.8828125E-4 : f32
        %mul3A_1009 = vector.broadcast %mul3A_1008 : f32 to vector<16xf32>
        %mul3A_1010 = arith.mulf %scan3A_558#7, %mul3A_1009 : vector<16xf32>
        %swap3A_1011 = arith.constant 112 : index
        %swap3A_1012 = tpu.vector_load %arg7[%swap3A_1011] {strides = array<i32>} : memref<256xf32, #tpu.memory_space<vmem>>, vector<16xf32>,
        %swap3A_1013 = vector.shape_cast %swap3A_1012 : vector<16xf32> to vector<16xf32>
        %swap3A_1014 = vector.shape_cast %mul3A_1010 : vector<16xf32> to vector<16xf32>
        tpu.vector_store %arg7[%swap3A_1011], %swap3A_1014 {strides = array<i32>} : memref<256xf32, #tpu.memory_space<vmem>>, vector<16xf32>,
        %mul3A_1015 = arith.constant 4.8828125E-4 : f32
        %mul3A_1016 = vector.broadcast %mul3A_1015 : f32 to vector<16xf32>
        %mul3A_1017 = arith.mulf %scan3A_558#8, %mul3A_1016 : vector<16xf32>
        %swap3A_1018 = arith.constant 128 : index
        %swap3A_1019 = tpu.vector_load %arg7[%swap3A_1018] {strides = array<i32>} : memref<256xf32, #tpu.memory_space<vmem>>, vector<16xf32>,
        %swap3A_1020 = vector.shape_cast %swap3A_1019 : vector<16xf32> to vector<16xf32>
        %swap3A_1021 = vector.shape_cast %mul3A_1017 : vector<16xf32> to vector<16xf32>
        tpu.vector_store %arg7[%swap3A_1018], %swap3A_1021 {strides = array<i32>} : memref<256xf32, #tpu.memory_space<vmem>>, vector<16xf32>,
        %mul3A_1022 = arith.constant 4.8828125E-4 : f32
        %mul3A_1023 = vector.broadcast %mul3A_1022 : f32 to vector<16xf32>
        %mul3A_1024 = arith.mulf %scan3A_558#9, %mul3A_1023 : vector<16xf32>
        %swap3A_1025 = arith.constant 144 : index
        %swap3A_1026 = tpu.vector_load %arg7[%swap3A_1025] {strides = array<i32>} : memref<256xf32, #tpu.memory_space<vmem>>, vector<16xf32>,
        %swap3A_1027 = vector.shape_cast %swap3A_1026 : vector<16xf32> to vector<16xf32>
        %swap3A_1028 = vector.shape_cast %mul3A_1024 : vector<16xf32> to vector<16xf32>
        tpu.vector_store %arg7[%swap3A_1025], %swap3A_1028 {strides = array<i32>} : memref<256xf32, #tpu.memory_space<vmem>>, vector<16xf32>,
        %mul3A_1029 = arith.constant 4.8828125E-4 : f32
        %mul3A_1030 = vector.broadcast %mul3A_1029 : f32 to vector<16xf32>
        %mul3A_1031 = arith.mulf %scan3A_558#10, %mul3A_1030 : vector<16xf32>
        %swap3A_1032 = arith.constant 160 : index
        %swap3A_1033 = tpu.vector_load %arg7[%swap3A_1032] {strides = array<i32>} : memref<256xf32, #tpu.memory_space<vmem>>, vector<16xf32>,
        %swap3A_1034 = vector.shape_cast %swap3A_1033 : vector<16xf32> to vector<16xf32>
        %swap3A_1035 = vector.shape_cast %mul3A_1031 : vector<16xf32> to vector<16xf32>
        tpu.vector_store %arg7[%swap3A_1032], %swap3A_1035 {strides = array<i32>} : memref<256xf32, #tpu.memory_space<vmem>>, vector<16xf32>,
        %mul3A_1036 = arith.constant 4.8828125E-4 : f32
        %mul3A_1037 = vector.broadcast %mul3A_1036 : f32 to vector<16xf32>
        %mul3A_1038 = arith.mulf %scan3A_558#11, %mul3A_1037 : vector<16xf32>
        %swap3A_1039 = arith.constant 176 : index
        %swap3A_1040 = tpu.vector_load %arg7[%swap3A_1039] {strides = array<i32>} : memref<256xf32, #tpu.memory_space<vmem>>, vector<16xf32>,
        %swap3A_1041 = vector.shape_cast %swap3A_1040 : vector<16xf32> to vector<16xf32>
        %swap3A_1042 = vector.shape_cast %mul3A_1038 : vector<16xf32> to vector<16xf32>
        tpu.vector_store %arg7[%swap3A_1039], %swap3A_1042 {strides = array<i32>} : memref<256xf32, #tpu.memory_space<vmem>>, vector<16xf32>,
        %mul3A_1043 = arith.constant 4.8828125E-4 : f32
        %mul3A_1044 = vector.broadcast %mul3A_1043 : f32 to vector<16xf32>
        %mul3A_1045 = arith.mulf %scan3A_558#12, %mul3A_1044 : vector<16xf32>
        %swap3A_1046 = arith.constant 192 : index
        %swap3A_1047 = tpu.vector_load %arg7[%swap3A_1046] {strides = array<i32>} : memref<256xf32, #tpu.memory_space<vmem>>, vector<16xf32>,
        %swap3A_1048 = vector.shape_cast %swap3A_1047 : vector<16xf32> to vector<16xf32>
        %swap3A_1049 = vector.shape_cast %mul3A_1045 : vector<16xf32> to vector<16xf32>
        tpu.vector_store %arg7[%swap3A_1046], %swap3A_1049 {strides = array<i32>} : memref<256xf32, #tpu.memory_space<vmem>>, vector<16xf32>,
        %mul3A_1050 = arith.constant 4.8828125E-4 : f32
        %mul3A_1051 = vector.broadcast %mul3A_1050 : f32 to vector<16xf32>
        %mul3A_1052 = arith.mulf %scan3A_558#13, %mul3A_1051 : vector<16xf32>
        %swap3A_1053 = arith.constant 208 : index
        %swap3A_1054 = tpu.vector_load %arg7[%swap3A_1053] {strides = array<i32>} : memref<256xf32, #tpu.memory_space<vmem>>, vector<16xf32>,
        %swap3A_1055 = vector.shape_cast %swap3A_1054 : vector<16xf32> to vector<16xf32>
        %swap3A_1056 = vector.shape_cast %mul3A_1052 : vector<16xf32> to vector<16xf32>
        tpu.vector_store %arg7[%swap3A_1053], %swap3A_1056 {strides = array<i32>} : memref<256xf32, #tpu.memory_space<vmem>>, vector<16xf32>,
        %mul3A_1057 = arith.constant 4.8828125E-4 : f32
        %mul3A_1058 = vector.broadcast %mul3A_1057 : f32 to vector<16xf32>
        %mul3A_1059 = arith.mulf %scan3A_558#14, %mul3A_1058 : vector<16xf32>
        %swap3A_1060 = arith.constant 224 : index
        %swap3A_1061 = tpu.vector_load %arg7[%swap3A_1060] {strides = array<i32>} : memref<256xf32, #tpu.memory_space<vmem>>, vector<16xf32>,
        %swap3A_1062 = vector.shape_cast %swap3A_1061 : vector<16xf32> to vector<16xf32>
        %swap3A_1063 = vector.shape_cast %mul3A_1059 : vector<16xf32> to vector<16xf32>
        tpu.vector_store %arg7[%swap3A_1060], %swap3A_1063 {strides = array<i32>} : memref<256xf32, #tpu.memory_space<vmem>>, vector<16xf32>,
        %mul3A_1064 = arith.constant 4.8828125E-4 : f32
        %mul3A_1065 = vector.broadcast %mul3A_1064 : f32 to vector<16xf32>
        %mul3A_1066 = arith.mulf %scan3A_558#15, %mul3A_1065 : vector<16xf32>
        %swap3A_1067 = arith.constant 240 : index
        %swap3A_1068 = tpu.vector_load %arg7[%swap3A_1067] {strides = array<i32>} : memref<256xf32, #tpu.memory_space<vmem>>, vector<16xf32>,
        %swap3A_1069 = vector.shape_cast %swap3A_1068 : vector<16xf32> to vector<16xf32>
        %swap3A_1070 = vector.shape_cast %mul3A_1066 : vector<16xf32> to vector<16xf32>
        tpu.vector_store %arg7[%swap3A_1067], %swap3A_1070 {strides = array<i32>} : memref<256xf32, #tpu.memory_space<vmem>>, vector<16xf32>,
        %mul3A_1071 = arith.constant 4 : i32
        %mul3A_1072 = arith.muli %add3A, %mul3A_1071 : i32
        %add3A_1073 = arith.addi %mul3A_1072, %shift_right_logical3A_585 : i32
        "tpu.region"() ({
          %run_scoped3A = tpu.sem_alloc : memref<!tpu.dma_semaphore, #tpu.memory_space<semaphore_mem>>
          %dma_start3A_1074 = arith.constant 0 : i32
          %dma_start3A_1075 = tpu.memref_slice %arg4[%add3A_1073, %dma_start3A_1074] : memref<128x256xf32, #tpu.memory_space<hbm>> -> memref<1x256xf32, #tpu.memory_space<hbm>>
          %dma_start3A_1076 = tpu.memref_squeeze %dma_start3A_1075 : memref<1x256xf32, #tpu.memory_space<hbm>> -> memref<256xf32, #tpu.memory_space<hbm>>
          %dma_start3A_1077 = arith.constant 0 : i32
          %dma_start3A_1078 = tpu.memref_slice %arg4[%add3A_1073, %dma_start3A_1077] : memref<128x256xf32, #tpu.memory_space<hbm>> -> memref<1x256xf32, #tpu.memory_space<hbm>>
          %dma_start3A_1079 = tpu.memref_squeeze %dma_start3A_1078 : memref<1x256xf32, #tpu.memory_space<hbm>> -> memref<256xf32, #tpu.memory_space<hbm>>
          tpu.enqueue_dma source(%arg7 : memref<256xf32, #tpu.memory_space<vmem>>) target(%dma_start3A_1079 : memref<256xf32, #tpu.memory_space<hbm>>) target_semaphore(%run_scoped3A : memref<!tpu.dma_semaphore, #tpu.memory_space<semaphore_mem>>)
          %dma_wait3A_1080 = arith.constant 0 : i32
          %dma_wait3A_1081 = tpu.memref_slice %arg4[%add3A_1073, %dma_wait3A_1080] : memref<128x256xf32, #tpu.memory_space<hbm>> -> memref<1x256xf32, #tpu.memory_space<hbm>>
          %dma_wait3A_1082 = tpu.memref_squeeze %dma_wait3A_1081 : memref<1x256xf32, #tpu.memory_space<hbm>> -> memref<256xf32, #tpu.memory_space<hbm>>
          %dma_wait3A_1083 = arith.constant 0 : i32
          %dma_wait3A_1084 = tpu.memref_slice %arg4[%add3A_1073, %dma_wait3A_1083] : memref<128x256xf32, #tpu.memory_space<hbm>> -> memref<1x256xf32, #tpu.memory_space<hbm>>
          %dma_wait3A_1085 = tpu.memref_squeeze %dma_wait3A_1084 : memref<1x256xf32, #tpu.memory_space<hbm>> -> memref<256xf32, #tpu.memory_space<hbm>>
          tpu.wait_dma2 semaphore(%run_scoped3A : memref<!tpu.dma_semaphore, #tpu.memory_space<semaphore_mem>>) src(%arg7 : memref<256xf32, #tpu.memory_space<vmem>>) dst(%dma_wait3A_1085 : memref<256xf32, #tpu.memory_space<hbm>>)
          tpu.yield
        }) : () -> ()
      } else {
      }
      %jit3A_589 = arith.constant 0.000000e+00 : f32
      %jit3A_590 = arith.constant 1.000000e+00 : f32
      %select_n3A_591 = arith.select %eq3A_583, %jit3A_589, %jit3A_590 : f32
      %mul3A_592 = vector.broadcast %select_n3A_591 : f32 to vector<16xf32>
      %mul3A_593 = arith.mulf %scan3A_558#0, %mul3A_592 : vector<16xf32>
      %mul3A_594 = vector.broadcast %select_n3A_591 : f32 to vector<16xf32>
      %mul3A_595 = arith.mulf %scan3A_558#1, %mul3A_594 : vector<16xf32>
      %mul3A_596 = vector.broadcast %select_n3A_591 : f32 to vector<16xf32>
      %mul3A_597 = arith.mulf %scan3A_558#2, %mul3A_596 : vector<16xf32>
      %mul3A_598 = vector.broadcast %select_n3A_591 : f32 to vector<16xf32>
      %mul3A_599 = arith.mulf %scan3A_558#3, %mul3A_598 : vector<16xf32>
      %mul3A_600 = vector.broadcast %select_n3A_591 : f32 to vector<16xf32>
      %mul3A_601 = arith.mulf %scan3A_558#4, %mul3A_600 : vector<16xf32>
      %mul3A_602 = vector.broadcast %select_n3A_591 : f32 to vector<16xf32>
      %mul3A_603 = arith.mulf %scan3A_558#5, %mul3A_602 : vector<16xf32>
      %mul3A_604 = vector.broadcast %select_n3A_591 : f32 to vector<16xf32>
      %mul3A_605 = arith.mulf %scan3A_558#6, %mul3A_604 : vector<16xf32>
      %mul3A_606 = vector.broadcast %select_n3A_591 : f32 to vector<16xf32>
      %mul3A_607 = arith.mulf %scan3A_558#7, %mul3A_606 : vector<16xf32>
      %mul3A_608 = vector.broadcast %select_n3A_591 : f32 to vector<16xf32>
      %mul3A_609 = arith.mulf %scan3A_558#8, %mul3A_608 : vector<16xf32>
      %mul3A_610 = vector.broadcast %select_n3A_591 : f32 to vector<16xf32>
      %mul3A_611 = arith.mulf %scan3A_558#9, %mul3A_610 : vector<16xf32>
      %mul3A_612 = vector.broadcast %select_n3A_591 : f32 to vector<16xf32>
      %mul3A_613 = arith.mulf %scan3A_558#10, %mul3A_612 : vector<16xf32>
      %mul3A_614 = vector.broadcast %select_n3A_591 : f32 to vector<16xf32>
      %mul3A_615 = arith.mulf %scan3A_558#11, %mul3A_614 : vector<16xf32>
      %mul3A_616 = vector.broadcast %select_n3A_591 : f32 to vector<16xf32>
      %mul3A_617 = arith.mulf %scan3A_558#12, %mul3A_616 : vector<16xf32>
      %mul3A_618 = vector.broadcast %select_n3A_591 : f32 to vector<16xf32>
      %mul3A_619 = arith.mulf %scan3A_558#13, %mul3A_618 : vector<16xf32>
      %mul3A_620 = vector.broadcast %select_n3A_591 : f32 to vector<16xf32>
      %mul3A_621 = arith.mulf %scan3A_558#14, %mul3A_620 : vector<16xf32>
      %mul3A_622 = vector.broadcast %select_n3A_591 : f32 to vector<16xf32>
      %mul3A_623 = arith.mulf %scan3A_558#15, %mul3A_622 : vector<16xf32>
      %add3A_624 = arith.constant 4 : i32
      %add3A_625 = arith.addi %mul3A_293, %add3A_624 : i32
      %dma_wait3A_626 = arith.constant 0 : i32
      %dma_wait3A_627 = arith.constant 4 : i32
      %dma_wait3A_628 = arith.constant 0 : i32
      %dma_wait3A_629 = arith.constant 0 : i32
      %dma_wait3A_630 = tpu.memref_slice %arg6[%dma_wait3A_627, %dma_wait3A_628, %dma_wait3A_629] : memref<8x32x256xf32, #tpu.memory_space<vmem>> -> memref<1x32x256xf32, #tpu.memory_space<vmem>>
      %dma_wait3A_631 = tpu.memref_squeeze %dma_wait3A_630 : memref<1x32x256xf32, #tpu.memory_space<vmem>> -> memref<32x256xf32, #tpu.memory_space<vmem>>
      %dma_wait3A_632 = arith.constant 0 : i32
      %dma_wait3A_633 = tpu.memref_slice %arg5[%dma_wait3A_626, %dma_wait3A_632] : memref<4x2048xi32, #tpu.memory_space<vmem>> -> memref<1x32xi32, #tpu.memory_space<vmem>>
      %dma_wait3A_634 = tpu.memref_squeeze %dma_wait3A_633 : memref<1x32xi32, #tpu.memory_space<vmem>> -> memref<32xi32, #tpu.memory_space<vmem>>
      %dma_wait3A_635 = arith.constant 0 : i32
      %dma_wait3A_636 = arith.constant 0 : i32
      %dma_wait3A_637 = tpu.memref_slice %arg3[%dma_wait3A_635, %dma_wait3A_636] : memref<100000x256xf32, #tpu.memory_space<hbm>> -> memref<100000x256xf32, #tpu.memory_space<hbm>>
      tpu.wait_indirect_dma semaphore(%arg12 : memref<!tpu.dma_semaphore, #tpu.memory_space<semaphore_mem>>) src(%dma_wait3A_637 : memref<100000x256xf32, #tpu.memory_space<hbm>>) dst(%dma_wait3A_631 : memref<32x256xf32, #tpu.memory_space<vmem>>)
      %scan3A_638 = arith.constant 0 : i32
      %scan3A_639 = arith.constant 16 : i32
      %scan3A_640 = arith.addi %scan3A_638, %scan3A_639 : i32
      %scan3A_641 = arith.constant 1 : i32
      %scan3A_642:16 = scf.for %scan3A_960 = %scan3A_638 to %scan3A_640 step %scan3A_641 iter_args(%scan3A_961 = %mul3A_593, %scan3A_962 = %mul3A_595, %scan3A_963 = %mul3A_597, %scan3A_964 = %mul3A_599, %scan3A_965 = %mul3A_601, %scan3A_966 = %mul3A_603, %scan3A_967 = %mul3A_605, %scan3A_968 = %mul3A_607, %scan3A_969 = %mul3A_609, %scan3A_970 = %mul3A_611, %scan3A_971 = %mul3A_613, %scan3A_972 = %mul3A_615, %scan3A_973 = %mul3A_617, %scan3A_974 = %mul3A_619, %scan3A_975 = %mul3A_621, %scan3A_976 = %mul3A_623) -> (vector<16xf32>, vector<16xf32>, vector<16xf32>, vector<16xf32>, vector<16xf32>, vector<16xf32>, vector<16xf32>, vector<16xf32>, vector<16xf32>, vector<16xf32>, vector<16xf32>, vector<16xf32>, vector<16xf32>, vector<16xf32>, vector<16xf32>, vector<16xf32>)  : i32 {
        %mul3A_977 = arith.constant 2 : i32
        %mul3A_978 = arith.muli %scan3A_960, %mul3A_977 : i32
        %get3A = arith.constant 4 : i32
        %get3A_979 = arith.index_cast %get3A : i32 to index
        %get3A_980 = arith.index_cast %mul3A_978 : i32 to index
        %get3A_981 = arith.constant 0 : index
        %get3A_982 = tpu.vector_load %arg6[%get3A_979, %get3A_980, %get3A_981] {strides = array<i32>} : memref<8x32x256xf32, #tpu.memory_space<vmem>>, vector<1x1x16xf32>,
        %get3A_983 = vector.shape_cast %get3A_982 : vector<1x1x16xf32> to vector<16xf32>
        %add3A_984 = arith.addf %scan3A_961, %get3A_983 : vector<16xf32>
        %get3A_985 = arith.constant 4 : i32
        %get3A_986 = arith.index_cast %get3A_985 : i32 to index
        %get3A_987 = arith.index_cast %mul3A_978 : i32 to index
        %get3A_988 = arith.constant 16 : index
        %get3A_989 = tpu.vector_load %arg6[%get3A_986, %get3A_987, %get3A_988] {strides = array<i32>} : memref<8x32x256xf32, #tpu.memory_space<vmem>>, vector<1x1x16xf32>,
        %get3A_990 = vector.shape_cast %get3A_989 : vector<1x1x16xf32> to vector<16xf32>
        %add3A_991 = arith.addf %scan3A_962, %get3A_990 : vector<16xf32>
        %get3A_992 = arith.constant 4 : i32
        %get3A_993 = arith.index_cast %get3A_992 : i32 to index
        %get3A_994 = arith.index_cast %mul3A_978 : i32 to index
        %get3A_995 = arith.constant 32 : index
        %get3A_996 = tpu.vector_load %arg6[%get3A_993, %get3A_994, %get3A_995] {strides = array<i32>} : memref<8x32x256xf32, #tpu.memory_space<vmem>>, vector<1x1x16xf32>,
        %get3A_997 = vector.shape_cast %get3A_996 : vector<1x1x16xf32> to vector<16xf32>
        %add3A_998 = arith.addf %scan3A_963, %get3A_997 : vector<16xf32>
        %get3A_999 = arith.constant 4 : i32
        %get3A_1000 = arith.index_cast %get3A_999 : i32 to index
        %get3A_1001 = arith.index_cast %mul3A_978 : i32 to index
        %get3A_1002 = arith.constant 48 : index
        %get3A_1003 = tpu.vector_load %arg6[%get3A_1000, %get3A_1001, %get3A_1002] {strides = array<i32>} : memref<8x32x256xf32, #tpu.memory_space<vmem>>, vector<1x1x16xf32>,
        %get3A_1004 = vector.shape_cast %get3A_1003 : vector<1x1x16xf32> to vector<16xf32>
        %add3A_1005 = arith.addf %scan3A_964, %get3A_1004 : vector<16xf32>
        %get3A_1006 = arith.constant 4 : i32
        %get3A_1007 = arith.index_cast %get3A_1006 : i32 to index
        %get3A_1008 = arith.index_cast %mul3A_978 : i32 to index
        %get3A_1009 = arith.constant 64 : index
        %get3A_1010 = tpu.vector_load %arg6[%get3A_1007, %get3A_1008, %get3A_1009] {strides = array<i32>} : memref<8x32x256xf32, #tpu.memory_space<vmem>>, vector<1x1x16xf32>,
        %get3A_1011 = vector.shape_cast %get3A_1010 : vector<1x1x16xf32> to vector<16xf32>
        %add3A_1012 = arith.addf %scan3A_965, %get3A_1011 : vector<16xf32>
        %get3A_1013 = arith.constant 4 : i32
        %get3A_1014 = arith.index_cast %get3A_1013 : i32 to index
        %get3A_1015 = arith.index_cast %mul3A_978 : i32 to index
        %get3A_1016 = arith.constant 80 : index
        %get3A_1017 = tpu.vector_load %arg6[%get3A_1014, %get3A_1015, %get3A_1016] {strides = array<i32>} : memref<8x32x256xf32, #tpu.memory_space<vmem>>, vector<1x1x16xf32>,
        %get3A_1018 = vector.shape_cast %get3A_1017 : vector<1x1x16xf32> to vector<16xf32>
        %add3A_1019 = arith.addf %scan3A_966, %get3A_1018 : vector<16xf32>
        %get3A_1020 = arith.constant 4 : i32
        %get3A_1021 = arith.index_cast %get3A_1020 : i32 to index
        %get3A_1022 = arith.index_cast %mul3A_978 : i32 to index
        %get3A_1023 = arith.constant 96 : index
        %get3A_1024 = tpu.vector_load %arg6[%get3A_1021, %get3A_1022, %get3A_1023] {strides = array<i32>} : memref<8x32x256xf32, #tpu.memory_space<vmem>>, vector<1x1x16xf32>,
        %get3A_1025 = vector.shape_cast %get3A_1024 : vector<1x1x16xf32> to vector<16xf32>
        %add3A_1026 = arith.addf %scan3A_967, %get3A_1025 : vector<16xf32>
        %get3A_1027 = arith.constant 4 : i32
        %get3A_1028 = arith.index_cast %get3A_1027 : i32 to index
        %get3A_1029 = arith.index_cast %mul3A_978 : i32 to index
        %get3A_1030 = arith.constant 112 : index
        %get3A_1031 = tpu.vector_load %arg6[%get3A_1028, %get3A_1029, %get3A_1030] {strides = array<i32>} : memref<8x32x256xf32, #tpu.memory_space<vmem>>, vector<1x1x16xf32>,
        %get3A_1032 = vector.shape_cast %get3A_1031 : vector<1x1x16xf32> to vector<16xf32>
        %add3A_1033 = arith.addf %scan3A_968, %get3A_1032 : vector<16xf32>
        %get3A_1034 = arith.constant 4 : i32
        %get3A_1035 = arith.index_cast %get3A_1034 : i32 to index
        %get3A_1036 = arith.index_cast %mul3A_978 : i32 to index
        %get3A_1037 = arith.constant 128 : index
        %get3A_1038 = tpu.vector_load %arg6[%get3A_1035, %get3A_1036, %get3A_1037] {strides = array<i32>} : memref<8x32x256xf32, #tpu.memory_space<vmem>>, vector<1x1x16xf32>,
        %get3A_1039 = vector.shape_cast %get3A_1038 : vector<1x1x16xf32> to vector<16xf32>
        %add3A_1040 = arith.addf %scan3A_969, %get3A_1039 : vector<16xf32>
        %get3A_1041 = arith.constant 4 : i32
        %get3A_1042 = arith.index_cast %get3A_1041 : i32 to index
        %get3A_1043 = arith.index_cast %mul3A_978 : i32 to index
        %get3A_1044 = arith.constant 144 : index
        %get3A_1045 = tpu.vector_load %arg6[%get3A_1042, %get3A_1043, %get3A_1044] {strides = array<i32>} : memref<8x32x256xf32, #tpu.memory_space<vmem>>, vector<1x1x16xf32>,
        %get3A_1046 = vector.shape_cast %get3A_1045 : vector<1x1x16xf32> to vector<16xf32>
        %add3A_1047 = arith.addf %scan3A_970, %get3A_1046 : vector<16xf32>
        %get3A_1048 = arith.constant 4 : i32
        %get3A_1049 = arith.index_cast %get3A_1048 : i32 to index
        %get3A_1050 = arith.index_cast %mul3A_978 : i32 to index
        %get3A_1051 = arith.constant 160 : index
        %get3A_1052 = tpu.vector_load %arg6[%get3A_1049, %get3A_1050, %get3A_1051] {strides = array<i32>} : memref<8x32x256xf32, #tpu.memory_space<vmem>>, vector<1x1x16xf32>,
        %get3A_1053 = vector.shape_cast %get3A_1052 : vector<1x1x16xf32> to vector<16xf32>
        %add3A_1054 = arith.addf %scan3A_971, %get3A_1053 : vector<16xf32>
        %get3A_1055 = arith.constant 4 : i32
        %get3A_1056 = arith.index_cast %get3A_1055 : i32 to index
        %get3A_1057 = arith.index_cast %mul3A_978 : i32 to index
        %get3A_1058 = arith.constant 176 : index
        %get3A_1059 = tpu.vector_load %arg6[%get3A_1056, %get3A_1057, %get3A_1058] {strides = array<i32>} : memref<8x32x256xf32, #tpu.memory_space<vmem>>, vector<1x1x16xf32>,
        %get3A_1060 = vector.shape_cast %get3A_1059 : vector<1x1x16xf32> to vector<16xf32>
        %add3A_1061 = arith.addf %scan3A_972, %get3A_1060 : vector<16xf32>
        %get3A_1062 = arith.constant 4 : i32
        %get3A_1063 = arith.index_cast %get3A_1062 : i32 to index
        %get3A_1064 = arith.index_cast %mul3A_978 : i32 to index
        %get3A_1065 = arith.constant 192 : index
        %get3A_1066 = tpu.vector_load %arg6[%get3A_1063, %get3A_1064, %get3A_1065] {strides = array<i32>} : memref<8x32x256xf32, #tpu.memory_space<vmem>>, vector<1x1x16xf32>,
        %get3A_1067 = vector.shape_cast %get3A_1066 : vector<1x1x16xf32> to vector<16xf32>
        %add3A_1068 = arith.addf %scan3A_973, %get3A_1067 : vector<16xf32>
        %get3A_1069 = arith.constant 4 : i32
        %get3A_1070 = arith.index_cast %get3A_1069 : i32 to index
        %get3A_1071 = arith.index_cast %mul3A_978 : i32 to index
        %get3A_1072 = arith.constant 208 : index
        %get3A_1073 = tpu.vector_load %arg6[%get3A_1070, %get3A_1071, %get3A_1072] {strides = array<i32>} : memref<8x32x256xf32, #tpu.memory_space<vmem>>, vector<1x1x16xf32>,
        %get3A_1074 = vector.shape_cast %get3A_1073 : vector<1x1x16xf32> to vector<16xf32>
        %add3A_1075 = arith.addf %scan3A_974, %get3A_1074 : vector<16xf32>
        %get3A_1076 = arith.constant 4 : i32
        %get3A_1077 = arith.index_cast %get3A_1076 : i32 to index
        %get3A_1078 = arith.index_cast %mul3A_978 : i32 to index
        %get3A_1079 = arith.constant 224 : index
        %get3A_1080 = tpu.vector_load %arg6[%get3A_1077, %get3A_1078, %get3A_1079] {strides = array<i32>} : memref<8x32x256xf32, #tpu.memory_space<vmem>>, vector<1x1x16xf32>,
        %get3A_1081 = vector.shape_cast %get3A_1080 : vector<1x1x16xf32> to vector<16xf32>
        %add3A_1082 = arith.addf %scan3A_975, %get3A_1081 : vector<16xf32>
        %get3A_1083 = arith.constant 4 : i32
        %get3A_1084 = arith.index_cast %get3A_1083 : i32 to index
        %get3A_1085 = arith.index_cast %mul3A_978 : i32 to index
        %get3A_1086 = arith.constant 240 : index
        %get3A_1087 = tpu.vector_load %arg6[%get3A_1084, %get3A_1085, %get3A_1086] {strides = array<i32>} : memref<8x32x256xf32, #tpu.memory_space<vmem>>, vector<1x1x16xf32>,
        %get3A_1088 = vector.shape_cast %get3A_1087 : vector<1x1x16xf32> to vector<16xf32>
        %add3A_1089 = arith.addf %scan3A_976, %get3A_1088 : vector<16xf32>
        %add3A_1090 = arith.constant 1 : i32
        %add3A_1091 = arith.addi %mul3A_978, %add3A_1090 : i32
        %get3A_1092 = arith.constant 4 : i32
        %get3A_1093 = arith.index_cast %get3A_1092 : i32 to index
        %get3A_1094 = arith.index_cast %add3A_1091 : i32 to index
        %get3A_1095 = arith.constant 0 : index
        %get3A_1096 = tpu.vector_load %arg6[%get3A_1093, %get3A_1094, %get3A_1095] {strides = array<i32>} : memref<8x32x256xf32, #tpu.memory_space<vmem>>, vector<1x1x16xf32>,
        %get3A_1097 = vector.shape_cast %get3A_1096 : vector<1x1x16xf32> to vector<16xf32>
        %add3A_1098 = arith.addf %add3A_984, %get3A_1097 : vector<16xf32>
        %add3A_1099 = arith.constant 1 : i32
        %add3A_1100 = arith.addi %mul3A_978, %add3A_1099 : i32
        %get3A_1101 = arith.constant 4 : i32
        %get3A_1102 = arith.index_cast %get3A_1101 : i32 to index
        %get3A_1103 = arith.index_cast %add3A_1100 : i32 to index
        %get3A_1104 = arith.constant 16 : index
        %get3A_1105 = tpu.vector_load %arg6[%get3A_1102, %get3A_1103, %get3A_1104] {strides = array<i32>} : memref<8x32x256xf32, #tpu.memory_space<vmem>>, vector<1x1x16xf32>,
        %get3A_1106 = vector.shape_cast %get3A_1105 : vector<1x1x16xf32> to vector<16xf32>
        %add3A_1107 = arith.addf %add3A_991, %get3A_1106 : vector<16xf32>
        %add3A_1108 = arith.constant 1 : i32
        %add3A_1109 = arith.addi %mul3A_978, %add3A_1108 : i32
        %get3A_1110 = arith.constant 4 : i32
        %get3A_1111 = arith.index_cast %get3A_1110 : i32 to index
        %get3A_1112 = arith.index_cast %add3A_1109 : i32 to index
        %get3A_1113 = arith.constant 32 : index
        %get3A_1114 = tpu.vector_load %arg6[%get3A_1111, %get3A_1112, %get3A_1113] {strides = array<i32>} : memref<8x32x256xf32, #tpu.memory_space<vmem>>, vector<1x1x16xf32>,
        %get3A_1115 = vector.shape_cast %get3A_1114 : vector<1x1x16xf32> to vector<16xf32>
        %add3A_1116 = arith.addf %add3A_998, %get3A_1115 : vector<16xf32>
        %add3A_1117 = arith.constant 1 : i32
        %add3A_1118 = arith.addi %mul3A_978, %add3A_1117 : i32
        %get3A_1119 = arith.constant 4 : i32
        %get3A_1120 = arith.index_cast %get3A_1119 : i32 to index
        %get3A_1121 = arith.index_cast %add3A_1118 : i32 to index
        %get3A_1122 = arith.constant 48 : index
        %get3A_1123 = tpu.vector_load %arg6[%get3A_1120, %get3A_1121, %get3A_1122] {strides = array<i32>} : memref<8x32x256xf32, #tpu.memory_space<vmem>>, vector<1x1x16xf32>,
        %get3A_1124 = vector.shape_cast %get3A_1123 : vector<1x1x16xf32> to vector<16xf32>
        %add3A_1125 = arith.addf %add3A_1005, %get3A_1124 : vector<16xf32>
        %add3A_1126 = arith.constant 1 : i32
        %add3A_1127 = arith.addi %mul3A_978, %add3A_1126 : i32
        %get3A_1128 = arith.constant 4 : i32
        %get3A_1129 = arith.index_cast %get3A_1128 : i32 to index
        %get3A_1130 = arith.index_cast %add3A_1127 : i32 to index
        %get3A_1131 = arith.constant 64 : index
        %get3A_1132 = tpu.vector_load %arg6[%get3A_1129, %get3A_1130, %get3A_1131] {strides = array<i32>} : memref<8x32x256xf32, #tpu.memory_space<vmem>>, vector<1x1x16xf32>,
        %get3A_1133 = vector.shape_cast %get3A_1132 : vector<1x1x16xf32> to vector<16xf32>
        %add3A_1134 = arith.addf %add3A_1012, %get3A_1133 : vector<16xf32>
        %add3A_1135 = arith.constant 1 : i32
        %add3A_1136 = arith.addi %mul3A_978, %add3A_1135 : i32
        %get3A_1137 = arith.constant 4 : i32
        %get3A_1138 = arith.index_cast %get3A_1137 : i32 to index
        %get3A_1139 = arith.index_cast %add3A_1136 : i32 to index
        %get3A_1140 = arith.constant 80 : index
        %get3A_1141 = tpu.vector_load %arg6[%get3A_1138, %get3A_1139, %get3A_1140] {strides = array<i32>} : memref<8x32x256xf32, #tpu.memory_space<vmem>>, vector<1x1x16xf32>,
        %get3A_1142 = vector.shape_cast %get3A_1141 : vector<1x1x16xf32> to vector<16xf32>
        %add3A_1143 = arith.addf %add3A_1019, %get3A_1142 : vector<16xf32>
        %add3A_1144 = arith.constant 1 : i32
        %add3A_1145 = arith.addi %mul3A_978, %add3A_1144 : i32
        %get3A_1146 = arith.constant 4 : i32
        %get3A_1147 = arith.index_cast %get3A_1146 : i32 to index
        %get3A_1148 = arith.index_cast %add3A_1145 : i32 to index
        %get3A_1149 = arith.constant 96 : index
        %get3A_1150 = tpu.vector_load %arg6[%get3A_1147, %get3A_1148, %get3A_1149] {strides = array<i32>} : memref<8x32x256xf32, #tpu.memory_space<vmem>>, vector<1x1x16xf32>,
        %get3A_1151 = vector.shape_cast %get3A_1150 : vector<1x1x16xf32> to vector<16xf32>
        %add3A_1152 = arith.addf %add3A_1026, %get3A_1151 : vector<16xf32>
        %add3A_1153 = arith.constant 1 : i32
        %add3A_1154 = arith.addi %mul3A_978, %add3A_1153 : i32
        %get3A_1155 = arith.constant 4 : i32
        %get3A_1156 = arith.index_cast %get3A_1155 : i32 to index
        %get3A_1157 = arith.index_cast %add3A_1154 : i32 to index
        %get3A_1158 = arith.constant 112 : index
        %get3A_1159 = tpu.vector_load %arg6[%get3A_1156, %get3A_1157, %get3A_1158] {strides = array<i32>} : memref<8x32x256xf32, #tpu.memory_space<vmem>>, vector<1x1x16xf32>,
        %get3A_1160 = vector.shape_cast %get3A_1159 : vector<1x1x16xf32> to vector<16xf32>
        %add3A_1161 = arith.addf %add3A_1033, %get3A_1160 : vector<16xf32>
        %add3A_1162 = arith.constant 1 : i32
        %add3A_1163 = arith.addi %mul3A_978, %add3A_1162 : i32
        %get3A_1164 = arith.constant 4 : i32
        %get3A_1165 = arith.index_cast %get3A_1164 : i32 to index
        %get3A_1166 = arith.index_cast %add3A_1163 : i32 to index
        %get3A_1167 = arith.constant 128 : index
        %get3A_1168 = tpu.vector_load %arg6[%get3A_1165, %get3A_1166, %get3A_1167] {strides = array<i32>} : memref<8x32x256xf32, #tpu.memory_space<vmem>>, vector<1x1x16xf32>,
        %get3A_1169 = vector.shape_cast %get3A_1168 : vector<1x1x16xf32> to vector<16xf32>
        %add3A_1170 = arith.addf %add3A_1040, %get3A_1169 : vector<16xf32>
        %add3A_1171 = arith.constant 1 : i32
        %add3A_1172 = arith.addi %mul3A_978, %add3A_1171 : i32
        %get3A_1173 = arith.constant 4 : i32
        %get3A_1174 = arith.index_cast %get3A_1173 : i32 to index
        %get3A_1175 = arith.index_cast %add3A_1172 : i32 to index
        %get3A_1176 = arith.constant 144 : index
        %get3A_1177 = tpu.vector_load %arg6[%get3A_1174, %get3A_1175, %get3A_1176] {strides = array<i32>} : memref<8x32x256xf32, #tpu.memory_space<vmem>>, vector<1x1x16xf32>,
        %get3A_1178 = vector.shape_cast %get3A_1177 : vector<1x1x16xf32> to vector<16xf32>
        %add3A_1179 = arith.addf %add3A_1047, %get3A_1178 : vector<16xf32>
        %add3A_1180 = arith.constant 1 : i32
        %add3A_1181 = arith.addi %mul3A_978, %add3A_1180 : i32
        %get3A_1182 = arith.constant 4 : i32
        %get3A_1183 = arith.index_cast %get3A_1182 : i32 to index
        %get3A_1184 = arith.index_cast %add3A_1181 : i32 to index
        %get3A_1185 = arith.constant 160 : index
        %get3A_1186 = tpu.vector_load %arg6[%get3A_1183, %get3A_1184, %get3A_1185] {strides = array<i32>} : memref<8x32x256xf32, #tpu.memory_space<vmem>>, vector<1x1x16xf32>,
        %get3A_1187 = vector.shape_cast %get3A_1186 : vector<1x1x16xf32> to vector<16xf32>
        %add3A_1188 = arith.addf %add3A_1054, %get3A_1187 : vector<16xf32>
        %add3A_1189 = arith.constant 1 : i32
        %add3A_1190 = arith.addi %mul3A_978, %add3A_1189 : i32
        %get3A_1191 = arith.constant 4 : i32
        %get3A_1192 = arith.index_cast %get3A_1191 : i32 to index
        %get3A_1193 = arith.index_cast %add3A_1190 : i32 to index
        %get3A_1194 = arith.constant 176 : index
        %get3A_1195 = tpu.vector_load %arg6[%get3A_1192, %get3A_1193, %get3A_1194] {strides = array<i32>} : memref<8x32x256xf32, #tpu.memory_space<vmem>>, vector<1x1x16xf32>,
        %get3A_1196 = vector.shape_cast %get3A_1195 : vector<1x1x16xf32> to vector<16xf32>
        %add3A_1197 = arith.addf %add3A_1061, %get3A_1196 : vector<16xf32>
        %add3A_1198 = arith.constant 1 : i32
        %add3A_1199 = arith.addi %mul3A_978, %add3A_1198 : i32
        %get3A_1200 = arith.constant 4 : i32
        %get3A_1201 = arith.index_cast %get3A_1200 : i32 to index
        %get3A_1202 = arith.index_cast %add3A_1199 : i32 to index
        %get3A_1203 = arith.constant 192 : index
        %get3A_1204 = tpu.vector_load %arg6[%get3A_1201, %get3A_1202, %get3A_1203] {strides = array<i32>} : memref<8x32x256xf32, #tpu.memory_space<vmem>>, vector<1x1x16xf32>,
        %get3A_1205 = vector.shape_cast %get3A_1204 : vector<1x1x16xf32> to vector<16xf32>
        %add3A_1206 = arith.addf %add3A_1068, %get3A_1205 : vector<16xf32>
        %add3A_1207 = arith.constant 1 : i32
        %add3A_1208 = arith.addi %mul3A_978, %add3A_1207 : i32
        %get3A_1209 = arith.constant 4 : i32
        %get3A_1210 = arith.index_cast %get3A_1209 : i32 to index
        %get3A_1211 = arith.index_cast %add3A_1208 : i32 to index
        %get3A_1212 = arith.constant 208 : index
        %get3A_1213 = tpu.vector_load %arg6[%get3A_1210, %get3A_1211, %get3A_1212] {strides = array<i32>} : memref<8x32x256xf32, #tpu.memory_space<vmem>>, vector<1x1x16xf32>,
        %get3A_1214 = vector.shape_cast %get3A_1213 : vector<1x1x16xf32> to vector<16xf32>
        %add3A_1215 = arith.addf %add3A_1075, %get3A_1214 : vector<16xf32>
        %add3A_1216 = arith.constant 1 : i32
        %add3A_1217 = arith.addi %mul3A_978, %add3A_1216 : i32
        %get3A_1218 = arith.constant 4 : i32
        %get3A_1219 = arith.index_cast %get3A_1218 : i32 to index
        %get3A_1220 = arith.index_cast %add3A_1217 : i32 to index
        %get3A_1221 = arith.constant 224 : index
        %get3A_1222 = tpu.vector_load %arg6[%get3A_1219, %get3A_1220, %get3A_1221] {strides = array<i32>} : memref<8x32x256xf32, #tpu.memory_space<vmem>>, vector<1x1x16xf32>,
        %get3A_1223 = vector.shape_cast %get3A_1222 : vector<1x1x16xf32> to vector<16xf32>
        %add3A_1224 = arith.addf %add3A_1082, %get3A_1223 : vector<16xf32>
        %add3A_1225 = arith.constant 1 : i32
        %add3A_1226 = arith.addi %mul3A_978, %add3A_1225 : i32
        %get3A_1227 = arith.constant 4 : i32
        %get3A_1228 = arith.index_cast %get3A_1227 : i32 to index
        %get3A_1229 = arith.index_cast %add3A_1226 : i32 to index
        %get3A_1230 = arith.constant 240 : index
        %get3A_1231 = tpu.vector_load %arg6[%get3A_1228, %get3A_1229, %get3A_1230] {strides = array<i32>} : memref<8x32x256xf32, #tpu.memory_space<vmem>>, vector<1x1x16xf32>,
        %get3A_1232 = vector.shape_cast %get3A_1231 : vector<1x1x16xf32> to vector<16xf32>
        %add3A_1233 = arith.addf %add3A_1089, %get3A_1232 : vector<16xf32>
        scf.yield %add3A_1098, %add3A_1107, %add3A_1116, %add3A_1125, %add3A_1134, %add3A_1143, %add3A_1152, %add3A_1161, %add3A_1170, %add3A_1179, %add3A_1188, %add3A_1197, %add3A_1206, %add3A_1215, %add3A_1224, %add3A_1233 : vector<16xf32>, vector<16xf32>, vector<16xf32>, vector<16xf32>, vector<16xf32>, vector<16xf32>, vector<16xf32>, vector<16xf32>, vector<16xf32>, vector<16xf32>, vector<16xf32>, vector<16xf32>, vector<16xf32>, vector<16xf32>, vector<16xf32>, vector<16xf32>
      }
      %scan3A_643 = arith.constant 16 : i32
      %add3A_644 = arith.constant 8 : i32
      %add3A_645 = arith.addi %add3A_625, %add3A_644 : i32
      %min3A_646 = arith.constant 255 : i32
      %min3A_647 = arith.minsi %add3A_645, %min3A_646 : i32
      %shift_right_logical3A_648 = arith.constant 6 : i32
      %shift_right_logical3A_649 = arith.shrui %min3A_647, %shift_right_logical3A_648 : i32
      %and3A_650 = arith.constant 63 : i32
      %and3A_651 = arith.andi %min3A_647, %and3A_650 : i32
      %mul3A_652 = arith.constant 32 : i32
      %mul3A_653 = arith.muli %and3A_651, %mul3A_652 : i32
      %dma_start3A_654 = arith.constant 4 : i32
      %dma_start3A_655 = arith.constant 0 : i32
      %dma_start3A_656 = arith.constant 0 : i32
      %dma_start3A_657 = tpu.memref_slice %arg6[%dma_start3A_654, %dma_start3A_655, %dma_start3A_656] : memref<8x32x256xf32, #tpu.memory_space<vmem>> -> memref<1x32x256xf32, #tpu.memory_space<vmem>>
      %dma_start3A_658 = tpu.memref_squeeze %dma_start3A_657 : memref<1x32x256xf32, #tpu.memory_space<vmem>> -> memref<32x256xf32, #tpu.memory_space<vmem>>
      %dma_start3A_659 = tpu.memref_slice %arg5[%shift_right_logical3A_649, %mul3A_653] : memref<4x2048xi32, #tpu.memory_space<vmem>> -> memref<1x32xi32, #tpu.memory_space<vmem>>
      %dma_start3A_660 = tpu.memref_squeeze %dma_start3A_659 : memref<1x32xi32, #tpu.memory_space<vmem>> -> memref<32xi32, #tpu.memory_space<vmem>>
      %dma_start3A_661 = arith.constant 0 : i32
      %dma_start3A_662 = arith.constant 0 : i32
      %dma_start3A_663 = tpu.memref_slice %arg3[%dma_start3A_661, %dma_start3A_662] : memref<100000x256xf32, #tpu.memory_space<hbm>> -> memref<100000x256xf32, #tpu.memory_space<hbm>>
      tpu.enqueue_indirect_dma source(%dma_start3A_663 : memref<100000x256xf32, #tpu.memory_space<hbm>>) target(%dma_start3A_658 : memref<32x256xf32, #tpu.memory_space<vmem>>) offsets(%dma_start3A_660 : memref<32xi32, #tpu.memory_space<vmem>>) semaphore(%arg12 : memref<!tpu.dma_semaphore, #tpu.memory_space<semaphore_mem>>)
      %and3A_664 = arith.constant 63 : i32
      %and3A_665 = arith.andi %add3A_625, %and3A_664 : i32
      %eq3A_666 = arith.constant 63 : i32
      %eq3A_667 = arith.cmpi eq, %and3A_665, %eq3A_666 : i32
      %shift_right_logical3A_668 = arith.constant 6 : i32
      %shift_right_logical3A_669 = arith.shrui %add3A_625, %shift_right_logical3A_668 : i32
      %convert_element_type3A_670 = arith.extui %eq3A_667 : i1 to i32
      %cond3A_671 = arith.constant 0 : i32
      %cond3A_672 = arith.cmpi ne, %convert_element_type3A_670, %cond3A_671 : i32
      scf.if %cond3A_672 {
        %mul3A_960 = arith.constant 4.8828125E-4 : f32
        %mul3A_961 = vector.broadcast %mul3A_960 : f32 to vector<16xf32>
        %mul3A_962 = arith.mulf %scan3A_642#0, %mul3A_961 : vector<16xf32>
        %swap3A = arith.constant 0 : index
        %swap3A_963 = tpu.vector_load %arg7[%swap3A] {strides = array<i32>} : memref<256xf32, #tpu.memory_space<vmem>>, vector<16xf32>,
        %swap3A_964 = vector.shape_cast %swap3A_963 : vector<16xf32> to vector<16xf32>
        %swap3A_965 = vector.shape_cast %mul3A_962 : vector<16xf32> to vector<16xf32>
        tpu.vector_store %arg7[%swap3A], %swap3A_965 {strides = array<i32>} : memref<256xf32, #tpu.memory_space<vmem>>, vector<16xf32>,
        %mul3A_966 = arith.constant 4.8828125E-4 : f32
        %mul3A_967 = vector.broadcast %mul3A_966 : f32 to vector<16xf32>
        %mul3A_968 = arith.mulf %scan3A_642#1, %mul3A_967 : vector<16xf32>
        %swap3A_969 = arith.constant 16 : index
        %swap3A_970 = tpu.vector_load %arg7[%swap3A_969] {strides = array<i32>} : memref<256xf32, #tpu.memory_space<vmem>>, vector<16xf32>,
        %swap3A_971 = vector.shape_cast %swap3A_970 : vector<16xf32> to vector<16xf32>
        %swap3A_972 = vector.shape_cast %mul3A_968 : vector<16xf32> to vector<16xf32>
        tpu.vector_store %arg7[%swap3A_969], %swap3A_972 {strides = array<i32>} : memref<256xf32, #tpu.memory_space<vmem>>, vector<16xf32>,
        %mul3A_973 = arith.constant 4.8828125E-4 : f32
        %mul3A_974 = vector.broadcast %mul3A_973 : f32 to vector<16xf32>
        %mul3A_975 = arith.mulf %scan3A_642#2, %mul3A_974 : vector<16xf32>
        %swap3A_976 = arith.constant 32 : index
        %swap3A_977 = tpu.vector_load %arg7[%swap3A_976] {strides = array<i32>} : memref<256xf32, #tpu.memory_space<vmem>>, vector<16xf32>,
        %swap3A_978 = vector.shape_cast %swap3A_977 : vector<16xf32> to vector<16xf32>
        %swap3A_979 = vector.shape_cast %mul3A_975 : vector<16xf32> to vector<16xf32>
        tpu.vector_store %arg7[%swap3A_976], %swap3A_979 {strides = array<i32>} : memref<256xf32, #tpu.memory_space<vmem>>, vector<16xf32>,
        %mul3A_980 = arith.constant 4.8828125E-4 : f32
        %mul3A_981 = vector.broadcast %mul3A_980 : f32 to vector<16xf32>
        %mul3A_982 = arith.mulf %scan3A_642#3, %mul3A_981 : vector<16xf32>
        %swap3A_983 = arith.constant 48 : index
        %swap3A_984 = tpu.vector_load %arg7[%swap3A_983] {strides = array<i32>} : memref<256xf32, #tpu.memory_space<vmem>>, vector<16xf32>,
        %swap3A_985 = vector.shape_cast %swap3A_984 : vector<16xf32> to vector<16xf32>
        %swap3A_986 = vector.shape_cast %mul3A_982 : vector<16xf32> to vector<16xf32>
        tpu.vector_store %arg7[%swap3A_983], %swap3A_986 {strides = array<i32>} : memref<256xf32, #tpu.memory_space<vmem>>, vector<16xf32>,
        %mul3A_987 = arith.constant 4.8828125E-4 : f32
        %mul3A_988 = vector.broadcast %mul3A_987 : f32 to vector<16xf32>
        %mul3A_989 = arith.mulf %scan3A_642#4, %mul3A_988 : vector<16xf32>
        %swap3A_990 = arith.constant 64 : index
        %swap3A_991 = tpu.vector_load %arg7[%swap3A_990] {strides = array<i32>} : memref<256xf32, #tpu.memory_space<vmem>>, vector<16xf32>,
        %swap3A_992 = vector.shape_cast %swap3A_991 : vector<16xf32> to vector<16xf32>
        %swap3A_993 = vector.shape_cast %mul3A_989 : vector<16xf32> to vector<16xf32>
        tpu.vector_store %arg7[%swap3A_990], %swap3A_993 {strides = array<i32>} : memref<256xf32, #tpu.memory_space<vmem>>, vector<16xf32>,
        %mul3A_994 = arith.constant 4.8828125E-4 : f32
        %mul3A_995 = vector.broadcast %mul3A_994 : f32 to vector<16xf32>
        %mul3A_996 = arith.mulf %scan3A_642#5, %mul3A_995 : vector<16xf32>
        %swap3A_997 = arith.constant 80 : index
        %swap3A_998 = tpu.vector_load %arg7[%swap3A_997] {strides = array<i32>} : memref<256xf32, #tpu.memory_space<vmem>>, vector<16xf32>,
        %swap3A_999 = vector.shape_cast %swap3A_998 : vector<16xf32> to vector<16xf32>
        %swap3A_1000 = vector.shape_cast %mul3A_996 : vector<16xf32> to vector<16xf32>
        tpu.vector_store %arg7[%swap3A_997], %swap3A_1000 {strides = array<i32>} : memref<256xf32, #tpu.memory_space<vmem>>, vector<16xf32>,
        %mul3A_1001 = arith.constant 4.8828125E-4 : f32
        %mul3A_1002 = vector.broadcast %mul3A_1001 : f32 to vector<16xf32>
        %mul3A_1003 = arith.mulf %scan3A_642#6, %mul3A_1002 : vector<16xf32>
        %swap3A_1004 = arith.constant 96 : index
        %swap3A_1005 = tpu.vector_load %arg7[%swap3A_1004] {strides = array<i32>} : memref<256xf32, #tpu.memory_space<vmem>>, vector<16xf32>,
        %swap3A_1006 = vector.shape_cast %swap3A_1005 : vector<16xf32> to vector<16xf32>
        %swap3A_1007 = vector.shape_cast %mul3A_1003 : vector<16xf32> to vector<16xf32>
        tpu.vector_store %arg7[%swap3A_1004], %swap3A_1007 {strides = array<i32>} : memref<256xf32, #tpu.memory_space<vmem>>, vector<16xf32>,
        %mul3A_1008 = arith.constant 4.8828125E-4 : f32
        %mul3A_1009 = vector.broadcast %mul3A_1008 : f32 to vector<16xf32>
        %mul3A_1010 = arith.mulf %scan3A_642#7, %mul3A_1009 : vector<16xf32>
        %swap3A_1011 = arith.constant 112 : index
        %swap3A_1012 = tpu.vector_load %arg7[%swap3A_1011] {strides = array<i32>} : memref<256xf32, #tpu.memory_space<vmem>>, vector<16xf32>,
        %swap3A_1013 = vector.shape_cast %swap3A_1012 : vector<16xf32> to vector<16xf32>
        %swap3A_1014 = vector.shape_cast %mul3A_1010 : vector<16xf32> to vector<16xf32>
        tpu.vector_store %arg7[%swap3A_1011], %swap3A_1014 {strides = array<i32>} : memref<256xf32, #tpu.memory_space<vmem>>, vector<16xf32>,
        %mul3A_1015 = arith.constant 4.8828125E-4 : f32
        %mul3A_1016 = vector.broadcast %mul3A_1015 : f32 to vector<16xf32>
        %mul3A_1017 = arith.mulf %scan3A_642#8, %mul3A_1016 : vector<16xf32>
        %swap3A_1018 = arith.constant 128 : index
        %swap3A_1019 = tpu.vector_load %arg7[%swap3A_1018] {strides = array<i32>} : memref<256xf32, #tpu.memory_space<vmem>>, vector<16xf32>,
        %swap3A_1020 = vector.shape_cast %swap3A_1019 : vector<16xf32> to vector<16xf32>
        %swap3A_1021 = vector.shape_cast %mul3A_1017 : vector<16xf32> to vector<16xf32>
        tpu.vector_store %arg7[%swap3A_1018], %swap3A_1021 {strides = array<i32>} : memref<256xf32, #tpu.memory_space<vmem>>, vector<16xf32>,
        %mul3A_1022 = arith.constant 4.8828125E-4 : f32
        %mul3A_1023 = vector.broadcast %mul3A_1022 : f32 to vector<16xf32>
        %mul3A_1024 = arith.mulf %scan3A_642#9, %mul3A_1023 : vector<16xf32>
        %swap3A_1025 = arith.constant 144 : index
        %swap3A_1026 = tpu.vector_load %arg7[%swap3A_1025] {strides = array<i32>} : memref<256xf32, #tpu.memory_space<vmem>>, vector<16xf32>,
        %swap3A_1027 = vector.shape_cast %swap3A_1026 : vector<16xf32> to vector<16xf32>
        %swap3A_1028 = vector.shape_cast %mul3A_1024 : vector<16xf32> to vector<16xf32>
        tpu.vector_store %arg7[%swap3A_1025], %swap3A_1028 {strides = array<i32>} : memref<256xf32, #tpu.memory_space<vmem>>, vector<16xf32>,
        %mul3A_1029 = arith.constant 4.8828125E-4 : f32
        %mul3A_1030 = vector.broadcast %mul3A_1029 : f32 to vector<16xf32>
        %mul3A_1031 = arith.mulf %scan3A_642#10, %mul3A_1030 : vector<16xf32>
        %swap3A_1032 = arith.constant 160 : index
        %swap3A_1033 = tpu.vector_load %arg7[%swap3A_1032] {strides = array<i32>} : memref<256xf32, #tpu.memory_space<vmem>>, vector<16xf32>,
        %swap3A_1034 = vector.shape_cast %swap3A_1033 : vector<16xf32> to vector<16xf32>
        %swap3A_1035 = vector.shape_cast %mul3A_1031 : vector<16xf32> to vector<16xf32>
        tpu.vector_store %arg7[%swap3A_1032], %swap3A_1035 {strides = array<i32>} : memref<256xf32, #tpu.memory_space<vmem>>, vector<16xf32>,
        %mul3A_1036 = arith.constant 4.8828125E-4 : f32
        %mul3A_1037 = vector.broadcast %mul3A_1036 : f32 to vector<16xf32>
        %mul3A_1038 = arith.mulf %scan3A_642#11, %mul3A_1037 : vector<16xf32>
        %swap3A_1039 = arith.constant 176 : index
        %swap3A_1040 = tpu.vector_load %arg7[%swap3A_1039] {strides = array<i32>} : memref<256xf32, #tpu.memory_space<vmem>>, vector<16xf32>,
        %swap3A_1041 = vector.shape_cast %swap3A_1040 : vector<16xf32> to vector<16xf32>
        %swap3A_1042 = vector.shape_cast %mul3A_1038 : vector<16xf32> to vector<16xf32>
        tpu.vector_store %arg7[%swap3A_1039], %swap3A_1042 {strides = array<i32>} : memref<256xf32, #tpu.memory_space<vmem>>, vector<16xf32>,
        %mul3A_1043 = arith.constant 4.8828125E-4 : f32
        %mul3A_1044 = vector.broadcast %mul3A_1043 : f32 to vector<16xf32>
        %mul3A_1045 = arith.mulf %scan3A_642#12, %mul3A_1044 : vector<16xf32>
        %swap3A_1046 = arith.constant 192 : index
        %swap3A_1047 = tpu.vector_load %arg7[%swap3A_1046] {strides = array<i32>} : memref<256xf32, #tpu.memory_space<vmem>>, vector<16xf32>,
        %swap3A_1048 = vector.shape_cast %swap3A_1047 : vector<16xf32> to vector<16xf32>
        %swap3A_1049 = vector.shape_cast %mul3A_1045 : vector<16xf32> to vector<16xf32>
        tpu.vector_store %arg7[%swap3A_1046], %swap3A_1049 {strides = array<i32>} : memref<256xf32, #tpu.memory_space<vmem>>, vector<16xf32>,
        %mul3A_1050 = arith.constant 4.8828125E-4 : f32
        %mul3A_1051 = vector.broadcast %mul3A_1050 : f32 to vector<16xf32>
        %mul3A_1052 = arith.mulf %scan3A_642#13, %mul3A_1051 : vector<16xf32>
        %swap3A_1053 = arith.constant 208 : index
        %swap3A_1054 = tpu.vector_load %arg7[%swap3A_1053] {strides = array<i32>} : memref<256xf32, #tpu.memory_space<vmem>>, vector<16xf32>,
        %swap3A_1055 = vector.shape_cast %swap3A_1054 : vector<16xf32> to vector<16xf32>
        %swap3A_1056 = vector.shape_cast %mul3A_1052 : vector<16xf32> to vector<16xf32>
        tpu.vector_store %arg7[%swap3A_1053], %swap3A_1056 {strides = array<i32>} : memref<256xf32, #tpu.memory_space<vmem>>, vector<16xf32>,
        %mul3A_1057 = arith.constant 4.8828125E-4 : f32
        %mul3A_1058 = vector.broadcast %mul3A_1057 : f32 to vector<16xf32>
        %mul3A_1059 = arith.mulf %scan3A_642#14, %mul3A_1058 : vector<16xf32>
        %swap3A_1060 = arith.constant 224 : index
        %swap3A_1061 = tpu.vector_load %arg7[%swap3A_1060] {strides = array<i32>} : memref<256xf32, #tpu.memory_space<vmem>>, vector<16xf32>,
        %swap3A_1062 = vector.shape_cast %swap3A_1061 : vector<16xf32> to vector<16xf32>
        %swap3A_1063 = vector.shape_cast %mul3A_1059 : vector<16xf32> to vector<16xf32>
        tpu.vector_store %arg7[%swap3A_1060], %swap3A_1063 {strides = array<i32>} : memref<256xf32, #tpu.memory_space<vmem>>, vector<16xf32>,
        %mul3A_1064 = arith.constant 4.8828125E-4 : f32
        %mul3A_1065 = vector.broadcast %mul3A_1064 : f32 to vector<16xf32>
        %mul3A_1066 = arith.mulf %scan3A_642#15, %mul3A_1065 : vector<16xf32>
        %swap3A_1067 = arith.constant 240 : index
        %swap3A_1068 = tpu.vector_load %arg7[%swap3A_1067] {strides = array<i32>} : memref<256xf32, #tpu.memory_space<vmem>>, vector<16xf32>,
        %swap3A_1069 = vector.shape_cast %swap3A_1068 : vector<16xf32> to vector<16xf32>
        %swap3A_1070 = vector.shape_cast %mul3A_1066 : vector<16xf32> to vector<16xf32>
        tpu.vector_store %arg7[%swap3A_1067], %swap3A_1070 {strides = array<i32>} : memref<256xf32, #tpu.memory_space<vmem>>, vector<16xf32>,
        %mul3A_1071 = arith.constant 4 : i32
        %mul3A_1072 = arith.muli %add3A, %mul3A_1071 : i32
        %add3A_1073 = arith.addi %mul3A_1072, %shift_right_logical3A_669 : i32
        "tpu.region"() ({
          %run_scoped3A = tpu.sem_alloc : memref<!tpu.dma_semaphore, #tpu.memory_space<semaphore_mem>>
          %dma_start3A_1074 = arith.constant 0 : i32
          %dma_start3A_1075 = tpu.memref_slice %arg4[%add3A_1073, %dma_start3A_1074] : memref<128x256xf32, #tpu.memory_space<hbm>> -> memref<1x256xf32, #tpu.memory_space<hbm>>
          %dma_start3A_1076 = tpu.memref_squeeze %dma_start3A_1075 : memref<1x256xf32, #tpu.memory_space<hbm>> -> memref<256xf32, #tpu.memory_space<hbm>>
          %dma_start3A_1077 = arith.constant 0 : i32
          %dma_start3A_1078 = tpu.memref_slice %arg4[%add3A_1073, %dma_start3A_1077] : memref<128x256xf32, #tpu.memory_space<hbm>> -> memref<1x256xf32, #tpu.memory_space<hbm>>
          %dma_start3A_1079 = tpu.memref_squeeze %dma_start3A_1078 : memref<1x256xf32, #tpu.memory_space<hbm>> -> memref<256xf32, #tpu.memory_space<hbm>>
          tpu.enqueue_dma source(%arg7 : memref<256xf32, #tpu.memory_space<vmem>>) target(%dma_start3A_1079 : memref<256xf32, #tpu.memory_space<hbm>>) target_semaphore(%run_scoped3A : memref<!tpu.dma_semaphore, #tpu.memory_space<semaphore_mem>>)
          %dma_wait3A_1080 = arith.constant 0 : i32
          %dma_wait3A_1081 = tpu.memref_slice %arg4[%add3A_1073, %dma_wait3A_1080] : memref<128x256xf32, #tpu.memory_space<hbm>> -> memref<1x256xf32, #tpu.memory_space<hbm>>
          %dma_wait3A_1082 = tpu.memref_squeeze %dma_wait3A_1081 : memref<1x256xf32, #tpu.memory_space<hbm>> -> memref<256xf32, #tpu.memory_space<hbm>>
          %dma_wait3A_1083 = arith.constant 0 : i32
          %dma_wait3A_1084 = tpu.memref_slice %arg4[%add3A_1073, %dma_wait3A_1083] : memref<128x256xf32, #tpu.memory_space<hbm>> -> memref<1x256xf32, #tpu.memory_space<hbm>>
          %dma_wait3A_1085 = tpu.memref_squeeze %dma_wait3A_1084 : memref<1x256xf32, #tpu.memory_space<hbm>> -> memref<256xf32, #tpu.memory_space<hbm>>
          tpu.wait_dma2 semaphore(%run_scoped3A : memref<!tpu.dma_semaphore, #tpu.memory_space<semaphore_mem>>) src(%arg7 : memref<256xf32, #tpu.memory_space<vmem>>) dst(%dma_wait3A_1085 : memref<256xf32, #tpu.memory_space<hbm>>)
          tpu.yield
        }) : () -> ()
      } else {
      }
      %jit3A_673 = arith.constant 0.000000e+00 : f32
      %jit3A_674 = arith.constant 1.000000e+00 : f32
      %select_n3A_675 = arith.select %eq3A_667, %jit3A_673, %jit3A_674 : f32
      %mul3A_676 = vector.broadcast %select_n3A_675 : f32 to vector<16xf32>
      %mul3A_677 = arith.mulf %scan3A_642#0, %mul3A_676 : vector<16xf32>
      %mul3A_678 = vector.broadcast %select_n3A_675 : f32 to vector<16xf32>
      %mul3A_679 = arith.mulf %scan3A_642#1, %mul3A_678 : vector<16xf32>
      %mul3A_680 = vector.broadcast %select_n3A_675 : f32 to vector<16xf32>
      %mul3A_681 = arith.mulf %scan3A_642#2, %mul3A_680 : vector<16xf32>
      %mul3A_682 = vector.broadcast %select_n3A_675 : f32 to vector<16xf32>
      %mul3A_683 = arith.mulf %scan3A_642#3, %mul3A_682 : vector<16xf32>
      %mul3A_684 = vector.broadcast %select_n3A_675 : f32 to vector<16xf32>
      %mul3A_685 = arith.mulf %scan3A_642#4, %mul3A_684 : vector<16xf32>
      %mul3A_686 = vector.broadcast %select_n3A_675 : f32 to vector<16xf32>
      %mul3A_687 = arith.mulf %scan3A_642#5, %mul3A_686 : vector<16xf32>
      %mul3A_688 = vector.broadcast %select_n3A_675 : f32 to vector<16xf32>
      %mul3A_689 = arith.mulf %scan3A_642#6, %mul3A_688 : vector<16xf32>
      %mul3A_690 = vector.broadcast %select_n3A_675 : f32 to vector<16xf32>
      %mul3A_691 = arith.mulf %scan3A_642#7, %mul3A_690 : vector<16xf32>
      %mul3A_692 = vector.broadcast %select_n3A_675 : f32 to vector<16xf32>
      %mul3A_693 = arith.mulf %scan3A_642#8, %mul3A_692 : vector<16xf32>
      %mul3A_694 = vector.broadcast %select_n3A_675 : f32 to vector<16xf32>
      %mul3A_695 = arith.mulf %scan3A_642#9, %mul3A_694 : vector<16xf32>
      %mul3A_696 = vector.broadcast %select_n3A_675 : f32 to vector<16xf32>
      %mul3A_697 = arith.mulf %scan3A_642#10, %mul3A_696 : vector<16xf32>
      %mul3A_698 = vector.broadcast %select_n3A_675 : f32 to vector<16xf32>
      %mul3A_699 = arith.mulf %scan3A_642#11, %mul3A_698 : vector<16xf32>
      %mul3A_700 = vector.broadcast %select_n3A_675 : f32 to vector<16xf32>
      %mul3A_701 = arith.mulf %scan3A_642#12, %mul3A_700 : vector<16xf32>
      %mul3A_702 = vector.broadcast %select_n3A_675 : f32 to vector<16xf32>
      %mul3A_703 = arith.mulf %scan3A_642#13, %mul3A_702 : vector<16xf32>
      %mul3A_704 = vector.broadcast %select_n3A_675 : f32 to vector<16xf32>
      %mul3A_705 = arith.mulf %scan3A_642#14, %mul3A_704 : vector<16xf32>
      %mul3A_706 = vector.broadcast %select_n3A_675 : f32 to vector<16xf32>
      %mul3A_707 = arith.mulf %scan3A_642#15, %mul3A_706 : vector<16xf32>
      %add3A_708 = arith.constant 5 : i32
      %add3A_709 = arith.addi %mul3A_293, %add3A_708 : i32
      %dma_wait3A_710 = arith.constant 0 : i32
      %dma_wait3A_711 = arith.constant 5 : i32
      %dma_wait3A_712 = arith.constant 0 : i32
      %dma_wait3A_713 = arith.constant 0 : i32
      %dma_wait3A_714 = tpu.memref_slice %arg6[%dma_wait3A_711, %dma_wait3A_712, %dma_wait3A_713] : memref<8x32x256xf32, #tpu.memory_space<vmem>> -> memref<1x32x256xf32, #tpu.memory_space<vmem>>
      %dma_wait3A_715 = tpu.memref_squeeze %dma_wait3A_714 : memref<1x32x256xf32, #tpu.memory_space<vmem>> -> memref<32x256xf32, #tpu.memory_space<vmem>>
      %dma_wait3A_716 = arith.constant 0 : i32
      %dma_wait3A_717 = tpu.memref_slice %arg5[%dma_wait3A_710, %dma_wait3A_716] : memref<4x2048xi32, #tpu.memory_space<vmem>> -> memref<1x32xi32, #tpu.memory_space<vmem>>
      %dma_wait3A_718 = tpu.memref_squeeze %dma_wait3A_717 : memref<1x32xi32, #tpu.memory_space<vmem>> -> memref<32xi32, #tpu.memory_space<vmem>>
      %dma_wait3A_719 = arith.constant 0 : i32
      %dma_wait3A_720 = arith.constant 0 : i32
      %dma_wait3A_721 = tpu.memref_slice %arg3[%dma_wait3A_719, %dma_wait3A_720] : memref<100000x256xf32, #tpu.memory_space<hbm>> -> memref<100000x256xf32, #tpu.memory_space<hbm>>
      tpu.wait_indirect_dma semaphore(%arg13 : memref<!tpu.dma_semaphore, #tpu.memory_space<semaphore_mem>>) src(%dma_wait3A_721 : memref<100000x256xf32, #tpu.memory_space<hbm>>) dst(%dma_wait3A_715 : memref<32x256xf32, #tpu.memory_space<vmem>>)
      %scan3A_722 = arith.constant 0 : i32
      %scan3A_723 = arith.constant 16 : i32
      %scan3A_724 = arith.addi %scan3A_722, %scan3A_723 : i32
      %scan3A_725 = arith.constant 1 : i32
      %scan3A_726:16 = scf.for %scan3A_960 = %scan3A_722 to %scan3A_724 step %scan3A_725 iter_args(%scan3A_961 = %mul3A_677, %scan3A_962 = %mul3A_679, %scan3A_963 = %mul3A_681, %scan3A_964 = %mul3A_683, %scan3A_965 = %mul3A_685, %scan3A_966 = %mul3A_687, %scan3A_967 = %mul3A_689, %scan3A_968 = %mul3A_691, %scan3A_969 = %mul3A_693, %scan3A_970 = %mul3A_695, %scan3A_971 = %mul3A_697, %scan3A_972 = %mul3A_699, %scan3A_973 = %mul3A_701, %scan3A_974 = %mul3A_703, %scan3A_975 = %mul3A_705, %scan3A_976 = %mul3A_707) -> (vector<16xf32>, vector<16xf32>, vector<16xf32>, vector<16xf32>, vector<16xf32>, vector<16xf32>, vector<16xf32>, vector<16xf32>, vector<16xf32>, vector<16xf32>, vector<16xf32>, vector<16xf32>, vector<16xf32>, vector<16xf32>, vector<16xf32>, vector<16xf32>)  : i32 {
        %mul3A_977 = arith.constant 2 : i32
        %mul3A_978 = arith.muli %scan3A_960, %mul3A_977 : i32
        %get3A = arith.constant 5 : i32
        %get3A_979 = arith.index_cast %get3A : i32 to index
        %get3A_980 = arith.index_cast %mul3A_978 : i32 to index
        %get3A_981 = arith.constant 0 : index
        %get3A_982 = tpu.vector_load %arg6[%get3A_979, %get3A_980, %get3A_981] {strides = array<i32>} : memref<8x32x256xf32, #tpu.memory_space<vmem>>, vector<1x1x16xf32>,
        %get3A_983 = vector.shape_cast %get3A_982 : vector<1x1x16xf32> to vector<16xf32>
        %add3A_984 = arith.addf %scan3A_961, %get3A_983 : vector<16xf32>
        %get3A_985 = arith.constant 5 : i32
        %get3A_986 = arith.index_cast %get3A_985 : i32 to index
        %get3A_987 = arith.index_cast %mul3A_978 : i32 to index
        %get3A_988 = arith.constant 16 : index
        %get3A_989 = tpu.vector_load %arg6[%get3A_986, %get3A_987, %get3A_988] {strides = array<i32>} : memref<8x32x256xf32, #tpu.memory_space<vmem>>, vector<1x1x16xf32>,
        %get3A_990 = vector.shape_cast %get3A_989 : vector<1x1x16xf32> to vector<16xf32>
        %add3A_991 = arith.addf %scan3A_962, %get3A_990 : vector<16xf32>
        %get3A_992 = arith.constant 5 : i32
        %get3A_993 = arith.index_cast %get3A_992 : i32 to index
        %get3A_994 = arith.index_cast %mul3A_978 : i32 to index
        %get3A_995 = arith.constant 32 : index
        %get3A_996 = tpu.vector_load %arg6[%get3A_993, %get3A_994, %get3A_995] {strides = array<i32>} : memref<8x32x256xf32, #tpu.memory_space<vmem>>, vector<1x1x16xf32>,
        %get3A_997 = vector.shape_cast %get3A_996 : vector<1x1x16xf32> to vector<16xf32>
        %add3A_998 = arith.addf %scan3A_963, %get3A_997 : vector<16xf32>
        %get3A_999 = arith.constant 5 : i32
        %get3A_1000 = arith.index_cast %get3A_999 : i32 to index
        %get3A_1001 = arith.index_cast %mul3A_978 : i32 to index
        %get3A_1002 = arith.constant 48 : index
        %get3A_1003 = tpu.vector_load %arg6[%get3A_1000, %get3A_1001, %get3A_1002] {strides = array<i32>} : memref<8x32x256xf32, #tpu.memory_space<vmem>>, vector<1x1x16xf32>,
        %get3A_1004 = vector.shape_cast %get3A_1003 : vector<1x1x16xf32> to vector<16xf32>
        %add3A_1005 = arith.addf %scan3A_964, %get3A_1004 : vector<16xf32>
        %get3A_1006 = arith.constant 5 : i32
        %get3A_1007 = arith.index_cast %get3A_1006 : i32 to index
        %get3A_1008 = arith.index_cast %mul3A_978 : i32 to index
        %get3A_1009 = arith.constant 64 : index
        %get3A_1010 = tpu.vector_load %arg6[%get3A_1007, %get3A_1008, %get3A_1009] {strides = array<i32>} : memref<8x32x256xf32, #tpu.memory_space<vmem>>, vector<1x1x16xf32>,
        %get3A_1011 = vector.shape_cast %get3A_1010 : vector<1x1x16xf32> to vector<16xf32>
        %add3A_1012 = arith.addf %scan3A_965, %get3A_1011 : vector<16xf32>
        %get3A_1013 = arith.constant 5 : i32
        %get3A_1014 = arith.index_cast %get3A_1013 : i32 to index
        %get3A_1015 = arith.index_cast %mul3A_978 : i32 to index
        %get3A_1016 = arith.constant 80 : index
        %get3A_1017 = tpu.vector_load %arg6[%get3A_1014, %get3A_1015, %get3A_1016] {strides = array<i32>} : memref<8x32x256xf32, #tpu.memory_space<vmem>>, vector<1x1x16xf32>,
        %get3A_1018 = vector.shape_cast %get3A_1017 : vector<1x1x16xf32> to vector<16xf32>
        %add3A_1019 = arith.addf %scan3A_966, %get3A_1018 : vector<16xf32>
        %get3A_1020 = arith.constant 5 : i32
        %get3A_1021 = arith.index_cast %get3A_1020 : i32 to index
        %get3A_1022 = arith.index_cast %mul3A_978 : i32 to index
        %get3A_1023 = arith.constant 96 : index
        %get3A_1024 = tpu.vector_load %arg6[%get3A_1021, %get3A_1022, %get3A_1023] {strides = array<i32>} : memref<8x32x256xf32, #tpu.memory_space<vmem>>, vector<1x1x16xf32>,
        %get3A_1025 = vector.shape_cast %get3A_1024 : vector<1x1x16xf32> to vector<16xf32>
        %add3A_1026 = arith.addf %scan3A_967, %get3A_1025 : vector<16xf32>
        %get3A_1027 = arith.constant 5 : i32
        %get3A_1028 = arith.index_cast %get3A_1027 : i32 to index
        %get3A_1029 = arith.index_cast %mul3A_978 : i32 to index
        %get3A_1030 = arith.constant 112 : index
        %get3A_1031 = tpu.vector_load %arg6[%get3A_1028, %get3A_1029, %get3A_1030] {strides = array<i32>} : memref<8x32x256xf32, #tpu.memory_space<vmem>>, vector<1x1x16xf32>,
        %get3A_1032 = vector.shape_cast %get3A_1031 : vector<1x1x16xf32> to vector<16xf32>
        %add3A_1033 = arith.addf %scan3A_968, %get3A_1032 : vector<16xf32>
        %get3A_1034 = arith.constant 5 : i32
        %get3A_1035 = arith.index_cast %get3A_1034 : i32 to index
        %get3A_1036 = arith.index_cast %mul3A_978 : i32 to index
        %get3A_1037 = arith.constant 128 : index
        %get3A_1038 = tpu.vector_load %arg6[%get3A_1035, %get3A_1036, %get3A_1037] {strides = array<i32>} : memref<8x32x256xf32, #tpu.memory_space<vmem>>, vector<1x1x16xf32>,
        %get3A_1039 = vector.shape_cast %get3A_1038 : vector<1x1x16xf32> to vector<16xf32>
        %add3A_1040 = arith.addf %scan3A_969, %get3A_1039 : vector<16xf32>
        %get3A_1041 = arith.constant 5 : i32
        %get3A_1042 = arith.index_cast %get3A_1041 : i32 to index
        %get3A_1043 = arith.index_cast %mul3A_978 : i32 to index
        %get3A_1044 = arith.constant 144 : index
        %get3A_1045 = tpu.vector_load %arg6[%get3A_1042, %get3A_1043, %get3A_1044] {strides = array<i32>} : memref<8x32x256xf32, #tpu.memory_space<vmem>>, vector<1x1x16xf32>,
        %get3A_1046 = vector.shape_cast %get3A_1045 : vector<1x1x16xf32> to vector<16xf32>
        %add3A_1047 = arith.addf %scan3A_970, %get3A_1046 : vector<16xf32>
        %get3A_1048 = arith.constant 5 : i32
        %get3A_1049 = arith.index_cast %get3A_1048 : i32 to index
        %get3A_1050 = arith.index_cast %mul3A_978 : i32 to index
        %get3A_1051 = arith.constant 160 : index
        %get3A_1052 = tpu.vector_load %arg6[%get3A_1049, %get3A_1050, %get3A_1051] {strides = array<i32>} : memref<8x32x256xf32, #tpu.memory_space<vmem>>, vector<1x1x16xf32>,
        %get3A_1053 = vector.shape_cast %get3A_1052 : vector<1x1x16xf32> to vector<16xf32>
        %add3A_1054 = arith.addf %scan3A_971, %get3A_1053 : vector<16xf32>
        %get3A_1055 = arith.constant 5 : i32
        %get3A_1056 = arith.index_cast %get3A_1055 : i32 to index
        %get3A_1057 = arith.index_cast %mul3A_978 : i32 to index
        %get3A_1058 = arith.constant 176 : index
        %get3A_1059 = tpu.vector_load %arg6[%get3A_1056, %get3A_1057, %get3A_1058] {strides = array<i32>} : memref<8x32x256xf32, #tpu.memory_space<vmem>>, vector<1x1x16xf32>,
        %get3A_1060 = vector.shape_cast %get3A_1059 : vector<1x1x16xf32> to vector<16xf32>
        %add3A_1061 = arith.addf %scan3A_972, %get3A_1060 : vector<16xf32>
        %get3A_1062 = arith.constant 5 : i32
        %get3A_1063 = arith.index_cast %get3A_1062 : i32 to index
        %get3A_1064 = arith.index_cast %mul3A_978 : i32 to index
        %get3A_1065 = arith.constant 192 : index
        %get3A_1066 = tpu.vector_load %arg6[%get3A_1063, %get3A_1064, %get3A_1065] {strides = array<i32>} : memref<8x32x256xf32, #tpu.memory_space<vmem>>, vector<1x1x16xf32>,
        %get3A_1067 = vector.shape_cast %get3A_1066 : vector<1x1x16xf32> to vector<16xf32>
        %add3A_1068 = arith.addf %scan3A_973, %get3A_1067 : vector<16xf32>
        %get3A_1069 = arith.constant 5 : i32
        %get3A_1070 = arith.index_cast %get3A_1069 : i32 to index
        %get3A_1071 = arith.index_cast %mul3A_978 : i32 to index
        %get3A_1072 = arith.constant 208 : index
        %get3A_1073 = tpu.vector_load %arg6[%get3A_1070, %get3A_1071, %get3A_1072] {strides = array<i32>} : memref<8x32x256xf32, #tpu.memory_space<vmem>>, vector<1x1x16xf32>,
        %get3A_1074 = vector.shape_cast %get3A_1073 : vector<1x1x16xf32> to vector<16xf32>
        %add3A_1075 = arith.addf %scan3A_974, %get3A_1074 : vector<16xf32>
        %get3A_1076 = arith.constant 5 : i32
        %get3A_1077 = arith.index_cast %get3A_1076 : i32 to index
        %get3A_1078 = arith.index_cast %mul3A_978 : i32 to index
        %get3A_1079 = arith.constant 224 : index
        %get3A_1080 = tpu.vector_load %arg6[%get3A_1077, %get3A_1078, %get3A_1079] {strides = array<i32>} : memref<8x32x256xf32, #tpu.memory_space<vmem>>, vector<1x1x16xf32>,
        %get3A_1081 = vector.shape_cast %get3A_1080 : vector<1x1x16xf32> to vector<16xf32>
        %add3A_1082 = arith.addf %scan3A_975, %get3A_1081 : vector<16xf32>
        %get3A_1083 = arith.constant 5 : i32
        %get3A_1084 = arith.index_cast %get3A_1083 : i32 to index
        %get3A_1085 = arith.index_cast %mul3A_978 : i32 to index
        %get3A_1086 = arith.constant 240 : index
        %get3A_1087 = tpu.vector_load %arg6[%get3A_1084, %get3A_1085, %get3A_1086] {strides = array<i32>} : memref<8x32x256xf32, #tpu.memory_space<vmem>>, vector<1x1x16xf32>,
        %get3A_1088 = vector.shape_cast %get3A_1087 : vector<1x1x16xf32> to vector<16xf32>
        %add3A_1089 = arith.addf %scan3A_976, %get3A_1088 : vector<16xf32>
        %add3A_1090 = arith.constant 1 : i32
        %add3A_1091 = arith.addi %mul3A_978, %add3A_1090 : i32
        %get3A_1092 = arith.constant 5 : i32
        %get3A_1093 = arith.index_cast %get3A_1092 : i32 to index
        %get3A_1094 = arith.index_cast %add3A_1091 : i32 to index
        %get3A_1095 = arith.constant 0 : index
        %get3A_1096 = tpu.vector_load %arg6[%get3A_1093, %get3A_1094, %get3A_1095] {strides = array<i32>} : memref<8x32x256xf32, #tpu.memory_space<vmem>>, vector<1x1x16xf32>,
        %get3A_1097 = vector.shape_cast %get3A_1096 : vector<1x1x16xf32> to vector<16xf32>
        %add3A_1098 = arith.addf %add3A_984, %get3A_1097 : vector<16xf32>
        %add3A_1099 = arith.constant 1 : i32
        %add3A_1100 = arith.addi %mul3A_978, %add3A_1099 : i32
        %get3A_1101 = arith.constant 5 : i32
        %get3A_1102 = arith.index_cast %get3A_1101 : i32 to index
        %get3A_1103 = arith.index_cast %add3A_1100 : i32 to index
        %get3A_1104 = arith.constant 16 : index
        %get3A_1105 = tpu.vector_load %arg6[%get3A_1102, %get3A_1103, %get3A_1104] {strides = array<i32>} : memref<8x32x256xf32, #tpu.memory_space<vmem>>, vector<1x1x16xf32>,
        %get3A_1106 = vector.shape_cast %get3A_1105 : vector<1x1x16xf32> to vector<16xf32>
        %add3A_1107 = arith.addf %add3A_991, %get3A_1106 : vector<16xf32>
        %add3A_1108 = arith.constant 1 : i32
        %add3A_1109 = arith.addi %mul3A_978, %add3A_1108 : i32
        %get3A_1110 = arith.constant 5 : i32
        %get3A_1111 = arith.index_cast %get3A_1110 : i32 to index
        %get3A_1112 = arith.index_cast %add3A_1109 : i32 to index
        %get3A_1113 = arith.constant 32 : index
        %get3A_1114 = tpu.vector_load %arg6[%get3A_1111, %get3A_1112, %get3A_1113] {strides = array<i32>} : memref<8x32x256xf32, #tpu.memory_space<vmem>>, vector<1x1x16xf32>,
        %get3A_1115 = vector.shape_cast %get3A_1114 : vector<1x1x16xf32> to vector<16xf32>
        %add3A_1116 = arith.addf %add3A_998, %get3A_1115 : vector<16xf32>
        %add3A_1117 = arith.constant 1 : i32
        %add3A_1118 = arith.addi %mul3A_978, %add3A_1117 : i32
        %get3A_1119 = arith.constant 5 : i32
        %get3A_1120 = arith.index_cast %get3A_1119 : i32 to index
        %get3A_1121 = arith.index_cast %add3A_1118 : i32 to index
        %get3A_1122 = arith.constant 48 : index
        %get3A_1123 = tpu.vector_load %arg6[%get3A_1120, %get3A_1121, %get3A_1122] {strides = array<i32>} : memref<8x32x256xf32, #tpu.memory_space<vmem>>, vector<1x1x16xf32>,
        %get3A_1124 = vector.shape_cast %get3A_1123 : vector<1x1x16xf32> to vector<16xf32>
        %add3A_1125 = arith.addf %add3A_1005, %get3A_1124 : vector<16xf32>
        %add3A_1126 = arith.constant 1 : i32
        %add3A_1127 = arith.addi %mul3A_978, %add3A_1126 : i32
        %get3A_1128 = arith.constant 5 : i32
        %get3A_1129 = arith.index_cast %get3A_1128 : i32 to index
        %get3A_1130 = arith.index_cast %add3A_1127 : i32 to index
        %get3A_1131 = arith.constant 64 : index
        %get3A_1132 = tpu.vector_load %arg6[%get3A_1129, %get3A_1130, %get3A_1131] {strides = array<i32>} : memref<8x32x256xf32, #tpu.memory_space<vmem>>, vector<1x1x16xf32>,
        %get3A_1133 = vector.shape_cast %get3A_1132 : vector<1x1x16xf32> to vector<16xf32>
        %add3A_1134 = arith.addf %add3A_1012, %get3A_1133 : vector<16xf32>
        %add3A_1135 = arith.constant 1 : i32
        %add3A_1136 = arith.addi %mul3A_978, %add3A_1135 : i32
        %get3A_1137 = arith.constant 5 : i32
        %get3A_1138 = arith.index_cast %get3A_1137 : i32 to index
        %get3A_1139 = arith.index_cast %add3A_1136 : i32 to index
        %get3A_1140 = arith.constant 80 : index
        %get3A_1141 = tpu.vector_load %arg6[%get3A_1138, %get3A_1139, %get3A_1140] {strides = array<i32>} : memref<8x32x256xf32, #tpu.memory_space<vmem>>, vector<1x1x16xf32>,
        %get3A_1142 = vector.shape_cast %get3A_1141 : vector<1x1x16xf32> to vector<16xf32>
        %add3A_1143 = arith.addf %add3A_1019, %get3A_1142 : vector<16xf32>
        %add3A_1144 = arith.constant 1 : i32
        %add3A_1145 = arith.addi %mul3A_978, %add3A_1144 : i32
        %get3A_1146 = arith.constant 5 : i32
        %get3A_1147 = arith.index_cast %get3A_1146 : i32 to index
        %get3A_1148 = arith.index_cast %add3A_1145 : i32 to index
        %get3A_1149 = arith.constant 96 : index
        %get3A_1150 = tpu.vector_load %arg6[%get3A_1147, %get3A_1148, %get3A_1149] {strides = array<i32>} : memref<8x32x256xf32, #tpu.memory_space<vmem>>, vector<1x1x16xf32>,
        %get3A_1151 = vector.shape_cast %get3A_1150 : vector<1x1x16xf32> to vector<16xf32>
        %add3A_1152 = arith.addf %add3A_1026, %get3A_1151 : vector<16xf32>
        %add3A_1153 = arith.constant 1 : i32
        %add3A_1154 = arith.addi %mul3A_978, %add3A_1153 : i32
        %get3A_1155 = arith.constant 5 : i32
        %get3A_1156 = arith.index_cast %get3A_1155 : i32 to index
        %get3A_1157 = arith.index_cast %add3A_1154 : i32 to index
        %get3A_1158 = arith.constant 112 : index
        %get3A_1159 = tpu.vector_load %arg6[%get3A_1156, %get3A_1157, %get3A_1158] {strides = array<i32>} : memref<8x32x256xf32, #tpu.memory_space<vmem>>, vector<1x1x16xf32>,
        %get3A_1160 = vector.shape_cast %get3A_1159 : vector<1x1x16xf32> to vector<16xf32>
        %add3A_1161 = arith.addf %add3A_1033, %get3A_1160 : vector<16xf32>
        %add3A_1162 = arith.constant 1 : i32
        %add3A_1163 = arith.addi %mul3A_978, %add3A_1162 : i32
        %get3A_1164 = arith.constant 5 : i32
        %get3A_1165 = arith.index_cast %get3A_1164 : i32 to index
        %get3A_1166 = arith.index_cast %add3A_1163 : i32 to index
        %get3A_1167 = arith.constant 128 : index
        %get3A_1168 = tpu.vector_load %arg6[%get3A_1165, %get3A_1166, %get3A_1167] {strides = array<i32>} : memref<8x32x256xf32, #tpu.memory_space<vmem>>, vector<1x1x16xf32>,
        %get3A_1169 = vector.shape_cast %get3A_1168 : vector<1x1x16xf32> to vector<16xf32>
        %add3A_1170 = arith.addf %add3A_1040, %get3A_1169 : vector<16xf32>
        %add3A_1171 = arith.constant 1 : i32
        %add3A_1172 = arith.addi %mul3A_978, %add3A_1171 : i32
        %get3A_1173 = arith.constant 5 : i32
        %get3A_1174 = arith.index_cast %get3A_1173 : i32 to index
        %get3A_1175 = arith.index_cast %add3A_1172 : i32 to index
        %get3A_1176 = arith.constant 144 : index
        %get3A_1177 = tpu.vector_load %arg6[%get3A_1174, %get3A_1175, %get3A_1176] {strides = array<i32>} : memref<8x32x256xf32, #tpu.memory_space<vmem>>, vector<1x1x16xf32>,
        %get3A_1178 = vector.shape_cast %get3A_1177 : vector<1x1x16xf32> to vector<16xf32>
        %add3A_1179 = arith.addf %add3A_1047, %get3A_1178 : vector<16xf32>
        %add3A_1180 = arith.constant 1 : i32
        %add3A_1181 = arith.addi %mul3A_978, %add3A_1180 : i32
        %get3A_1182 = arith.constant 5 : i32
        %get3A_1183 = arith.index_cast %get3A_1182 : i32 to index
        %get3A_1184 = arith.index_cast %add3A_1181 : i32 to index
        %get3A_1185 = arith.constant 160 : index
        %get3A_1186 = tpu.vector_load %arg6[%get3A_1183, %get3A_1184, %get3A_1185] {strides = array<i32>} : memref<8x32x256xf32, #tpu.memory_space<vmem>>, vector<1x1x16xf32>,
        %get3A_1187 = vector.shape_cast %get3A_1186 : vector<1x1x16xf32> to vector<16xf32>
        %add3A_1188 = arith.addf %add3A_1054, %get3A_1187 : vector<16xf32>
        %add3A_1189 = arith.constant 1 : i32
        %add3A_1190 = arith.addi %mul3A_978, %add3A_1189 : i32
        %get3A_1191 = arith.constant 5 : i32
        %get3A_1192 = arith.index_cast %get3A_1191 : i32 to index
        %get3A_1193 = arith.index_cast %add3A_1190 : i32 to index
        %get3A_1194 = arith.constant 176 : index
        %get3A_1195 = tpu.vector_load %arg6[%get3A_1192, %get3A_1193, %get3A_1194] {strides = array<i32>} : memref<8x32x256xf32, #tpu.memory_space<vmem>>, vector<1x1x16xf32>,
        %get3A_1196 = vector.shape_cast %get3A_1195 : vector<1x1x16xf32> to vector<16xf32>
        %add3A_1197 = arith.addf %add3A_1061, %get3A_1196 : vector<16xf32>
        %add3A_1198 = arith.constant 1 : i32
        %add3A_1199 = arith.addi %mul3A_978, %add3A_1198 : i32
        %get3A_1200 = arith.constant 5 : i32
        %get3A_1201 = arith.index_cast %get3A_1200 : i32 to index
        %get3A_1202 = arith.index_cast %add3A_1199 : i32 to index
        %get3A_1203 = arith.constant 192 : index
        %get3A_1204 = tpu.vector_load %arg6[%get3A_1201, %get3A_1202, %get3A_1203] {strides = array<i32>} : memref<8x32x256xf32, #tpu.memory_space<vmem>>, vector<1x1x16xf32>,
        %get3A_1205 = vector.shape_cast %get3A_1204 : vector<1x1x16xf32> to vector<16xf32>
        %add3A_1206 = arith.addf %add3A_1068, %get3A_1205 : vector<16xf32>
        %add3A_1207 = arith.constant 1 : i32
        %add3A_1208 = arith.addi %mul3A_978, %add3A_1207 : i32
        %get3A_1209 = arith.constant 5 : i32
        %get3A_1210 = arith.index_cast %get3A_1209 : i32 to index
        %get3A_1211 = arith.index_cast %add3A_1208 : i32 to index
        %get3A_1212 = arith.constant 208 : index
        %get3A_1213 = tpu.vector_load %arg6[%get3A_1210, %get3A_1211, %get3A_1212] {strides = array<i32>} : memref<8x32x256xf32, #tpu.memory_space<vmem>>, vector<1x1x16xf32>,
        %get3A_1214 = vector.shape_cast %get3A_1213 : vector<1x1x16xf32> to vector<16xf32>
        %add3A_1215 = arith.addf %add3A_1075, %get3A_1214 : vector<16xf32>
        %add3A_1216 = arith.constant 1 : i32
        %add3A_1217 = arith.addi %mul3A_978, %add3A_1216 : i32
        %get3A_1218 = arith.constant 5 : i32
        %get3A_1219 = arith.index_cast %get3A_1218 : i32 to index
        %get3A_1220 = arith.index_cast %add3A_1217 : i32 to index
        %get3A_1221 = arith.constant 224 : index
        %get3A_1222 = tpu.vector_load %arg6[%get3A_1219, %get3A_1220, %get3A_1221] {strides = array<i32>} : memref<8x32x256xf32, #tpu.memory_space<vmem>>, vector<1x1x16xf32>,
        %get3A_1223 = vector.shape_cast %get3A_1222 : vector<1x1x16xf32> to vector<16xf32>
        %add3A_1224 = arith.addf %add3A_1082, %get3A_1223 : vector<16xf32>
        %add3A_1225 = arith.constant 1 : i32
        %add3A_1226 = arith.addi %mul3A_978, %add3A_1225 : i32
        %get3A_1227 = arith.constant 5 : i32
        %get3A_1228 = arith.index_cast %get3A_1227 : i32 to index
        %get3A_1229 = arith.index_cast %add3A_1226 : i32 to index
        %get3A_1230 = arith.constant 240 : index
        %get3A_1231 = tpu.vector_load %arg6[%get3A_1228, %get3A_1229, %get3A_1230] {strides = array<i32>} : memref<8x32x256xf32, #tpu.memory_space<vmem>>, vector<1x1x16xf32>,
        %get3A_1232 = vector.shape_cast %get3A_1231 : vector<1x1x16xf32> to vector<16xf32>
        %add3A_1233 = arith.addf %add3A_1089, %get3A_1232 : vector<16xf32>
        scf.yield %add3A_1098, %add3A_1107, %add3A_1116, %add3A_1125, %add3A_1134, %add3A_1143, %add3A_1152, %add3A_1161, %add3A_1170, %add3A_1179, %add3A_1188, %add3A_1197, %add3A_1206, %add3A_1215, %add3A_1224, %add3A_1233 : vector<16xf32>, vector<16xf32>, vector<16xf32>, vector<16xf32>, vector<16xf32>, vector<16xf32>, vector<16xf32>, vector<16xf32>, vector<16xf32>, vector<16xf32>, vector<16xf32>, vector<16xf32>, vector<16xf32>, vector<16xf32>, vector<16xf32>, vector<16xf32>
      }
      %scan3A_727 = arith.constant 16 : i32
      %add3A_728 = arith.constant 8 : i32
      %add3A_729 = arith.addi %add3A_709, %add3A_728 : i32
      %min3A_730 = arith.constant 255 : i32
      %min3A_731 = arith.minsi %add3A_729, %min3A_730 : i32
      %shift_right_logical3A_732 = arith.constant 6 : i32
      %shift_right_logical3A_733 = arith.shrui %min3A_731, %shift_right_logical3A_732 : i32
      %and3A_734 = arith.constant 63 : i32
      %and3A_735 = arith.andi %min3A_731, %and3A_734 : i32
      %mul3A_736 = arith.constant 32 : i32
      %mul3A_737 = arith.muli %and3A_735, %mul3A_736 : i32
      %dma_start3A_738 = arith.constant 5 : i32
      %dma_start3A_739 = arith.constant 0 : i32
      %dma_start3A_740 = arith.constant 0 : i32
      %dma_start3A_741 = tpu.memref_slice %arg6[%dma_start3A_738, %dma_start3A_739, %dma_start3A_740] : memref<8x32x256xf32, #tpu.memory_space<vmem>> -> memref<1x32x256xf32, #tpu.memory_space<vmem>>
      %dma_start3A_742 = tpu.memref_squeeze %dma_start3A_741 : memref<1x32x256xf32, #tpu.memory_space<vmem>> -> memref<32x256xf32, #tpu.memory_space<vmem>>
      %dma_start3A_743 = tpu.memref_slice %arg5[%shift_right_logical3A_733, %mul3A_737] : memref<4x2048xi32, #tpu.memory_space<vmem>> -> memref<1x32xi32, #tpu.memory_space<vmem>>
      %dma_start3A_744 = tpu.memref_squeeze %dma_start3A_743 : memref<1x32xi32, #tpu.memory_space<vmem>> -> memref<32xi32, #tpu.memory_space<vmem>>
      %dma_start3A_745 = arith.constant 0 : i32
      %dma_start3A_746 = arith.constant 0 : i32
      %dma_start3A_747 = tpu.memref_slice %arg3[%dma_start3A_745, %dma_start3A_746] : memref<100000x256xf32, #tpu.memory_space<hbm>> -> memref<100000x256xf32, #tpu.memory_space<hbm>>
      tpu.enqueue_indirect_dma source(%dma_start3A_747 : memref<100000x256xf32, #tpu.memory_space<hbm>>) target(%dma_start3A_742 : memref<32x256xf32, #tpu.memory_space<vmem>>) offsets(%dma_start3A_744 : memref<32xi32, #tpu.memory_space<vmem>>) semaphore(%arg13 : memref<!tpu.dma_semaphore, #tpu.memory_space<semaphore_mem>>)
      %and3A_748 = arith.constant 63 : i32
      %and3A_749 = arith.andi %add3A_709, %and3A_748 : i32
      %eq3A_750 = arith.constant 63 : i32
      %eq3A_751 = arith.cmpi eq, %and3A_749, %eq3A_750 : i32
      %shift_right_logical3A_752 = arith.constant 6 : i32
      %shift_right_logical3A_753 = arith.shrui %add3A_709, %shift_right_logical3A_752 : i32
      %convert_element_type3A_754 = arith.extui %eq3A_751 : i1 to i32
      %cond3A_755 = arith.constant 0 : i32
      %cond3A_756 = arith.cmpi ne, %convert_element_type3A_754, %cond3A_755 : i32
      scf.if %cond3A_756 {
        %mul3A_960 = arith.constant 4.8828125E-4 : f32
        %mul3A_961 = vector.broadcast %mul3A_960 : f32 to vector<16xf32>
        %mul3A_962 = arith.mulf %scan3A_726#0, %mul3A_961 : vector<16xf32>
        %swap3A = arith.constant 0 : index
        %swap3A_963 = tpu.vector_load %arg7[%swap3A] {strides = array<i32>} : memref<256xf32, #tpu.memory_space<vmem>>, vector<16xf32>,
        %swap3A_964 = vector.shape_cast %swap3A_963 : vector<16xf32> to vector<16xf32>
        %swap3A_965 = vector.shape_cast %mul3A_962 : vector<16xf32> to vector<16xf32>
        tpu.vector_store %arg7[%swap3A], %swap3A_965 {strides = array<i32>} : memref<256xf32, #tpu.memory_space<vmem>>, vector<16xf32>,
        %mul3A_966 = arith.constant 4.8828125E-4 : f32
        %mul3A_967 = vector.broadcast %mul3A_966 : f32 to vector<16xf32>
        %mul3A_968 = arith.mulf %scan3A_726#1, %mul3A_967 : vector<16xf32>
        %swap3A_969 = arith.constant 16 : index
        %swap3A_970 = tpu.vector_load %arg7[%swap3A_969] {strides = array<i32>} : memref<256xf32, #tpu.memory_space<vmem>>, vector<16xf32>,
        %swap3A_971 = vector.shape_cast %swap3A_970 : vector<16xf32> to vector<16xf32>
        %swap3A_972 = vector.shape_cast %mul3A_968 : vector<16xf32> to vector<16xf32>
        tpu.vector_store %arg7[%swap3A_969], %swap3A_972 {strides = array<i32>} : memref<256xf32, #tpu.memory_space<vmem>>, vector<16xf32>,
        %mul3A_973 = arith.constant 4.8828125E-4 : f32
        %mul3A_974 = vector.broadcast %mul3A_973 : f32 to vector<16xf32>
        %mul3A_975 = arith.mulf %scan3A_726#2, %mul3A_974 : vector<16xf32>
        %swap3A_976 = arith.constant 32 : index
        %swap3A_977 = tpu.vector_load %arg7[%swap3A_976] {strides = array<i32>} : memref<256xf32, #tpu.memory_space<vmem>>, vector<16xf32>,
        %swap3A_978 = vector.shape_cast %swap3A_977 : vector<16xf32> to vector<16xf32>
        %swap3A_979 = vector.shape_cast %mul3A_975 : vector<16xf32> to vector<16xf32>
        tpu.vector_store %arg7[%swap3A_976], %swap3A_979 {strides = array<i32>} : memref<256xf32, #tpu.memory_space<vmem>>, vector<16xf32>,
        %mul3A_980 = arith.constant 4.8828125E-4 : f32
        %mul3A_981 = vector.broadcast %mul3A_980 : f32 to vector<16xf32>
        %mul3A_982 = arith.mulf %scan3A_726#3, %mul3A_981 : vector<16xf32>
        %swap3A_983 = arith.constant 48 : index
        %swap3A_984 = tpu.vector_load %arg7[%swap3A_983] {strides = array<i32>} : memref<256xf32, #tpu.memory_space<vmem>>, vector<16xf32>,
        %swap3A_985 = vector.shape_cast %swap3A_984 : vector<16xf32> to vector<16xf32>
        %swap3A_986 = vector.shape_cast %mul3A_982 : vector<16xf32> to vector<16xf32>
        tpu.vector_store %arg7[%swap3A_983], %swap3A_986 {strides = array<i32>} : memref<256xf32, #tpu.memory_space<vmem>>, vector<16xf32>,
        %mul3A_987 = arith.constant 4.8828125E-4 : f32
        %mul3A_988 = vector.broadcast %mul3A_987 : f32 to vector<16xf32>
        %mul3A_989 = arith.mulf %scan3A_726#4, %mul3A_988 : vector<16xf32>
        %swap3A_990 = arith.constant 64 : index
        %swap3A_991 = tpu.vector_load %arg7[%swap3A_990] {strides = array<i32>} : memref<256xf32, #tpu.memory_space<vmem>>, vector<16xf32>,
        %swap3A_992 = vector.shape_cast %swap3A_991 : vector<16xf32> to vector<16xf32>
        %swap3A_993 = vector.shape_cast %mul3A_989 : vector<16xf32> to vector<16xf32>
        tpu.vector_store %arg7[%swap3A_990], %swap3A_993 {strides = array<i32>} : memref<256xf32, #tpu.memory_space<vmem>>, vector<16xf32>,
        %mul3A_994 = arith.constant 4.8828125E-4 : f32
        %mul3A_995 = vector.broadcast %mul3A_994 : f32 to vector<16xf32>
        %mul3A_996 = arith.mulf %scan3A_726#5, %mul3A_995 : vector<16xf32>
        %swap3A_997 = arith.constant 80 : index
        %swap3A_998 = tpu.vector_load %arg7[%swap3A_997] {strides = array<i32>} : memref<256xf32, #tpu.memory_space<vmem>>, vector<16xf32>,
        %swap3A_999 = vector.shape_cast %swap3A_998 : vector<16xf32> to vector<16xf32>
        %swap3A_1000 = vector.shape_cast %mul3A_996 : vector<16xf32> to vector<16xf32>
        tpu.vector_store %arg7[%swap3A_997], %swap3A_1000 {strides = array<i32>} : memref<256xf32, #tpu.memory_space<vmem>>, vector<16xf32>,
        %mul3A_1001 = arith.constant 4.8828125E-4 : f32
        %mul3A_1002 = vector.broadcast %mul3A_1001 : f32 to vector<16xf32>
        %mul3A_1003 = arith.mulf %scan3A_726#6, %mul3A_1002 : vector<16xf32>
        %swap3A_1004 = arith.constant 96 : index
        %swap3A_1005 = tpu.vector_load %arg7[%swap3A_1004] {strides = array<i32>} : memref<256xf32, #tpu.memory_space<vmem>>, vector<16xf32>,
        %swap3A_1006 = vector.shape_cast %swap3A_1005 : vector<16xf32> to vector<16xf32>
        %swap3A_1007 = vector.shape_cast %mul3A_1003 : vector<16xf32> to vector<16xf32>
        tpu.vector_store %arg7[%swap3A_1004], %swap3A_1007 {strides = array<i32>} : memref<256xf32, #tpu.memory_space<vmem>>, vector<16xf32>,
        %mul3A_1008 = arith.constant 4.8828125E-4 : f32
        %mul3A_1009 = vector.broadcast %mul3A_1008 : f32 to vector<16xf32>
        %mul3A_1010 = arith.mulf %scan3A_726#7, %mul3A_1009 : vector<16xf32>
        %swap3A_1011 = arith.constant 112 : index
        %swap3A_1012 = tpu.vector_load %arg7[%swap3A_1011] {strides = array<i32>} : memref<256xf32, #tpu.memory_space<vmem>>, vector<16xf32>,
        %swap3A_1013 = vector.shape_cast %swap3A_1012 : vector<16xf32> to vector<16xf32>
        %swap3A_1014 = vector.shape_cast %mul3A_1010 : vector<16xf32> to vector<16xf32>
        tpu.vector_store %arg7[%swap3A_1011], %swap3A_1014 {strides = array<i32>} : memref<256xf32, #tpu.memory_space<vmem>>, vector<16xf32>,
        %mul3A_1015 = arith.constant 4.8828125E-4 : f32
        %mul3A_1016 = vector.broadcast %mul3A_1015 : f32 to vector<16xf32>
        %mul3A_1017 = arith.mulf %scan3A_726#8, %mul3A_1016 : vector<16xf32>
        %swap3A_1018 = arith.constant 128 : index
        %swap3A_1019 = tpu.vector_load %arg7[%swap3A_1018] {strides = array<i32>} : memref<256xf32, #tpu.memory_space<vmem>>, vector<16xf32>,
        %swap3A_1020 = vector.shape_cast %swap3A_1019 : vector<16xf32> to vector<16xf32>
        %swap3A_1021 = vector.shape_cast %mul3A_1017 : vector<16xf32> to vector<16xf32>
        tpu.vector_store %arg7[%swap3A_1018], %swap3A_1021 {strides = array<i32>} : memref<256xf32, #tpu.memory_space<vmem>>, vector<16xf32>,
        %mul3A_1022 = arith.constant 4.8828125E-4 : f32
        %mul3A_1023 = vector.broadcast %mul3A_1022 : f32 to vector<16xf32>
        %mul3A_1024 = arith.mulf %scan3A_726#9, %mul3A_1023 : vector<16xf32>
        %swap3A_1025 = arith.constant 144 : index
        %swap3A_1026 = tpu.vector_load %arg7[%swap3A_1025] {strides = array<i32>} : memref<256xf32, #tpu.memory_space<vmem>>, vector<16xf32>,
        %swap3A_1027 = vector.shape_cast %swap3A_1026 : vector<16xf32> to vector<16xf32>
        %swap3A_1028 = vector.shape_cast %mul3A_1024 : vector<16xf32> to vector<16xf32>
        tpu.vector_store %arg7[%swap3A_1025], %swap3A_1028 {strides = array<i32>} : memref<256xf32, #tpu.memory_space<vmem>>, vector<16xf32>,
        %mul3A_1029 = arith.constant 4.8828125E-4 : f32
        %mul3A_1030 = vector.broadcast %mul3A_1029 : f32 to vector<16xf32>
        %mul3A_1031 = arith.mulf %scan3A_726#10, %mul3A_1030 : vector<16xf32>
        %swap3A_1032 = arith.constant 160 : index
        %swap3A_1033 = tpu.vector_load %arg7[%swap3A_1032] {strides = array<i32>} : memref<256xf32, #tpu.memory_space<vmem>>, vector<16xf32>,
        %swap3A_1034 = vector.shape_cast %swap3A_1033 : vector<16xf32> to vector<16xf32>
        %swap3A_1035 = vector.shape_cast %mul3A_1031 : vector<16xf32> to vector<16xf32>
        tpu.vector_store %arg7[%swap3A_1032], %swap3A_1035 {strides = array<i32>} : memref<256xf32, #tpu.memory_space<vmem>>, vector<16xf32>,
        %mul3A_1036 = arith.constant 4.8828125E-4 : f32
        %mul3A_1037 = vector.broadcast %mul3A_1036 : f32 to vector<16xf32>
        %mul3A_1038 = arith.mulf %scan3A_726#11, %mul3A_1037 : vector<16xf32>
        %swap3A_1039 = arith.constant 176 : index
        %swap3A_1040 = tpu.vector_load %arg7[%swap3A_1039] {strides = array<i32>} : memref<256xf32, #tpu.memory_space<vmem>>, vector<16xf32>,
        %swap3A_1041 = vector.shape_cast %swap3A_1040 : vector<16xf32> to vector<16xf32>
        %swap3A_1042 = vector.shape_cast %mul3A_1038 : vector<16xf32> to vector<16xf32>
        tpu.vector_store %arg7[%swap3A_1039], %swap3A_1042 {strides = array<i32>} : memref<256xf32, #tpu.memory_space<vmem>>, vector<16xf32>,
        %mul3A_1043 = arith.constant 4.8828125E-4 : f32
        %mul3A_1044 = vector.broadcast %mul3A_1043 : f32 to vector<16xf32>
        %mul3A_1045 = arith.mulf %scan3A_726#12, %mul3A_1044 : vector<16xf32>
        %swap3A_1046 = arith.constant 192 : index
        %swap3A_1047 = tpu.vector_load %arg7[%swap3A_1046] {strides = array<i32>} : memref<256xf32, #tpu.memory_space<vmem>>, vector<16xf32>,
        %swap3A_1048 = vector.shape_cast %swap3A_1047 : vector<16xf32> to vector<16xf32>
        %swap3A_1049 = vector.shape_cast %mul3A_1045 : vector<16xf32> to vector<16xf32>
        tpu.vector_store %arg7[%swap3A_1046], %swap3A_1049 {strides = array<i32>} : memref<256xf32, #tpu.memory_space<vmem>>, vector<16xf32>,
        %mul3A_1050 = arith.constant 4.8828125E-4 : f32
        %mul3A_1051 = vector.broadcast %mul3A_1050 : f32 to vector<16xf32>
        %mul3A_1052 = arith.mulf %scan3A_726#13, %mul3A_1051 : vector<16xf32>
        %swap3A_1053 = arith.constant 208 : index
        %swap3A_1054 = tpu.vector_load %arg7[%swap3A_1053] {strides = array<i32>} : memref<256xf32, #tpu.memory_space<vmem>>, vector<16xf32>,
        %swap3A_1055 = vector.shape_cast %swap3A_1054 : vector<16xf32> to vector<16xf32>
        %swap3A_1056 = vector.shape_cast %mul3A_1052 : vector<16xf32> to vector<16xf32>
        tpu.vector_store %arg7[%swap3A_1053], %swap3A_1056 {strides = array<i32>} : memref<256xf32, #tpu.memory_space<vmem>>, vector<16xf32>,
        %mul3A_1057 = arith.constant 4.8828125E-4 : f32
        %mul3A_1058 = vector.broadcast %mul3A_1057 : f32 to vector<16xf32>
        %mul3A_1059 = arith.mulf %scan3A_726#14, %mul3A_1058 : vector<16xf32>
        %swap3A_1060 = arith.constant 224 : index
        %swap3A_1061 = tpu.vector_load %arg7[%swap3A_1060] {strides = array<i32>} : memref<256xf32, #tpu.memory_space<vmem>>, vector<16xf32>,
        %swap3A_1062 = vector.shape_cast %swap3A_1061 : vector<16xf32> to vector<16xf32>
        %swap3A_1063 = vector.shape_cast %mul3A_1059 : vector<16xf32> to vector<16xf32>
        tpu.vector_store %arg7[%swap3A_1060], %swap3A_1063 {strides = array<i32>} : memref<256xf32, #tpu.memory_space<vmem>>, vector<16xf32>,
        %mul3A_1064 = arith.constant 4.8828125E-4 : f32
        %mul3A_1065 = vector.broadcast %mul3A_1064 : f32 to vector<16xf32>
        %mul3A_1066 = arith.mulf %scan3A_726#15, %mul3A_1065 : vector<16xf32>
        %swap3A_1067 = arith.constant 240 : index
        %swap3A_1068 = tpu.vector_load %arg7[%swap3A_1067] {strides = array<i32>} : memref<256xf32, #tpu.memory_space<vmem>>, vector<16xf32>,
        %swap3A_1069 = vector.shape_cast %swap3A_1068 : vector<16xf32> to vector<16xf32>
        %swap3A_1070 = vector.shape_cast %mul3A_1066 : vector<16xf32> to vector<16xf32>
        tpu.vector_store %arg7[%swap3A_1067], %swap3A_1070 {strides = array<i32>} : memref<256xf32, #tpu.memory_space<vmem>>, vector<16xf32>,
        %mul3A_1071 = arith.constant 4 : i32
        %mul3A_1072 = arith.muli %add3A, %mul3A_1071 : i32
        %add3A_1073 = arith.addi %mul3A_1072, %shift_right_logical3A_753 : i32
        "tpu.region"() ({
          %run_scoped3A = tpu.sem_alloc : memref<!tpu.dma_semaphore, #tpu.memory_space<semaphore_mem>>
          %dma_start3A_1074 = arith.constant 0 : i32
          %dma_start3A_1075 = tpu.memref_slice %arg4[%add3A_1073, %dma_start3A_1074] : memref<128x256xf32, #tpu.memory_space<hbm>> -> memref<1x256xf32, #tpu.memory_space<hbm>>
          %dma_start3A_1076 = tpu.memref_squeeze %dma_start3A_1075 : memref<1x256xf32, #tpu.memory_space<hbm>> -> memref<256xf32, #tpu.memory_space<hbm>>
          %dma_start3A_1077 = arith.constant 0 : i32
          %dma_start3A_1078 = tpu.memref_slice %arg4[%add3A_1073, %dma_start3A_1077] : memref<128x256xf32, #tpu.memory_space<hbm>> -> memref<1x256xf32, #tpu.memory_space<hbm>>
          %dma_start3A_1079 = tpu.memref_squeeze %dma_start3A_1078 : memref<1x256xf32, #tpu.memory_space<hbm>> -> memref<256xf32, #tpu.memory_space<hbm>>
          tpu.enqueue_dma source(%arg7 : memref<256xf32, #tpu.memory_space<vmem>>) target(%dma_start3A_1079 : memref<256xf32, #tpu.memory_space<hbm>>) target_semaphore(%run_scoped3A : memref<!tpu.dma_semaphore, #tpu.memory_space<semaphore_mem>>)
          %dma_wait3A_1080 = arith.constant 0 : i32
          %dma_wait3A_1081 = tpu.memref_slice %arg4[%add3A_1073, %dma_wait3A_1080] : memref<128x256xf32, #tpu.memory_space<hbm>> -> memref<1x256xf32, #tpu.memory_space<hbm>>
          %dma_wait3A_1082 = tpu.memref_squeeze %dma_wait3A_1081 : memref<1x256xf32, #tpu.memory_space<hbm>> -> memref<256xf32, #tpu.memory_space<hbm>>
          %dma_wait3A_1083 = arith.constant 0 : i32
          %dma_wait3A_1084 = tpu.memref_slice %arg4[%add3A_1073, %dma_wait3A_1083] : memref<128x256xf32, #tpu.memory_space<hbm>> -> memref<1x256xf32, #tpu.memory_space<hbm>>
          %dma_wait3A_1085 = tpu.memref_squeeze %dma_wait3A_1084 : memref<1x256xf32, #tpu.memory_space<hbm>> -> memref<256xf32, #tpu.memory_space<hbm>>
          tpu.wait_dma2 semaphore(%run_scoped3A : memref<!tpu.dma_semaphore, #tpu.memory_space<semaphore_mem>>) src(%arg7 : memref<256xf32, #tpu.memory_space<vmem>>) dst(%dma_wait3A_1085 : memref<256xf32, #tpu.memory_space<hbm>>)
          tpu.yield
        }) : () -> ()
      } else {
      }
      %jit3A_757 = arith.constant 0.000000e+00 : f32
      %jit3A_758 = arith.constant 1.000000e+00 : f32
      %select_n3A_759 = arith.select %eq3A_751, %jit3A_757, %jit3A_758 : f32
      %mul3A_760 = vector.broadcast %select_n3A_759 : f32 to vector<16xf32>
      %mul3A_761 = arith.mulf %scan3A_726#0, %mul3A_760 : vector<16xf32>
      %mul3A_762 = vector.broadcast %select_n3A_759 : f32 to vector<16xf32>
      %mul3A_763 = arith.mulf %scan3A_726#1, %mul3A_762 : vector<16xf32>
      %mul3A_764 = vector.broadcast %select_n3A_759 : f32 to vector<16xf32>
      %mul3A_765 = arith.mulf %scan3A_726#2, %mul3A_764 : vector<16xf32>
      %mul3A_766 = vector.broadcast %select_n3A_759 : f32 to vector<16xf32>
      %mul3A_767 = arith.mulf %scan3A_726#3, %mul3A_766 : vector<16xf32>
      %mul3A_768 = vector.broadcast %select_n3A_759 : f32 to vector<16xf32>
      %mul3A_769 = arith.mulf %scan3A_726#4, %mul3A_768 : vector<16xf32>
      %mul3A_770 = vector.broadcast %select_n3A_759 : f32 to vector<16xf32>
      %mul3A_771 = arith.mulf %scan3A_726#5, %mul3A_770 : vector<16xf32>
      %mul3A_772 = vector.broadcast %select_n3A_759 : f32 to vector<16xf32>
      %mul3A_773 = arith.mulf %scan3A_726#6, %mul3A_772 : vector<16xf32>
      %mul3A_774 = vector.broadcast %select_n3A_759 : f32 to vector<16xf32>
      %mul3A_775 = arith.mulf %scan3A_726#7, %mul3A_774 : vector<16xf32>
      %mul3A_776 = vector.broadcast %select_n3A_759 : f32 to vector<16xf32>
      %mul3A_777 = arith.mulf %scan3A_726#8, %mul3A_776 : vector<16xf32>
      %mul3A_778 = vector.broadcast %select_n3A_759 : f32 to vector<16xf32>
      %mul3A_779 = arith.mulf %scan3A_726#9, %mul3A_778 : vector<16xf32>
      %mul3A_780 = vector.broadcast %select_n3A_759 : f32 to vector<16xf32>
      %mul3A_781 = arith.mulf %scan3A_726#10, %mul3A_780 : vector<16xf32>
      %mul3A_782 = vector.broadcast %select_n3A_759 : f32 to vector<16xf32>
      %mul3A_783 = arith.mulf %scan3A_726#11, %mul3A_782 : vector<16xf32>
      %mul3A_784 = vector.broadcast %select_n3A_759 : f32 to vector<16xf32>
      %mul3A_785 = arith.mulf %scan3A_726#12, %mul3A_784 : vector<16xf32>
      %mul3A_786 = vector.broadcast %select_n3A_759 : f32 to vector<16xf32>
      %mul3A_787 = arith.mulf %scan3A_726#13, %mul3A_786 : vector<16xf32>
      %mul3A_788 = vector.broadcast %select_n3A_759 : f32 to vector<16xf32>
      %mul3A_789 = arith.mulf %scan3A_726#14, %mul3A_788 : vector<16xf32>
      %mul3A_790 = vector.broadcast %select_n3A_759 : f32 to vector<16xf32>
      %mul3A_791 = arith.mulf %scan3A_726#15, %mul3A_790 : vector<16xf32>
      %add3A_792 = arith.constant 6 : i32
      %add3A_793 = arith.addi %mul3A_293, %add3A_792 : i32
      %dma_wait3A_794 = arith.constant 0 : i32
      %dma_wait3A_795 = arith.constant 6 : i32
      %dma_wait3A_796 = arith.constant 0 : i32
      %dma_wait3A_797 = arith.constant 0 : i32
      %dma_wait3A_798 = tpu.memref_slice %arg6[%dma_wait3A_795, %dma_wait3A_796, %dma_wait3A_797] : memref<8x32x256xf32, #tpu.memory_space<vmem>> -> memref<1x32x256xf32, #tpu.memory_space<vmem>>
      %dma_wait3A_799 = tpu.memref_squeeze %dma_wait3A_798 : memref<1x32x256xf32, #tpu.memory_space<vmem>> -> memref<32x256xf32, #tpu.memory_space<vmem>>
      %dma_wait3A_800 = arith.constant 0 : i32
      %dma_wait3A_801 = tpu.memref_slice %arg5[%dma_wait3A_794, %dma_wait3A_800] : memref<4x2048xi32, #tpu.memory_space<vmem>> -> memref<1x32xi32, #tpu.memory_space<vmem>>
      %dma_wait3A_802 = tpu.memref_squeeze %dma_wait3A_801 : memref<1x32xi32, #tpu.memory_space<vmem>> -> memref<32xi32, #tpu.memory_space<vmem>>
      %dma_wait3A_803 = arith.constant 0 : i32
      %dma_wait3A_804 = arith.constant 0 : i32
      %dma_wait3A_805 = tpu.memref_slice %arg3[%dma_wait3A_803, %dma_wait3A_804] : memref<100000x256xf32, #tpu.memory_space<hbm>> -> memref<100000x256xf32, #tpu.memory_space<hbm>>
      tpu.wait_indirect_dma semaphore(%arg14 : memref<!tpu.dma_semaphore, #tpu.memory_space<semaphore_mem>>) src(%dma_wait3A_805 : memref<100000x256xf32, #tpu.memory_space<hbm>>) dst(%dma_wait3A_799 : memref<32x256xf32, #tpu.memory_space<vmem>>)
      %scan3A_806 = arith.constant 0 : i32
      %scan3A_807 = arith.constant 16 : i32
      %scan3A_808 = arith.addi %scan3A_806, %scan3A_807 : i32
      %scan3A_809 = arith.constant 1 : i32
      %scan3A_810:16 = scf.for %scan3A_960 = %scan3A_806 to %scan3A_808 step %scan3A_809 iter_args(%scan3A_961 = %mul3A_761, %scan3A_962 = %mul3A_763, %scan3A_963 = %mul3A_765, %scan3A_964 = %mul3A_767, %scan3A_965 = %mul3A_769, %scan3A_966 = %mul3A_771, %scan3A_967 = %mul3A_773, %scan3A_968 = %mul3A_775, %scan3A_969 = %mul3A_777, %scan3A_970 = %mul3A_779, %scan3A_971 = %mul3A_781, %scan3A_972 = %mul3A_783, %scan3A_973 = %mul3A_785, %scan3A_974 = %mul3A_787, %scan3A_975 = %mul3A_789, %scan3A_976 = %mul3A_791) -> (vector<16xf32>, vector<16xf32>, vector<16xf32>, vector<16xf32>, vector<16xf32>, vector<16xf32>, vector<16xf32>, vector<16xf32>, vector<16xf32>, vector<16xf32>, vector<16xf32>, vector<16xf32>, vector<16xf32>, vector<16xf32>, vector<16xf32>, vector<16xf32>)  : i32 {
        %mul3A_977 = arith.constant 2 : i32
        %mul3A_978 = arith.muli %scan3A_960, %mul3A_977 : i32
        %get3A = arith.constant 6 : i32
        %get3A_979 = arith.index_cast %get3A : i32 to index
        %get3A_980 = arith.index_cast %mul3A_978 : i32 to index
        %get3A_981 = arith.constant 0 : index
        %get3A_982 = tpu.vector_load %arg6[%get3A_979, %get3A_980, %get3A_981] {strides = array<i32>} : memref<8x32x256xf32, #tpu.memory_space<vmem>>, vector<1x1x16xf32>,
        %get3A_983 = vector.shape_cast %get3A_982 : vector<1x1x16xf32> to vector<16xf32>
        %add3A_984 = arith.addf %scan3A_961, %get3A_983 : vector<16xf32>
        %get3A_985 = arith.constant 6 : i32
        %get3A_986 = arith.index_cast %get3A_985 : i32 to index
        %get3A_987 = arith.index_cast %mul3A_978 : i32 to index
        %get3A_988 = arith.constant 16 : index
        %get3A_989 = tpu.vector_load %arg6[%get3A_986, %get3A_987, %get3A_988] {strides = array<i32>} : memref<8x32x256xf32, #tpu.memory_space<vmem>>, vector<1x1x16xf32>,
        %get3A_990 = vector.shape_cast %get3A_989 : vector<1x1x16xf32> to vector<16xf32>
        %add3A_991 = arith.addf %scan3A_962, %get3A_990 : vector<16xf32>
        %get3A_992 = arith.constant 6 : i32
        %get3A_993 = arith.index_cast %get3A_992 : i32 to index
        %get3A_994 = arith.index_cast %mul3A_978 : i32 to index
        %get3A_995 = arith.constant 32 : index
        %get3A_996 = tpu.vector_load %arg6[%get3A_993, %get3A_994, %get3A_995] {strides = array<i32>} : memref<8x32x256xf32, #tpu.memory_space<vmem>>, vector<1x1x16xf32>,
        %get3A_997 = vector.shape_cast %get3A_996 : vector<1x1x16xf32> to vector<16xf32>
        %add3A_998 = arith.addf %scan3A_963, %get3A_997 : vector<16xf32>
        %get3A_999 = arith.constant 6 : i32
        %get3A_1000 = arith.index_cast %get3A_999 : i32 to index
        %get3A_1001 = arith.index_cast %mul3A_978 : i32 to index
        %get3A_1002 = arith.constant 48 : index
        %get3A_1003 = tpu.vector_load %arg6[%get3A_1000, %get3A_1001, %get3A_1002] {strides = array<i32>} : memref<8x32x256xf32, #tpu.memory_space<vmem>>, vector<1x1x16xf32>,
        %get3A_1004 = vector.shape_cast %get3A_1003 : vector<1x1x16xf32> to vector<16xf32>
        %add3A_1005 = arith.addf %scan3A_964, %get3A_1004 : vector<16xf32>
        %get3A_1006 = arith.constant 6 : i32
        %get3A_1007 = arith.index_cast %get3A_1006 : i32 to index
        %get3A_1008 = arith.index_cast %mul3A_978 : i32 to index
        %get3A_1009 = arith.constant 64 : index
        %get3A_1010 = tpu.vector_load %arg6[%get3A_1007, %get3A_1008, %get3A_1009] {strides = array<i32>} : memref<8x32x256xf32, #tpu.memory_space<vmem>>, vector<1x1x16xf32>,
        %get3A_1011 = vector.shape_cast %get3A_1010 : vector<1x1x16xf32> to vector<16xf32>
        %add3A_1012 = arith.addf %scan3A_965, %get3A_1011 : vector<16xf32>
        %get3A_1013 = arith.constant 6 : i32
        %get3A_1014 = arith.index_cast %get3A_1013 : i32 to index
        %get3A_1015 = arith.index_cast %mul3A_978 : i32 to index
        %get3A_1016 = arith.constant 80 : index
        %get3A_1017 = tpu.vector_load %arg6[%get3A_1014, %get3A_1015, %get3A_1016] {strides = array<i32>} : memref<8x32x256xf32, #tpu.memory_space<vmem>>, vector<1x1x16xf32>,
        %get3A_1018 = vector.shape_cast %get3A_1017 : vector<1x1x16xf32> to vector<16xf32>
        %add3A_1019 = arith.addf %scan3A_966, %get3A_1018 : vector<16xf32>
        %get3A_1020 = arith.constant 6 : i32
        %get3A_1021 = arith.index_cast %get3A_1020 : i32 to index
        %get3A_1022 = arith.index_cast %mul3A_978 : i32 to index
        %get3A_1023 = arith.constant 96 : index
        %get3A_1024 = tpu.vector_load %arg6[%get3A_1021, %get3A_1022, %get3A_1023] {strides = array<i32>} : memref<8x32x256xf32, #tpu.memory_space<vmem>>, vector<1x1x16xf32>,
        %get3A_1025 = vector.shape_cast %get3A_1024 : vector<1x1x16xf32> to vector<16xf32>
        %add3A_1026 = arith.addf %scan3A_967, %get3A_1025 : vector<16xf32>
        %get3A_1027 = arith.constant 6 : i32
        %get3A_1028 = arith.index_cast %get3A_1027 : i32 to index
        %get3A_1029 = arith.index_cast %mul3A_978 : i32 to index
        %get3A_1030 = arith.constant 112 : index
        %get3A_1031 = tpu.vector_load %arg6[%get3A_1028, %get3A_1029, %get3A_1030] {strides = array<i32>} : memref<8x32x256xf32, #tpu.memory_space<vmem>>, vector<1x1x16xf32>,
        %get3A_1032 = vector.shape_cast %get3A_1031 : vector<1x1x16xf32> to vector<16xf32>
        %add3A_1033 = arith.addf %scan3A_968, %get3A_1032 : vector<16xf32>
        %get3A_1034 = arith.constant 6 : i32
        %get3A_1035 = arith.index_cast %get3A_1034 : i32 to index
        %get3A_1036 = arith.index_cast %mul3A_978 : i32 to index
        %get3A_1037 = arith.constant 128 : index
        %get3A_1038 = tpu.vector_load %arg6[%get3A_1035, %get3A_1036, %get3A_1037] {strides = array<i32>} : memref<8x32x256xf32, #tpu.memory_space<vmem>>, vector<1x1x16xf32>,
        %get3A_1039 = vector.shape_cast %get3A_1038 : vector<1x1x16xf32> to vector<16xf32>
        %add3A_1040 = arith.addf %scan3A_969, %get3A_1039 : vector<16xf32>
        %get3A_1041 = arith.constant 6 : i32
        %get3A_1042 = arith.index_cast %get3A_1041 : i32 to index
        %get3A_1043 = arith.index_cast %mul3A_978 : i32 to index
        %get3A_1044 = arith.constant 144 : index
        %get3A_1045 = tpu.vector_load %arg6[%get3A_1042, %get3A_1043, %get3A_1044] {strides = array<i32>} : memref<8x32x256xf32, #tpu.memory_space<vmem>>, vector<1x1x16xf32>,
        %get3A_1046 = vector.shape_cast %get3A_1045 : vector<1x1x16xf32> to vector<16xf32>
        %add3A_1047 = arith.addf %scan3A_970, %get3A_1046 : vector<16xf32>
        %get3A_1048 = arith.constant 6 : i32
        %get3A_1049 = arith.index_cast %get3A_1048 : i32 to index
        %get3A_1050 = arith.index_cast %mul3A_978 : i32 to index
        %get3A_1051 = arith.constant 160 : index
        %get3A_1052 = tpu.vector_load %arg6[%get3A_1049, %get3A_1050, %get3A_1051] {strides = array<i32>} : memref<8x32x256xf32, #tpu.memory_space<vmem>>, vector<1x1x16xf32>,
        %get3A_1053 = vector.shape_cast %get3A_1052 : vector<1x1x16xf32> to vector<16xf32>
        %add3A_1054 = arith.addf %scan3A_971, %get3A_1053 : vector<16xf32>
        %get3A_1055 = arith.constant 6 : i32
        %get3A_1056 = arith.index_cast %get3A_1055 : i32 to index
        %get3A_1057 = arith.index_cast %mul3A_978 : i32 to index
        %get3A_1058 = arith.constant 176 : index
        %get3A_1059 = tpu.vector_load %arg6[%get3A_1056, %get3A_1057, %get3A_1058] {strides = array<i32>} : memref<8x32x256xf32, #tpu.memory_space<vmem>>, vector<1x1x16xf32>,
        %get3A_1060 = vector.shape_cast %get3A_1059 : vector<1x1x16xf32> to vector<16xf32>
        %add3A_1061 = arith.addf %scan3A_972, %get3A_1060 : vector<16xf32>
        %get3A_1062 = arith.constant 6 : i32
        %get3A_1063 = arith.index_cast %get3A_1062 : i32 to index
        %get3A_1064 = arith.index_cast %mul3A_978 : i32 to index
        %get3A_1065 = arith.constant 192 : index
        %get3A_1066 = tpu.vector_load %arg6[%get3A_1063, %get3A_1064, %get3A_1065] {strides = array<i32>} : memref<8x32x256xf32, #tpu.memory_space<vmem>>, vector<1x1x16xf32>,
        %get3A_1067 = vector.shape_cast %get3A_1066 : vector<1x1x16xf32> to vector<16xf32>
        %add3A_1068 = arith.addf %scan3A_973, %get3A_1067 : vector<16xf32>
        %get3A_1069 = arith.constant 6 : i32
        %get3A_1070 = arith.index_cast %get3A_1069 : i32 to index
        %get3A_1071 = arith.index_cast %mul3A_978 : i32 to index
        %get3A_1072 = arith.constant 208 : index
        %get3A_1073 = tpu.vector_load %arg6[%get3A_1070, %get3A_1071, %get3A_1072] {strides = array<i32>} : memref<8x32x256xf32, #tpu.memory_space<vmem>>, vector<1x1x16xf32>,
        %get3A_1074 = vector.shape_cast %get3A_1073 : vector<1x1x16xf32> to vector<16xf32>
        %add3A_1075 = arith.addf %scan3A_974, %get3A_1074 : vector<16xf32>
        %get3A_1076 = arith.constant 6 : i32
        %get3A_1077 = arith.index_cast %get3A_1076 : i32 to index
        %get3A_1078 = arith.index_cast %mul3A_978 : i32 to index
        %get3A_1079 = arith.constant 224 : index
        %get3A_1080 = tpu.vector_load %arg6[%get3A_1077, %get3A_1078, %get3A_1079] {strides = array<i32>} : memref<8x32x256xf32, #tpu.memory_space<vmem>>, vector<1x1x16xf32>,
        %get3A_1081 = vector.shape_cast %get3A_1080 : vector<1x1x16xf32> to vector<16xf32>
        %add3A_1082 = arith.addf %scan3A_975, %get3A_1081 : vector<16xf32>
        %get3A_1083 = arith.constant 6 : i32
        %get3A_1084 = arith.index_cast %get3A_1083 : i32 to index
        %get3A_1085 = arith.index_cast %mul3A_978 : i32 to index
        %get3A_1086 = arith.constant 240 : index
        %get3A_1087 = tpu.vector_load %arg6[%get3A_1084, %get3A_1085, %get3A_1086] {strides = array<i32>} : memref<8x32x256xf32, #tpu.memory_space<vmem>>, vector<1x1x16xf32>,
        %get3A_1088 = vector.shape_cast %get3A_1087 : vector<1x1x16xf32> to vector<16xf32>
        %add3A_1089 = arith.addf %scan3A_976, %get3A_1088 : vector<16xf32>
        %add3A_1090 = arith.constant 1 : i32
        %add3A_1091 = arith.addi %mul3A_978, %add3A_1090 : i32
        %get3A_1092 = arith.constant 6 : i32
        %get3A_1093 = arith.index_cast %get3A_1092 : i32 to index
        %get3A_1094 = arith.index_cast %add3A_1091 : i32 to index
        %get3A_1095 = arith.constant 0 : index
        %get3A_1096 = tpu.vector_load %arg6[%get3A_1093, %get3A_1094, %get3A_1095] {strides = array<i32>} : memref<8x32x256xf32, #tpu.memory_space<vmem>>, vector<1x1x16xf32>,
        %get3A_1097 = vector.shape_cast %get3A_1096 : vector<1x1x16xf32> to vector<16xf32>
        %add3A_1098 = arith.addf %add3A_984, %get3A_1097 : vector<16xf32>
        %add3A_1099 = arith.constant 1 : i32
        %add3A_1100 = arith.addi %mul3A_978, %add3A_1099 : i32
        %get3A_1101 = arith.constant 6 : i32
        %get3A_1102 = arith.index_cast %get3A_1101 : i32 to index
        %get3A_1103 = arith.index_cast %add3A_1100 : i32 to index
        %get3A_1104 = arith.constant 16 : index
        %get3A_1105 = tpu.vector_load %arg6[%get3A_1102, %get3A_1103, %get3A_1104] {strides = array<i32>} : memref<8x32x256xf32, #tpu.memory_space<vmem>>, vector<1x1x16xf32>,
        %get3A_1106 = vector.shape_cast %get3A_1105 : vector<1x1x16xf32> to vector<16xf32>
        %add3A_1107 = arith.addf %add3A_991, %get3A_1106 : vector<16xf32>
        %add3A_1108 = arith.constant 1 : i32
        %add3A_1109 = arith.addi %mul3A_978, %add3A_1108 : i32
        %get3A_1110 = arith.constant 6 : i32
        %get3A_1111 = arith.index_cast %get3A_1110 : i32 to index
        %get3A_1112 = arith.index_cast %add3A_1109 : i32 to index
        %get3A_1113 = arith.constant 32 : index
        %get3A_1114 = tpu.vector_load %arg6[%get3A_1111, %get3A_1112, %get3A_1113] {strides = array<i32>} : memref<8x32x256xf32, #tpu.memory_space<vmem>>, vector<1x1x16xf32>,
        %get3A_1115 = vector.shape_cast %get3A_1114 : vector<1x1x16xf32> to vector<16xf32>
        %add3A_1116 = arith.addf %add3A_998, %get3A_1115 : vector<16xf32>
        %add3A_1117 = arith.constant 1 : i32
        %add3A_1118 = arith.addi %mul3A_978, %add3A_1117 : i32
        %get3A_1119 = arith.constant 6 : i32
        %get3A_1120 = arith.index_cast %get3A_1119 : i32 to index
        %get3A_1121 = arith.index_cast %add3A_1118 : i32 to index
        %get3A_1122 = arith.constant 48 : index
        %get3A_1123 = tpu.vector_load %arg6[%get3A_1120, %get3A_1121, %get3A_1122] {strides = array<i32>} : memref<8x32x256xf32, #tpu.memory_space<vmem>>, vector<1x1x16xf32>,
        %get3A_1124 = vector.shape_cast %get3A_1123 : vector<1x1x16xf32> to vector<16xf32>
        %add3A_1125 = arith.addf %add3A_1005, %get3A_1124 : vector<16xf32>
        %add3A_1126 = arith.constant 1 : i32
        %add3A_1127 = arith.addi %mul3A_978, %add3A_1126 : i32
        %get3A_1128 = arith.constant 6 : i32
        %get3A_1129 = arith.index_cast %get3A_1128 : i32 to index
        %get3A_1130 = arith.index_cast %add3A_1127 : i32 to index
        %get3A_1131 = arith.constant 64 : index
        %get3A_1132 = tpu.vector_load %arg6[%get3A_1129, %get3A_1130, %get3A_1131] {strides = array<i32>} : memref<8x32x256xf32, #tpu.memory_space<vmem>>, vector<1x1x16xf32>,
        %get3A_1133 = vector.shape_cast %get3A_1132 : vector<1x1x16xf32> to vector<16xf32>
        %add3A_1134 = arith.addf %add3A_1012, %get3A_1133 : vector<16xf32>
        %add3A_1135 = arith.constant 1 : i32
        %add3A_1136 = arith.addi %mul3A_978, %add3A_1135 : i32
        %get3A_1137 = arith.constant 6 : i32
        %get3A_1138 = arith.index_cast %get3A_1137 : i32 to index
        %get3A_1139 = arith.index_cast %add3A_1136 : i32 to index
        %get3A_1140 = arith.constant 80 : index
        %get3A_1141 = tpu.vector_load %arg6[%get3A_1138, %get3A_1139, %get3A_1140] {strides = array<i32>} : memref<8x32x256xf32, #tpu.memory_space<vmem>>, vector<1x1x16xf32>,
        %get3A_1142 = vector.shape_cast %get3A_1141 : vector<1x1x16xf32> to vector<16xf32>
        %add3A_1143 = arith.addf %add3A_1019, %get3A_1142 : vector<16xf32>
        %add3A_1144 = arith.constant 1 : i32
        %add3A_1145 = arith.addi %mul3A_978, %add3A_1144 : i32
        %get3A_1146 = arith.constant 6 : i32
        %get3A_1147 = arith.index_cast %get3A_1146 : i32 to index
        %get3A_1148 = arith.index_cast %add3A_1145 : i32 to index
        %get3A_1149 = arith.constant 96 : index
        %get3A_1150 = tpu.vector_load %arg6[%get3A_1147, %get3A_1148, %get3A_1149] {strides = array<i32>} : memref<8x32x256xf32, #tpu.memory_space<vmem>>, vector<1x1x16xf32>,
        %get3A_1151 = vector.shape_cast %get3A_1150 : vector<1x1x16xf32> to vector<16xf32>
        %add3A_1152 = arith.addf %add3A_1026, %get3A_1151 : vector<16xf32>
        %add3A_1153 = arith.constant 1 : i32
        %add3A_1154 = arith.addi %mul3A_978, %add3A_1153 : i32
        %get3A_1155 = arith.constant 6 : i32
        %get3A_1156 = arith.index_cast %get3A_1155 : i32 to index
        %get3A_1157 = arith.index_cast %add3A_1154 : i32 to index
        %get3A_1158 = arith.constant 112 : index
        %get3A_1159 = tpu.vector_load %arg6[%get3A_1156, %get3A_1157, %get3A_1158] {strides = array<i32>} : memref<8x32x256xf32, #tpu.memory_space<vmem>>, vector<1x1x16xf32>,
        %get3A_1160 = vector.shape_cast %get3A_1159 : vector<1x1x16xf32> to vector<16xf32>
        %add3A_1161 = arith.addf %add3A_1033, %get3A_1160 : vector<16xf32>
        %add3A_1162 = arith.constant 1 : i32
        %add3A_1163 = arith.addi %mul3A_978, %add3A_1162 : i32
        %get3A_1164 = arith.constant 6 : i32
        %get3A_1165 = arith.index_cast %get3A_1164 : i32 to index
        %get3A_1166 = arith.index_cast %add3A_1163 : i32 to index
        %get3A_1167 = arith.constant 128 : index
        %get3A_1168 = tpu.vector_load %arg6[%get3A_1165, %get3A_1166, %get3A_1167] {strides = array<i32>} : memref<8x32x256xf32, #tpu.memory_space<vmem>>, vector<1x1x16xf32>,
        %get3A_1169 = vector.shape_cast %get3A_1168 : vector<1x1x16xf32> to vector<16xf32>
        %add3A_1170 = arith.addf %add3A_1040, %get3A_1169 : vector<16xf32>
        %add3A_1171 = arith.constant 1 : i32
        %add3A_1172 = arith.addi %mul3A_978, %add3A_1171 : i32
        %get3A_1173 = arith.constant 6 : i32
        %get3A_1174 = arith.index_cast %get3A_1173 : i32 to index
        %get3A_1175 = arith.index_cast %add3A_1172 : i32 to index
        %get3A_1176 = arith.constant 144 : index
        %get3A_1177 = tpu.vector_load %arg6[%get3A_1174, %get3A_1175, %get3A_1176] {strides = array<i32>} : memref<8x32x256xf32, #tpu.memory_space<vmem>>, vector<1x1x16xf32>,
        %get3A_1178 = vector.shape_cast %get3A_1177 : vector<1x1x16xf32> to vector<16xf32>
        %add3A_1179 = arith.addf %add3A_1047, %get3A_1178 : vector<16xf32>
        %add3A_1180 = arith.constant 1 : i32
        %add3A_1181 = arith.addi %mul3A_978, %add3A_1180 : i32
        %get3A_1182 = arith.constant 6 : i32
        %get3A_1183 = arith.index_cast %get3A_1182 : i32 to index
        %get3A_1184 = arith.index_cast %add3A_1181 : i32 to index
        %get3A_1185 = arith.constant 160 : index
        %get3A_1186 = tpu.vector_load %arg6[%get3A_1183, %get3A_1184, %get3A_1185] {strides = array<i32>} : memref<8x32x256xf32, #tpu.memory_space<vmem>>, vector<1x1x16xf32>,
        %get3A_1187 = vector.shape_cast %get3A_1186 : vector<1x1x16xf32> to vector<16xf32>
        %add3A_1188 = arith.addf %add3A_1054, %get3A_1187 : vector<16xf32>
        %add3A_1189 = arith.constant 1 : i32
        %add3A_1190 = arith.addi %mul3A_978, %add3A_1189 : i32
        %get3A_1191 = arith.constant 6 : i32
        %get3A_1192 = arith.index_cast %get3A_1191 : i32 to index
        %get3A_1193 = arith.index_cast %add3A_1190 : i32 to index
        %get3A_1194 = arith.constant 176 : index
        %get3A_1195 = tpu.vector_load %arg6[%get3A_1192, %get3A_1193, %get3A_1194] {strides = array<i32>} : memref<8x32x256xf32, #tpu.memory_space<vmem>>, vector<1x1x16xf32>,
        %get3A_1196 = vector.shape_cast %get3A_1195 : vector<1x1x16xf32> to vector<16xf32>
        %add3A_1197 = arith.addf %add3A_1061, %get3A_1196 : vector<16xf32>
        %add3A_1198 = arith.constant 1 : i32
        %add3A_1199 = arith.addi %mul3A_978, %add3A_1198 : i32
        %get3A_1200 = arith.constant 6 : i32
        %get3A_1201 = arith.index_cast %get3A_1200 : i32 to index
        %get3A_1202 = arith.index_cast %add3A_1199 : i32 to index
        %get3A_1203 = arith.constant 192 : index
        %get3A_1204 = tpu.vector_load %arg6[%get3A_1201, %get3A_1202, %get3A_1203] {strides = array<i32>} : memref<8x32x256xf32, #tpu.memory_space<vmem>>, vector<1x1x16xf32>,
        %get3A_1205 = vector.shape_cast %get3A_1204 : vector<1x1x16xf32> to vector<16xf32>
        %add3A_1206 = arith.addf %add3A_1068, %get3A_1205 : vector<16xf32>
        %add3A_1207 = arith.constant 1 : i32
        %add3A_1208 = arith.addi %mul3A_978, %add3A_1207 : i32
        %get3A_1209 = arith.constant 6 : i32
        %get3A_1210 = arith.index_cast %get3A_1209 : i32 to index
        %get3A_1211 = arith.index_cast %add3A_1208 : i32 to index
        %get3A_1212 = arith.constant 208 : index
        %get3A_1213 = tpu.vector_load %arg6[%get3A_1210, %get3A_1211, %get3A_1212] {strides = array<i32>} : memref<8x32x256xf32, #tpu.memory_space<vmem>>, vector<1x1x16xf32>,
        %get3A_1214 = vector.shape_cast %get3A_1213 : vector<1x1x16xf32> to vector<16xf32>
        %add3A_1215 = arith.addf %add3A_1075, %get3A_1214 : vector<16xf32>
        %add3A_1216 = arith.constant 1 : i32
        %add3A_1217 = arith.addi %mul3A_978, %add3A_1216 : i32
        %get3A_1218 = arith.constant 6 : i32
        %get3A_1219 = arith.index_cast %get3A_1218 : i32 to index
        %get3A_1220 = arith.index_cast %add3A_1217 : i32 to index
        %get3A_1221 = arith.constant 224 : index
        %get3A_1222 = tpu.vector_load %arg6[%get3A_1219, %get3A_1220, %get3A_1221] {strides = array<i32>} : memref<8x32x256xf32, #tpu.memory_space<vmem>>, vector<1x1x16xf32>,
        %get3A_1223 = vector.shape_cast %get3A_1222 : vector<1x1x16xf32> to vector<16xf32>
        %add3A_1224 = arith.addf %add3A_1082, %get3A_1223 : vector<16xf32>
        %add3A_1225 = arith.constant 1 : i32
        %add3A_1226 = arith.addi %mul3A_978, %add3A_1225 : i32
        %get3A_1227 = arith.constant 6 : i32
        %get3A_1228 = arith.index_cast %get3A_1227 : i32 to index
        %get3A_1229 = arith.index_cast %add3A_1226 : i32 to index
        %get3A_1230 = arith.constant 240 : index
        %get3A_1231 = tpu.vector_load %arg6[%get3A_1228, %get3A_1229, %get3A_1230] {strides = array<i32>} : memref<8x32x256xf32, #tpu.memory_space<vmem>>, vector<1x1x16xf32>,
        %get3A_1232 = vector.shape_cast %get3A_1231 : vector<1x1x16xf32> to vector<16xf32>
        %add3A_1233 = arith.addf %add3A_1089, %get3A_1232 : vector<16xf32>
        scf.yield %add3A_1098, %add3A_1107, %add3A_1116, %add3A_1125, %add3A_1134, %add3A_1143, %add3A_1152, %add3A_1161, %add3A_1170, %add3A_1179, %add3A_1188, %add3A_1197, %add3A_1206, %add3A_1215, %add3A_1224, %add3A_1233 : vector<16xf32>, vector<16xf32>, vector<16xf32>, vector<16xf32>, vector<16xf32>, vector<16xf32>, vector<16xf32>, vector<16xf32>, vector<16xf32>, vector<16xf32>, vector<16xf32>, vector<16xf32>, vector<16xf32>, vector<16xf32>, vector<16xf32>, vector<16xf32>
      }
      %scan3A_811 = arith.constant 16 : i32
      %add3A_812 = arith.constant 8 : i32
      %add3A_813 = arith.addi %add3A_793, %add3A_812 : i32
      %min3A_814 = arith.constant 255 : i32
      %min3A_815 = arith.minsi %add3A_813, %min3A_814 : i32
      %shift_right_logical3A_816 = arith.constant 6 : i32
      %shift_right_logical3A_817 = arith.shrui %min3A_815, %shift_right_logical3A_816 : i32
      %and3A_818 = arith.constant 63 : i32
      %and3A_819 = arith.andi %min3A_815, %and3A_818 : i32
      %mul3A_820 = arith.constant 32 : i32
      %mul3A_821 = arith.muli %and3A_819, %mul3A_820 : i32
      %dma_start3A_822 = arith.constant 6 : i32
      %dma_start3A_823 = arith.constant 0 : i32
      %dma_start3A_824 = arith.constant 0 : i32
      %dma_start3A_825 = tpu.memref_slice %arg6[%dma_start3A_822, %dma_start3A_823, %dma_start3A_824] : memref<8x32x256xf32, #tpu.memory_space<vmem>> -> memref<1x32x256xf32, #tpu.memory_space<vmem>>
      %dma_start3A_826 = tpu.memref_squeeze %dma_start3A_825 : memref<1x32x256xf32, #tpu.memory_space<vmem>> -> memref<32x256xf32, #tpu.memory_space<vmem>>
      %dma_start3A_827 = tpu.memref_slice %arg5[%shift_right_logical3A_817, %mul3A_821] : memref<4x2048xi32, #tpu.memory_space<vmem>> -> memref<1x32xi32, #tpu.memory_space<vmem>>
      %dma_start3A_828 = tpu.memref_squeeze %dma_start3A_827 : memref<1x32xi32, #tpu.memory_space<vmem>> -> memref<32xi32, #tpu.memory_space<vmem>>
      %dma_start3A_829 = arith.constant 0 : i32
      %dma_start3A_830 = arith.constant 0 : i32
      %dma_start3A_831 = tpu.memref_slice %arg3[%dma_start3A_829, %dma_start3A_830] : memref<100000x256xf32, #tpu.memory_space<hbm>> -> memref<100000x256xf32, #tpu.memory_space<hbm>>
      tpu.enqueue_indirect_dma source(%dma_start3A_831 : memref<100000x256xf32, #tpu.memory_space<hbm>>) target(%dma_start3A_826 : memref<32x256xf32, #tpu.memory_space<vmem>>) offsets(%dma_start3A_828 : memref<32xi32, #tpu.memory_space<vmem>>) semaphore(%arg14 : memref<!tpu.dma_semaphore, #tpu.memory_space<semaphore_mem>>)
      %and3A_832 = arith.constant 63 : i32
      %and3A_833 = arith.andi %add3A_793, %and3A_832 : i32
      %eq3A_834 = arith.constant 63 : i32
      %eq3A_835 = arith.cmpi eq, %and3A_833, %eq3A_834 : i32
      %shift_right_logical3A_836 = arith.constant 6 : i32
      %shift_right_logical3A_837 = arith.shrui %add3A_793, %shift_right_logical3A_836 : i32
      %convert_element_type3A_838 = arith.extui %eq3A_835 : i1 to i32
      %cond3A_839 = arith.constant 0 : i32
      %cond3A_840 = arith.cmpi ne, %convert_element_type3A_838, %cond3A_839 : i32
      scf.if %cond3A_840 {
        %mul3A_960 = arith.constant 4.8828125E-4 : f32
        %mul3A_961 = vector.broadcast %mul3A_960 : f32 to vector<16xf32>
        %mul3A_962 = arith.mulf %scan3A_810#0, %mul3A_961 : vector<16xf32>
        %swap3A = arith.constant 0 : index
        %swap3A_963 = tpu.vector_load %arg7[%swap3A] {strides = array<i32>} : memref<256xf32, #tpu.memory_space<vmem>>, vector<16xf32>,
        %swap3A_964 = vector.shape_cast %swap3A_963 : vector<16xf32> to vector<16xf32>
        %swap3A_965 = vector.shape_cast %mul3A_962 : vector<16xf32> to vector<16xf32>
        tpu.vector_store %arg7[%swap3A], %swap3A_965 {strides = array<i32>} : memref<256xf32, #tpu.memory_space<vmem>>, vector<16xf32>,
        %mul3A_966 = arith.constant 4.8828125E-4 : f32
        %mul3A_967 = vector.broadcast %mul3A_966 : f32 to vector<16xf32>
        %mul3A_968 = arith.mulf %scan3A_810#1, %mul3A_967 : vector<16xf32>
        %swap3A_969 = arith.constant 16 : index
        %swap3A_970 = tpu.vector_load %arg7[%swap3A_969] {strides = array<i32>} : memref<256xf32, #tpu.memory_space<vmem>>, vector<16xf32>,
        %swap3A_971 = vector.shape_cast %swap3A_970 : vector<16xf32> to vector<16xf32>
        %swap3A_972 = vector.shape_cast %mul3A_968 : vector<16xf32> to vector<16xf32>
        tpu.vector_store %arg7[%swap3A_969], %swap3A_972 {strides = array<i32>} : memref<256xf32, #tpu.memory_space<vmem>>, vector<16xf32>,
        %mul3A_973 = arith.constant 4.8828125E-4 : f32
        %mul3A_974 = vector.broadcast %mul3A_973 : f32 to vector<16xf32>
        %mul3A_975 = arith.mulf %scan3A_810#2, %mul3A_974 : vector<16xf32>
        %swap3A_976 = arith.constant 32 : index
        %swap3A_977 = tpu.vector_load %arg7[%swap3A_976] {strides = array<i32>} : memref<256xf32, #tpu.memory_space<vmem>>, vector<16xf32>,
        %swap3A_978 = vector.shape_cast %swap3A_977 : vector<16xf32> to vector<16xf32>
        %swap3A_979 = vector.shape_cast %mul3A_975 : vector<16xf32> to vector<16xf32>
        tpu.vector_store %arg7[%swap3A_976], %swap3A_979 {strides = array<i32>} : memref<256xf32, #tpu.memory_space<vmem>>, vector<16xf32>,
        %mul3A_980 = arith.constant 4.8828125E-4 : f32
        %mul3A_981 = vector.broadcast %mul3A_980 : f32 to vector<16xf32>
        %mul3A_982 = arith.mulf %scan3A_810#3, %mul3A_981 : vector<16xf32>
        %swap3A_983 = arith.constant 48 : index
        %swap3A_984 = tpu.vector_load %arg7[%swap3A_983] {strides = array<i32>} : memref<256xf32, #tpu.memory_space<vmem>>, vector<16xf32>,
        %swap3A_985 = vector.shape_cast %swap3A_984 : vector<16xf32> to vector<16xf32>
        %swap3A_986 = vector.shape_cast %mul3A_982 : vector<16xf32> to vector<16xf32>
        tpu.vector_store %arg7[%swap3A_983], %swap3A_986 {strides = array<i32>} : memref<256xf32, #tpu.memory_space<vmem>>, vector<16xf32>,
        %mul3A_987 = arith.constant 4.8828125E-4 : f32
        %mul3A_988 = vector.broadcast %mul3A_987 : f32 to vector<16xf32>
        %mul3A_989 = arith.mulf %scan3A_810#4, %mul3A_988 : vector<16xf32>
        %swap3A_990 = arith.constant 64 : index
        %swap3A_991 = tpu.vector_load %arg7[%swap3A_990] {strides = array<i32>} : memref<256xf32, #tpu.memory_space<vmem>>, vector<16xf32>,
        %swap3A_992 = vector.shape_cast %swap3A_991 : vector<16xf32> to vector<16xf32>
        %swap3A_993 = vector.shape_cast %mul3A_989 : vector<16xf32> to vector<16xf32>
        tpu.vector_store %arg7[%swap3A_990], %swap3A_993 {strides = array<i32>} : memref<256xf32, #tpu.memory_space<vmem>>, vector<16xf32>,
        %mul3A_994 = arith.constant 4.8828125E-4 : f32
        %mul3A_995 = vector.broadcast %mul3A_994 : f32 to vector<16xf32>
        %mul3A_996 = arith.mulf %scan3A_810#5, %mul3A_995 : vector<16xf32>
        %swap3A_997 = arith.constant 80 : index
        %swap3A_998 = tpu.vector_load %arg7[%swap3A_997] {strides = array<i32>} : memref<256xf32, #tpu.memory_space<vmem>>, vector<16xf32>,
        %swap3A_999 = vector.shape_cast %swap3A_998 : vector<16xf32> to vector<16xf32>
        %swap3A_1000 = vector.shape_cast %mul3A_996 : vector<16xf32> to vector<16xf32>
        tpu.vector_store %arg7[%swap3A_997], %swap3A_1000 {strides = array<i32>} : memref<256xf32, #tpu.memory_space<vmem>>, vector<16xf32>,
        %mul3A_1001 = arith.constant 4.8828125E-4 : f32
        %mul3A_1002 = vector.broadcast %mul3A_1001 : f32 to vector<16xf32>
        %mul3A_1003 = arith.mulf %scan3A_810#6, %mul3A_1002 : vector<16xf32>
        %swap3A_1004 = arith.constant 96 : index
        %swap3A_1005 = tpu.vector_load %arg7[%swap3A_1004] {strides = array<i32>} : memref<256xf32, #tpu.memory_space<vmem>>, vector<16xf32>,
        %swap3A_1006 = vector.shape_cast %swap3A_1005 : vector<16xf32> to vector<16xf32>
        %swap3A_1007 = vector.shape_cast %mul3A_1003 : vector<16xf32> to vector<16xf32>
        tpu.vector_store %arg7[%swap3A_1004], %swap3A_1007 {strides = array<i32>} : memref<256xf32, #tpu.memory_space<vmem>>, vector<16xf32>,
        %mul3A_1008 = arith.constant 4.8828125E-4 : f32
        %mul3A_1009 = vector.broadcast %mul3A_1008 : f32 to vector<16xf32>
        %mul3A_1010 = arith.mulf %scan3A_810#7, %mul3A_1009 : vector<16xf32>
        %swap3A_1011 = arith.constant 112 : index
        %swap3A_1012 = tpu.vector_load %arg7[%swap3A_1011] {strides = array<i32>} : memref<256xf32, #tpu.memory_space<vmem>>, vector<16xf32>,
        %swap3A_1013 = vector.shape_cast %swap3A_1012 : vector<16xf32> to vector<16xf32>
        %swap3A_1014 = vector.shape_cast %mul3A_1010 : vector<16xf32> to vector<16xf32>
        tpu.vector_store %arg7[%swap3A_1011], %swap3A_1014 {strides = array<i32>} : memref<256xf32, #tpu.memory_space<vmem>>, vector<16xf32>,
        %mul3A_1015 = arith.constant 4.8828125E-4 : f32
        %mul3A_1016 = vector.broadcast %mul3A_1015 : f32 to vector<16xf32>
        %mul3A_1017 = arith.mulf %scan3A_810#8, %mul3A_1016 : vector<16xf32>
        %swap3A_1018 = arith.constant 128 : index
        %swap3A_1019 = tpu.vector_load %arg7[%swap3A_1018] {strides = array<i32>} : memref<256xf32, #tpu.memory_space<vmem>>, vector<16xf32>,
        %swap3A_1020 = vector.shape_cast %swap3A_1019 : vector<16xf32> to vector<16xf32>
        %swap3A_1021 = vector.shape_cast %mul3A_1017 : vector<16xf32> to vector<16xf32>
        tpu.vector_store %arg7[%swap3A_1018], %swap3A_1021 {strides = array<i32>} : memref<256xf32, #tpu.memory_space<vmem>>, vector<16xf32>,
        %mul3A_1022 = arith.constant 4.8828125E-4 : f32
        %mul3A_1023 = vector.broadcast %mul3A_1022 : f32 to vector<16xf32>
        %mul3A_1024 = arith.mulf %scan3A_810#9, %mul3A_1023 : vector<16xf32>
        %swap3A_1025 = arith.constant 144 : index
        %swap3A_1026 = tpu.vector_load %arg7[%swap3A_1025] {strides = array<i32>} : memref<256xf32, #tpu.memory_space<vmem>>, vector<16xf32>,
        %swap3A_1027 = vector.shape_cast %swap3A_1026 : vector<16xf32> to vector<16xf32>
        %swap3A_1028 = vector.shape_cast %mul3A_1024 : vector<16xf32> to vector<16xf32>
        tpu.vector_store %arg7[%swap3A_1025], %swap3A_1028 {strides = array<i32>} : memref<256xf32, #tpu.memory_space<vmem>>, vector<16xf32>,
        %mul3A_1029 = arith.constant 4.8828125E-4 : f32
        %mul3A_1030 = vector.broadcast %mul3A_1029 : f32 to vector<16xf32>
        %mul3A_1031 = arith.mulf %scan3A_810#10, %mul3A_1030 : vector<16xf32>
        %swap3A_1032 = arith.constant 160 : index
        %swap3A_1033 = tpu.vector_load %arg7[%swap3A_1032] {strides = array<i32>} : memref<256xf32, #tpu.memory_space<vmem>>, vector<16xf32>,
        %swap3A_1034 = vector.shape_cast %swap3A_1033 : vector<16xf32> to vector<16xf32>
        %swap3A_1035 = vector.shape_cast %mul3A_1031 : vector<16xf32> to vector<16xf32>
        tpu.vector_store %arg7[%swap3A_1032], %swap3A_1035 {strides = array<i32>} : memref<256xf32, #tpu.memory_space<vmem>>, vector<16xf32>,
        %mul3A_1036 = arith.constant 4.8828125E-4 : f32
        %mul3A_1037 = vector.broadcast %mul3A_1036 : f32 to vector<16xf32>
        %mul3A_1038 = arith.mulf %scan3A_810#11, %mul3A_1037 : vector<16xf32>
        %swap3A_1039 = arith.constant 176 : index
        %swap3A_1040 = tpu.vector_load %arg7[%swap3A_1039] {strides = array<i32>} : memref<256xf32, #tpu.memory_space<vmem>>, vector<16xf32>,
        %swap3A_1041 = vector.shape_cast %swap3A_1040 : vector<16xf32> to vector<16xf32>
        %swap3A_1042 = vector.shape_cast %mul3A_1038 : vector<16xf32> to vector<16xf32>
        tpu.vector_store %arg7[%swap3A_1039], %swap3A_1042 {strides = array<i32>} : memref<256xf32, #tpu.memory_space<vmem>>, vector<16xf32>,
        %mul3A_1043 = arith.constant 4.8828125E-4 : f32
        %mul3A_1044 = vector.broadcast %mul3A_1043 : f32 to vector<16xf32>
        %mul3A_1045 = arith.mulf %scan3A_810#12, %mul3A_1044 : vector<16xf32>
        %swap3A_1046 = arith.constant 192 : index
        %swap3A_1047 = tpu.vector_load %arg7[%swap3A_1046] {strides = array<i32>} : memref<256xf32, #tpu.memory_space<vmem>>, vector<16xf32>,
        %swap3A_1048 = vector.shape_cast %swap3A_1047 : vector<16xf32> to vector<16xf32>
        %swap3A_1049 = vector.shape_cast %mul3A_1045 : vector<16xf32> to vector<16xf32>
        tpu.vector_store %arg7[%swap3A_1046], %swap3A_1049 {strides = array<i32>} : memref<256xf32, #tpu.memory_space<vmem>>, vector<16xf32>,
        %mul3A_1050 = arith.constant 4.8828125E-4 : f32
        %mul3A_1051 = vector.broadcast %mul3A_1050 : f32 to vector<16xf32>
        %mul3A_1052 = arith.mulf %scan3A_810#13, %mul3A_1051 : vector<16xf32>
        %swap3A_1053 = arith.constant 208 : index
        %swap3A_1054 = tpu.vector_load %arg7[%swap3A_1053] {strides = array<i32>} : memref<256xf32, #tpu.memory_space<vmem>>, vector<16xf32>,
        %swap3A_1055 = vector.shape_cast %swap3A_1054 : vector<16xf32> to vector<16xf32>
        %swap3A_1056 = vector.shape_cast %mul3A_1052 : vector<16xf32> to vector<16xf32>
        tpu.vector_store %arg7[%swap3A_1053], %swap3A_1056 {strides = array<i32>} : memref<256xf32, #tpu.memory_space<vmem>>, vector<16xf32>,
        %mul3A_1057 = arith.constant 4.8828125E-4 : f32
        %mul3A_1058 = vector.broadcast %mul3A_1057 : f32 to vector<16xf32>
        %mul3A_1059 = arith.mulf %scan3A_810#14, %mul3A_1058 : vector<16xf32>
        %swap3A_1060 = arith.constant 224 : index
        %swap3A_1061 = tpu.vector_load %arg7[%swap3A_1060] {strides = array<i32>} : memref<256xf32, #tpu.memory_space<vmem>>, vector<16xf32>,
        %swap3A_1062 = vector.shape_cast %swap3A_1061 : vector<16xf32> to vector<16xf32>
        %swap3A_1063 = vector.shape_cast %mul3A_1059 : vector<16xf32> to vector<16xf32>
        tpu.vector_store %arg7[%swap3A_1060], %swap3A_1063 {strides = array<i32>} : memref<256xf32, #tpu.memory_space<vmem>>, vector<16xf32>,
        %mul3A_1064 = arith.constant 4.8828125E-4 : f32
        %mul3A_1065 = vector.broadcast %mul3A_1064 : f32 to vector<16xf32>
        %mul3A_1066 = arith.mulf %scan3A_810#15, %mul3A_1065 : vector<16xf32>
        %swap3A_1067 = arith.constant 240 : index
        %swap3A_1068 = tpu.vector_load %arg7[%swap3A_1067] {strides = array<i32>} : memref<256xf32, #tpu.memory_space<vmem>>, vector<16xf32>,
        %swap3A_1069 = vector.shape_cast %swap3A_1068 : vector<16xf32> to vector<16xf32>
        %swap3A_1070 = vector.shape_cast %mul3A_1066 : vector<16xf32> to vector<16xf32>
        tpu.vector_store %arg7[%swap3A_1067], %swap3A_1070 {strides = array<i32>} : memref<256xf32, #tpu.memory_space<vmem>>, vector<16xf32>,
        %mul3A_1071 = arith.constant 4 : i32
        %mul3A_1072 = arith.muli %add3A, %mul3A_1071 : i32
        %add3A_1073 = arith.addi %mul3A_1072, %shift_right_logical3A_837 : i32
        "tpu.region"() ({
          %run_scoped3A = tpu.sem_alloc : memref<!tpu.dma_semaphore, #tpu.memory_space<semaphore_mem>>
          %dma_start3A_1074 = arith.constant 0 : i32
          %dma_start3A_1075 = tpu.memref_slice %arg4[%add3A_1073, %dma_start3A_1074] : memref<128x256xf32, #tpu.memory_space<hbm>> -> memref<1x256xf32, #tpu.memory_space<hbm>>
          %dma_start3A_1076 = tpu.memref_squeeze %dma_start3A_1075 : memref<1x256xf32, #tpu.memory_space<hbm>> -> memref<256xf32, #tpu.memory_space<hbm>>
          %dma_start3A_1077 = arith.constant 0 : i32
          %dma_start3A_1078 = tpu.memref_slice %arg4[%add3A_1073, %dma_start3A_1077] : memref<128x256xf32, #tpu.memory_space<hbm>> -> memref<1x256xf32, #tpu.memory_space<hbm>>
          %dma_start3A_1079 = tpu.memref_squeeze %dma_start3A_1078 : memref<1x256xf32, #tpu.memory_space<hbm>> -> memref<256xf32, #tpu.memory_space<hbm>>
          tpu.enqueue_dma source(%arg7 : memref<256xf32, #tpu.memory_space<vmem>>) target(%dma_start3A_1079 : memref<256xf32, #tpu.memory_space<hbm>>) target_semaphore(%run_scoped3A : memref<!tpu.dma_semaphore, #tpu.memory_space<semaphore_mem>>)
          %dma_wait3A_1080 = arith.constant 0 : i32
          %dma_wait3A_1081 = tpu.memref_slice %arg4[%add3A_1073, %dma_wait3A_1080] : memref<128x256xf32, #tpu.memory_space<hbm>> -> memref<1x256xf32, #tpu.memory_space<hbm>>
          %dma_wait3A_1082 = tpu.memref_squeeze %dma_wait3A_1081 : memref<1x256xf32, #tpu.memory_space<hbm>> -> memref<256xf32, #tpu.memory_space<hbm>>
          %dma_wait3A_1083 = arith.constant 0 : i32
          %dma_wait3A_1084 = tpu.memref_slice %arg4[%add3A_1073, %dma_wait3A_1083] : memref<128x256xf32, #tpu.memory_space<hbm>> -> memref<1x256xf32, #tpu.memory_space<hbm>>
          %dma_wait3A_1085 = tpu.memref_squeeze %dma_wait3A_1084 : memref<1x256xf32, #tpu.memory_space<hbm>> -> memref<256xf32, #tpu.memory_space<hbm>>
          tpu.wait_dma2 semaphore(%run_scoped3A : memref<!tpu.dma_semaphore, #tpu.memory_space<semaphore_mem>>) src(%arg7 : memref<256xf32, #tpu.memory_space<vmem>>) dst(%dma_wait3A_1085 : memref<256xf32, #tpu.memory_space<hbm>>)
          tpu.yield
        }) : () -> ()
      } else {
      }
      %jit3A_841 = arith.constant 0.000000e+00 : f32
      %jit3A_842 = arith.constant 1.000000e+00 : f32
      %select_n3A_843 = arith.select %eq3A_835, %jit3A_841, %jit3A_842 : f32
      %mul3A_844 = vector.broadcast %select_n3A_843 : f32 to vector<16xf32>
      %mul3A_845 = arith.mulf %scan3A_810#0, %mul3A_844 : vector<16xf32>
      %mul3A_846 = vector.broadcast %select_n3A_843 : f32 to vector<16xf32>
      %mul3A_847 = arith.mulf %scan3A_810#1, %mul3A_846 : vector<16xf32>
      %mul3A_848 = vector.broadcast %select_n3A_843 : f32 to vector<16xf32>
      %mul3A_849 = arith.mulf %scan3A_810#2, %mul3A_848 : vector<16xf32>
      %mul3A_850 = vector.broadcast %select_n3A_843 : f32 to vector<16xf32>
      %mul3A_851 = arith.mulf %scan3A_810#3, %mul3A_850 : vector<16xf32>
      %mul3A_852 = vector.broadcast %select_n3A_843 : f32 to vector<16xf32>
      %mul3A_853 = arith.mulf %scan3A_810#4, %mul3A_852 : vector<16xf32>
      %mul3A_854 = vector.broadcast %select_n3A_843 : f32 to vector<16xf32>
      %mul3A_855 = arith.mulf %scan3A_810#5, %mul3A_854 : vector<16xf32>
      %mul3A_856 = vector.broadcast %select_n3A_843 : f32 to vector<16xf32>
      %mul3A_857 = arith.mulf %scan3A_810#6, %mul3A_856 : vector<16xf32>
      %mul3A_858 = vector.broadcast %select_n3A_843 : f32 to vector<16xf32>
      %mul3A_859 = arith.mulf %scan3A_810#7, %mul3A_858 : vector<16xf32>
      %mul3A_860 = vector.broadcast %select_n3A_843 : f32 to vector<16xf32>
      %mul3A_861 = arith.mulf %scan3A_810#8, %mul3A_860 : vector<16xf32>
      %mul3A_862 = vector.broadcast %select_n3A_843 : f32 to vector<16xf32>
      %mul3A_863 = arith.mulf %scan3A_810#9, %mul3A_862 : vector<16xf32>
      %mul3A_864 = vector.broadcast %select_n3A_843 : f32 to vector<16xf32>
      %mul3A_865 = arith.mulf %scan3A_810#10, %mul3A_864 : vector<16xf32>
      %mul3A_866 = vector.broadcast %select_n3A_843 : f32 to vector<16xf32>
      %mul3A_867 = arith.mulf %scan3A_810#11, %mul3A_866 : vector<16xf32>
      %mul3A_868 = vector.broadcast %select_n3A_843 : f32 to vector<16xf32>
      %mul3A_869 = arith.mulf %scan3A_810#12, %mul3A_868 : vector<16xf32>
      %mul3A_870 = vector.broadcast %select_n3A_843 : f32 to vector<16xf32>
      %mul3A_871 = arith.mulf %scan3A_810#13, %mul3A_870 : vector<16xf32>
      %mul3A_872 = vector.broadcast %select_n3A_843 : f32 to vector<16xf32>
      %mul3A_873 = arith.mulf %scan3A_810#14, %mul3A_872 : vector<16xf32>
      %mul3A_874 = vector.broadcast %select_n3A_843 : f32 to vector<16xf32>
      %mul3A_875 = arith.mulf %scan3A_810#15, %mul3A_874 : vector<16xf32>
      %add3A_876 = arith.constant 7 : i32
      %add3A_877 = arith.addi %mul3A_293, %add3A_876 : i32
      %dma_wait3A_878 = arith.constant 0 : i32
      %dma_wait3A_879 = arith.constant 7 : i32
      %dma_wait3A_880 = arith.constant 0 : i32
      %dma_wait3A_881 = arith.constant 0 : i32
      %dma_wait3A_882 = tpu.memref_slice %arg6[%dma_wait3A_879, %dma_wait3A_880, %dma_wait3A_881] : memref<8x32x256xf32, #tpu.memory_space<vmem>> -> memref<1x32x256xf32, #tpu.memory_space<vmem>>
      %dma_wait3A_883 = tpu.memref_squeeze %dma_wait3A_882 : memref<1x32x256xf32, #tpu.memory_space<vmem>> -> memref<32x256xf32, #tpu.memory_space<vmem>>
      %dma_wait3A_884 = arith.constant 0 : i32
      %dma_wait3A_885 = tpu.memref_slice %arg5[%dma_wait3A_878, %dma_wait3A_884] : memref<4x2048xi32, #tpu.memory_space<vmem>> -> memref<1x32xi32, #tpu.memory_space<vmem>>
      %dma_wait3A_886 = tpu.memref_squeeze %dma_wait3A_885 : memref<1x32xi32, #tpu.memory_space<vmem>> -> memref<32xi32, #tpu.memory_space<vmem>>
      %dma_wait3A_887 = arith.constant 0 : i32
      %dma_wait3A_888 = arith.constant 0 : i32
      %dma_wait3A_889 = tpu.memref_slice %arg3[%dma_wait3A_887, %dma_wait3A_888] : memref<100000x256xf32, #tpu.memory_space<hbm>> -> memref<100000x256xf32, #tpu.memory_space<hbm>>
      tpu.wait_indirect_dma semaphore(%arg15 : memref<!tpu.dma_semaphore, #tpu.memory_space<semaphore_mem>>) src(%dma_wait3A_889 : memref<100000x256xf32, #tpu.memory_space<hbm>>) dst(%dma_wait3A_883 : memref<32x256xf32, #tpu.memory_space<vmem>>)
      %scan3A_890 = arith.constant 0 : i32
      %scan3A_891 = arith.constant 16 : i32
      %scan3A_892 = arith.addi %scan3A_890, %scan3A_891 : i32
      %scan3A_893 = arith.constant 1 : i32
      %scan3A_894:16 = scf.for %scan3A_960 = %scan3A_890 to %scan3A_892 step %scan3A_893 iter_args(%scan3A_961 = %mul3A_845, %scan3A_962 = %mul3A_847, %scan3A_963 = %mul3A_849, %scan3A_964 = %mul3A_851, %scan3A_965 = %mul3A_853, %scan3A_966 = %mul3A_855, %scan3A_967 = %mul3A_857, %scan3A_968 = %mul3A_859, %scan3A_969 = %mul3A_861, %scan3A_970 = %mul3A_863, %scan3A_971 = %mul3A_865, %scan3A_972 = %mul3A_867, %scan3A_973 = %mul3A_869, %scan3A_974 = %mul3A_871, %scan3A_975 = %mul3A_873, %scan3A_976 = %mul3A_875) -> (vector<16xf32>, vector<16xf32>, vector<16xf32>, vector<16xf32>, vector<16xf32>, vector<16xf32>, vector<16xf32>, vector<16xf32>, vector<16xf32>, vector<16xf32>, vector<16xf32>, vector<16xf32>, vector<16xf32>, vector<16xf32>, vector<16xf32>, vector<16xf32>)  : i32 {
        %mul3A_977 = arith.constant 2 : i32
        %mul3A_978 = arith.muli %scan3A_960, %mul3A_977 : i32
        %get3A = arith.constant 7 : i32
        %get3A_979 = arith.index_cast %get3A : i32 to index
        %get3A_980 = arith.index_cast %mul3A_978 : i32 to index
        %get3A_981 = arith.constant 0 : index
        %get3A_982 = tpu.vector_load %arg6[%get3A_979, %get3A_980, %get3A_981] {strides = array<i32>} : memref<8x32x256xf32, #tpu.memory_space<vmem>>, vector<1x1x16xf32>,
        %get3A_983 = vector.shape_cast %get3A_982 : vector<1x1x16xf32> to vector<16xf32>
        %add3A_984 = arith.addf %scan3A_961, %get3A_983 : vector<16xf32>
        %get3A_985 = arith.constant 7 : i32
        %get3A_986 = arith.index_cast %get3A_985 : i32 to index
        %get3A_987 = arith.index_cast %mul3A_978 : i32 to index
        %get3A_988 = arith.constant 16 : index
        %get3A_989 = tpu.vector_load %arg6[%get3A_986, %get3A_987, %get3A_988] {strides = array<i32>} : memref<8x32x256xf32, #tpu.memory_space<vmem>>, vector<1x1x16xf32>,
        %get3A_990 = vector.shape_cast %get3A_989 : vector<1x1x16xf32> to vector<16xf32>
        %add3A_991 = arith.addf %scan3A_962, %get3A_990 : vector<16xf32>
        %get3A_992 = arith.constant 7 : i32
        %get3A_993 = arith.index_cast %get3A_992 : i32 to index
        %get3A_994 = arith.index_cast %mul3A_978 : i32 to index
        %get3A_995 = arith.constant 32 : index
        %get3A_996 = tpu.vector_load %arg6[%get3A_993, %get3A_994, %get3A_995] {strides = array<i32>} : memref<8x32x256xf32, #tpu.memory_space<vmem>>, vector<1x1x16xf32>,
        %get3A_997 = vector.shape_cast %get3A_996 : vector<1x1x16xf32> to vector<16xf32>
        %add3A_998 = arith.addf %scan3A_963, %get3A_997 : vector<16xf32>
        %get3A_999 = arith.constant 7 : i32
        %get3A_1000 = arith.index_cast %get3A_999 : i32 to index
        %get3A_1001 = arith.index_cast %mul3A_978 : i32 to index
        %get3A_1002 = arith.constant 48 : index
        %get3A_1003 = tpu.vector_load %arg6[%get3A_1000, %get3A_1001, %get3A_1002] {strides = array<i32>} : memref<8x32x256xf32, #tpu.memory_space<vmem>>, vector<1x1x16xf32>,
        %get3A_1004 = vector.shape_cast %get3A_1003 : vector<1x1x16xf32> to vector<16xf32>
        %add3A_1005 = arith.addf %scan3A_964, %get3A_1004 : vector<16xf32>
        %get3A_1006 = arith.constant 7 : i32
        %get3A_1007 = arith.index_cast %get3A_1006 : i32 to index
        %get3A_1008 = arith.index_cast %mul3A_978 : i32 to index
        %get3A_1009 = arith.constant 64 : index
        %get3A_1010 = tpu.vector_load %arg6[%get3A_1007, %get3A_1008, %get3A_1009] {strides = array<i32>} : memref<8x32x256xf32, #tpu.memory_space<vmem>>, vector<1x1x16xf32>,
        %get3A_1011 = vector.shape_cast %get3A_1010 : vector<1x1x16xf32> to vector<16xf32>
        %add3A_1012 = arith.addf %scan3A_965, %get3A_1011 : vector<16xf32>
        %get3A_1013 = arith.constant 7 : i32
        %get3A_1014 = arith.index_cast %get3A_1013 : i32 to index
        %get3A_1015 = arith.index_cast %mul3A_978 : i32 to index
        %get3A_1016 = arith.constant 80 : index
        %get3A_1017 = tpu.vector_load %arg6[%get3A_1014, %get3A_1015, %get3A_1016] {strides = array<i32>} : memref<8x32x256xf32, #tpu.memory_space<vmem>>, vector<1x1x16xf32>,
        %get3A_1018 = vector.shape_cast %get3A_1017 : vector<1x1x16xf32> to vector<16xf32>
        %add3A_1019 = arith.addf %scan3A_966, %get3A_1018 : vector<16xf32>
        %get3A_1020 = arith.constant 7 : i32
        %get3A_1021 = arith.index_cast %get3A_1020 : i32 to index
        %get3A_1022 = arith.index_cast %mul3A_978 : i32 to index
        %get3A_1023 = arith.constant 96 : index
        %get3A_1024 = tpu.vector_load %arg6[%get3A_1021, %get3A_1022, %get3A_1023] {strides = array<i32>} : memref<8x32x256xf32, #tpu.memory_space<vmem>>, vector<1x1x16xf32>,
        %get3A_1025 = vector.shape_cast %get3A_1024 : vector<1x1x16xf32> to vector<16xf32>
        %add3A_1026 = arith.addf %scan3A_967, %get3A_1025 : vector<16xf32>
        %get3A_1027 = arith.constant 7 : i32
        %get3A_1028 = arith.index_cast %get3A_1027 : i32 to index
        %get3A_1029 = arith.index_cast %mul3A_978 : i32 to index
        %get3A_1030 = arith.constant 112 : index
        %get3A_1031 = tpu.vector_load %arg6[%get3A_1028, %get3A_1029, %get3A_1030] {strides = array<i32>} : memref<8x32x256xf32, #tpu.memory_space<vmem>>, vector<1x1x16xf32>,
        %get3A_1032 = vector.shape_cast %get3A_1031 : vector<1x1x16xf32> to vector<16xf32>
        %add3A_1033 = arith.addf %scan3A_968, %get3A_1032 : vector<16xf32>
        %get3A_1034 = arith.constant 7 : i32
        %get3A_1035 = arith.index_cast %get3A_1034 : i32 to index
        %get3A_1036 = arith.index_cast %mul3A_978 : i32 to index
        %get3A_1037 = arith.constant 128 : index
        %get3A_1038 = tpu.vector_load %arg6[%get3A_1035, %get3A_1036, %get3A_1037] {strides = array<i32>} : memref<8x32x256xf32, #tpu.memory_space<vmem>>, vector<1x1x16xf32>,
        %get3A_1039 = vector.shape_cast %get3A_1038 : vector<1x1x16xf32> to vector<16xf32>
        %add3A_1040 = arith.addf %scan3A_969, %get3A_1039 : vector<16xf32>
        %get3A_1041 = arith.constant 7 : i32
        %get3A_1042 = arith.index_cast %get3A_1041 : i32 to index
        %get3A_1043 = arith.index_cast %mul3A_978 : i32 to index
        %get3A_1044 = arith.constant 144 : index
        %get3A_1045 = tpu.vector_load %arg6[%get3A_1042, %get3A_1043, %get3A_1044] {strides = array<i32>} : memref<8x32x256xf32, #tpu.memory_space<vmem>>, vector<1x1x16xf32>,
        %get3A_1046 = vector.shape_cast %get3A_1045 : vector<1x1x16xf32> to vector<16xf32>
        %add3A_1047 = arith.addf %scan3A_970, %get3A_1046 : vector<16xf32>
        %get3A_1048 = arith.constant 7 : i32
        %get3A_1049 = arith.index_cast %get3A_1048 : i32 to index
        %get3A_1050 = arith.index_cast %mul3A_978 : i32 to index
        %get3A_1051 = arith.constant 160 : index
        %get3A_1052 = tpu.vector_load %arg6[%get3A_1049, %get3A_1050, %get3A_1051] {strides = array<i32>} : memref<8x32x256xf32, #tpu.memory_space<vmem>>, vector<1x1x16xf32>,
        %get3A_1053 = vector.shape_cast %get3A_1052 : vector<1x1x16xf32> to vector<16xf32>
        %add3A_1054 = arith.addf %scan3A_971, %get3A_1053 : vector<16xf32>
        %get3A_1055 = arith.constant 7 : i32
        %get3A_1056 = arith.index_cast %get3A_1055 : i32 to index
        %get3A_1057 = arith.index_cast %mul3A_978 : i32 to index
        %get3A_1058 = arith.constant 176 : index
        %get3A_1059 = tpu.vector_load %arg6[%get3A_1056, %get3A_1057, %get3A_1058] {strides = array<i32>} : memref<8x32x256xf32, #tpu.memory_space<vmem>>, vector<1x1x16xf32>,
        %get3A_1060 = vector.shape_cast %get3A_1059 : vector<1x1x16xf32> to vector<16xf32>
        %add3A_1061 = arith.addf %scan3A_972, %get3A_1060 : vector<16xf32>
        %get3A_1062 = arith.constant 7 : i32
        %get3A_1063 = arith.index_cast %get3A_1062 : i32 to index
        %get3A_1064 = arith.index_cast %mul3A_978 : i32 to index
        %get3A_1065 = arith.constant 192 : index
        %get3A_1066 = tpu.vector_load %arg6[%get3A_1063, %get3A_1064, %get3A_1065] {strides = array<i32>} : memref<8x32x256xf32, #tpu.memory_space<vmem>>, vector<1x1x16xf32>,
        %get3A_1067 = vector.shape_cast %get3A_1066 : vector<1x1x16xf32> to vector<16xf32>
        %add3A_1068 = arith.addf %scan3A_973, %get3A_1067 : vector<16xf32>
        %get3A_1069 = arith.constant 7 : i32
        %get3A_1070 = arith.index_cast %get3A_1069 : i32 to index
        %get3A_1071 = arith.index_cast %mul3A_978 : i32 to index
        %get3A_1072 = arith.constant 208 : index
        %get3A_1073 = tpu.vector_load %arg6[%get3A_1070, %get3A_1071, %get3A_1072] {strides = array<i32>} : memref<8x32x256xf32, #tpu.memory_space<vmem>>, vector<1x1x16xf32>,
        %get3A_1074 = vector.shape_cast %get3A_1073 : vector<1x1x16xf32> to vector<16xf32>
        %add3A_1075 = arith.addf %scan3A_974, %get3A_1074 : vector<16xf32>
        %get3A_1076 = arith.constant 7 : i32
        %get3A_1077 = arith.index_cast %get3A_1076 : i32 to index
        %get3A_1078 = arith.index_cast %mul3A_978 : i32 to index
        %get3A_1079 = arith.constant 224 : index
        %get3A_1080 = tpu.vector_load %arg6[%get3A_1077, %get3A_1078, %get3A_1079] {strides = array<i32>} : memref<8x32x256xf32, #tpu.memory_space<vmem>>, vector<1x1x16xf32>,
        %get3A_1081 = vector.shape_cast %get3A_1080 : vector<1x1x16xf32> to vector<16xf32>
        %add3A_1082 = arith.addf %scan3A_975, %get3A_1081 : vector<16xf32>
        %get3A_1083 = arith.constant 7 : i32
        %get3A_1084 = arith.index_cast %get3A_1083 : i32 to index
        %get3A_1085 = arith.index_cast %mul3A_978 : i32 to index
        %get3A_1086 = arith.constant 240 : index
        %get3A_1087 = tpu.vector_load %arg6[%get3A_1084, %get3A_1085, %get3A_1086] {strides = array<i32>} : memref<8x32x256xf32, #tpu.memory_space<vmem>>, vector<1x1x16xf32>,
        %get3A_1088 = vector.shape_cast %get3A_1087 : vector<1x1x16xf32> to vector<16xf32>
        %add3A_1089 = arith.addf %scan3A_976, %get3A_1088 : vector<16xf32>
        %add3A_1090 = arith.constant 1 : i32
        %add3A_1091 = arith.addi %mul3A_978, %add3A_1090 : i32
        %get3A_1092 = arith.constant 7 : i32
        %get3A_1093 = arith.index_cast %get3A_1092 : i32 to index
        %get3A_1094 = arith.index_cast %add3A_1091 : i32 to index
        %get3A_1095 = arith.constant 0 : index
        %get3A_1096 = tpu.vector_load %arg6[%get3A_1093, %get3A_1094, %get3A_1095] {strides = array<i32>} : memref<8x32x256xf32, #tpu.memory_space<vmem>>, vector<1x1x16xf32>,
        %get3A_1097 = vector.shape_cast %get3A_1096 : vector<1x1x16xf32> to vector<16xf32>
        %add3A_1098 = arith.addf %add3A_984, %get3A_1097 : vector<16xf32>
        %add3A_1099 = arith.constant 1 : i32
        %add3A_1100 = arith.addi %mul3A_978, %add3A_1099 : i32
        %get3A_1101 = arith.constant 7 : i32
        %get3A_1102 = arith.index_cast %get3A_1101 : i32 to index
        %get3A_1103 = arith.index_cast %add3A_1100 : i32 to index
        %get3A_1104 = arith.constant 16 : index
        %get3A_1105 = tpu.vector_load %arg6[%get3A_1102, %get3A_1103, %get3A_1104] {strides = array<i32>} : memref<8x32x256xf32, #tpu.memory_space<vmem>>, vector<1x1x16xf32>,
        %get3A_1106 = vector.shape_cast %get3A_1105 : vector<1x1x16xf32> to vector<16xf32>
        %add3A_1107 = arith.addf %add3A_991, %get3A_1106 : vector<16xf32>
        %add3A_1108 = arith.constant 1 : i32
        %add3A_1109 = arith.addi %mul3A_978, %add3A_1108 : i32
        %get3A_1110 = arith.constant 7 : i32
        %get3A_1111 = arith.index_cast %get3A_1110 : i32 to index
        %get3A_1112 = arith.index_cast %add3A_1109 : i32 to index
        %get3A_1113 = arith.constant 32 : index
        %get3A_1114 = tpu.vector_load %arg6[%get3A_1111, %get3A_1112, %get3A_1113] {strides = array<i32>} : memref<8x32x256xf32, #tpu.memory_space<vmem>>, vector<1x1x16xf32>,
        %get3A_1115 = vector.shape_cast %get3A_1114 : vector<1x1x16xf32> to vector<16xf32>
        %add3A_1116 = arith.addf %add3A_998, %get3A_1115 : vector<16xf32>
        %add3A_1117 = arith.constant 1 : i32
        %add3A_1118 = arith.addi %mul3A_978, %add3A_1117 : i32
        %get3A_1119 = arith.constant 7 : i32
        %get3A_1120 = arith.index_cast %get3A_1119 : i32 to index
        %get3A_1121 = arith.index_cast %add3A_1118 : i32 to index
        %get3A_1122 = arith.constant 48 : index
        %get3A_1123 = tpu.vector_load %arg6[%get3A_1120, %get3A_1121, %get3A_1122] {strides = array<i32>} : memref<8x32x256xf32, #tpu.memory_space<vmem>>, vector<1x1x16xf32>,
        %get3A_1124 = vector.shape_cast %get3A_1123 : vector<1x1x16xf32> to vector<16xf32>
        %add3A_1125 = arith.addf %add3A_1005, %get3A_1124 : vector<16xf32>
        %add3A_1126 = arith.constant 1 : i32
        %add3A_1127 = arith.addi %mul3A_978, %add3A_1126 : i32
        %get3A_1128 = arith.constant 7 : i32
        %get3A_1129 = arith.index_cast %get3A_1128 : i32 to index
        %get3A_1130 = arith.index_cast %add3A_1127 : i32 to index
        %get3A_1131 = arith.constant 64 : index
        %get3A_1132 = tpu.vector_load %arg6[%get3A_1129, %get3A_1130, %get3A_1131] {strides = array<i32>} : memref<8x32x256xf32, #tpu.memory_space<vmem>>, vector<1x1x16xf32>,
        %get3A_1133 = vector.shape_cast %get3A_1132 : vector<1x1x16xf32> to vector<16xf32>
        %add3A_1134 = arith.addf %add3A_1012, %get3A_1133 : vector<16xf32>
        %add3A_1135 = arith.constant 1 : i32
        %add3A_1136 = arith.addi %mul3A_978, %add3A_1135 : i32
        %get3A_1137 = arith.constant 7 : i32
        %get3A_1138 = arith.index_cast %get3A_1137 : i32 to index
        %get3A_1139 = arith.index_cast %add3A_1136 : i32 to index
        %get3A_1140 = arith.constant 80 : index
        %get3A_1141 = tpu.vector_load %arg6[%get3A_1138, %get3A_1139, %get3A_1140] {strides = array<i32>} : memref<8x32x256xf32, #tpu.memory_space<vmem>>, vector<1x1x16xf32>,
        %get3A_1142 = vector.shape_cast %get3A_1141 : vector<1x1x16xf32> to vector<16xf32>
        %add3A_1143 = arith.addf %add3A_1019, %get3A_1142 : vector<16xf32>
        %add3A_1144 = arith.constant 1 : i32
        %add3A_1145 = arith.addi %mul3A_978, %add3A_1144 : i32
        %get3A_1146 = arith.constant 7 : i32
        %get3A_1147 = arith.index_cast %get3A_1146 : i32 to index
        %get3A_1148 = arith.index_cast %add3A_1145 : i32 to index
        %get3A_1149 = arith.constant 96 : index
        %get3A_1150 = tpu.vector_load %arg6[%get3A_1147, %get3A_1148, %get3A_1149] {strides = array<i32>} : memref<8x32x256xf32, #tpu.memory_space<vmem>>, vector<1x1x16xf32>,
        %get3A_1151 = vector.shape_cast %get3A_1150 : vector<1x1x16xf32> to vector<16xf32>
        %add3A_1152 = arith.addf %add3A_1026, %get3A_1151 : vector<16xf32>
        %add3A_1153 = arith.constant 1 : i32
        %add3A_1154 = arith.addi %mul3A_978, %add3A_1153 : i32
        %get3A_1155 = arith.constant 7 : i32
        %get3A_1156 = arith.index_cast %get3A_1155 : i32 to index
        %get3A_1157 = arith.index_cast %add3A_1154 : i32 to index
        %get3A_1158 = arith.constant 112 : index
        %get3A_1159 = tpu.vector_load %arg6[%get3A_1156, %get3A_1157, %get3A_1158] {strides = array<i32>} : memref<8x32x256xf32, #tpu.memory_space<vmem>>, vector<1x1x16xf32>,
        %get3A_1160 = vector.shape_cast %get3A_1159 : vector<1x1x16xf32> to vector<16xf32>
        %add3A_1161 = arith.addf %add3A_1033, %get3A_1160 : vector<16xf32>
        %add3A_1162 = arith.constant 1 : i32
        %add3A_1163 = arith.addi %mul3A_978, %add3A_1162 : i32
        %get3A_1164 = arith.constant 7 : i32
        %get3A_1165 = arith.index_cast %get3A_1164 : i32 to index
        %get3A_1166 = arith.index_cast %add3A_1163 : i32 to index
        %get3A_1167 = arith.constant 128 : index
        %get3A_1168 = tpu.vector_load %arg6[%get3A_1165, %get3A_1166, %get3A_1167] {strides = array<i32>} : memref<8x32x256xf32, #tpu.memory_space<vmem>>, vector<1x1x16xf32>,
        %get3A_1169 = vector.shape_cast %get3A_1168 : vector<1x1x16xf32> to vector<16xf32>
        %add3A_1170 = arith.addf %add3A_1040, %get3A_1169 : vector<16xf32>
        %add3A_1171 = arith.constant 1 : i32
        %add3A_1172 = arith.addi %mul3A_978, %add3A_1171 : i32
        %get3A_1173 = arith.constant 7 : i32
        %get3A_1174 = arith.index_cast %get3A_1173 : i32 to index
        %get3A_1175 = arith.index_cast %add3A_1172 : i32 to index
        %get3A_1176 = arith.constant 144 : index
        %get3A_1177 = tpu.vector_load %arg6[%get3A_1174, %get3A_1175, %get3A_1176] {strides = array<i32>} : memref<8x32x256xf32, #tpu.memory_space<vmem>>, vector<1x1x16xf32>,
        %get3A_1178 = vector.shape_cast %get3A_1177 : vector<1x1x16xf32> to vector<16xf32>
        %add3A_1179 = arith.addf %add3A_1047, %get3A_1178 : vector<16xf32>
        %add3A_1180 = arith.constant 1 : i32
        %add3A_1181 = arith.addi %mul3A_978, %add3A_1180 : i32
        %get3A_1182 = arith.constant 7 : i32
        %get3A_1183 = arith.index_cast %get3A_1182 : i32 to index
        %get3A_1184 = arith.index_cast %add3A_1181 : i32 to index
        %get3A_1185 = arith.constant 160 : index
        %get3A_1186 = tpu.vector_load %arg6[%get3A_1183, %get3A_1184, %get3A_1185] {strides = array<i32>} : memref<8x32x256xf32, #tpu.memory_space<vmem>>, vector<1x1x16xf32>,
        %get3A_1187 = vector.shape_cast %get3A_1186 : vector<1x1x16xf32> to vector<16xf32>
        %add3A_1188 = arith.addf %add3A_1054, %get3A_1187 : vector<16xf32>
        %add3A_1189 = arith.constant 1 : i32
        %add3A_1190 = arith.addi %mul3A_978, %add3A_1189 : i32
        %get3A_1191 = arith.constant 7 : i32
        %get3A_1192 = arith.index_cast %get3A_1191 : i32 to index
        %get3A_1193 = arith.index_cast %add3A_1190 : i32 to index
        %get3A_1194 = arith.constant 176 : index
        %get3A_1195 = tpu.vector_load %arg6[%get3A_1192, %get3A_1193, %get3A_1194] {strides = array<i32>} : memref<8x32x256xf32, #tpu.memory_space<vmem>>, vector<1x1x16xf32>,
        %get3A_1196 = vector.shape_cast %get3A_1195 : vector<1x1x16xf32> to vector<16xf32>
        %add3A_1197 = arith.addf %add3A_1061, %get3A_1196 : vector<16xf32>
        %add3A_1198 = arith.constant 1 : i32
        %add3A_1199 = arith.addi %mul3A_978, %add3A_1198 : i32
        %get3A_1200 = arith.constant 7 : i32
        %get3A_1201 = arith.index_cast %get3A_1200 : i32 to index
        %get3A_1202 = arith.index_cast %add3A_1199 : i32 to index
        %get3A_1203 = arith.constant 192 : index
        %get3A_1204 = tpu.vector_load %arg6[%get3A_1201, %get3A_1202, %get3A_1203] {strides = array<i32>} : memref<8x32x256xf32, #tpu.memory_space<vmem>>, vector<1x1x16xf32>,
        %get3A_1205 = vector.shape_cast %get3A_1204 : vector<1x1x16xf32> to vector<16xf32>
        %add3A_1206 = arith.addf %add3A_1068, %get3A_1205 : vector<16xf32>
        %add3A_1207 = arith.constant 1 : i32
        %add3A_1208 = arith.addi %mul3A_978, %add3A_1207 : i32
        %get3A_1209 = arith.constant 7 : i32
        %get3A_1210 = arith.index_cast %get3A_1209 : i32 to index
        %get3A_1211 = arith.index_cast %add3A_1208 : i32 to index
        %get3A_1212 = arith.constant 208 : index
        %get3A_1213 = tpu.vector_load %arg6[%get3A_1210, %get3A_1211, %get3A_1212] {strides = array<i32>} : memref<8x32x256xf32, #tpu.memory_space<vmem>>, vector<1x1x16xf32>,
        %get3A_1214 = vector.shape_cast %get3A_1213 : vector<1x1x16xf32> to vector<16xf32>
        %add3A_1215 = arith.addf %add3A_1075, %get3A_1214 : vector<16xf32>
        %add3A_1216 = arith.constant 1 : i32
        %add3A_1217 = arith.addi %mul3A_978, %add3A_1216 : i32
        %get3A_1218 = arith.constant 7 : i32
        %get3A_1219 = arith.index_cast %get3A_1218 : i32 to index
        %get3A_1220 = arith.index_cast %add3A_1217 : i32 to index
        %get3A_1221 = arith.constant 224 : index
        %get3A_1222 = tpu.vector_load %arg6[%get3A_1219, %get3A_1220, %get3A_1221] {strides = array<i32>} : memref<8x32x256xf32, #tpu.memory_space<vmem>>, vector<1x1x16xf32>,
        %get3A_1223 = vector.shape_cast %get3A_1222 : vector<1x1x16xf32> to vector<16xf32>
        %add3A_1224 = arith.addf %add3A_1082, %get3A_1223 : vector<16xf32>
        %add3A_1225 = arith.constant 1 : i32
        %add3A_1226 = arith.addi %mul3A_978, %add3A_1225 : i32
        %get3A_1227 = arith.constant 7 : i32
        %get3A_1228 = arith.index_cast %get3A_1227 : i32 to index
        %get3A_1229 = arith.index_cast %add3A_1226 : i32 to index
        %get3A_1230 = arith.constant 240 : index
        %get3A_1231 = tpu.vector_load %arg6[%get3A_1228, %get3A_1229, %get3A_1230] {strides = array<i32>} : memref<8x32x256xf32, #tpu.memory_space<vmem>>, vector<1x1x16xf32>,
        %get3A_1232 = vector.shape_cast %get3A_1231 : vector<1x1x16xf32> to vector<16xf32>
        %add3A_1233 = arith.addf %add3A_1089, %get3A_1232 : vector<16xf32>
        scf.yield %add3A_1098, %add3A_1107, %add3A_1116, %add3A_1125, %add3A_1134, %add3A_1143, %add3A_1152, %add3A_1161, %add3A_1170, %add3A_1179, %add3A_1188, %add3A_1197, %add3A_1206, %add3A_1215, %add3A_1224, %add3A_1233 : vector<16xf32>, vector<16xf32>, vector<16xf32>, vector<16xf32>, vector<16xf32>, vector<16xf32>, vector<16xf32>, vector<16xf32>, vector<16xf32>, vector<16xf32>, vector<16xf32>, vector<16xf32>, vector<16xf32>, vector<16xf32>, vector<16xf32>, vector<16xf32>
      }
      %scan3A_895 = arith.constant 16 : i32
      %add3A_896 = arith.constant 8 : i32
      %add3A_897 = arith.addi %add3A_877, %add3A_896 : i32
      %min3A_898 = arith.constant 255 : i32
      %min3A_899 = arith.minsi %add3A_897, %min3A_898 : i32
      %shift_right_logical3A_900 = arith.constant 6 : i32
      %shift_right_logical3A_901 = arith.shrui %min3A_899, %shift_right_logical3A_900 : i32
      %and3A_902 = arith.constant 63 : i32
      %and3A_903 = arith.andi %min3A_899, %and3A_902 : i32
      %mul3A_904 = arith.constant 32 : i32
      %mul3A_905 = arith.muli %and3A_903, %mul3A_904 : i32
      %dma_start3A_906 = arith.constant 7 : i32
      %dma_start3A_907 = arith.constant 0 : i32
      %dma_start3A_908 = arith.constant 0 : i32
      %dma_start3A_909 = tpu.memref_slice %arg6[%dma_start3A_906, %dma_start3A_907, %dma_start3A_908] : memref<8x32x256xf32, #tpu.memory_space<vmem>> -> memref<1x32x256xf32, #tpu.memory_space<vmem>>
      %dma_start3A_910 = tpu.memref_squeeze %dma_start3A_909 : memref<1x32x256xf32, #tpu.memory_space<vmem>> -> memref<32x256xf32, #tpu.memory_space<vmem>>
      %dma_start3A_911 = tpu.memref_slice %arg5[%shift_right_logical3A_901, %mul3A_905] : memref<4x2048xi32, #tpu.memory_space<vmem>> -> memref<1x32xi32, #tpu.memory_space<vmem>>
      %dma_start3A_912 = tpu.memref_squeeze %dma_start3A_911 : memref<1x32xi32, #tpu.memory_space<vmem>> -> memref<32xi32, #tpu.memory_space<vmem>>
      %dma_start3A_913 = arith.constant 0 : i32
      %dma_start3A_914 = arith.constant 0 : i32
      %dma_start3A_915 = tpu.memref_slice %arg3[%dma_start3A_913, %dma_start3A_914] : memref<100000x256xf32, #tpu.memory_space<hbm>> -> memref<100000x256xf32, #tpu.memory_space<hbm>>
      tpu.enqueue_indirect_dma source(%dma_start3A_915 : memref<100000x256xf32, #tpu.memory_space<hbm>>) target(%dma_start3A_910 : memref<32x256xf32, #tpu.memory_space<vmem>>) offsets(%dma_start3A_912 : memref<32xi32, #tpu.memory_space<vmem>>) semaphore(%arg15 : memref<!tpu.dma_semaphore, #tpu.memory_space<semaphore_mem>>)
      %and3A_916 = arith.constant 63 : i32
      %and3A_917 = arith.andi %add3A_877, %and3A_916 : i32
      %eq3A_918 = arith.constant 63 : i32
      %eq3A_919 = arith.cmpi eq, %and3A_917, %eq3A_918 : i32
      %shift_right_logical3A_920 = arith.constant 6 : i32
      %shift_right_logical3A_921 = arith.shrui %add3A_877, %shift_right_logical3A_920 : i32
      %convert_element_type3A_922 = arith.extui %eq3A_919 : i1 to i32
      %cond3A_923 = arith.constant 0 : i32
      %cond3A_924 = arith.cmpi ne, %convert_element_type3A_922, %cond3A_923 : i32
      scf.if %cond3A_924 {
        %mul3A_960 = arith.constant 4.8828125E-4 : f32
        %mul3A_961 = vector.broadcast %mul3A_960 : f32 to vector<16xf32>
        %mul3A_962 = arith.mulf %scan3A_894#0, %mul3A_961 : vector<16xf32>
        %swap3A = arith.constant 0 : index
        %swap3A_963 = tpu.vector_load %arg7[%swap3A] {strides = array<i32>} : memref<256xf32, #tpu.memory_space<vmem>>, vector<16xf32>,
        %swap3A_964 = vector.shape_cast %swap3A_963 : vector<16xf32> to vector<16xf32>
        %swap3A_965 = vector.shape_cast %mul3A_962 : vector<16xf32> to vector<16xf32>
        tpu.vector_store %arg7[%swap3A], %swap3A_965 {strides = array<i32>} : memref<256xf32, #tpu.memory_space<vmem>>, vector<16xf32>,
        %mul3A_966 = arith.constant 4.8828125E-4 : f32
        %mul3A_967 = vector.broadcast %mul3A_966 : f32 to vector<16xf32>
        %mul3A_968 = arith.mulf %scan3A_894#1, %mul3A_967 : vector<16xf32>
        %swap3A_969 = arith.constant 16 : index
        %swap3A_970 = tpu.vector_load %arg7[%swap3A_969] {strides = array<i32>} : memref<256xf32, #tpu.memory_space<vmem>>, vector<16xf32>,
        %swap3A_971 = vector.shape_cast %swap3A_970 : vector<16xf32> to vector<16xf32>
        %swap3A_972 = vector.shape_cast %mul3A_968 : vector<16xf32> to vector<16xf32>
        tpu.vector_store %arg7[%swap3A_969], %swap3A_972 {strides = array<i32>} : memref<256xf32, #tpu.memory_space<vmem>>, vector<16xf32>,
        %mul3A_973 = arith.constant 4.8828125E-4 : f32
        %mul3A_974 = vector.broadcast %mul3A_973 : f32 to vector<16xf32>
        %mul3A_975 = arith.mulf %scan3A_894#2, %mul3A_974 : vector<16xf32>
        %swap3A_976 = arith.constant 32 : index
        %swap3A_977 = tpu.vector_load %arg7[%swap3A_976] {strides = array<i32>} : memref<256xf32, #tpu.memory_space<vmem>>, vector<16xf32>,
        %swap3A_978 = vector.shape_cast %swap3A_977 : vector<16xf32> to vector<16xf32>
        %swap3A_979 = vector.shape_cast %mul3A_975 : vector<16xf32> to vector<16xf32>
        tpu.vector_store %arg7[%swap3A_976], %swap3A_979 {strides = array<i32>} : memref<256xf32, #tpu.memory_space<vmem>>, vector<16xf32>,
        %mul3A_980 = arith.constant 4.8828125E-4 : f32
        %mul3A_981 = vector.broadcast %mul3A_980 : f32 to vector<16xf32>
        %mul3A_982 = arith.mulf %scan3A_894#3, %mul3A_981 : vector<16xf32>
        %swap3A_983 = arith.constant 48 : index
        %swap3A_984 = tpu.vector_load %arg7[%swap3A_983] {strides = array<i32>} : memref<256xf32, #tpu.memory_space<vmem>>, vector<16xf32>,
        %swap3A_985 = vector.shape_cast %swap3A_984 : vector<16xf32> to vector<16xf32>
        %swap3A_986 = vector.shape_cast %mul3A_982 : vector<16xf32> to vector<16xf32>
        tpu.vector_store %arg7[%swap3A_983], %swap3A_986 {strides = array<i32>} : memref<256xf32, #tpu.memory_space<vmem>>, vector<16xf32>,
        %mul3A_987 = arith.constant 4.8828125E-4 : f32
        %mul3A_988 = vector.broadcast %mul3A_987 : f32 to vector<16xf32>
        %mul3A_989 = arith.mulf %scan3A_894#4, %mul3A_988 : vector<16xf32>
        %swap3A_990 = arith.constant 64 : index
        %swap3A_991 = tpu.vector_load %arg7[%swap3A_990] {strides = array<i32>} : memref<256xf32, #tpu.memory_space<vmem>>, vector<16xf32>,
        %swap3A_992 = vector.shape_cast %swap3A_991 : vector<16xf32> to vector<16xf32>
        %swap3A_993 = vector.shape_cast %mul3A_989 : vector<16xf32> to vector<16xf32>
        tpu.vector_store %arg7[%swap3A_990], %swap3A_993 {strides = array<i32>} : memref<256xf32, #tpu.memory_space<vmem>>, vector<16xf32>,
        %mul3A_994 = arith.constant 4.8828125E-4 : f32
        %mul3A_995 = vector.broadcast %mul3A_994 : f32 to vector<16xf32>
        %mul3A_996 = arith.mulf %scan3A_894#5, %mul3A_995 : vector<16xf32>
        %swap3A_997 = arith.constant 80 : index
        %swap3A_998 = tpu.vector_load %arg7[%swap3A_997] {strides = array<i32>} : memref<256xf32, #tpu.memory_space<vmem>>, vector<16xf32>,
        %swap3A_999 = vector.shape_cast %swap3A_998 : vector<16xf32> to vector<16xf32>
        %swap3A_1000 = vector.shape_cast %mul3A_996 : vector<16xf32> to vector<16xf32>
        tpu.vector_store %arg7[%swap3A_997], %swap3A_1000 {strides = array<i32>} : memref<256xf32, #tpu.memory_space<vmem>>, vector<16xf32>,
        %mul3A_1001 = arith.constant 4.8828125E-4 : f32
        %mul3A_1002 = vector.broadcast %mul3A_1001 : f32 to vector<16xf32>
        %mul3A_1003 = arith.mulf %scan3A_894#6, %mul3A_1002 : vector<16xf32>
        %swap3A_1004 = arith.constant 96 : index
        %swap3A_1005 = tpu.vector_load %arg7[%swap3A_1004] {strides = array<i32>} : memref<256xf32, #tpu.memory_space<vmem>>, vector<16xf32>,
        %swap3A_1006 = vector.shape_cast %swap3A_1005 : vector<16xf32> to vector<16xf32>
        %swap3A_1007 = vector.shape_cast %mul3A_1003 : vector<16xf32> to vector<16xf32>
        tpu.vector_store %arg7[%swap3A_1004], %swap3A_1007 {strides = array<i32>} : memref<256xf32, #tpu.memory_space<vmem>>, vector<16xf32>,
        %mul3A_1008 = arith.constant 4.8828125E-4 : f32
        %mul3A_1009 = vector.broadcast %mul3A_1008 : f32 to vector<16xf32>
        %mul3A_1010 = arith.mulf %scan3A_894#7, %mul3A_1009 : vector<16xf32>
        %swap3A_1011 = arith.constant 112 : index
        %swap3A_1012 = tpu.vector_load %arg7[%swap3A_1011] {strides = array<i32>} : memref<256xf32, #tpu.memory_space<vmem>>, vector<16xf32>,
        %swap3A_1013 = vector.shape_cast %swap3A_1012 : vector<16xf32> to vector<16xf32>
        %swap3A_1014 = vector.shape_cast %mul3A_1010 : vector<16xf32> to vector<16xf32>
        tpu.vector_store %arg7[%swap3A_1011], %swap3A_1014 {strides = array<i32>} : memref<256xf32, #tpu.memory_space<vmem>>, vector<16xf32>,
        %mul3A_1015 = arith.constant 4.8828125E-4 : f32
        %mul3A_1016 = vector.broadcast %mul3A_1015 : f32 to vector<16xf32>
        %mul3A_1017 = arith.mulf %scan3A_894#8, %mul3A_1016 : vector<16xf32>
        %swap3A_1018 = arith.constant 128 : index
        %swap3A_1019 = tpu.vector_load %arg7[%swap3A_1018] {strides = array<i32>} : memref<256xf32, #tpu.memory_space<vmem>>, vector<16xf32>,
        %swap3A_1020 = vector.shape_cast %swap3A_1019 : vector<16xf32> to vector<16xf32>
        %swap3A_1021 = vector.shape_cast %mul3A_1017 : vector<16xf32> to vector<16xf32>
        tpu.vector_store %arg7[%swap3A_1018], %swap3A_1021 {strides = array<i32>} : memref<256xf32, #tpu.memory_space<vmem>>, vector<16xf32>,
        %mul3A_1022 = arith.constant 4.8828125E-4 : f32
        %mul3A_1023 = vector.broadcast %mul3A_1022 : f32 to vector<16xf32>
        %mul3A_1024 = arith.mulf %scan3A_894#9, %mul3A_1023 : vector<16xf32>
        %swap3A_1025 = arith.constant 144 : index
        %swap3A_1026 = tpu.vector_load %arg7[%swap3A_1025] {strides = array<i32>} : memref<256xf32, #tpu.memory_space<vmem>>, vector<16xf32>,
        %swap3A_1027 = vector.shape_cast %swap3A_1026 : vector<16xf32> to vector<16xf32>
        %swap3A_1028 = vector.shape_cast %mul3A_1024 : vector<16xf32> to vector<16xf32>
        tpu.vector_store %arg7[%swap3A_1025], %swap3A_1028 {strides = array<i32>} : memref<256xf32, #tpu.memory_space<vmem>>, vector<16xf32>,
        %mul3A_1029 = arith.constant 4.8828125E-4 : f32
        %mul3A_1030 = vector.broadcast %mul3A_1029 : f32 to vector<16xf32>
        %mul3A_1031 = arith.mulf %scan3A_894#10, %mul3A_1030 : vector<16xf32>
        %swap3A_1032 = arith.constant 160 : index
        %swap3A_1033 = tpu.vector_load %arg7[%swap3A_1032] {strides = array<i32>} : memref<256xf32, #tpu.memory_space<vmem>>, vector<16xf32>,
        %swap3A_1034 = vector.shape_cast %swap3A_1033 : vector<16xf32> to vector<16xf32>
        %swap3A_1035 = vector.shape_cast %mul3A_1031 : vector<16xf32> to vector<16xf32>
        tpu.vector_store %arg7[%swap3A_1032], %swap3A_1035 {strides = array<i32>} : memref<256xf32, #tpu.memory_space<vmem>>, vector<16xf32>,
        %mul3A_1036 = arith.constant 4.8828125E-4 : f32
        %mul3A_1037 = vector.broadcast %mul3A_1036 : f32 to vector<16xf32>
        %mul3A_1038 = arith.mulf %scan3A_894#11, %mul3A_1037 : vector<16xf32>
        %swap3A_1039 = arith.constant 176 : index
        %swap3A_1040 = tpu.vector_load %arg7[%swap3A_1039] {strides = array<i32>} : memref<256xf32, #tpu.memory_space<vmem>>, vector<16xf32>,
        %swap3A_1041 = vector.shape_cast %swap3A_1040 : vector<16xf32> to vector<16xf32>
        %swap3A_1042 = vector.shape_cast %mul3A_1038 : vector<16xf32> to vector<16xf32>
        tpu.vector_store %arg7[%swap3A_1039], %swap3A_1042 {strides = array<i32>} : memref<256xf32, #tpu.memory_space<vmem>>, vector<16xf32>,
        %mul3A_1043 = arith.constant 4.8828125E-4 : f32
        %mul3A_1044 = vector.broadcast %mul3A_1043 : f32 to vector<16xf32>
        %mul3A_1045 = arith.mulf %scan3A_894#12, %mul3A_1044 : vector<16xf32>
        %swap3A_1046 = arith.constant 192 : index
        %swap3A_1047 = tpu.vector_load %arg7[%swap3A_1046] {strides = array<i32>} : memref<256xf32, #tpu.memory_space<vmem>>, vector<16xf32>,
        %swap3A_1048 = vector.shape_cast %swap3A_1047 : vector<16xf32> to vector<16xf32>
        %swap3A_1049 = vector.shape_cast %mul3A_1045 : vector<16xf32> to vector<16xf32>
        tpu.vector_store %arg7[%swap3A_1046], %swap3A_1049 {strides = array<i32>} : memref<256xf32, #tpu.memory_space<vmem>>, vector<16xf32>,
        %mul3A_1050 = arith.constant 4.8828125E-4 : f32
        %mul3A_1051 = vector.broadcast %mul3A_1050 : f32 to vector<16xf32>
        %mul3A_1052 = arith.mulf %scan3A_894#13, %mul3A_1051 : vector<16xf32>
        %swap3A_1053 = arith.constant 208 : index
        %swap3A_1054 = tpu.vector_load %arg7[%swap3A_1053] {strides = array<i32>} : memref<256xf32, #tpu.memory_space<vmem>>, vector<16xf32>,
        %swap3A_1055 = vector.shape_cast %swap3A_1054 : vector<16xf32> to vector<16xf32>
        %swap3A_1056 = vector.shape_cast %mul3A_1052 : vector<16xf32> to vector<16xf32>
        tpu.vector_store %arg7[%swap3A_1053], %swap3A_1056 {strides = array<i32>} : memref<256xf32, #tpu.memory_space<vmem>>, vector<16xf32>,
        %mul3A_1057 = arith.constant 4.8828125E-4 : f32
        %mul3A_1058 = vector.broadcast %mul3A_1057 : f32 to vector<16xf32>
        %mul3A_1059 = arith.mulf %scan3A_894#14, %mul3A_1058 : vector<16xf32>
        %swap3A_1060 = arith.constant 224 : index
        %swap3A_1061 = tpu.vector_load %arg7[%swap3A_1060] {strides = array<i32>} : memref<256xf32, #tpu.memory_space<vmem>>, vector<16xf32>,
        %swap3A_1062 = vector.shape_cast %swap3A_1061 : vector<16xf32> to vector<16xf32>
        %swap3A_1063 = vector.shape_cast %mul3A_1059 : vector<16xf32> to vector<16xf32>
        tpu.vector_store %arg7[%swap3A_1060], %swap3A_1063 {strides = array<i32>} : memref<256xf32, #tpu.memory_space<vmem>>, vector<16xf32>,
        %mul3A_1064 = arith.constant 4.8828125E-4 : f32
        %mul3A_1065 = vector.broadcast %mul3A_1064 : f32 to vector<16xf32>
        %mul3A_1066 = arith.mulf %scan3A_894#15, %mul3A_1065 : vector<16xf32>
        %swap3A_1067 = arith.constant 240 : index
        %swap3A_1068 = tpu.vector_load %arg7[%swap3A_1067] {strides = array<i32>} : memref<256xf32, #tpu.memory_space<vmem>>, vector<16xf32>,
        %swap3A_1069 = vector.shape_cast %swap3A_1068 : vector<16xf32> to vector<16xf32>
        %swap3A_1070 = vector.shape_cast %mul3A_1066 : vector<16xf32> to vector<16xf32>
        tpu.vector_store %arg7[%swap3A_1067], %swap3A_1070 {strides = array<i32>} : memref<256xf32, #tpu.memory_space<vmem>>, vector<16xf32>,
        %mul3A_1071 = arith.constant 4 : i32
        %mul3A_1072 = arith.muli %add3A, %mul3A_1071 : i32
        %add3A_1073 = arith.addi %mul3A_1072, %shift_right_logical3A_921 : i32
        "tpu.region"() ({
          %run_scoped3A = tpu.sem_alloc : memref<!tpu.dma_semaphore, #tpu.memory_space<semaphore_mem>>
          %dma_start3A_1074 = arith.constant 0 : i32
          %dma_start3A_1075 = tpu.memref_slice %arg4[%add3A_1073, %dma_start3A_1074] : memref<128x256xf32, #tpu.memory_space<hbm>> -> memref<1x256xf32, #tpu.memory_space<hbm>>
          %dma_start3A_1076 = tpu.memref_squeeze %dma_start3A_1075 : memref<1x256xf32, #tpu.memory_space<hbm>> -> memref<256xf32, #tpu.memory_space<hbm>>
          %dma_start3A_1077 = arith.constant 0 : i32
          %dma_start3A_1078 = tpu.memref_slice %arg4[%add3A_1073, %dma_start3A_1077] : memref<128x256xf32, #tpu.memory_space<hbm>> -> memref<1x256xf32, #tpu.memory_space<hbm>>
          %dma_start3A_1079 = tpu.memref_squeeze %dma_start3A_1078 : memref<1x256xf32, #tpu.memory_space<hbm>> -> memref<256xf32, #tpu.memory_space<hbm>>
          tpu.enqueue_dma source(%arg7 : memref<256xf32, #tpu.memory_space<vmem>>) target(%dma_start3A_1079 : memref<256xf32, #tpu.memory_space<hbm>>) target_semaphore(%run_scoped3A : memref<!tpu.dma_semaphore, #tpu.memory_space<semaphore_mem>>)
          %dma_wait3A_1080 = arith.constant 0 : i32
          %dma_wait3A_1081 = tpu.memref_slice %arg4[%add3A_1073, %dma_wait3A_1080] : memref<128x256xf32, #tpu.memory_space<hbm>> -> memref<1x256xf32, #tpu.memory_space<hbm>>
          %dma_wait3A_1082 = tpu.memref_squeeze %dma_wait3A_1081 : memref<1x256xf32, #tpu.memory_space<hbm>> -> memref<256xf32, #tpu.memory_space<hbm>>
          %dma_wait3A_1083 = arith.constant 0 : i32
          %dma_wait3A_1084 = tpu.memref_slice %arg4[%add3A_1073, %dma_wait3A_1083] : memref<128x256xf32, #tpu.memory_space<hbm>> -> memref<1x256xf32, #tpu.memory_space<hbm>>
          %dma_wait3A_1085 = tpu.memref_squeeze %dma_wait3A_1084 : memref<1x256xf32, #tpu.memory_space<hbm>> -> memref<256xf32, #tpu.memory_space<hbm>>
          tpu.wait_dma2 semaphore(%run_scoped3A : memref<!tpu.dma_semaphore, #tpu.memory_space<semaphore_mem>>) src(%arg7 : memref<256xf32, #tpu.memory_space<vmem>>) dst(%dma_wait3A_1085 : memref<256xf32, #tpu.memory_space<hbm>>)
          tpu.yield
        }) : () -> ()
      } else {
      }
      %jit3A_925 = arith.constant 0.000000e+00 : f32
      %jit3A_926 = arith.constant 1.000000e+00 : f32
      %select_n3A_927 = arith.select %eq3A_919, %jit3A_925, %jit3A_926 : f32
      %mul3A_928 = vector.broadcast %select_n3A_927 : f32 to vector<16xf32>
      %mul3A_929 = arith.mulf %scan3A_894#0, %mul3A_928 : vector<16xf32>
      %mul3A_930 = vector.broadcast %select_n3A_927 : f32 to vector<16xf32>
      %mul3A_931 = arith.mulf %scan3A_894#1, %mul3A_930 : vector<16xf32>
      %mul3A_932 = vector.broadcast %select_n3A_927 : f32 to vector<16xf32>
      %mul3A_933 = arith.mulf %scan3A_894#2, %mul3A_932 : vector<16xf32>
      %mul3A_934 = vector.broadcast %select_n3A_927 : f32 to vector<16xf32>
      %mul3A_935 = arith.mulf %scan3A_894#3, %mul3A_934 : vector<16xf32>
      %mul3A_936 = vector.broadcast %select_n3A_927 : f32 to vector<16xf32>
      %mul3A_937 = arith.mulf %scan3A_894#4, %mul3A_936 : vector<16xf32>
      %mul3A_938 = vector.broadcast %select_n3A_927 : f32 to vector<16xf32>
      %mul3A_939 = arith.mulf %scan3A_894#5, %mul3A_938 : vector<16xf32>
      %mul3A_940 = vector.broadcast %select_n3A_927 : f32 to vector<16xf32>
      %mul3A_941 = arith.mulf %scan3A_894#6, %mul3A_940 : vector<16xf32>
      %mul3A_942 = vector.broadcast %select_n3A_927 : f32 to vector<16xf32>
      %mul3A_943 = arith.mulf %scan3A_894#7, %mul3A_942 : vector<16xf32>
      %mul3A_944 = vector.broadcast %select_n3A_927 : f32 to vector<16xf32>
      %mul3A_945 = arith.mulf %scan3A_894#8, %mul3A_944 : vector<16xf32>
      %mul3A_946 = vector.broadcast %select_n3A_927 : f32 to vector<16xf32>
      %mul3A_947 = arith.mulf %scan3A_894#9, %mul3A_946 : vector<16xf32>
      %mul3A_948 = vector.broadcast %select_n3A_927 : f32 to vector<16xf32>
      %mul3A_949 = arith.mulf %scan3A_894#10, %mul3A_948 : vector<16xf32>
      %mul3A_950 = vector.broadcast %select_n3A_927 : f32 to vector<16xf32>
      %mul3A_951 = arith.mulf %scan3A_894#11, %mul3A_950 : vector<16xf32>
      %mul3A_952 = vector.broadcast %select_n3A_927 : f32 to vector<16xf32>
      %mul3A_953 = arith.mulf %scan3A_894#12, %mul3A_952 : vector<16xf32>
      %mul3A_954 = vector.broadcast %select_n3A_927 : f32 to vector<16xf32>
      %mul3A_955 = arith.mulf %scan3A_894#13, %mul3A_954 : vector<16xf32>
      %mul3A_956 = vector.broadcast %select_n3A_927 : f32 to vector<16xf32>
      %mul3A_957 = arith.mulf %scan3A_894#14, %mul3A_956 : vector<16xf32>
      %mul3A_958 = vector.broadcast %select_n3A_927 : f32 to vector<16xf32>
      %mul3A_959 = arith.mulf %scan3A_894#15, %mul3A_958 : vector<16xf32>
      scf.yield %mul3A_929, %mul3A_931, %mul3A_933, %mul3A_935, %mul3A_937, %mul3A_939, %mul3A_941, %mul3A_943, %mul3A_945, %mul3A_947, %mul3A_949, %mul3A_951, %mul3A_953, %mul3A_955, %mul3A_957, %mul3A_959 : vector<16xf32>, vector<16xf32>, vector<16xf32>, vector<16xf32>, vector<16xf32>, vector<16xf32>, vector<16xf32>, vector<16xf32>, vector<16xf32>, vector<16xf32>, vector<16xf32>, vector<16xf32>, vector<16xf32>, vector<16xf32>, vector<16xf32>, vector<16xf32>
    }
    %scan3A_179 = arith.constant 32 : i32
    %dma_wait3A = arith.constant 0 : i32
    %dma_wait3A_180 = arith.constant 0 : i32
    %dma_wait3A_181 = arith.constant 0 : i32
    %dma_wait3A_182 = arith.constant 0 : i32
    %dma_wait3A_183 = tpu.memref_slice %arg6[%dma_wait3A_180, %dma_wait3A_181, %dma_wait3A_182] : memref<8x32x256xf32, #tpu.memory_space<vmem>> -> memref<1x32x256xf32, #tpu.memory_space<vmem>>
    %dma_wait3A_184 = tpu.memref_squeeze %dma_wait3A_183 : memref<1x32x256xf32, #tpu.memory_space<vmem>> -> memref<32x256xf32, #tpu.memory_space<vmem>>
    %dma_wait3A_185 = arith.constant 0 : i32
    %dma_wait3A_186 = tpu.memref_slice %arg5[%dma_wait3A, %dma_wait3A_185] : memref<4x2048xi32, #tpu.memory_space<vmem>> -> memref<1x32xi32, #tpu.memory_space<vmem>>
    %dma_wait3A_187 = tpu.memref_squeeze %dma_wait3A_186 : memref<1x32xi32, #tpu.memory_space<vmem>> -> memref<32xi32, #tpu.memory_space<vmem>>
    %dma_wait3A_188 = arith.constant 0 : i32
    %dma_wait3A_189 = arith.constant 0 : i32
    %dma_wait3A_190 = tpu.memref_slice %arg3[%dma_wait3A_188, %dma_wait3A_189] : memref<100000x256xf32, #tpu.memory_space<hbm>> -> memref<100000x256xf32, #tpu.memory_space<hbm>>
    tpu.wait_indirect_dma semaphore(%arg8 : memref<!tpu.dma_semaphore, #tpu.memory_space<semaphore_mem>>) src(%dma_wait3A_190 : memref<100000x256xf32, #tpu.memory_space<hbm>>) dst(%dma_wait3A_184 : memref<32x256xf32, #tpu.memory_space<vmem>>)
    %dma_wait3A_191 = arith.constant 0 : i32
    %dma_wait3A_192 = arith.constant 1 : i32
    %dma_wait3A_193 = arith.constant 0 : i32
    %dma_wait3A_194 = arith.constant 0 : i32
    %dma_wait3A_195 = tpu.memref_slice %arg6[%dma_wait3A_192, %dma_wait3A_193, %dma_wait3A_194] : memref<8x32x256xf32, #tpu.memory_space<vmem>> -> memref<1x32x256xf32, #tpu.memory_space<vmem>>
    %dma_wait3A_196 = tpu.memref_squeeze %dma_wait3A_195 : memref<1x32x256xf32, #tpu.memory_space<vmem>> -> memref<32x256xf32, #tpu.memory_space<vmem>>
    %dma_wait3A_197 = arith.constant 0 : i32
    %dma_wait3A_198 = tpu.memref_slice %arg5[%dma_wait3A_191, %dma_wait3A_197] : memref<4x2048xi32, #tpu.memory_space<vmem>> -> memref<1x32xi32, #tpu.memory_space<vmem>>
    %dma_wait3A_199 = tpu.memref_squeeze %dma_wait3A_198 : memref<1x32xi32, #tpu.memory_space<vmem>> -> memref<32xi32, #tpu.memory_space<vmem>>
    %dma_wait3A_200 = arith.constant 0 : i32
    %dma_wait3A_201 = arith.constant 0 : i32
    %dma_wait3A_202 = tpu.memref_slice %arg3[%dma_wait3A_200, %dma_wait3A_201] : memref<100000x256xf32, #tpu.memory_space<hbm>> -> memref<100000x256xf32, #tpu.memory_space<hbm>>
    tpu.wait_indirect_dma semaphore(%arg9 : memref<!tpu.dma_semaphore, #tpu.memory_space<semaphore_mem>>) src(%dma_wait3A_202 : memref<100000x256xf32, #tpu.memory_space<hbm>>) dst(%dma_wait3A_196 : memref<32x256xf32, #tpu.memory_space<vmem>>)
    %dma_wait3A_203 = arith.constant 0 : i32
    %dma_wait3A_204 = arith.constant 2 : i32
    %dma_wait3A_205 = arith.constant 0 : i32
    %dma_wait3A_206 = arith.constant 0 : i32
    %dma_wait3A_207 = tpu.memref_slice %arg6[%dma_wait3A_204, %dma_wait3A_205, %dma_wait3A_206] : memref<8x32x256xf32, #tpu.memory_space<vmem>> -> memref<1x32x256xf32, #tpu.memory_space<vmem>>
    %dma_wait3A_208 = tpu.memref_squeeze %dma_wait3A_207 : memref<1x32x256xf32, #tpu.memory_space<vmem>> -> memref<32x256xf32, #tpu.memory_space<vmem>>
    %dma_wait3A_209 = arith.constant 0 : i32
    %dma_wait3A_210 = tpu.memref_slice %arg5[%dma_wait3A_203, %dma_wait3A_209] : memref<4x2048xi32, #tpu.memory_space<vmem>> -> memref<1x32xi32, #tpu.memory_space<vmem>>
    %dma_wait3A_211 = tpu.memref_squeeze %dma_wait3A_210 : memref<1x32xi32, #tpu.memory_space<vmem>> -> memref<32xi32, #tpu.memory_space<vmem>>
    %dma_wait3A_212 = arith.constant 0 : i32
    %dma_wait3A_213 = arith.constant 0 : i32
    %dma_wait3A_214 = tpu.memref_slice %arg3[%dma_wait3A_212, %dma_wait3A_213] : memref<100000x256xf32, #tpu.memory_space<hbm>> -> memref<100000x256xf32, #tpu.memory_space<hbm>>
    tpu.wait_indirect_dma semaphore(%arg10 : memref<!tpu.dma_semaphore, #tpu.memory_space<semaphore_mem>>) src(%dma_wait3A_214 : memref<100000x256xf32, #tpu.memory_space<hbm>>) dst(%dma_wait3A_208 : memref<32x256xf32, #tpu.memory_space<vmem>>)
    %dma_wait3A_215 = arith.constant 0 : i32
    %dma_wait3A_216 = arith.constant 3 : i32
    %dma_wait3A_217 = arith.constant 0 : i32
    %dma_wait3A_218 = arith.constant 0 : i32
    %dma_wait3A_219 = tpu.memref_slice %arg6[%dma_wait3A_216, %dma_wait3A_217, %dma_wait3A_218] : memref<8x32x256xf32, #tpu.memory_space<vmem>> -> memref<1x32x256xf32, #tpu.memory_space<vmem>>
    %dma_wait3A_220 = tpu.memref_squeeze %dma_wait3A_219 : memref<1x32x256xf32, #tpu.memory_space<vmem>> -> memref<32x256xf32, #tpu.memory_space<vmem>>
    %dma_wait3A_221 = arith.constant 0 : i32
    %dma_wait3A_222 = tpu.memref_slice %arg5[%dma_wait3A_215, %dma_wait3A_221] : memref<4x2048xi32, #tpu.memory_space<vmem>> -> memref<1x32xi32, #tpu.memory_space<vmem>>
    %dma_wait3A_223 = tpu.memref_squeeze %dma_wait3A_222 : memref<1x32xi32, #tpu.memory_space<vmem>> -> memref<32xi32, #tpu.memory_space<vmem>>
    %dma_wait3A_224 = arith.constant 0 : i32
    %dma_wait3A_225 = arith.constant 0 : i32
    %dma_wait3A_226 = tpu.memref_slice %arg3[%dma_wait3A_224, %dma_wait3A_225] : memref<100000x256xf32, #tpu.memory_space<hbm>> -> memref<100000x256xf32, #tpu.memory_space<hbm>>
    tpu.wait_indirect_dma semaphore(%arg11 : memref<!tpu.dma_semaphore, #tpu.memory_space<semaphore_mem>>) src(%dma_wait3A_226 : memref<100000x256xf32, #tpu.memory_space<hbm>>) dst(%dma_wait3A_220 : memref<32x256xf32, #tpu.memory_space<vmem>>)
    %dma_wait3A_227 = arith.constant 0 : i32
    %dma_wait3A_228 = arith.constant 4 : i32
    %dma_wait3A_229 = arith.constant 0 : i32
    %dma_wait3A_230 = arith.constant 0 : i32
    %dma_wait3A_231 = tpu.memref_slice %arg6[%dma_wait3A_228, %dma_wait3A_229, %dma_wait3A_230] : memref<8x32x256xf32, #tpu.memory_space<vmem>> -> memref<1x32x256xf32, #tpu.memory_space<vmem>>
    %dma_wait3A_232 = tpu.memref_squeeze %dma_wait3A_231 : memref<1x32x256xf32, #tpu.memory_space<vmem>> -> memref<32x256xf32, #tpu.memory_space<vmem>>
    %dma_wait3A_233 = arith.constant 0 : i32
    %dma_wait3A_234 = tpu.memref_slice %arg5[%dma_wait3A_227, %dma_wait3A_233] : memref<4x2048xi32, #tpu.memory_space<vmem>> -> memref<1x32xi32, #tpu.memory_space<vmem>>
    %dma_wait3A_235 = tpu.memref_squeeze %dma_wait3A_234 : memref<1x32xi32, #tpu.memory_space<vmem>> -> memref<32xi32, #tpu.memory_space<vmem>>
    %dma_wait3A_236 = arith.constant 0 : i32
    %dma_wait3A_237 = arith.constant 0 : i32
    %dma_wait3A_238 = tpu.memref_slice %arg3[%dma_wait3A_236, %dma_wait3A_237] : memref<100000x256xf32, #tpu.memory_space<hbm>> -> memref<100000x256xf32, #tpu.memory_space<hbm>>
    tpu.wait_indirect_dma semaphore(%arg12 : memref<!tpu.dma_semaphore, #tpu.memory_space<semaphore_mem>>) src(%dma_wait3A_238 : memref<100000x256xf32, #tpu.memory_space<hbm>>) dst(%dma_wait3A_232 : memref<32x256xf32, #tpu.memory_space<vmem>>)
    %dma_wait3A_239 = arith.constant 0 : i32
    %dma_wait3A_240 = arith.constant 5 : i32
    %dma_wait3A_241 = arith.constant 0 : i32
    %dma_wait3A_242 = arith.constant 0 : i32
    %dma_wait3A_243 = tpu.memref_slice %arg6[%dma_wait3A_240, %dma_wait3A_241, %dma_wait3A_242] : memref<8x32x256xf32, #tpu.memory_space<vmem>> -> memref<1x32x256xf32, #tpu.memory_space<vmem>>
    %dma_wait3A_244 = tpu.memref_squeeze %dma_wait3A_243 : memref<1x32x256xf32, #tpu.memory_space<vmem>> -> memref<32x256xf32, #tpu.memory_space<vmem>>
    %dma_wait3A_245 = arith.constant 0 : i32
    %dma_wait3A_246 = tpu.memref_slice %arg5[%dma_wait3A_239, %dma_wait3A_245] : memref<4x2048xi32, #tpu.memory_space<vmem>> -> memref<1x32xi32, #tpu.memory_space<vmem>>
    %dma_wait3A_247 = tpu.memref_squeeze %dma_wait3A_246 : memref<1x32xi32, #tpu.memory_space<vmem>> -> memref<32xi32, #tpu.memory_space<vmem>>
    %dma_wait3A_248 = arith.constant 0 : i32
    %dma_wait3A_249 = arith.constant 0 : i32
    %dma_wait3A_250 = tpu.memref_slice %arg3[%dma_wait3A_248, %dma_wait3A_249] : memref<100000x256xf32, #tpu.memory_space<hbm>> -> memref<100000x256xf32, #tpu.memory_space<hbm>>
    tpu.wait_indirect_dma semaphore(%arg13 : memref<!tpu.dma_semaphore, #tpu.memory_space<semaphore_mem>>) src(%dma_wait3A_250 : memref<100000x256xf32, #tpu.memory_space<hbm>>) dst(%dma_wait3A_244 : memref<32x256xf32, #tpu.memory_space<vmem>>)
    %dma_wait3A_251 = arith.constant 0 : i32
    %dma_wait3A_252 = arith.constant 6 : i32
    %dma_wait3A_253 = arith.constant 0 : i32
    %dma_wait3A_254 = arith.constant 0 : i32
    %dma_wait3A_255 = tpu.memref_slice %arg6[%dma_wait3A_252, %dma_wait3A_253, %dma_wait3A_254] : memref<8x32x256xf32, #tpu.memory_space<vmem>> -> memref<1x32x256xf32, #tpu.memory_space<vmem>>
    %dma_wait3A_256 = tpu.memref_squeeze %dma_wait3A_255 : memref<1x32x256xf32, #tpu.memory_space<vmem>> -> memref<32x256xf32, #tpu.memory_space<vmem>>
    %dma_wait3A_257 = arith.constant 0 : i32
    %dma_wait3A_258 = tpu.memref_slice %arg5[%dma_wait3A_251, %dma_wait3A_257] : memref<4x2048xi32, #tpu.memory_space<vmem>> -> memref<1x32xi32, #tpu.memory_space<vmem>>
    %dma_wait3A_259 = tpu.memref_squeeze %dma_wait3A_258 : memref<1x32xi32, #tpu.memory_space<vmem>> -> memref<32xi32, #tpu.memory_space<vmem>>
    %dma_wait3A_260 = arith.constant 0 : i32
    %dma_wait3A_261 = arith.constant 0 : i32
    %dma_wait3A_262 = tpu.memref_slice %arg3[%dma_wait3A_260, %dma_wait3A_261] : memref<100000x256xf32, #tpu.memory_space<hbm>> -> memref<100000x256xf32, #tpu.memory_space<hbm>>
    tpu.wait_indirect_dma semaphore(%arg14 : memref<!tpu.dma_semaphore, #tpu.memory_space<semaphore_mem>>) src(%dma_wait3A_262 : memref<100000x256xf32, #tpu.memory_space<hbm>>) dst(%dma_wait3A_256 : memref<32x256xf32, #tpu.memory_space<vmem>>)
    %dma_wait3A_263 = arith.constant 0 : i32
    %dma_wait3A_264 = arith.constant 7 : i32
    %dma_wait3A_265 = arith.constant 0 : i32
    %dma_wait3A_266 = arith.constant 0 : i32
    %dma_wait3A_267 = tpu.memref_slice %arg6[%dma_wait3A_264, %dma_wait3A_265, %dma_wait3A_266] : memref<8x32x256xf32, #tpu.memory_space<vmem>> -> memref<1x32x256xf32, #tpu.memory_space<vmem>>
    %dma_wait3A_268 = tpu.memref_squeeze %dma_wait3A_267 : memref<1x32x256xf32, #tpu.memory_space<vmem>> -> memref<32x256xf32, #tpu.memory_space<vmem>>
    %dma_wait3A_269 = arith.constant 0 : i32
    %dma_wait3A_270 = tpu.memref_slice %arg5[%dma_wait3A_263, %dma_wait3A_269] : memref<4x2048xi32, #tpu.memory_space<vmem>> -> memref<1x32xi32, #tpu.memory_space<vmem>>
    %dma_wait3A_271 = tpu.memref_squeeze %dma_wait3A_270 : memref<1x32xi32, #tpu.memory_space<vmem>> -> memref<32xi32, #tpu.memory_space<vmem>>
    %dma_wait3A_272 = arith.constant 0 : i32
    %dma_wait3A_273 = arith.constant 0 : i32
    %dma_wait3A_274 = tpu.memref_slice %arg3[%dma_wait3A_272, %dma_wait3A_273] : memref<100000x256xf32, #tpu.memory_space<hbm>> -> memref<100000x256xf32, #tpu.memory_space<hbm>>
    tpu.wait_indirect_dma semaphore(%arg15 : memref<!tpu.dma_semaphore, #tpu.memory_space<semaphore_mem>>) src(%dma_wait3A_274 : memref<100000x256xf32, #tpu.memory_space<hbm>>) dst(%dma_wait3A_268 : memref<32x256xf32, #tpu.memory_space<vmem>>)
    return
  }
}

module attributes {stable_mosaic.version = 14 : i64} {
  func.func @_mlp_body(%arg0: memref<128x256xf32, #tpu.memory_space<vmem>>, %arg1: memref<256x512xf32, #tpu.memory_space<vmem>>, %arg2: memref<1x512xf32, #tpu.memory_space<vmem>>, %arg3: memref<512x64xf32, #tpu.memory_space<vmem>>, %arg4: memref<1x64xf32, #tpu.memory_space<vmem>>, %arg5: memref<1x64xf32, #tpu.memory_space<vmem>>, %arg6: memref<1x64xf32, #tpu.memory_space<vmem>>, %arg7: memref<128x64xf32, #tpu.memory_space<vmem>>) attributes {dimension_semantics = [], scalar_prefetch = 0 : i64, scratch_operands = 0 : i64, tpu.core_type = #tpu.core_type<tc>} {
    %get3A = arith.constant 0 : index
    %get3A_0 = arith.constant 0 : index
    %get3A_1 = vector.load %arg0[%get3A, %get3A_0] : memref<128x256xf32, #tpu.memory_space<vmem>>, vector<128x256xf32>
    %get3A_2 = arith.constant 0 : index
    %get3A_3 = arith.constant 0 : index
    %get3A_4 = vector.load %arg1[%get3A_2, %get3A_3] : memref<256x512xf32, #tpu.memory_space<vmem>>, vector<256x512xf32>
    %dot_general3A = arith.constant dense<0.000000e+00> : vector<128x512xf32>
    %dot_general3A_5 = tpu.matmul %get3A_1, %get3A_4, %dot_general3A {dimension_numbers = #tpu.dot_dimension_numbers<[1], [0], [0], [1], [0, 0, 1, 1], [], []>, transpose_lhs_hint = false} : vector<128x256xf32>, vector<256x512xf32>, vector<128x512xf32> -> vector<128x512xf32>
    %get3A_6 = arith.constant 0 : index
    %get3A_7 = arith.constant 0 : index
    %get3A_8 = vector.load %arg2[%get3A_6, %get3A_7] : memref<1x512xf32, #tpu.memory_space<vmem>>, vector<1x512xf32>
    %add3A = vector.broadcast %get3A_8 : vector<1x512xf32> to vector<128x512xf32>
    %add3A_9 = arith.addf %dot_general3A_5, %add3A : vector<128x512xf32>
    %mul3A = arith.constant 5.000000e-01 : f32
    %mul3A_10 = vector.broadcast %mul3A : f32 to vector<128x512xf32>
    %mul3A_11 = arith.mulf %mul3A_10, %add3A_9 : vector<128x512xf32>
    %mul3A_12 = arith.constant 0.707106769 : f32
    %mul3A_13 = vector.broadcast %mul3A_12 : f32 to vector<128x512xf32>
    %mul3A_14 = arith.mulf %add3A_9, %mul3A_13 : vector<128x512xf32>
    %erf3A = math.erf %mul3A_14 : vector<128x512xf32>
    %add3A_15 = arith.constant 1.000000e+00 : f32
    %add3A_16 = vector.broadcast %add3A_15 : f32 to vector<128x512xf32>
    %add3A_17 = arith.addf %add3A_16, %erf3A : vector<128x512xf32>
    %mul3A_18 = arith.mulf %mul3A_11, %add3A_17 : vector<128x512xf32>
    %get3A_19 = arith.constant 0 : index
    %get3A_20 = arith.constant 0 : index
    %get3A_21 = vector.load %arg3[%get3A_19, %get3A_20] : memref<512x64xf32, #tpu.memory_space<vmem>>, vector<512x64xf32>
    %dot_general3A_22 = arith.constant dense<0.000000e+00> : vector<128x64xf32>
    %dot_general3A_23 = tpu.matmul %mul3A_18, %get3A_21, %dot_general3A_22 {dimension_numbers = #tpu.dot_dimension_numbers<[1], [0], [0], [1], [0, 0, 1, 1], [], []>, transpose_lhs_hint = false} : vector<128x512xf32>, vector<512x64xf32>, vector<128x64xf32> -> vector<128x64xf32>
    %get3A_24 = arith.constant 0 : index
    %get3A_25 = arith.constant 0 : index
    %get3A_26 = vector.load %arg4[%get3A_24, %get3A_25] : memref<1x64xf32, #tpu.memory_space<vmem>>, vector<1x64xf32>
    %add3A_27 = vector.broadcast %get3A_26 : vector<1x64xf32> to vector<128x64xf32>
    %add3A_28 = arith.addf %dot_general3A_23, %add3A_27 : vector<128x64xf32>
    %get3A_29 = arith.constant 0 : index
    %get3A_30 = arith.constant 0 : index
    %get3A_31 = vector.load %arg5[%get3A_29, %get3A_30] : memref<1x64xf32, #tpu.memory_space<vmem>>, vector<1x64xf32>
    %mul3A_32 = vector.broadcast %get3A_31 : vector<1x64xf32> to vector<128x64xf32>
    %mul3A_33 = arith.mulf %add3A_28, %mul3A_32 : vector<128x64xf32>
    %iota3A = tpu.iota {dimensions = array<i32: 1>} : vector<128x64xi32>
    %broadcast_in_dim3A = arith.constant 0.000000e+00 : f32
    %broadcast_in_dim3A_34 = vector.broadcast %broadcast_in_dim3A : f32 to vector<128x64xf32>
    %reduce_max3A = arith.constant dense<0xFF800000> : vector<128xf32>
    %reduce_max3A_35 = vector.multi_reduction <maximumf>, %mul3A_33, %reduce_max3A [1] : vector<128x64xf32> to vector<128xf32>
    %broadcast_in_dim3A_36 = vector.shape_cast %reduce_max3A_35 : vector<128xf32> to vector<128x1xf32>
    %eq3A = vector.broadcast %broadcast_in_dim3A_36 : vector<128x1xf32> to vector<128x64xf32>
    %eq3A_37 = arith.cmpf oeq, %mul3A_33, %eq3A : vector<128x64xf32>
    %jit3A = arith.constant 64 : i32
    %broadcast_in_dim3A_38 = vector.broadcast %jit3A : i32 to vector<128x64xi32>
    %select_n3A = arith.select %eq3A_37, %iota3A, %broadcast_in_dim3A_38 : vector<128x64xi1>, vector<128x64xi32>
    %reduce_min3A = arith.constant dense<2147483647> : vector<128xi32>
    %reduce_min3A_39 = vector.multi_reduction <minsi>, %select_n3A, %reduce_min3A [1] : vector<128x64xi32> to vector<128xi32>
    %broadcast_in_dim3A_40 = vector.shape_cast %reduce_min3A_39 : vector<128xi32> to vector<128x1xi32>
    %eq3A_41 = vector.broadcast %broadcast_in_dim3A_40 : vector<128x1xi32> to vector<128x64xi32>
    %eq3A_42 = arith.cmpi eq, %iota3A, %eq3A_41 : vector<128x64xi32>
    %jit3A_43 = arith.constant 1.000000e+00 : f32
    %broadcast_in_dim3A_44 = vector.broadcast %jit3A_43 : f32 to vector<128x64xf32>
    %select_n3A_45 = arith.select %eq3A_42, %broadcast_in_dim3A_44, %broadcast_in_dim3A_34 : vector<128x64xi1>, vector<128x64xf32>
    %jit3A_46 = arith.constant 0xFF800000 : f32
    %broadcast_in_dim3A_47 = vector.broadcast %jit3A_46 : f32 to vector<128x64xf32>
    %select_n3A_48 = arith.select %eq3A_42, %broadcast_in_dim3A_47, %mul3A_33 : vector<128x64xi1>, vector<128x64xf32>
    %reduce_max3A_49 = arith.constant dense<0xFF800000> : vector<128xf32>
    %reduce_max3A_50 = vector.multi_reduction <maximumf>, %select_n3A_48, %reduce_max3A_49 [1] : vector<128x64xf32> to vector<128xf32>
    %broadcast_in_dim3A_51 = vector.shape_cast %reduce_max3A_50 : vector<128xf32> to vector<128x1xf32>
    %eq3A_52 = vector.broadcast %broadcast_in_dim3A_51 : vector<128x1xf32> to vector<128x64xf32>
    %eq3A_53 = arith.cmpf oeq, %select_n3A_48, %eq3A_52 : vector<128x64xf32>
    %jit3A_54 = arith.constant 64 : i32
    %broadcast_in_dim3A_55 = vector.broadcast %jit3A_54 : i32 to vector<128x64xi32>
    %select_n3A_56 = arith.select %eq3A_53, %iota3A, %broadcast_in_dim3A_55 : vector<128x64xi1>, vector<128x64xi32>
    %reduce_min3A_57 = arith.constant dense<2147483647> : vector<128xi32>
    %reduce_min3A_58 = vector.multi_reduction <minsi>, %select_n3A_56, %reduce_min3A_57 [1] : vector<128x64xi32> to vector<128xi32>
    %broadcast_in_dim3A_59 = vector.shape_cast %reduce_min3A_58 : vector<128xi32> to vector<128x1xi32>
    %eq3A_60 = vector.broadcast %broadcast_in_dim3A_59 : vector<128x1xi32> to vector<128x64xi32>
    %eq3A_61 = arith.cmpi eq, %iota3A, %eq3A_60 : vector<128x64xi32>
    %jit3A_62 = arith.constant 1.000000e+00 : f32
    %broadcast_in_dim3A_63 = vector.broadcast %jit3A_62 : f32 to vector<128x64xf32>
    %select_n3A_64 = arith.select %eq3A_61, %broadcast_in_dim3A_63, %select_n3A_45 : vector<128x64xi1>, vector<128x64xf32>
    %jit3A_65 = arith.constant 0xFF800000 : f32
    %broadcast_in_dim3A_66 = vector.broadcast %jit3A_65 : f32 to vector<128x64xf32>
    %select_n3A_67 = arith.select %eq3A_61, %broadcast_in_dim3A_66, %select_n3A_48 : vector<128x64xi1>, vector<128x64xf32>
    %reduce_max3A_68 = arith.constant dense<0xFF800000> : vector<128xf32>
    %reduce_max3A_69 = vector.multi_reduction <maximumf>, %select_n3A_67, %reduce_max3A_68 [1] : vector<128x64xf32> to vector<128xf32>
    %broadcast_in_dim3A_70 = vector.shape_cast %reduce_max3A_69 : vector<128xf32> to vector<128x1xf32>
    %eq3A_71 = vector.broadcast %broadcast_in_dim3A_70 : vector<128x1xf32> to vector<128x64xf32>
    %eq3A_72 = arith.cmpf oeq, %select_n3A_67, %eq3A_71 : vector<128x64xf32>
    %jit3A_73 = arith.constant 64 : i32
    %broadcast_in_dim3A_74 = vector.broadcast %jit3A_73 : i32 to vector<128x64xi32>
    %select_n3A_75 = arith.select %eq3A_72, %iota3A, %broadcast_in_dim3A_74 : vector<128x64xi1>, vector<128x64xi32>
    %reduce_min3A_76 = arith.constant dense<2147483647> : vector<128xi32>
    %reduce_min3A_77 = vector.multi_reduction <minsi>, %select_n3A_75, %reduce_min3A_76 [1] : vector<128x64xi32> to vector<128xi32>
    %broadcast_in_dim3A_78 = vector.shape_cast %reduce_min3A_77 : vector<128xi32> to vector<128x1xi32>
    %eq3A_79 = vector.broadcast %broadcast_in_dim3A_78 : vector<128x1xi32> to vector<128x64xi32>
    %eq3A_80 = arith.cmpi eq, %iota3A, %eq3A_79 : vector<128x64xi32>
    %jit3A_81 = arith.constant 1.000000e+00 : f32
    %broadcast_in_dim3A_82 = vector.broadcast %jit3A_81 : f32 to vector<128x64xf32>
    %select_n3A_83 = arith.select %eq3A_80, %broadcast_in_dim3A_82, %select_n3A_64 : vector<128x64xi1>, vector<128x64xf32>
    %jit3A_84 = arith.constant 0xFF800000 : f32
    %broadcast_in_dim3A_85 = vector.broadcast %jit3A_84 : f32 to vector<128x64xf32>
    %select_n3A_86 = arith.select %eq3A_80, %broadcast_in_dim3A_85, %select_n3A_67 : vector<128x64xi1>, vector<128x64xf32>
    %reduce_max3A_87 = arith.constant dense<0xFF800000> : vector<128xf32>
    %reduce_max3A_88 = vector.multi_reduction <maximumf>, %select_n3A_86, %reduce_max3A_87 [1] : vector<128x64xf32> to vector<128xf32>
    %broadcast_in_dim3A_89 = vector.shape_cast %reduce_max3A_88 : vector<128xf32> to vector<128x1xf32>
    %eq3A_90 = vector.broadcast %broadcast_in_dim3A_89 : vector<128x1xf32> to vector<128x64xf32>
    %eq3A_91 = arith.cmpf oeq, %select_n3A_86, %eq3A_90 : vector<128x64xf32>
    %jit3A_92 = arith.constant 64 : i32
    %broadcast_in_dim3A_93 = vector.broadcast %jit3A_92 : i32 to vector<128x64xi32>
    %select_n3A_94 = arith.select %eq3A_91, %iota3A, %broadcast_in_dim3A_93 : vector<128x64xi1>, vector<128x64xi32>
    %reduce_min3A_95 = arith.constant dense<2147483647> : vector<128xi32>
    %reduce_min3A_96 = vector.multi_reduction <minsi>, %select_n3A_94, %reduce_min3A_95 [1] : vector<128x64xi32> to vector<128xi32>
    %broadcast_in_dim3A_97 = vector.shape_cast %reduce_min3A_96 : vector<128xi32> to vector<128x1xi32>
    %eq3A_98 = vector.broadcast %broadcast_in_dim3A_97 : vector<128x1xi32> to vector<128x64xi32>
    %eq3A_99 = arith.cmpi eq, %iota3A, %eq3A_98 : vector<128x64xi32>
    %jit3A_100 = arith.constant 1.000000e+00 : f32
    %broadcast_in_dim3A_101 = vector.broadcast %jit3A_100 : f32 to vector<128x64xf32>
    %select_n3A_102 = arith.select %eq3A_99, %broadcast_in_dim3A_101, %select_n3A_83 : vector<128x64xi1>, vector<128x64xf32>
    %jit3A_103 = arith.constant 0xFF800000 : f32
    %broadcast_in_dim3A_104 = vector.broadcast %jit3A_103 : f32 to vector<128x64xf32>
    %select_n3A_105 = arith.select %eq3A_99, %broadcast_in_dim3A_104, %select_n3A_86 : vector<128x64xi1>, vector<128x64xf32>
    %reduce_max3A_106 = arith.constant dense<0xFF800000> : vector<128xf32>
    %reduce_max3A_107 = vector.multi_reduction <maximumf>, %select_n3A_105, %reduce_max3A_106 [1] : vector<128x64xf32> to vector<128xf32>
    %broadcast_in_dim3A_108 = vector.shape_cast %reduce_max3A_107 : vector<128xf32> to vector<128x1xf32>
    %eq3A_109 = vector.broadcast %broadcast_in_dim3A_108 : vector<128x1xf32> to vector<128x64xf32>
    %eq3A_110 = arith.cmpf oeq, %select_n3A_105, %eq3A_109 : vector<128x64xf32>
    %jit3A_111 = arith.constant 64 : i32
    %broadcast_in_dim3A_112 = vector.broadcast %jit3A_111 : i32 to vector<128x64xi32>
    %select_n3A_113 = arith.select %eq3A_110, %iota3A, %broadcast_in_dim3A_112 : vector<128x64xi1>, vector<128x64xi32>
    %reduce_min3A_114 = arith.constant dense<2147483647> : vector<128xi32>
    %reduce_min3A_115 = vector.multi_reduction <minsi>, %select_n3A_113, %reduce_min3A_114 [1] : vector<128x64xi32> to vector<128xi32>
    %broadcast_in_dim3A_116 = vector.shape_cast %reduce_min3A_115 : vector<128xi32> to vector<128x1xi32>
    %eq3A_117 = vector.broadcast %broadcast_in_dim3A_116 : vector<128x1xi32> to vector<128x64xi32>
    %eq3A_118 = arith.cmpi eq, %iota3A, %eq3A_117 : vector<128x64xi32>
    %jit3A_119 = arith.constant 1.000000e+00 : f32
    %broadcast_in_dim3A_120 = vector.broadcast %jit3A_119 : f32 to vector<128x64xf32>
    %select_n3A_121 = arith.select %eq3A_118, %broadcast_in_dim3A_120, %select_n3A_102 : vector<128x64xi1>, vector<128x64xf32>
    %jit3A_122 = arith.constant 0xFF800000 : f32
    %broadcast_in_dim3A_123 = vector.broadcast %jit3A_122 : f32 to vector<128x64xf32>
    %select_n3A_124 = arith.select %eq3A_118, %broadcast_in_dim3A_123, %select_n3A_105 : vector<128x64xi1>, vector<128x64xf32>
    %reduce_max3A_125 = arith.constant dense<0xFF800000> : vector<128xf32>
    %reduce_max3A_126 = vector.multi_reduction <maximumf>, %select_n3A_124, %reduce_max3A_125 [1] : vector<128x64xf32> to vector<128xf32>
    %broadcast_in_dim3A_127 = vector.shape_cast %reduce_max3A_126 : vector<128xf32> to vector<128x1xf32>
    %eq3A_128 = vector.broadcast %broadcast_in_dim3A_127 : vector<128x1xf32> to vector<128x64xf32>
    %eq3A_129 = arith.cmpf oeq, %select_n3A_124, %eq3A_128 : vector<128x64xf32>
    %jit3A_130 = arith.constant 64 : i32
    %broadcast_in_dim3A_131 = vector.broadcast %jit3A_130 : i32 to vector<128x64xi32>
    %select_n3A_132 = arith.select %eq3A_129, %iota3A, %broadcast_in_dim3A_131 : vector<128x64xi1>, vector<128x64xi32>
    %reduce_min3A_133 = arith.constant dense<2147483647> : vector<128xi32>
    %reduce_min3A_134 = vector.multi_reduction <minsi>, %select_n3A_132, %reduce_min3A_133 [1] : vector<128x64xi32> to vector<128xi32>
    %broadcast_in_dim3A_135 = vector.shape_cast %reduce_min3A_134 : vector<128xi32> to vector<128x1xi32>
    %eq3A_136 = vector.broadcast %broadcast_in_dim3A_135 : vector<128x1xi32> to vector<128x64xi32>
    %eq3A_137 = arith.cmpi eq, %iota3A, %eq3A_136 : vector<128x64xi32>
    %jit3A_138 = arith.constant 1.000000e+00 : f32
    %broadcast_in_dim3A_139 = vector.broadcast %jit3A_138 : f32 to vector<128x64xf32>
    %select_n3A_140 = arith.select %eq3A_137, %broadcast_in_dim3A_139, %select_n3A_121 : vector<128x64xi1>, vector<128x64xf32>
    %jit3A_141 = arith.constant 0xFF800000 : f32
    %broadcast_in_dim3A_142 = vector.broadcast %jit3A_141 : f32 to vector<128x64xf32>
    %select_n3A_143 = arith.select %eq3A_137, %broadcast_in_dim3A_142, %select_n3A_124 : vector<128x64xi1>, vector<128x64xf32>
    %reduce_max3A_144 = arith.constant dense<0xFF800000> : vector<128xf32>
    %reduce_max3A_145 = vector.multi_reduction <maximumf>, %select_n3A_143, %reduce_max3A_144 [1] : vector<128x64xf32> to vector<128xf32>
    %broadcast_in_dim3A_146 = vector.shape_cast %reduce_max3A_145 : vector<128xf32> to vector<128x1xf32>
    %eq3A_147 = vector.broadcast %broadcast_in_dim3A_146 : vector<128x1xf32> to vector<128x64xf32>
    %eq3A_148 = arith.cmpf oeq, %select_n3A_143, %eq3A_147 : vector<128x64xf32>
    %jit3A_149 = arith.constant 64 : i32
    %broadcast_in_dim3A_150 = vector.broadcast %jit3A_149 : i32 to vector<128x64xi32>
    %select_n3A_151 = arith.select %eq3A_148, %iota3A, %broadcast_in_dim3A_150 : vector<128x64xi1>, vector<128x64xi32>
    %reduce_min3A_152 = arith.constant dense<2147483647> : vector<128xi32>
    %reduce_min3A_153 = vector.multi_reduction <minsi>, %select_n3A_151, %reduce_min3A_152 [1] : vector<128x64xi32> to vector<128xi32>
    %broadcast_in_dim3A_154 = vector.shape_cast %reduce_min3A_153 : vector<128xi32> to vector<128x1xi32>
    %eq3A_155 = vector.broadcast %broadcast_in_dim3A_154 : vector<128x1xi32> to vector<128x64xi32>
    %eq3A_156 = arith.cmpi eq, %iota3A, %eq3A_155 : vector<128x64xi32>
    %jit3A_157 = arith.constant 1.000000e+00 : f32
    %broadcast_in_dim3A_158 = vector.broadcast %jit3A_157 : f32 to vector<128x64xf32>
    %select_n3A_159 = arith.select %eq3A_156, %broadcast_in_dim3A_158, %select_n3A_140 : vector<128x64xi1>, vector<128x64xf32>
    %jit3A_160 = arith.constant 0xFF800000 : f32
    %broadcast_in_dim3A_161 = vector.broadcast %jit3A_160 : f32 to vector<128x64xf32>
    %select_n3A_162 = arith.select %eq3A_156, %broadcast_in_dim3A_161, %select_n3A_143 : vector<128x64xi1>, vector<128x64xf32>
    %reduce_max3A_163 = arith.constant dense<0xFF800000> : vector<128xf32>
    %reduce_max3A_164 = vector.multi_reduction <maximumf>, %select_n3A_162, %reduce_max3A_163 [1] : vector<128x64xf32> to vector<128xf32>
    %broadcast_in_dim3A_165 = vector.shape_cast %reduce_max3A_164 : vector<128xf32> to vector<128x1xf32>
    %eq3A_166 = vector.broadcast %broadcast_in_dim3A_165 : vector<128x1xf32> to vector<128x64xf32>
    %eq3A_167 = arith.cmpf oeq, %select_n3A_162, %eq3A_166 : vector<128x64xf32>
    %jit3A_168 = arith.constant 64 : i32
    %broadcast_in_dim3A_169 = vector.broadcast %jit3A_168 : i32 to vector<128x64xi32>
    %select_n3A_170 = arith.select %eq3A_167, %iota3A, %broadcast_in_dim3A_169 : vector<128x64xi1>, vector<128x64xi32>
    %reduce_min3A_171 = arith.constant dense<2147483647> : vector<128xi32>
    %reduce_min3A_172 = vector.multi_reduction <minsi>, %select_n3A_170, %reduce_min3A_171 [1] : vector<128x64xi32> to vector<128xi32>
    %broadcast_in_dim3A_173 = vector.shape_cast %reduce_min3A_172 : vector<128xi32> to vector<128x1xi32>
    %eq3A_174 = vector.broadcast %broadcast_in_dim3A_173 : vector<128x1xi32> to vector<128x64xi32>
    %eq3A_175 = arith.cmpi eq, %iota3A, %eq3A_174 : vector<128x64xi32>
    %jit3A_176 = arith.constant 1.000000e+00 : f32
    %broadcast_in_dim3A_177 = vector.broadcast %jit3A_176 : f32 to vector<128x64xf32>
    %select_n3A_178 = arith.select %eq3A_175, %broadcast_in_dim3A_177, %select_n3A_159 : vector<128x64xi1>, vector<128x64xf32>
    %mul3A_179 = arith.mulf %mul3A_33, %select_n3A_178 : vector<128x64xf32>
    %sub3A = arith.constant 1.000000e+00 : f32
    %sub3A_180 = vector.broadcast %sub3A : f32 to vector<128x64xf32>
    %sub3A_181 = arith.subf %sub3A_180, %select_n3A_178 : vector<128x64xf32>
    %mul3A_182 = arith.constant -1.000000e+09 : f32
    %mul3A_183 = vector.broadcast %mul3A_182 : f32 to vector<128x64xf32>
    %mul3A_184 = arith.mulf %sub3A_181, %mul3A_183 : vector<128x64xf32>
    %add3A_185 = arith.addf %mul3A_179, %mul3A_184 : vector<128x64xf32>
    %get3A_186 = arith.constant 0 : index
    %get3A_187 = arith.constant 0 : index
    %get3A_188 = vector.load %arg6[%get3A_186, %get3A_187] : memref<1x64xf32, #tpu.memory_space<vmem>>, vector<1x64xf32>
    %gt3A = arith.constant 0.000000e+00 : f32
    %gt3A_189 = vector.broadcast %gt3A : f32 to vector<1x64xf32>
    %gt3A_190 = arith.cmpf ogt, %get3A_188, %gt3A_189 : vector<1x64xf32>
    %broadcast_in_dim3A_191 = vector.shape_cast %gt3A_190 : vector<1x64xi1> to vector<1x64xi1>
    %broadcast_in_dim3A_192 = vector.broadcast %broadcast_in_dim3A_191 : vector<1x64xi1> to vector<128x64xi1>
    %select_n3A_193 = arith.select %broadcast_in_dim3A_192, %add3A_185, %mul3A_33 : vector<128x64xi1>, vector<128x64xf32>
    %reduce_max3A_194 = arith.constant dense<0xFF800000> : vector<128xf32>
    %reduce_max3A_195 = vector.multi_reduction <maximumf>, %select_n3A_193, %reduce_max3A_194 [1] : vector<128x64xf32> to vector<128xf32>
    %broadcast_in_dim3A_196 = vector.shape_cast %reduce_max3A_195 : vector<128xf32> to vector<128x1xf32>
    %sub3A_197 = vector.broadcast %broadcast_in_dim3A_196 : vector<128x1xf32> to vector<128x64xf32>
    %sub3A_198 = arith.subf %select_n3A_193, %sub3A_197 : vector<128x64xf32>
    %exp3A = math.exp %sub3A_198 : vector<128x64xf32>
    %reduce_sum3A = arith.constant dense<0.000000e+00> : vector<128xf32>
    %reduce_sum3A_199 = vector.multi_reduction <add>, %exp3A, %reduce_sum3A [1] : vector<128x64xf32> to vector<128xf32>
    %broadcast_in_dim3A_200 = vector.shape_cast %reduce_sum3A_199 : vector<128xf32> to vector<128x1xf32>
    %div3A = vector.broadcast %broadcast_in_dim3A_200 : vector<128x1xf32> to vector<128x64xf32>
    %div3A_201 = arith.divf %exp3A, %div3A : vector<128x64xf32>
    %swap3A = arith.constant 0 : index
    %swap3A_202 = arith.constant 0 : index
    %swap3A_203 = vector.load %arg7[%swap3A, %swap3A_202] : memref<128x64xf32, #tpu.memory_space<vmem>>, vector<128x64xf32>
    tpu.vector_store %arg7[%swap3A, %swap3A_202], %div3A_201 {strides = array<i32>} : memref<128x64xf32, #tpu.memory_space<vmem>>, vector<128x64xf32>,
    return
  }
}

</mosaic_0001>

<sc_bundles>
// kernel: kernel.4.cloned.1.call-start
scs
__scs_entry_jumppad:
0x0: {  	(pc) =	sbr.rel $0x88, $3  }
0x1: {  	(tag) =	ssettag $0x0;
	lr =	simm.s32 $0x1  }
0x2: {  	[smem:$0x3F99] =	sst lr;
	_ =	strace $0xD0000000  }
0x3: {  	_ = 	snop  }
0x4: {  	_ = 	snop  }
0x5: {  	_ = 	snop  }
0x6: {  	_ = 	snop  }
0x7: {  	_ = 	snop  }
__scs_overlays_trampoline_lowered:
0x8: {  	[smem:$0x3FA8] =	sst s0  }
0x9: {  	[smem:$0x3FA9] =	sst s1  }
0xa: {  	[smem:$0x3FAA] =	sst s2  }
0xb: {  	[smem:$0x3FAB] =	sst s3  }
0xc: {  	[smem:$0x3FAC] =	sst s4  }
0xd: {  	[smem:$0x3FAD] =	sst s5  }
0xe: {  	[smem:$0x3FAE] =	sst s6  }
0xf: {  	[smem:$0x3FAF] =	sst s7  }
0x10: {  	[smem:$0x3FB0] =	sst s8  }
0x11: {  	[smem:$0x3FB1] =	sst s9;
	s0 =	simm.s32 @!p0 $0x0  }
0x12: {  	s1 =	sld [smem:$0x3F97];
	s0 =	simm.s32 @p0 $0x1  }
0x13: {  	[smem:$0x3FB2] =	sst s0;
	s0 =	simm.s32 @!p1 $0x0  }
0x14: {  	s2 =	sld [smem:$0x3F96];
	s0 =	simm.s32 @p1 $0x1  }
0x15: {  	[smem:$0x3FB3] =	sst s0;
	s0 =	simm.s32 @!p2 $0x0  }
0x16: {  	s3 =	sld [smem:$0x3FDB];
	s0 =	simm.s32 @p2 $0x1  }
0x17: {  	s4 =	simm.s32 $0x1BF5;
	[smem:$0x3FB5] =	sst s0  }
0x18: {  	s0 =	sld [smem:$0x3F98];
	_ =	swait.ge [sflag:s4], $0x0  }
0x19: {  	s7 =	sld [smem:$0x3F99]  }
0x1a: {  	s8 =	sadd.s32 $0xFFFFE003, lr  }
0x1b: {  	s9 =	sadd.s32 $0xFFFFFEF7, lr;
	s5 =	simm.s32 $0xFFFFFFFF;
	p2 =	slt.u32 s8, $0xFFFFF086  }
0x1c: {  	p1 =	slt.u32 s9, $0xF7A;
	s5 =	simm.s32 @!p2 $0x0  }
0x1d: {  	s5 =	simm.s32 @p1 $0x1;
	p0 =	seq.s32 s7, s2  }
0x1e: {  	s7 =	smul.u32 @!p0 $0xF7A, s2;
	p2 =	seq.s32 @!p0 s5, $0x0  }
0x1f: {  	s9 =	smul.u32 $0xF7A, s1;
	s8 =	simm.s32 @!p0 $0x1BF5;
	p2 =	por !p2, p0  }
0x20: {  	[sflag:s8] =	ssyncset.s32 @!p0 $0xFFFFF086;
	s6 =	sadd.s32 @!p0 s3, s7;
	s7 =	simm.s32 @!p0 $0x108  }
0x21: {  	s3 =	sadd.s32 s3, s9;
	s6 =	sadd.s32 @!p0 $0x88, s6;
	s7 =	simm.s32 @p2 $0x1082  }
0x22: {  	[simem:s7], [sflag:s8] =	dma.local @!p0 [hbm:s6], $0xF7A  }
0x23: {  	s9 =	sor.u32 $0xD0000000, s2;
	s6 =	simm.s32 $0x108;
	_ =	swait.ge @!p0 [sflag:s8], $0x0  }
0x24: {  	s3 =	sadd.s32 $0x88, s3;
	s6 =	simm.s32 @!p1 $0x1082;
	[sflag:s4] =	ssyncset.s32 $0xFFFFF086  }
0x25: {  	[simem:s6], [sflag:s4] =	dma.local [hbm:s3], $0xF7A  }
0x26: {  	[smem:$0x3F99] =	sst s1;
	(tag) =	ssettag s2;
	_ =	strace s9  }
0x27: {  	s1 =	sld [smem:$0x3FA9]  }
0x28: {  	s2 =	sld [smem:$0x3FAA]  }
0x29: {  	s4 =	sld [smem:$0x3FAC]  }
0x2a: {  	p0 =	seq.s32 s5, $0x0;
	s5 =	sld [smem:$0x3FAD]  }
0x2b: {  	s6 =	sld [smem:$0x3FAE]  }
0x2c: {  	s7 =	sld [smem:$0x3FAF]  }
0x2d: {  	s3 =	simm.s32 $0x108;
	s8 =	sld [smem:$0x3FB0]  }
0x2e: {  	s3 =	simm.s32 @!p0 $0x1082;
	s9 =	sld [smem:$0x3FB1]  }
0x2f: {  	lr =	sadd.s32 s0, s3;
	s0 =	sld [smem:$0x3FA8]  }
0x30: {  	s3 =	sld [smem:$0x3FAB]  }
0x31: {  	[smem:$0x3FB4] =	sst s10  }
0x32: {  	s10 =	sld [smem:$0x3FB2];
	_ =	sdelay $0x3  }
0x33: {  	p0 =	seq.s32 s10, $0x1;
	s10 =	sld [smem:$0x3FB4];
	_ =	sdelay $0x3  }
0x34: {  	[smem:$0x3FB4] =	sst s10  }
0x35: {  	s10 =	sld [smem:$0x3FB3];
	_ =	sdelay $0x3  }
0x36: {  	p1 =	seq.s32 s10, $0x1;
	s10 =	sld [smem:$0x3FB4];
	_ =	sdelay $0x3  }
0x37: {  	[smem:$0x3FB4] =	sst s10  }
0x38: {  	s10 =	sld [smem:$0x3FB5]  }
0x39: {  	_ = 	snop;
	(pc) =	sbr.ind lr, $3  }
0x3a: {  	_ = 	snop  }
0x3b: {  	_ = 	snop  }
0x3c: {  	p2 =	seq.s32 s10, $0x1;
	s10 =	sld [smem:$0x3FB4]  }
0x3d: {  	_ =	shalt  }
0x3e: {  	_ =	shalt  }
0x3f: {  	_ =	shalt  }
0x40: {  	_ =	shalt  }
0x41: {  	_ =	shalt  }
0x42: {  	_ =	shalt  }
0x43: {  	_ =	shalt  }
0x44: {  	_ =	shalt  }
0x45: {  	_ =	shalt  }
0x46: {  	_ =	shalt  }
0x47: {  	_ =	shalt  }
0x48: {  	_ =	shalt  }
0x49: {  	_ =	shalt  }
0x4a: {  	_ =	shalt  }
0x4b: {  	_ =	shalt  }
0x4c: {  	_ =	shalt  }
0x4d: {  	_ =	shalt  }
0x4e: {  	_ =	shalt  }
0x4f: {  	_ =	shalt  }
0x50: {  	_ =	shalt  }
0x51: {  	_ =	shalt  }
0x52: {  	_ =	shalt  }
0x53: {  	_ =	shalt  }
0x54: {  	_ =	shalt  }
0x55: {  	_ =	shalt  }
0x56: {  	_ =	shalt  }
0x57: {  	_ =	shalt  }
0x58: {  	_ =	shalt  }
0x59: {  	_ =	shalt  }
0x5a: {  	_ =	shalt  }
0x5b: {  	_ =	shalt  }
0x5c: {  	_ =	shalt  }
0x5d: {  	_ =	shalt  }
0x5e: {  	_ =	shalt  }
0x5f: {  	_ =	shalt  }
0x60: {  	_ =	shalt  }
0x61: {  	_ =	shalt  }
0x62: {  	_ =	shalt  }
0x63: {  	_ =	shalt  }
0x64: {  	_ =	shalt  }
0x65: {  	_ =	shalt  }
0x66: {  	_ =	shalt  }
0x67: {  	_ =	shalt  }
0x68: {  	_ =	shalt  }
0x69: {  	_ =	shalt  }
0x6a: {  	_ =	shalt  }
0x6b: {  	_ =	shalt  }
0x6c: {  	_ =	shalt  }
0x6d: {  	_ =	shalt  }
0x6e: {  	_ =	shalt  }
0x6f: {  	_ =	shalt  }
0x70: {  	_ =	shalt  }
0x71: {  	_ =	shalt  }
0x72: {  	_ =	shalt  }
0x73: {  	_ =	shalt  }
0x74: {  	_ =	shalt  }
0x75: {  	_ =	shalt  }
0x76: {  	_ =	shalt  }
0x77: {  	_ =	shalt  }
0x78: {  	_ =	shalt  }
0x79: {  	_ =	shalt  }
0x7a: {  	_ =	shalt  }
0x7b: {  	_ =	shalt  }
0x7c: {  	_ =	shalt  }
0x7d: {  	_ =	shalt  }
0x7e: {  	_ =	shalt  }
0x7f: {  	_ =	shalt  }
0x80: {  	_ =	shalt  }
0x81: {  	_ =	shalt  }
0x82: {  	_ =	shalt  }
0x83: {  	_ =	shalt  }
0x84: {  	_ =	shalt  }
0x85: {  	_ =	shalt  }
0x86: {  	_ =	shalt  }
0x87: {  	_ =	shalt  }
.Lfunc_end0:
.L_simem_size_0:
called_computation_lowered:
.L_overlay_start_0:
0x88: {  	s2 =	sld [smem:$0x3FD9]  }
0x89: {  	s3 =	sld [smem:$0x3FFE];
	_ =	sdelay $0x1  }
0x8a: {  	s1 =	srdreg.scid  }
0x8b: {  	s0 =	sand.u32 $0x1, s1  }
0x8c: {  	s17 =	sshll.u32 s0, $0xA;
	s2 =	sadd.s32 s3, s2  }
0x8d: {  	s2 =	sadd.s32 s2, s17  }
0x8e: {  	[smem:$0x3FC0] =	sst s2  }
0x8f: {  	_ = 	snop  }
0x90: {  	s2 =	sld [smem:$0x3FC9]  }
0x91: {  	s18 =	sld [smem:$0x3FC7];
	(tm) =	ssettm $0x1  }
0x92: {  	s4 =	sld [smem:$0x3FFB];
	_ =	sdelay $0x3  }
0x93: {  	_ =	strace s4  }
0x94: {  	s4 =	sld [smem:$0x3FFC];
	_ =	sdelay $0x3  }
0x95: {  	_ =	strace s4  }
0x96: {  	s4 =	sld [smem:$0x3FFD];
	_ =	sdelay $0x3  }
0x97: {  	_ =	strace s4  }
0x98: {  	_ =	strace $0x8FFFFFFF  }
0x99: {  	s19 =	sld [smem:$0x3FDB];
	_ =	sdelay $0x1  }
0x9a: {  	s5 =	simm.s32 $_scs_section_size  }
0x9b: {  	s6 =	simm.s32 $_size__tile_overlayer_lowered;
	s7 =	simm.s32 $_tile_overlayer_lowered  }
0x9c: {  	s22 =	simm.s32 $0x1BFF;
	s21 =	sshll.u32 s7, $0x1;
	s4 =	sadd.s32 s5, s19  }
0x9d: {  	s8 =	simm.s32 $0x0;
	s20 =	sshll.u32 s6, $0x1;
	s6 =	sadd.s32 s21, s4  }
0x9e: {  	[timem:s8], [sflag:s22] =	dma.local [hbm:s6], s20  }
0x9f: {  	_ =	swait.ge [sflag:s22], s20  }
0xa0: {  	s5 =	ssub.s32 $0x0, s20;
	[sflag:s22] =	ssyncset.done $0x0  }
0xa1: {  	[sflag:s22] =	ssyncadd.s32 s5;
	_ =	sdelay $0x1  }
0xa2: {  	s23 =	simm.s32 $0x1B8B  }
0xa3: {  	_ =	swait.ge [sflag:s23], $0x1  }
0xa4: {  	[sflag:s23] =	ssyncset.done $0x0  }
0xa5: {  	s25 =	simm.s32 $0x1B8E;
	s24 =	sld [smem:$0x3FFE];
	[sflag:s23] =	ssyncadd.s32 $0xFFFFFFFF  }
0xa6: {  	s26 =	simm.s32 $execute0_lowered;
	[smem:$0x3FD2] =	sst s25  }
0xa7: {  	s6 =	sshll.u32 s26, $0x1;
	_ =	strace $0x80000046;
	[dreg:$0x1] =	wrdreg $0xFFFFFFFF  }
0xa8: {  	s28 =	simm.s32 $_size_execute0_lowered;
	s4 =	sadd.s32 s4, s6;
	[dreg:$0x0] =	wrdreg $0x0  }
0xa9: {  	s6 =	sshll.u32 s28, $0x1;
	[dreg:$0x2] =	wrdreg s4  }
0xaa: {  	[dreg:$0x3] =	wrdreg s6  }
0xab: {  	[dreg:$0x4] =	wrdreg $0xC0  }
0xac: {  	_ =	task [dreg:s8], $0x5FFFF  }
0xad: {  	[dreg:$0x1] =	wrdreg $0xFFFFFFFF  }
0xae: {  	[dreg:$0x0] =	wrdreg $0x60  }
0xaf: {  	[dreg:$0x2] =	wrdreg s2  }
0xb0: {  	[dreg:$0x3] =	wrdreg s18  }
0xb1: {  	[dreg:$0x4] =	wrdreg s24  }
0xb2: {  	[dreg:$0x5] =	wrdreg $0x9  }
0xb3: {  	_ =	task.clear_ibuf [dreg:s8], $0x6FFFF;
	_ =	strace $0x90000046  }
0xb4: {  	s29 =	simm.s32 $0x9;
	_ =	strace $0x80000048  }
0xb5: {  	_ =	swait.ge [sflag:s29], $0x1  }
0xb6: {  	[sflag:s29] =	ssyncadd.s32 $0xFFFFFFFF  }
0xb7: {  	_ =	strace $0x90000048  }
0xb8: {  	_ =	sfence  }
0xb9: {  	s30 =	sld [smem:$0x0];
	_ =	sdelay $0x2  }
0xba: {  	s31 =	sshll.u32 s1, $0xD;
	s1 =	sshrl.u32 s1, $0x2  }
0xbb: {  	s3 =	sand.u32 $0x4000, s31;
	s1 =	sadd.s32 s1, s30  }
0xbc: {  	s0 =	sor.u32 s3, s0;
	s1 =	sshll.u32 s1, $0x11  }
0xbd: {  	s0 =	sor.u32 s1, s0  }
0xbe: {  	s0 =	sadd.s32 $0x8F2B, s0  }
0xbf: {  	[sflag:s0] =	ssyncadd.remote.s32 $0x1  }
0xc0: {  	_ =	sfence.sel $0xFFFF  }
0xc1: {  	[dreg:$0x0] =	wrdreg $0xFFFFFFFF;
	(pc) =	sbr.abs _section_cstart, $3  }
0xc2: {  	[dreg:$0x1] =	wrdreg $0xFFFFFFFF  }
0xc3: {  	_ =	task.clear_ibuf [dreg:s8], $0x2FFFF;
	_ =	strace $0x9FFFFFFF  }
0xc4: {  	(tm) =	ssettm $0x7FFFFFFF  }
0xc5: {  	_ =	shalt  }
tec
execute0_lowered:
.L_overlay_start_1:
0x0: {  	(tag) =	ssettag $0x1  }
0x1: {  	s0 =	rddreg [dreg:$0x0]  }
0x2: {  	s1 =	rddreg [dreg:$0x1]  }
0x3: {  	s3 =	rddreg [dreg:$0x2]  }
0x4: {  	s2 =	simm.s32 $0x0;
	s4 =	srdreg.scid;
	s8 =	stileid.u32  }
0x5: {  	s30 =	simm.s32 $0xB800;
	s31 =	simm.s32 $0xC000;
	s9 =	simm.s32 $0xF800  }
0x6: {  	s10 =	simm.s32 $0x10000;
	s11 =	simm.s32 $0x10800;
	s12 =	simm.s32 $0x11000  }
0x7: {  	s13 =	simm.s32 $0x11800;
	s14 =	simm.s32 $0x1;
	s15 =	simm.s32 $0x2  }
0x8: {  	s16 =	simm.s32 $0x3;
	s17 =	simm.s32 $0x4;
	s18 =	simm.s32 $0x5  }
0x9: {  	s19 =	simm.s32 $0x6;
	s20 =	simm.s32 $0x7;
	s21 =	simm.s32 $0x8  }
0xa: {  	s23 =	simm.s32 $0x0;
	[smem:$0x7FF] =	sst s2;
	s4 =	sand.u32 $0x1, s4  }
0xb: {  	s7 =	sshll.u32 s8, $0x8;
	s8 =	sshll.u32 s8, $0xB;
	s5 =	sshll.u32 s4, $0x6  }
0xc: {  	_ =	strace $0x80000047;
	s4 =	ssub.s32 $0x2, s4;
	s3 =	sadd.s32 s5, s3  }
0xd: {  	s6 =	sshrl.u32 s4, $0x1;
	s0 =	sadd.s32 s0, s5;
	s3 =	sadd.s32 s7, s3  }
0xe: {  	s4 =	ssub.s32 s4, s6;
	s0 =	sadd.s32 s8, s0;
	s7 =	simm.s32 $0xD800  }
0xf: {  	v2 =	vlaneseq.u32;
	s8 =	simm.s32 $0xE000;
	s6 =	simm.s32 $0xF000;
	[dreg:$0x4] =	wrdreg s0  }
0x10: {  	vm0 =	vmmov $0xffff;
	v1 =	vshrl.u32 v2, $0x3;
	s5 =	sadd.s32 $0xE00, s3;
	s29 =	smax.u32 s4, $0x1;
	s0 =	simm.s32 $0xC800  }
0x11: {  	v0 =	vand.u32 $0x7, v2;
	v2 =	vor.u32 $0x8, v2;
	v1 =	vmul.u32 $0x8, v1;
	s3 =	simm.s32 $0xD000;
	s4 =	simm.s32 $0xE800;
	[dreg:$0x5] =	wrdreg s29  }
.LBB2_1:
0x12: {  	[dreg:$0x6] =	wrdreg s23  }
0x13: {  	s22 =	rddreg [dreg:$0x4]  }
0x14: {  	s26 =	simm.s32 $0x200;
	s24 =	simm.s32 $0x400;
	s28 =	simm.s32 $0x9  }
0x15: {  	[tilespmem:s2], [sflag:$0x9] =	stream.strided.gather [hbm4b:s22+s26], $0x2000, s24, s26, $0x38;
	[tilespmem:$0x12100] =	vst v63  }
0x16: {  	_ =	swait.ge [sflag:s28], $0x2000  }
0x17: {  	[sflag:s28] =	ssyncset.done $0x0  }
0x18: {  	[sflag:s28] =	ssyncadd.s32 $0xFFFFE000  }
0x19: {  	v3 =	vld [tilespmem:$0x0];
	_ =	sdelay $0x4  }
0x1a: {  	v4 =	vshll.u32 v3, $0x1  }
0x1b: {  	v3 =	vand.u32 $0x7, v3;
	v4 =	vand.u32 $0xFFFFFFF0, v4  }
0x1c: {  	v3 =	vor.u32 v3, v4  }
0x1d: {  	v4 =	vperm.xlane v3, v0;
	_ =	sdelay $0x1  }
0x1e: {  	v3 =	vperm.xlane v3, v2;
	v4 =	vadd.s32 v1, v4;
	_ =	sdelay $0x1  }
0x1f: {  	v3 =	vadd.s32 v1, v3;
	_ =	sdelay $0x1  }
0x20: {  	s29 =	simm.s32 $0x2000  }
0x21: {  	[tilespmem:s29], [sflag:$0x1] =	stream.indirect_vreg.gather [hbm4b:s1+s2], $0x80, v4, vm0, $0xb8;
	[tilespmem:$0x12100] =	vst v63  }
0x22: {  	s23 =	simm.s32 $0x2800  }
0x23: {  	[tilespmem:s23], [sflag:$0x1] =	stream.indirect_vreg.gather [hbm4b:s1+s2], $0x80, v3, vm0, $0xb8;
	[tilespmem:$0x12100] =	vst v63  }
0x24: {  	v3 =	vld [tilespmem:$0x10];
	_ =	sdelay $0x4  }
0x25: {  	v4 =	vshll.u32 v3, $0x1  }
0x26: {  	v3 =	vand.u32 $0x7, v3;
	v4 =	vand.u32 $0xFFFFFFF0, v4  }
0x27: {  	v3 =	vor.u32 v3, v4  }
0x28: {  	v4 =	vperm.xlane v3, v0;
	_ =	sdelay $0x1  }
0x29: {  	v3 =	vperm.xlane v3, v2;
	v4 =	vadd.s32 v1, v4;
	_ =	sdelay $0x1  }
0x2a: {  	v3 =	vadd.s32 v1, v3;
	_ =	sdelay $0x1  }
0x2b: {  	s24 =	simm.s32 $0x3000  }
0x2c: {  	[tilespmem:s24], [sflag:$0x1] =	stream.indirect_vreg.gather [hbm4b:s1+s2], $0x80, v4, vm0, $0xb8;
	[tilespmem:$0x12100] =	vst v63  }
0x2d: {  	s25 =	simm.s32 $0x3800  }
0x2e: {  	[tilespmem:s25], [sflag:$0x1] =	stream.indirect_vreg.gather [hbm4b:s1+s2], $0x80, v3, vm0, $0xb8;
	[tilespmem:$0x12100] =	vst v63  }
0x2f: {  	v3 =	vld [tilespmem:$0x20];
	_ =	sdelay $0x4  }
0x30: {  	v4 =	vshll.u32 v3, $0x1  }
0x31: {  	v3 =	vand.u32 $0x7, v3;
	v4 =	vand.u32 $0xFFFFFFF0, v4  }
0x32: {  	v3 =	vor.u32 v3, v4  }
0x33: {  	v4 =	vperm.xlane v3, v0;
	_ =	sdelay $0x1  }
0x34: {  	v3 =	vperm.xlane v3, v2;
	v4 =	vadd.s32 v1, v4;
	_ =	sdelay $0x1  }
0x35: {  	v3 =	vadd.s32 v1, v3;
	_ =	sdelay $0x1  }
0x36: {  	s26 =	simm.s32 $0x4000  }
0x37: {  	[tilespmem:s26], [sflag:$0x2] =	stream.indirect_vreg.gather [hbm4b:s1+s2], $0x80, v4, vm0, $0xb8;
	[tilespmem:$0x12100] =	vst v63  }
0x38: {  	s28 =	simm.s32 $0x4800  }
0x39: {  	[tilespmem:s28], [sflag:$0x2] =	stream.indirect_vreg.gather [hbm4b:s1+s2], $0x80, v3, vm0, $0xb8;
	[tilespmem:$0x12100] =	vst v63  }
0x3a: {  	v3 =	vld [tilespmem:$0x30];
	_ =	sdelay $0x4  }
0x3b: {  	v4 =	vshll.u32 v3, $0x1  }
0x3c: {  	v3 =	vand.u32 $0x7, v3;
	v4 =	vand.u32 $0xFFFFFFF0, v4  }
0x3d: {  	v3 =	vor.u32 v3, v4  }
0x3e: {  	v4 =	vperm.xlane v3, v0;
	_ =	sdelay $0x1  }
0x3f: {  	v3 =	vperm.xlane v3, v2;
	v4 =	vadd.s32 v1, v4;
	_ =	sdelay $0x1  }
0x40: {  	v3 =	vadd.s32 v1, v3;
	_ =	sdelay $0x1  }
0x41: {  	s29 =	simm.s32 $0x5000  }
0x42: {  	[tilespmem:s29], [sflag:$0x2] =	stream.indirect_vreg.gather [hbm4b:s1+s2], $0x80, v4, vm0, $0xb8;
	[tilespmem:$0x12100] =	vst v63  }
0x43: {  	s23 =	simm.s32 $0x5800  }
0x44: {  	[tilespmem:s23], [sflag:$0x2] =	stream.indirect_vreg.gather [hbm4b:s1+s2], $0x80, v3, vm0, $0xb8;
	[tilespmem:$0x12100] =	vst v63  }
0x45: {  	v3 =	vld [tilespmem:$0x40];
	_ =	sdelay $0x4  }
0x46: {  	v4 =	vshll.u32 v3, $0x1  }
0x47: {  	v3 =	vand.u32 $0x7, v3;
	v4 =	vand.u32 $0xFFFFFFF0, v4  }
0x48: {  	v3 =	vor.u32 v3, v4  }
0x49: {  	v4 =	vperm.xlane v3, v0;
	_ =	sdelay $0x1  }
0x4a: {  	v3 =	vperm.xlane v3, v2;
	v4 =	vadd.s32 v1, v4;
	_ =	sdelay $0x1  }
0x4b: {  	v3 =	vadd.s32 v1, v3;
	_ =	sdelay $0x1  }
0x4c: {  	s24 =	simm.s32 $0x6000  }
0x4d: {  	[tilespmem:s24], [sflag:$0x3] =	stream.indirect_vreg.gather [hbm4b:s1+s2], $0x80, v4, vm0, $0xb8;
	[tilespmem:$0x12100] =	vst v63  }
0x4e: {  	s25 =	simm.s32 $0x6800  }
0x4f: {  	[tilespmem:s25], [sflag:$0x3] =	stream.indirect_vreg.gather [hbm4b:s1+s2], $0x80, v3, vm0, $0xb8;
	[tilespmem:$0x12100] =	vst v63  }
0x50: {  	v3 =	vld [tilespmem:$0x50];
	_ =	sdelay $0x4  }
0x51: {  	v4 =	vshll.u32 v3, $0x1  }
0x52: {  	v3 =	vand.u32 $0x7, v3;
	v4 =	vand.u32 $0xFFFFFFF0, v4  }
0x53: {  	v3 =	vor.u32 v3, v4  }
0x54: {  	v4 =	vperm.xlane v3, v0;
	_ =	sdelay $0x1  }
0x55: {  	v3 =	vperm.xlane v3, v2;
	v4 =	vadd.s32 v1, v4;
	_ =	sdelay $0x1  }
0x56: {  	v3 =	vadd.s32 v1, v3;
	_ =	sdelay $0x1  }
0x57: {  	s26 =	simm.s32 $0x7000  }
0x58: {  	[tilespmem:s26], [sflag:$0x3] =	stream.indirect_vreg.gather [hbm4b:s1+s2], $0x80, v4, vm0, $0xb8;
	[tilespmem:$0x12100] =	vst v63  }
0x59: {  	s28 =	simm.s32 $0x7800  }
0x5a: {  	[tilespmem:s28], [sflag:$0x3] =	stream.indirect_vreg.gather [hbm4b:s1+s2], $0x80, v3, vm0, $0xb8;
	[tilespmem:$0x12100] =	vst v63  }
0x5b: {  	v3 =	vld [tilespmem:$0x60];
	_ =	sdelay $0x4  }
0x5c: {  	v4 =	vshll.u32 v3, $0x1  }
0x5d: {  	v3 =	vand.u32 $0x7, v3;
	v4 =	vand.u32 $0xFFFFFFF0, v4  }
0x5e: {  	v3 =	vor.u32 v3, v4  }
0x5f: {  	v4 =	vperm.xlane v3, v0;
	_ =	sdelay $0x1  }
0x60: {  	v3 =	vperm.xlane v3, v2;
	v4 =	vadd.s32 v1, v4;
	_ =	sdelay $0x1  }
0x61: {  	v3 =	vadd.s32 v1, v3;
	_ =	sdelay $0x1  }
0x62: {  	s29 =	simm.s32 $0x8000  }
0x63: {  	[tilespmem:s29], [sflag:$0x4] =	stream.indirect_vreg.gather [hbm4b:s1+s2], $0x80, v4, vm0, $0xb8;
	[tilespmem:$0x12100] =	vst v63  }
0x64: {  	s23 =	simm.s32 $0x8800  }
0x65: {  	[tilespmem:s23], [sflag:$0x4] =	stream.indirect_vreg.gather [hbm4b:s1+s2], $0x80, v3, vm0, $0xb8;
	[tilespmem:$0x12100] =	vst v63  }
0x66: {  	v3 =	vld [tilespmem:$0x70];
	_ =	sdelay $0x4  }
0x67: {  	v4 =	vshll.u32 v3, $0x1  }
0x68: {  	v3 =	vand.u32 $0x7, v3;
	v4 =	vand.u32 $0xFFFFFFF0, v4  }
0x69: {  	v3 =	vor.u32 v3, v4  }
0x6a: {  	v4 =	vperm.xlane v3, v0;
	_ =	sdelay $0x1  }
0x6b: {  	v3 =	vperm.xlane v3, v2;
	v4 =	vadd.s32 v1, v4;
	_ =	sdelay $0x1  }
0x6c: {  	v3 =	vadd.s32 v1, v3;
	_ =	sdelay $0x1  }
0x6d: {  	s24 =	simm.s32 $0x9000  }
0x6e: {  	[tilespmem:s24], [sflag:$0x4] =	stream.indirect_vreg.gather [hbm4b:s1+s2], $0x80, v4, vm0, $0xb8;
	[tilespmem:$0x12100] =	vst v63  }
0x6f: {  	s25 =	simm.s32 $0x9800  }
0x70: {  	[tilespmem:s25], [sflag:$0x4] =	stream.indirect_vreg.gather [hbm4b:s1+s2], $0x80, v3, vm0, $0xb8;
	[tilespmem:$0x12100] =	vst v63  }
0x71: {  	v3 =	vld [tilespmem:$0x200];
	_ =	sdelay $0x4  }
0x72: {  	v4 =	vshll.u32 v3, $0x1  }
0x73: {  	v3 =	vand.u32 $0x7, v3;
	v4 =	vand.u32 $0xFFFFFFF0, v4  }
0x74: {  	v3 =	vor.u32 v3, v4  }
0x75: {  	v4 =	vperm.xlane v3, v0;
	_ =	sdelay $0x1  }
0x76: {  	v3 =	vperm.xlane v3, v2;
	v4 =	vadd.s32 v1, v4;
	_ =	sdelay $0x1  }
0x77: {  	v3 =	vadd.s32 v1, v3;
	_ =	sdelay $0x1  }
0x78: {  	s26 =	simm.s32 $0xA000  }
0x79: {  	[tilespmem:s26], [sflag:$0x5] =	stream.indirect_vreg.gather [hbm4b:s1+s2], $0x80, v4, vm0, $0xb8;
	[tilespmem:$0x12100] =	vst v63  }
0x7a: {  	s28 =	simm.s32 $0xA800  }
0x7b: {  	[tilespmem:s28], [sflag:$0x5] =	stream.indirect_vreg.gather [hbm4b:s1+s2], $0x80, v3, vm0, $0xb8;
	[tilespmem:$0x12100] =	vst v63  }
0x7c: {  	v3 =	vld [tilespmem:$0x210];
	_ =	sdelay $0x4  }
0x7d: {  	v4 =	vshll.u32 v3, $0x1  }
0x7e: {  	v3 =	vand.u32 $0x7, v3;
	v4 =	vand.u32 $0xFFFFFFF0, v4  }
0x7f: {  	v3 =	vor.u32 v3, v4  }
0x80: {  	v4 =	vperm.xlane v3, v0;
	_ =	sdelay $0x1  }
0x81: {  	v3 =	vperm.xlane v3, v2;
	v4 =	vadd.s32 v1, v4;
	_ =	sdelay $0x1  }
0x82: {  	v3 =	vadd.s32 v1, v3;
	_ =	sdelay $0x1  }
0x83: {  	s29 =	simm.s32 $0xB000  }
0x84: {  	[tilespmem:s29], [sflag:$0x5] =	stream.indirect_vreg.gather [hbm4b:s1+s2], $0x80, v4, vm0, $0xb8;
	[tilespmem:$0x12100] =	vst v63  }
0x85: {  	_ = 	snop  }
0x86: {  	[tilespmem:s30], [sflag:$0x5] =	stream.indirect_vreg.gather [hbm4b:s1+s2], $0x80, v3, vm0, $0xb8;
	[tilespmem:$0x12100] =	vst v63  }
0x87: {  	v3 =	vld [tilespmem:$0x220];
	_ =	sdelay $0x4  }
0x88: {  	v4 =	vshll.u32 v3, $0x1  }
0x89: {  	v3 =	vand.u32 $0x7, v3;
	v4 =	vand.u32 $0xFFFFFFF0, v4  }
0x8a: {  	v3 =	vor.u32 v3, v4  }
0x8b: {  	v4 =	vperm.xlane v3, v0;
	_ =	sdelay $0x1  }
0x8c: {  	v3 =	vperm.xlane v3, v2;
	v4 =	vadd.s32 v1, v4;
	_ =	sdelay $0x1  }
0x8d: {  	v3 =	vadd.s32 v1, v3;
	_ =	sdelay $0x2  }
0x8e: {  	[tilespmem:s31], [sflag:$0x6] =	stream.indirect_vreg.gather [hbm4b:s1+s2], $0x80, v4, vm0, $0xb8;
	[tilespmem:$0x12100] =	vst v63  }
0x8f: {  	_ = 	snop  }
0x90: {  	[tilespmem:s0], [sflag:$0x6] =	stream.indirect_vreg.gather [hbm4b:s1+s2], $0x80, v3, vm0, $0xb8;
	[tilespmem:$0x12100] =	vst v63  }
0x91: {  	v3 =	vld [tilespmem:$0x230];
	_ =	sdelay $0x4  }
0x92: {  	v4 =	vshll.u32 v3, $0x1  }
0x93: {  	v3 =	vand.u32 $0x7, v3;
	v4 =	vand.u32 $0xFFFFFFF0, v4  }
0x94: {  	v3 =	vor.u32 v3, v4  }
0x95: {  	v4 =	vperm.xlane v3, v0;
	_ =	sdelay $0x1  }
0x96: {  	v3 =	vperm.xlane v3, v2;
	v4 =	vadd.s32 v1, v4;
	_ =	sdelay $0x1  }
0x97: {  	v3 =	vadd.s32 v1, v3;
	_ =	sdelay $0x2  }
0x98: {  	[tilespmem:s3], [sflag:$0x6] =	stream.indirect_vreg.gather [hbm4b:s1+s2], $0x80, v4, vm0, $0xb8;
	[tilespmem:$0x12100] =	vst v63  }
0x99: {  	_ = 	snop  }
0x9a: {  	[tilespmem:s7], [sflag:$0x6] =	stream.indirect_vreg.gather [hbm4b:s1+s2], $0x80, v3, vm0, $0xb8;
	[tilespmem:$0x12100] =	vst v63  }
0x9b: {  	v3 =	vld [tilespmem:$0x240];
	_ =	sdelay $0x4  }
0x9c: {  	v4 =	vshll.u32 v3, $0x1  }
0x9d: {  	v3 =	vand.u32 $0x7, v3;
	v4 =	vand.u32 $0xFFFFFFF0, v4  }
0x9e: {  	v3 =	vor.u32 v3, v4  }
0x9f: {  	v4 =	vperm.xlane v3, v0;
	_ =	sdelay $0x1  }
0xa0: {  	v3 =	vperm.xlane v3, v2;
	v4 =	vadd.s32 v1, v4;
	_ =	sdelay $0x1  }
0xa1: {  	v3 =	vadd.s32 v1, v3;
	_ =	sdelay $0x2  }
0xa2: {  	[tilespmem:s8], [sflag:$0x7] =	stream.indirect_vreg.gather [hbm4b:s1+s2], $0x80, v4, vm0, $0xb8;
	[tilespmem:$0x12100] =	vst v63  }
0xa3: {  	_ = 	snop  }
0xa4: {  	[tilespmem:s4], [sflag:$0x7] =	stream.indirect_vreg.gather [hbm4b:s1+s2], $0x80, v3, vm0, $0xb8;
	[tilespmem:$0x12100] =	vst v63  }
0xa5: {  	v3 =	vld [tilespmem:$0x250];
	_ =	sdelay $0x4  }
0xa6: {  	v4 =	vshll.u32 v3, $0x1  }
0xa7: {  	v3 =	vand.u32 $0x7, v3;
	v4 =	vand.u32 $0xFFFFFFF0, v4  }
0xa8: {  	v3 =	vor.u32 v3, v4  }
0xa9: {  	v4 =	vperm.xlane v3, v0;
	_ =	sdelay $0x1  }
0xaa: {  	v3 =	vperm.xlane v3, v2;
	v4 =	vadd.s32 v1, v4;
	_ =	sdelay $0x1  }
0xab: {  	v3 =	vadd.s32 v1, v3;
	_ =	sdelay $0x2  }
0xac: {  	[tilespmem:s6], [sflag:$0x7] =	stream.indirect_vreg.gather [hbm4b:s1+s2], $0x80, v4, vm0, $0xb8;
	[tilespmem:$0x12100] =	vst v63  }
0xad: {  	_ = 	snop  }
0xae: {  	[tilespmem:s9], [sflag:$0x7] =	stream.indirect_vreg.gather [hbm4b:s1+s2], $0x80, v3, vm0, $0xb8;
	[tilespmem:$0x12100] =	vst v63  }
0xaf: {  	v3 =	vld [tilespmem:$0x260];
	_ =	sdelay $0x4  }
0xb0: {  	v4 =	vshll.u32 v3, $0x1  }
0xb1: {  	v3 =	vand.u32 $0x7, v3;
	v4 =	vand.u32 $0xFFFFFFF0, v4  }
0xb2: {  	v3 =	vor.u32 v3, v4  }
0xb3: {  	v4 =	vperm.xlane v3, v0;
	_ =	sdelay $0x1  }
0xb4: {  	v3 =	vperm.xlane v3, v2;
	v4 =	vadd.s32 v1, v4;
	_ =	sdelay $0x1  }
0xb5: {  	v3 =	vadd.s32 v1, v3;
	_ =	sdelay $0x2  }
0xb6: {  	[tilespmem:s10], [sflag:$0x8] =	stream.indirect_vreg.gather [hbm4b:s1+s2], $0x80, v4, vm0, $0xb8;
	[tilespmem:$0x12100] =	vst v63  }
0xb7: {  	_ = 	snop  }
0xb8: {  	[tilespmem:s11], [sflag:$0x8] =	stream.indirect_vreg.gather [hbm4b:s1+s2], $0x80, v3, vm0, $0xb8;
	[tilespmem:$0x12100] =	vst v63  }
0xb9: {  	v3 =	vld [tilespmem:$0x270];
	_ =	sdelay $0x4  }
0xba: {  	v4 =	vshll.u32 v3, $0x1  }
0xbb: {  	v3 =	vand.u32 $0x7, v3;
	v4 =	vand.u32 $0xFFFFFFF0, v4  }
0xbc: {  	v3 =	vor.u32 v3, v4  }
0xbd: {  	v4 =	vperm.xlane v3, v0;
	_ =	sdelay $0x1  }
0xbe: {  	v3 =	vperm.xlane v3, v2;
	v4 =	vadd.s32 v1, v4;
	_ =	sdelay $0x1  }
0xbf: {  	v5 =	vimm.f32 $0.0e+00;
	v10 =	vadd.s32 v1, v3  }
0xc0: {  	v6 =	vimm.f32 $0.0e+00;
	v7 =	vimm.f32 $0.0e+00;
	v8 =	vimm.f32 $0.0e+00  }
0xc1: {  	v9 =	vimm.f32 $0.0e+00;
	v16 =	vimm.f32 $0.0e+00;
	v17 =	vimm.f32 $0.0e+00  }
0xc2: {  	v18 =	vimm.f32 $0.0e+00;
	v20 =	vimm.f32 $0.0e+00;
	v12 =	vimm.f32 $0.0e+00;
	[tilespmem:s12], [sflag:$0x8] =	stream.indirect_vreg.gather [hbm4b:s1+s2], $0x80, v4, vm0, $0xb8;
	[tilespmem:$0x12100] =	vst v63  }
0xc3: {  	v13 =	vimm.f32 $0.0e+00;
	v14 =	vimm.f32 $0.0e+00;
	v15 =	vimm.f32 $0.0e+00;
	s22 =	simm.s32 $0x0  }
0xc4: {  	v3 =	vimm.f32 $0.0e+00;
	v4 =	vimm.f32 $0.0e+00;
	[tilespmem:s13], [sflag:$0x8] =	stream.indirect_vreg.gather [hbm4b:s1+s2], $0x80, v10, vm0, $0xb8;
	v10 =	vimm.f32 $0.0e+00;
	[tilespmem:$0x12100] =	vst v63  }
.LBB2_2:
0xc5: {  	_ =	swait.ge [sflag:s14], $0x2000;
	s23 =	simm.s32 $0x0  }
0xc6: {  	[sflag:s14] =	ssyncset.done $0x0;
	s24 =	sand.u32 $0x1800, s23;
	s25 =	sand.u32 $0x300, s23  }
0xc7: {  	[sflag:s14] =	ssyncadd.s32 $0xFFFFE000;
	s24 =	sor.u32 s25, s24  }
0xc8: {  	v25 =	vld [tilespmem:s24+$0x2080]  }
0xc9: {  	v27 =	vld [tilespmem:s24+$0x2090]  }
0xca: {  	v29 =	vld [tilespmem:s24+$0x20A0]  }
0xcb: {  	v30 =	vld [tilespmem:s24+$0x20B0]  }
0xcc: {  	v31 =	vld [tilespmem:s24+$0x20C0]  }
0xcd: {  	v39 =	vld [tilespmem:s24+$0x20D0]  }
0xce: {  	v11 =	vld [tilespmem:s24+$0x20E0]  }
0xcf: {  	v28 =	vld [tilespmem:s24+$0x20F0]  }
0xd0: {  	v23 =	vld [tilespmem:s24+$0x2480]  }
0xd1: {  	v24 =	vld [tilespmem:s24+$0x2490]  }
0xd2: {  	v19 =	vld [tilespmem:s24+$0x24A0]  }
0xd3: {  	v26 =	vld [tilespmem:s24+$0x24B0]  }
0xd4: {  	v32 =	vld [tilespmem:s24+$0x2000]  }
0xd5: {  	v33 =	vld [tilespmem:s24+$0x2010]  }
0xd6: {  	v34 =	vld [tilespmem:s24+$0x2020]  }
0xd7: {  	v35 =	vld [tilespmem:s24+$0x2030]  }
0xd8: {  	v36 =	vld [tilespmem:s24+$0x2040]  }
0xd9: {  	v37 =	vld [tilespmem:s24+$0x2050]  }
0xda: {  	v38 =	vld [tilespmem:s24+$0x2060]  }
0xdb: {  	v63 =	vld [tilespmem:s24+$0x2070]  }
0xdc: {  	v21 =	vld [tilespmem:s24+$0x24C0]  }
0xdd: {  	v22 =	vld [tilespmem:s24+$0x24D0];
	v15 =	vadd.f32 v32, v15;
	v14 =	vadd.f32 v33, v14  }
0xde: {  	v40 =	vadd.f32 v34, v13;
	v41 =	vadd.f32 v35, v12;
	v33 =	vld [tilespmem:s24+$0x2400]  }
0xdf: {  	v35 =	vld [tilespmem:s24+$0x2410];
	v20 =	vadd.f32 v36, v20;
	v18 =	vadd.f32 v37, v18  }
0xe0: {  	v34 =	vld [tilespmem:s24+$0x2420];
	v37 =	vadd.f32 v38, v17;
	v38 =	vadd.f32 v63, v16  }
0xe1: {  	v36 =	vld [tilespmem:s24+$0x2430];
	v12 =	vadd.f32 v25, v15;
	v13 =	vadd.f32 v27, v14  }
0xe2: {  	v32 =	vld [tilespmem:s24+$0x2450];
	v14 =	vadd.f32 v29, v40;
	v15 =	vadd.f32 v30, v41  }
0xe3: {  	s25 =	simm.s32 $0x100;
	v30 =	vld [tilespmem:s24+$0x2440];
	v16 =	vadd.f32 v31, v20;
	v17 =	vadd.f32 v39, v18  }
.LBB2_3:
0xe4: {  	p0 =	sne.s32 s25, $0xF00;
	v18 =	vld [tilespmem:s24+$0x2460];
	v20 =	vadd.f32 v11, v37;
	v25 =	vadd.f32 v28, v38  }
0xe5: {  	v10 =	vadd.f32 v33, v10;
	v9 =	vadd.f32 v35, v9;
	s23 =	sadd.s32 $0x200, s23;
	v11 =	vld [tilespmem:s24+$0x2470]  }
0xe6: {  	s28 =	sand.u32 $0x300, s25;
	s26 =	sand.u32 $0x1800, s23;
	v8 =	vadd.f32 v34, v8;
	v7 =	vadd.f32 v36, v7;
	v27 =	vld [tilespmem:s24+$0x24E0]  }
0xe7: {  	v10 =	vadd.f32 v23, v10;
	v9 =	vadd.f32 v24, v9;
	v23 =	vld [tilespmem:s24+$0x24F0];
	s24 =	sor.u32 s28, s26  }
0xe8: {  	v8 =	vadd.f32 v19, v8;
	v29 =	vld [tilespmem:s24+$0x2080];
	v7 =	vadd.f32 v26, v7  }
0xe9: {  	v6 =	vadd.f32 v30, v6;
	v4 =	vadd.f32 v32, v4;
	v31 =	vld [tilespmem:s24+$0x2090]  }
0xea: {  	v5 =	vadd.f32 v18, v5;
	v30 =	vld [tilespmem:s24+$0x20A0];
	v3 =	vadd.f32 v11, v3  }
0xeb: {  	v6 =	vadd.f32 v21, v6;
	v4 =	vadd.f32 v22, v4;
	v18 =	vld [tilespmem:s24+$0x20B0]  }
0xec: {  	v5 =	vadd.f32 v27, v5;
	v39 =	vld [tilespmem:s24+$0x20C0];
	v3 =	vadd.f32 v23, v3  }
0xed: {  	v27 =	vld [tilespmem:s24+$0x20D0]  }
0xee: {  	v11 =	vld [tilespmem:s24+$0x20E0]  }
0xef: {  	v28 =	vld [tilespmem:s24+$0x20F0]  }
0xf0: {  	v23 =	vld [tilespmem:s24+$0x2480]  }
0xf1: {  	v24 =	vld [tilespmem:s24+$0x2490]  }
0xf2: {  	v19 =	vld [tilespmem:s24+$0x24A0]  }
0xf3: {  	v26 =	vld [tilespmem:s24+$0x24B0]  }
0xf4: {  	v21 =	vld [tilespmem:s24+$0x24C0]  }
0xf5: {  	v22 =	vld [tilespmem:s24+$0x24D0]  }
0xf6: {  	v32 =	vld [tilespmem:s24+$0x2000]  }
0xf7: {  	v33 =	vld [tilespmem:s24+$0x2010]  }
0xf8: {  	v34 =	vld [tilespmem:s24+$0x2020]  }
0xf9: {  	v35 =	vld [tilespmem:s24+$0x2030]  }
0xfa: {  	v36 =	vld [tilespmem:s24+$0x2040]  }
0xfb: {  	v37 =	vld [tilespmem:s24+$0x2050]  }
0xfc: {  	v38 =	vld [tilespmem:s24+$0x2060]  }
0xfd: {  	v12 =	vadd.f32 v32, v12;
	v13 =	vadd.f32 v33, v13;
	v32 =	vld [tilespmem:s24+$0x2070]  }
0xfe: {  	v14 =	vadd.f32 v34, v14;
	v15 =	vadd.f32 v35, v15;
	v33 =	vld [tilespmem:s24+$0x2400]  }
.Ltmp0:
0xff: {  	v12 =	vadd.f32 v29, v12;
	v13 =	vadd.f32 v31, v13;
	v35 =	vld [tilespmem:s24+$0x2410];
	(pc) =	sbr.rel @p0 .LBB2_3-.Ltmp0, $4  }
0x100: {  	v14 =	vadd.f32 v30, v14;
	v34 =	vld [tilespmem:s24+$0x2420];
	v15 =	vadd.f32 v18, v15  }
0x101: {  	v16 =	vadd.f32 v36, v16;
	v17 =	vadd.f32 v37, v17;
	v36 =	vld [tilespmem:s24+$0x2430]  }
0x102: {  	v37 =	vadd.f32 v38, v20;
	v38 =	vadd.f32 v32, v25;
	v30 =	vld [tilespmem:s24+$0x2440]  }
0x103: {  	s25 =	sadd.s32 $0x100, s25;
	v16 =	vadd.f32 v39, v16;
	v17 =	vadd.f32 v27, v17;
	v32 =	vld [tilespmem:s24+$0x2450]  }
0x104: {  	s23 =	sshll.u32 s22, $0x3  }
0x105: {  	s25 =	smin.u32 s23, $0xF7  }
0x106: {  	s25 =	sadd.s32 $0x8, s25  }
0x107: {  	s26 =	sshll.u32 s25, $0x5;
	s28 =	sshll.u32 s25, $0x7  }
0x108: {  	s25 =	sshll.u32 s25, $0x1;
	s29 =	sand.u32 $0x2000, s26;
	s28 =	sand.u32 $0x1E00, s28  }
0x109: {  	s25 =	sand.u32 $0x180, s25;
	s28 =	sor.u32 s28, s29  }
0x10a: {  	s26 =	sand.u32 $0x60, s26;
	s25 =	sor.u32 s25, s28  }
0x10b: {  	s26 =	sor.u32 s26, s25  }
0x10c: {  	v18 =	vld [tilespmem:s26+$0x0];
	_ =	sdelay $0x4  }
0x10d: {  	v20 =	vshll.u32 v18, $0x1  }
0x10e: {  	v18 =	vand.u32 $0x7, v18;
	v20 =	vand.u32 $0xFFFFFFF0, v20  }
0x10f: {  	v18 =	vor.u32 v18, v20  }
0x110: {  	v20 =	vperm.xlane v18, v0;
	_ =	sdelay $0x1  }
0x111: {  	v18 =	vperm.xlane v18, v2;
	v20 =	vadd.s32 v1, v20;
	_ =	sdelay $0x1  }
0x112: {  	v39 =	vld [tilespmem:s24+$0x2460];
	v18 =	vadd.s32 v1, v18  }
0x113: {  	v40 =	vld [tilespmem:s24+$0x2470]  }
0x114: {  	v41 =	vld [tilespmem:s24+$0x24E0];
	s29 =	simm.s32 $0x2000;
	s25 =	simm.s32 $0x0  }
0x115: {  	v42 =	vld [tilespmem:s24+$0x24F0];
	[tilespmem:s29], [sflag:$0x1] =	stream.indirect_vreg.gather [hbm4b:s1+s25], $0x80, v20, vm0, $0xb8  }
0x116: {  	s28 =	simm.s32 $0x2800  }
0x117: {  	[tilespmem:s28], [sflag:$0x1] =	stream.indirect_vreg.gather [hbm4b:s1+s25], $0x80, v18, vm0, $0xb8;
	[tilespmem:$0x12100] =	vst v63  }
0x118: {  	v18 =	vld [tilespmem:s26+$0x10];
	_ =	sdelay $0x4  }
0x119: {  	v20 =	vshll.u32 v18, $0x1  }
0x11a: {  	v18 =	vand.u32 $0x7, v18;
	v20 =	vand.u32 $0xFFFFFFF0, v20  }
0x11b: {  	v18 =	vor.u32 v18, v20  }
0x11c: {  	v20 =	vperm.xlane v18, v0;
	_ =	sdelay $0x1  }
0x11d: {  	v18 =	vperm.xlane v18, v2;
	v20 =	vadd.s32 v1, v20;
	_ =	sdelay $0x1  }
0x11e: {  	v18 =	vadd.s32 v1, v18;
	_ =	sdelay $0x1  }
0x11f: {  	s29 =	simm.s32 $0x3000  }
0x120: {  	[tilespmem:s29], [sflag:$0x1] =	stream.indirect_vreg.gather [hbm4b:s1+s25], $0x80, v20, vm0, $0xb8;
	[tilespmem:$0x12100] =	vst v63  }
0x121: {  	s26 =	simm.s32 $0x3800  }
0x122: {  	[tilespmem:s26], [sflag:$0x1] =	stream.indirect_vreg.gather [hbm4b:s1+s25], $0x80, v18, vm0, $0xb8;
	[tilespmem:$0x12100] =	vst v63  }
0x123: {  	_ =	swait.ge [sflag:s15], $0x2000  }
0x124: {  	s28 =	sand.u32 $0x1800, s25;
	s29 =	sand.u32 $0x300, s25;
	[sflag:s15] =	ssyncset.done $0x0  }
0x125: {  	s24 =	sor.u32 s29, s28;
	[sflag:s15] =	ssyncadd.s32 $0xFFFFE000  }
0x126: {  	v43 =	vld [tilespmem:s24+$0x4080]  }
0x127: {  	v44 =	vld [tilespmem:s24+$0x4090]  }
0x128: {  	v45 =	vld [tilespmem:s24+$0x40A0]  }
0x129: {  	v46 =	vld [tilespmem:s24+$0x40B0]  }
0x12a: {  	v47 =	vld [tilespmem:s24+$0x40C0]  }
0x12b: {  	v48 =	vld [tilespmem:s24+$0x40D0]  }
0x12c: {  	v29 =	vld [tilespmem:s24+$0x40E0]  }
0x12d: {  	v31 =	vld [tilespmem:s24+$0x40F0]  }
0x12e: {  	v25 =	vld [tilespmem:s24+$0x4480]  }
0x12f: {  	v27 =	vld [tilespmem:s24+$0x4490]  }
0x130: {  	v18 =	vld [tilespmem:s24+$0x44A0]  }
0x131: {  	v10 =	vadd.f32 v33, v10;
	v20 =	vld [tilespmem:s24+$0x44B0]  }
0x132: {  	v49 =	vadd.f32 v11, v37;
	v8 =	vadd.f32 v34, v8;
	v11 =	vld [tilespmem:s24+$0x44C0]  }
0x133: {  	v7 =	vadd.f32 v36, v7;
	v23 =	vadd.f32 v23, v10;
	v60 =	vld [tilespmem:s24+$0x4000]  }
0x134: {  	v10 =	vadd.f32 v19, v8;
	v6 =	vadd.f32 v30, v6;
	v61 =	vld [tilespmem:s24+$0x4010]  }
0x135: {  	v19 =	vadd.f32 v26, v7;
	v7 =	vadd.f32 v32, v4;
	v26 =	vld [tilespmem:s24+$0x4020]  }
0x136: {  	v59 =	vadd.f32 v35, v9;
	v3 =	vadd.f32 v40, v3;
	v30 =	vld [tilespmem:s24+$0x4030]  }
0x137: {  	v4 =	vadd.f32 v21, v6;
	v6 =	vadd.f32 v22, v7;
	v22 =	vld [tilespmem:s24+$0x4050]  }
0x138: {  	v5 =	vadd.f32 v39, v5;
	v8 =	vadd.f32 v42, v3;
	v3 =	vld [tilespmem:s24+$0x4060]  }
0x139: {  	v28 =	vadd.f32 v28, v38;
	v63 =	vld [tilespmem:s24+$0x4070]  }
0x13a: {  	v24 =	vadd.f32 v24, v59;
	v7 =	vadd.f32 v41, v5;
	v62 =	vld [tilespmem:s24+$0x4040]  }
0x13b: {  	v9 =	vld [tilespmem:s24+$0x44D0];
	v12 =	vadd.f32 v60, v12;
	v21 =	vadd.f32 v61, v13  }
0x13c: {  	v5 =	vld [tilespmem:s24+$0x4400];
	v26 =	vadd.f32 v26, v14;
	v30 =	vadd.f32 v30, v15  }
0x13d: {  	v36 =	vld [tilespmem:s24+$0x4410];
	v17 =	vadd.f32 v22, v17;
	v3 =	vadd.f32 v3, v49  }
0x13e: {  	v35 =	vld [tilespmem:s24+$0x4420];
	v38 =	vadd.f32 v63, v28;
	v13 =	vadd.f32 v43, v12  }
0x13f: {  	v37 =	vld [tilespmem:s24+$0x4430];
	v14 =	vadd.f32 v44, v21;
	v12 =	vadd.f32 v62, v16  }
0x140: {  	v32 =	vld [tilespmem:s24+$0x4440];
	v15 =	vadd.f32 v45, v26;
	v21 =	vadd.f32 v46, v30  }
0x141: {  	s26 =	simm.s32 $0x100;
	v34 =	vld [tilespmem:s24+$0x4450];
	v17 =	vadd.f32 v48, v17;
	v16 =	vadd.f32 v47, v12  }
.LBB2_5:
0x142: {  	p0 =	sne.s32 s26, $0xF00;
	v12 =	vld [tilespmem:s24+$0x4460];
	v3 =	vadd.f32 v29, v3;
	v22 =	vadd.f32 v31, v38  }
0x143: {  	v5 =	vadd.f32 v5, v23;
	v24 =	vadd.f32 v36, v24;
	s25 =	sadd.s32 $0x200, s25;
	v26 =	vld [tilespmem:s24+$0x4470]  }
0x144: {  	s29 =	sand.u32 $0x300, s26;
	s28 =	sand.u32 $0x1800, s25;
	v10 =	vadd.f32 v35, v10;
	v19 =	vadd.f32 v37, v19;
	v28 =	vld [tilespmem:s24+$0x44E0]  }
0x145: {  	v23 =	vadd.f32 v25, v5;
	v24 =	vadd.f32 v27, v24;
	v5 =	vld [tilespmem:s24+$0x44F0];
	s24 =	sor.u32 s29, s28  }
0x146: {  	v10 =	vadd.f32 v18, v10;
	v30 =	vld [tilespmem:s24+$0x4080];
	v19 =	vadd.f32 v20, v19  }
0x147: {  	v4 =	vadd.f32 v32, v4;
	v6 =	vadd.f32 v34, v6;
	v33 =	vld [tilespmem:s24+$0x4090]  }
0x148: {  	v7 =	vadd.f32 v12, v7;
	v32 =	vld [tilespmem:s24+$0x40A0];
	v8 =	vadd.f32 v26, v8  }
0x149: {  	v4 =	vadd.f32 v11, v4;
	v6 =	vadd.f32 v9, v6;
	v12 =	vld [tilespmem:s24+$0x40B0]  }
0x14a: {  	v7 =	vadd.f32 v28, v7;
	v26 =	vld [tilespmem:s24+$0x40C0];
	v8 =	vadd.f32 v5, v8  }
0x14b: {  	v28 =	vld [tilespmem:s24+$0x40D0]  }
0x14c: {  	v29 =	vld [tilespmem:s24+$0x40E0]  }
0x14d: {  	v31 =	vld [tilespmem:s24+$0x40F0]  }
0x14e: {  	v25 =	vld [tilespmem:s24+$0x4480]  }
0x14f: {  	v27 =	vld [tilespmem:s24+$0x4490]  }
0x150: {  	v18 =	vld [tilespmem:s24+$0x44A0]  }
0x151: {  	v20 =	vld [tilespmem:s24+$0x44B0]  }
0x152: {  	v11 =	vld [tilespmem:s24+$0x44C0]  }
0x153: {  	v9 =	vld [tilespmem:s24+$0x44D0]  }
0x154: {  	v5 =	vld [tilespmem:s24+$0x4000]  }
0x155: {  	v34 =	vld [tilespmem:s24+$0x4010]  }
0x156: {  	v35 =	vld [tilespmem:s24+$0x4020]  }
0x157: {  	v36 =	vld [tilespmem:s24+$0x4030]  }
0x158: {  	v37 =	vld [tilespmem:s24+$0x4040]  }
0x159: {  	v38 =	vld [tilespmem:s24+$0x4050]  }
0x15a: {  	v39 =	vld [tilespmem:s24+$0x4060]  }
0x15b: {  	v13 =	vadd.f32 v5, v13;
	v14 =	vadd.f32 v34, v14;
	v34 =	vld [tilespmem:s24+$0x4070]  }
0x15c: {  	v15 =	vadd.f32 v35, v15;
	v21 =	vadd.f32 v36, v21;
	v5 =	vld [tilespmem:s24+$0x4400]  }
.Ltmp1:
0x15d: {  	v13 =	vadd.f32 v30, v13;
	v14 =	vadd.f32 v33, v14;
	v36 =	vld [tilespmem:s24+$0x4410];
	(pc) =	sbr.rel @p0 .LBB2_5-.Ltmp1, $4  }
0x15e: {  	v15 =	vadd.f32 v32, v15;
	v35 =	vld [tilespmem:s24+$0x4420];
	v21 =	vadd.f32 v12, v21  }
0x15f: {  	v12 =	vadd.f32 v37, v16;
	v17 =	vadd.f32 v38, v17;
	v37 =	vld [tilespmem:s24+$0x4430]  }
0x160: {  	v3 =	vadd.f32 v39, v3;
	v38 =	vadd.f32 v34, v22;
	v32 =	vld [tilespmem:s24+$0x4440]  }
0x161: {  	s26 =	sadd.s32 $0x100, s26;
	v16 =	vadd.f32 v26, v12;
	v17 =	vadd.f32 v28, v17;
	v34 =	vld [tilespmem:s24+$0x4450]  }
0x162: {  	s25 =	smin.u32 s23, $0xF6  }
0x163: {  	s25 =	sadd.s32 $0x9, s25  }
0x164: {  	s26 =	sshll.u32 s25, $0x5;
	s28 =	sshll.u32 s25, $0x7  }
0x165: {  	s25 =	sshll.u32 s25, $0x1;
	s29 =	sand.u32 $0x2000, s26;
	s28 =	sand.u32 $0x1E00, s28  }
0x166: {  	s25 =	sand.u32 $0x180, s25;
	s28 =	sor.u32 s28, s29  }
0x167: {  	s26 =	sand.u32 $0x60, s26;
	s25 =	sor.u32 s25, s28  }
0x168: {  	s26 =	sor.u32 s26, s25  }
0x169: {  	v12 =	vld [tilespmem:s26+$0x0];
	_ =	sdelay $0x4  }
0x16a: {  	v22 =	vshll.u32 v12, $0x1  }
0x16b: {  	v12 =	vand.u32 $0x7, v12;
	v22 =	vand.u32 $0xFFFFFFF0, v22  }
0x16c: {  	v12 =	vor.u32 v12, v22  }
0x16d: {  	v22 =	vperm.xlane v12, v0;
	_ =	sdelay $0x1  }
0x16e: {  	v12 =	vperm.xlane v12, v2;
	v22 =	vadd.s32 v1, v22;
	_ =	sdelay $0x1  }
0x16f: {  	v39 =	vld [tilespmem:s24+$0x4460];
	v12 =	vadd.s32 v1, v12  }
0x170: {  	v40 =	vld [tilespmem:s24+$0x4470]  }
0x171: {  	v41 =	vld [tilespmem:s24+$0x44E0];
	s29 =	simm.s32 $0x4000;
	s25 =	simm.s32 $0x0  }
0x172: {  	v42 =	vld [tilespmem:s24+$0x44F0];
	[tilespmem:s29], [sflag:$0x2] =	stream.indirect_vreg.gather [hbm4b:s1+s25], $0x80, v22, vm0, $0xb8  }
0x173: {  	s28 =	simm.s32 $0x4800  }
0x174: {  	[tilespmem:s28], [sflag:$0x2] =	stream.indirect_vreg.gather [hbm4b:s1+s25], $0x80, v12, vm0, $0xb8;
	[tilespmem:$0x12100] =	vst v63  }
0x175: {  	v12 =	vld [tilespmem:s26+$0x10];
	_ =	sdelay $0x4  }
0x176: {  	v22 =	vshll.u32 v12, $0x1  }
0x177: {  	v12 =	vand.u32 $0x7, v12;
	v22 =	vand.u32 $0xFFFFFFF0, v22  }
0x178: {  	v12 =	vor.u32 v12, v22  }
0x179: {  	v22 =	vperm.xlane v12, v0;
	_ =	sdelay $0x1  }
0x17a: {  	v12 =	vperm.xlane v12, v2;
	v22 =	vadd.s32 v1, v22;
	_ =	sdelay $0x1  }
0x17b: {  	v12 =	vadd.s32 v1, v12;
	_ =	sdelay $0x1  }
0x17c: {  	s29 =	simm.s32 $0x5000  }
0x17d: {  	[tilespmem:s29], [sflag:$0x2] =	stream.indirect_vreg.gather [hbm4b:s1+s25], $0x80, v22, vm0, $0xb8;
	[tilespmem:$0x12100] =	vst v63  }
0x17e: {  	s26 =	simm.s32 $0x5800  }
0x17f: {  	[tilespmem:s26], [sflag:$0x2] =	stream.indirect_vreg.gather [hbm4b:s1+s25], $0x80, v12, vm0, $0xb8;
	[tilespmem:$0x12100] =	vst v63  }
0x180: {  	_ =	swait.ge [sflag:s16], $0x2000  }
0x181: {  	s28 =	sand.u32 $0x1800, s25;
	s29 =	sand.u32 $0x300, s25;
	[sflag:s16] =	ssyncset.done $0x0  }
0x182: {  	s24 =	sor.u32 s29, s28;
	[sflag:s16] =	ssyncadd.s32 $0xFFFFE000  }
0x183: {  	v43 =	vld [tilespmem:s24+$0x6080]  }
0x184: {  	v44 =	vld [tilespmem:s24+$0x6090]  }
0x185: {  	v45 =	vld [tilespmem:s24+$0x60A0]  }
0x186: {  	v46 =	vld [tilespmem:s24+$0x60B0]  }
0x187: {  	v47 =	vld [tilespmem:s24+$0x60C0]  }
0x188: {  	v48 =	vld [tilespmem:s24+$0x60D0]  }
0x189: {  	v30 =	vld [tilespmem:s24+$0x60E0]  }
0x18a: {  	v33 =	vld [tilespmem:s24+$0x60F0]  }
0x18b: {  	v26 =	vld [tilespmem:s24+$0x6480]  }
0x18c: {  	v28 =	vld [tilespmem:s24+$0x6490]  }
0x18d: {  	v12 =	vld [tilespmem:s24+$0x64A0]  }
0x18e: {  	v22 =	vld [tilespmem:s24+$0x64B0]  }
0x18f: {  	v49 =	vadd.f32 v29, v3;
	v23 =	vadd.f32 v5, v23;
	v3 =	vld [tilespmem:s24+$0x64C0]  }
0x190: {  	v24 =	vadd.f32 v36, v24;
	v19 =	vadd.f32 v37, v19;
	v29 =	vld [tilespmem:s24+$0x6000]  }
0x191: {  	v10 =	vadd.f32 v35, v10;
	v23 =	vadd.f32 v25, v23;
	v25 =	vld [tilespmem:s24+$0x6010]  }
0x192: {  	v24 =	vadd.f32 v27, v24;
	v19 =	vadd.f32 v20, v19;
	v20 =	vld [tilespmem:s24+$0x6020]  }
0x193: {  	v18 =	vadd.f32 v18, v10;
	v4 =	vadd.f32 v32, v4;
	v27 =	vld [tilespmem:s24+$0x6030]  }
0x194: {  	v6 =	vadd.f32 v34, v6;
	v10 =	vadd.f32 v39, v7;
	v62 =	vld [tilespmem:s24+$0x6040]  }
0x195: {  	v61 =	vadd.f32 v40, v8;
	v7 =	vadd.f32 v11, v4;
	v4 =	vld [tilespmem:s24+$0x6050]  }
0x196: {  	v31 =	vadd.f32 v31, v38;
	v8 =	vadd.f32 v9, v6;
	v63 =	vld [tilespmem:s24+$0x6060]  }
0x197: {  	v9 =	vadd.f32 v41, v10;
	v10 =	vadd.f32 v42, v61;
	v5 =	vld [tilespmem:s24+$0x64D0]  }
0x198: {  	v11 =	vadd.f32 v29, v13;
	v13 =	vadd.f32 v25, v14;
	v25 =	vld [tilespmem:s24+$0x6070]  }
0x199: {  	v6 =	vld [tilespmem:s24+$0x6400];
	v14 =	vadd.f32 v20, v15;
	v15 =	vadd.f32 v27, v21  }
0x19a: {  	v34 =	vld [tilespmem:s24+$0x6410];
	v16 =	vadd.f32 v62, v16;
	v17 =	vadd.f32 v4, v17  }
0x19b: {  	v37 =	vld [tilespmem:s24+$0x6430];
	v4 =	vadd.f32 v63, v49;
	v11 =	vadd.f32 v43, v11  }
0x19c: {  	v29 =	vld [tilespmem:s24+$0x6420];
	v13 =	vadd.f32 v44, v13;
	v14 =	vadd.f32 v45, v14  }
0x19d: {  	v27 =	vld [tilespmem:s24+$0x6450];
	v15 =	vadd.f32 v46, v15;
	v38 =	vadd.f32 v25, v31  }
0x19e: {  	s26 =	simm.s32 $0x100;
	v16 =	vadd.f32 v47, v16;
	v17 =	vadd.f32 v48, v17;
	v25 =	vld [tilespmem:s24+$0x6440]  }
.LBB2_7:
0x19f: {  	p0 =	sne.s32 s26, $0xF00;
	v20 =	vld [tilespmem:s24+$0x6460];
	v4 =	vadd.f32 v30, v4;
	v21 =	vadd.f32 v33, v38  }
0x1a0: {  	v6 =	vadd.f32 v6, v23;
	v24 =	vadd.f32 v34, v24;
	s25 =	sadd.s32 $0x200, s25;
	v30 =	vld [tilespmem:s24+$0x6470]  }
0x1a1: {  	s29 =	sand.u32 $0x300, s26;
	s28 =	sand.u32 $0x1800, s25;
	v18 =	vadd.f32 v29, v18;
	v19 =	vadd.f32 v37, v19;
	v29 =	vld [tilespmem:s24+$0x64E0]  }
0x1a2: {  	v23 =	vadd.f32 v26, v6;
	v24 =	vadd.f32 v28, v24;
	v6 =	vld [tilespmem:s24+$0x64F0];
	s24 =	sor.u32 s29, s28  }
0x1a3: {  	v18 =	vadd.f32 v12, v18;
	v31 =	vld [tilespmem:s24+$0x6080];
	v19 =	vadd.f32 v22, v19  }
0x1a4: {  	v7 =	vadd.f32 v25, v7;
	v8 =	vadd.f32 v27, v8;
	v32 =	vld [tilespmem:s24+$0x6090]  }
0x1a5: {  	v9 =	vadd.f32 v20, v9;
	v25 =	vld [tilespmem:s24+$0x60A0];
	v10 =	vadd.f32 v30, v10  }
0x1a6: {  	v7 =	vadd.f32 v3, v7;
	v8 =	vadd.f32 v5, v8;
	v20 =	vld [tilespmem:s24+$0x60B0]  }
0x1a7: {  	v9 =	vadd.f32 v29, v9;
	v35 =	vld [tilespmem:s24+$0x60C0];
	v10 =	vadd.f32 v6, v10  }
0x1a8: {  	v36 =	vld [tilespmem:s24+$0x60D0]  }
0x1a9: {  	v30 =	vld [tilespmem:s24+$0x60E0]  }
0x1aa: {  	v33 =	vld [tilespmem:s24+$0x60F0]  }
0x1ab: {  	v26 =	vld [tilespmem:s24+$0x6480]  }
0x1ac: {  	v28 =	vld [tilespmem:s24+$0x6490]  }
0x1ad: {  	v12 =	vld [tilespmem:s24+$0x64A0]  }
0x1ae: {  	v22 =	vld [tilespmem:s24+$0x64B0]  }
0x1af: {  	v3 =	vld [tilespmem:s24+$0x64C0]  }
0x1b0: {  	v5 =	vld [tilespmem:s24+$0x64D0]  }
0x1b1: {  	v6 =	vld [tilespmem:s24+$0x6000]  }
0x1b2: {  	v27 =	vld [tilespmem:s24+$0x6010]  }
0x1b3: {  	v29 =	vld [tilespmem:s24+$0x6020]  }
0x1b4: {  	v34 =	vld [tilespmem:s24+$0x6030]  }
0x1b5: {  	v37 =	vld [tilespmem:s24+$0x6040]  }
0x1b6: {  	v38 =	vld [tilespmem:s24+$0x6050]  }
0x1b7: {  	v39 =	vld [tilespmem:s24+$0x6060]  }
0x1b8: {  	v11 =	vadd.f32 v6, v11;
	v13 =	vadd.f32 v27, v13;
	v27 =	vld [tilespmem:s24+$0x6070]  }
0x1b9: {  	v14 =	vadd.f32 v29, v14;
	v15 =	vadd.f32 v34, v15;
	v6 =	vld [tilespmem:s24+$0x6400]  }
.Ltmp2:
0x1ba: {  	v11 =	vadd.f32 v31, v11;
	v13 =	vadd.f32 v32, v13;
	v34 =	vld [tilespmem:s24+$0x6410];
	(pc) =	sbr.rel @p0 .LBB2_7-.Ltmp2, $4  }
0x1bb: {  	v14 =	vadd.f32 v25, v14;
	v29 =	vld [tilespmem:s24+$0x6420];
	v15 =	vadd.f32 v20, v15  }
0x1bc: {  	v16 =	vadd.f32 v37, v16;
	v17 =	vadd.f32 v38, v17;
	v37 =	vld [tilespmem:s24+$0x6430]  }
0x1bd: {  	v4 =	vadd.f32 v39, v4;
	v38 =	vadd.f32 v27, v21;
	v25 =	vld [tilespmem:s24+$0x6440]  }
0x1be: {  	s26 =	sadd.s32 $0x100, s26;
	v16 =	vadd.f32 v35, v16;
	v17 =	vadd.f32 v36, v17;
	v27 =	vld [tilespmem:s24+$0x6450]  }
0x1bf: {  	s25 =	smin.u32 s23, $0xF5  }
0x1c0: {  	s25 =	sadd.s32 $0xA, s25  }
0x1c1: {  	s26 =	sshll.u32 s25, $0x5;
	s28 =	sshll.u32 s25, $0x7  }
0x1c2: {  	s25 =	sshll.u32 s25, $0x1;
	s29 =	sand.u32 $0x2000, s26;
	s28 =	sand.u32 $0x1E00, s28  }
0x1c3: {  	s25 =	sand.u32 $0x180, s25;
	s28 =	sor.u32 s28, s29  }
0x1c4: {  	s26 =	sand.u32 $0x60, s26;
	s25 =	sor.u32 s25, s28  }
0x1c5: {  	s26 =	sor.u32 s26, s25  }
0x1c6: {  	v20 =	vld [tilespmem:s26+$0x0];
	_ =	sdelay $0x4  }
0x1c7: {  	v21 =	vshll.u32 v20, $0x1  }
0x1c8: {  	v20 =	vand.u32 $0x7, v20;
	v21 =	vand.u32 $0xFFFFFFF0, v21  }
0x1c9: {  	v20 =	vor.u32 v20, v21  }
0x1ca: {  	v21 =	vperm.xlane v20, v0;
	_ =	sdelay $0x1  }
0x1cb: {  	v20 =	vperm.xlane v20, v2;
	v21 =	vadd.s32 v1, v21;
	_ =	sdelay $0x1  }
0x1cc: {  	v39 =	vld [tilespmem:s24+$0x6460];
	v20 =	vadd.s32 v1, v20  }
0x1cd: {  	v40 =	vld [tilespmem:s24+$0x6470]  }
0x1ce: {  	v41 =	vld [tilespmem:s24+$0x64E0];
	s29 =	simm.s32 $0x6000;
	s25 =	simm.s32 $0x0  }
0x1cf: {  	v42 =	vld [tilespmem:s24+$0x64F0];
	[tilespmem:s29], [sflag:$0x3] =	stream.indirect_vreg.gather [hbm4b:s1+s25], $0x80, v21, vm0, $0xb8  }
0x1d0: {  	s28 =	simm.s32 $0x6800  }
0x1d1: {  	[tilespmem:s28], [sflag:$0x3] =	stream.indirect_vreg.gather [hbm4b:s1+s25], $0x80, v20, vm0, $0xb8;
	[tilespmem:$0x12100] =	vst v63  }
0x1d2: {  	v20 =	vld [tilespmem:s26+$0x10];
	_ =	sdelay $0x4  }
0x1d3: {  	v21 =	vshll.u32 v20, $0x1  }
0x1d4: {  	v20 =	vand.u32 $0x7, v20;
	v21 =	vand.u32 $0xFFFFFFF0, v21  }
0x1d5: {  	v20 =	vor.u32 v20, v21  }
0x1d6: {  	v21 =	vperm.xlane v20, v0;
	_ =	sdelay $0x1  }
0x1d7: {  	v20 =	vperm.xlane v20, v2;
	v21 =	vadd.s32 v1, v21;
	_ =	sdelay $0x1  }
0x1d8: {  	v20 =	vadd.s32 v1, v20;
	_ =	sdelay $0x1  }
0x1d9: {  	s29 =	simm.s32 $0x7000  }
0x1da: {  	[tilespmem:s29], [sflag:$0x3] =	stream.indirect_vreg.gather [hbm4b:s1+s25], $0x80, v21, vm0, $0xb8;
	[tilespmem:$0x12100] =	vst v63  }
0x1db: {  	s26 =	simm.s32 $0x7800  }
0x1dc: {  	[tilespmem:s26], [sflag:$0x3] =	stream.indirect_vreg.gather [hbm4b:s1+s25], $0x80, v20, vm0, $0xb8;
	[tilespmem:$0x12100] =	vst v63  }
0x1dd: {  	_ =	swait.ge [sflag:s17], $0x2000  }
0x1de: {  	s28 =	sand.u32 $0x1800, s25;
	s29 =	sand.u32 $0x300, s25;
	[sflag:s17] =	ssyncset.done $0x0  }
0x1df: {  	s24 =	sor.u32 s29, s28;
	[sflag:s17] =	ssyncadd.s32 $0xFFFFE000  }
0x1e0: {  	v43 =	vld [tilespmem:s24+$0x8080]  }
0x1e1: {  	v44 =	vld [tilespmem:s24+$0x8090]  }
0x1e2: {  	v45 =	vld [tilespmem:s24+$0x80A0]  }
0x1e3: {  	v46 =	vld [tilespmem:s24+$0x80B0]  }
0x1e4: {  	v47 =	vld [tilespmem:s24+$0x80C0]  }
0x1e5: {  	v48 =	vld [tilespmem:s24+$0x80D0]  }
0x1e6: {  	v35 =	vld [tilespmem:s24+$0x80E0]  }
0x1e7: {  	v36 =	vld [tilespmem:s24+$0x80F0]  }
0x1e8: {  	v31 =	vld [tilespmem:s24+$0x8480]  }
0x1e9: {  	v32 =	vld [tilespmem:s24+$0x8490]  }
0x1ea: {  	v20 =	vld [tilespmem:s24+$0x84A0]  }
0x1eb: {  	v21 =	vld [tilespmem:s24+$0x84B0]  }
0x1ec: {  	v30 =	vadd.f32 v30, v4;
	v33 =	vadd.f32 v33, v38;
	v4 =	vld [tilespmem:s24+$0x84C0]  }
0x1ed: {  	v23 =	vadd.f32 v6, v23;
	v24 =	vadd.f32 v34, v24;
	v6 =	vld [tilespmem:s24+$0x84D0]  }
0x1ee: {  	v18 =	vadd.f32 v29, v18;
	v19 =	vadd.f32 v37, v19;
	v29 =	vld [tilespmem:s24+$0x8000]  }
0x1ef: {  	v23 =	vadd.f32 v26, v23;
	v24 =	vadd.f32 v28, v24;
	v26 =	vld [tilespmem:s24+$0x8010]  }
0x1f0: {  	v12 =	vadd.f32 v12, v18;
	v18 =	vadd.f32 v22, v19;
	v19 =	vld [tilespmem:s24+$0x8020]  }
0x1f1: {  	v7 =	vadd.f32 v25, v7;
	v8 =	vadd.f32 v27, v8;
	v22 =	vld [tilespmem:s24+$0x8030]  }
0x1f2: {  	v9 =	vadd.f32 v39, v9;
	v10 =	vadd.f32 v40, v10;
	v27 =	vld [tilespmem:s24+$0x8040]  }
0x1f3: {  	v7 =	vadd.f32 v3, v7;
	v8 =	vadd.f32 v5, v8;
	v3 =	vld [tilespmem:s24+$0x8050]  }
0x1f4: {  	v9 =	vadd.f32 v41, v9;
	v10 =	vadd.f32 v42, v10;
	v28 =	vld [tilespmem:s24+$0x8060]  }
0x1f5: {  	v11 =	vadd.f32 v29, v11;
	v13 =	vadd.f32 v26, v13;
	v29 =	vld [tilespmem:s24+$0x8070]  }
0x1f6: {  	v5 =	vld [tilespmem:s24+$0x8400];
	v25 =	vadd.f32 v19, v14;
	v15 =	vadd.f32 v22, v15  }
0x1f7: {  	v37 =	vld [tilespmem:s24+$0x8430];
	v19 =	vadd.f32 v43, v11;
	v22 =	vadd.f32 v44, v13  }
0x1f8: {  	v14 =	vld [tilespmem:s24+$0x8410];
	v25 =	vadd.f32 v45, v25;
	v26 =	vadd.f32 v46, v15  }
0x1f9: {  	v13 =	vld [tilespmem:s24+$0x8420];
	v11 =	vadd.f32 v27, v16;
	v15 =	vadd.f32 v3, v17  }
0x1fa: {  	v3 =	vadd.f32 v28, v30;
	v16 =	vld [tilespmem:s24+$0x8440];
	v38 =	vadd.f32 v29, v33  }
0x1fb: {  	s26 =	simm.s32 $0x100;
	v17 =	vld [tilespmem:s24+$0x8450];
	v27 =	vadd.f32 v47, v11;
	v28 =	vadd.f32 v48, v15  }
.LBB2_9:
0x1fc: {  	p0 =	sne.s32 s26, $0xF00;
	v11 =	vld [tilespmem:s24+$0x8460];
	v3 =	vadd.f32 v35, v3;
	v15 =	vadd.f32 v36, v38  }
0x1fd: {  	v5 =	vadd.f32 v5, v23;
	v14 =	vadd.f32 v14, v24;
	s25 =	sadd.s32 $0x200, s25;
	v29 =	vld [tilespmem:s24+$0x8470]  }
0x1fe: {  	s29 =	sand.u32 $0x300, s26;
	s28 =	sand.u32 $0x1800, s25;
	v12 =	vadd.f32 v13, v12;
	v13 =	vadd.f32 v37, v18;
	v30 =	vld [tilespmem:s24+$0x84E0]  }
0x1ff: {  	v23 =	vadd.f32 v31, v5;
	v24 =	vadd.f32 v32, v14;
	v5 =	vld [tilespmem:s24+$0x84F0];
	s24 =	sor.u32 s29, s28  }
0x200: {  	v12 =	vadd.f32 v20, v12;
	v33 =	vld [tilespmem:s24+$0x8080];
	v18 =	vadd.f32 v21, v13  }
0x201: {  	v7 =	vadd.f32 v16, v7;
	v8 =	vadd.f32 v17, v8;
	v13 =	vld [tilespmem:s24+$0x8090]  }
0x202: {  	v9 =	vadd.f32 v11, v9;
	v16 =	vld [tilespmem:s24+$0x80A0];
	v10 =	vadd.f32 v29, v10  }
0x203: {  	v7 =	vadd.f32 v4, v7;
	v8 =	vadd.f32 v6, v8;
	v11 =	vld [tilespmem:s24+$0x80B0]  }
0x204: {  	v9 =	vadd.f32 v30, v9;
	v29 =	vld [tilespmem:s24+$0x80C0];
	v10 =	vadd.f32 v5, v10  }
0x205: {  	v30 =	vld [tilespmem:s24+$0x80D0]  }
0x206: {  	v35 =	vld [tilespmem:s24+$0x80E0]  }
0x207: {  	v36 =	vld [tilespmem:s24+$0x80F0]  }
0x208: {  	v31 =	vld [tilespmem:s24+$0x8480]  }
0x209: {  	v32 =	vld [tilespmem:s24+$0x8490]  }
0x20a: {  	v20 =	vld [tilespmem:s24+$0x84A0]  }
0x20b: {  	v21 =	vld [tilespmem:s24+$0x84B0]  }
0x20c: {  	v4 =	vld [tilespmem:s24+$0x84C0]  }
0x20d: {  	v6 =	vld [tilespmem:s24+$0x84D0]  }
0x20e: {  	v5 =	vld [tilespmem:s24+$0x8000]  }
0x20f: {  	v14 =	vld [tilespmem:s24+$0x8010]  }
0x210: {  	v17 =	vld [tilespmem:s24+$0x8020]  }
0x211: {  	v34 =	vld [tilespmem:s24+$0x8030]  }
0x212: {  	v37 =	vld [tilespmem:s24+$0x8040]  }
0x213: {  	v38 =	vld [tilespmem:s24+$0x8050]  }
0x214: {  	v39 =	vld [tilespmem:s24+$0x8060]  }
0x215: {  	v19 =	vadd.f32 v5, v19;
	v22 =	vadd.f32 v14, v22;
	v40 =	vld [tilespmem:s24+$0x8070]  }
0x216: {  	v17 =	vadd.f32 v17, v25;
	v26 =	vadd.f32 v34, v26;
	v5 =	vld [tilespmem:s24+$0x8400]  }
.Ltmp3:
0x217: {  	v19 =	vadd.f32 v33, v19;
	v22 =	vadd.f32 v13, v22;
	v14 =	vld [tilespmem:s24+$0x8410];
	(pc) =	sbr.rel @p0 .LBB2_9-.Ltmp3, $4  }
0x218: {  	v25 =	vadd.f32 v16, v17;
	v13 =	vld [tilespmem:s24+$0x8420];
	v26 =	vadd.f32 v11, v26  }
0x219: {  	v11 =	vadd.f32 v37, v27;
	v28 =	vadd.f32 v38, v28;
	v37 =	vld [tilespmem:s24+$0x8430]  }
0x21a: {  	v3 =	vadd.f32 v39, v3;
	v38 =	vadd.f32 v40, v15;
	v16 =	vld [tilespmem:s24+$0x8440]  }
0x21b: {  	s26 =	sadd.s32 $0x100, s26;
	v27 =	vadd.f32 v29, v11;
	v28 =	vadd.f32 v30, v28;
	v17 =	vld [tilespmem:s24+$0x8450]  }
0x21c: {  	s25 =	smin.u32 s23, $0xF4  }
0x21d: {  	s25 =	sadd.s32 $0xB, s25  }
0x21e: {  	s26 =	sshll.u32 s25, $0x5;
	s28 =	sshll.u32 s25, $0x7  }
0x21f: {  	s25 =	sshll.u32 s25, $0x1;
	s26 =	sand.u32 $0x2000, s26;
	s28 =	sand.u32 $0x1E00, s28  }
0x220: {  	s25 =	sand.u32 $0x180, s25;
	s26 =	sor.u32 s28, s26  }
0x221: {  	s26 =	sor.u32 s25, s26  }
0x222: {  	v11 =	vld [tilespmem:s26+$0x60];
	_ =	sdelay $0x4  }
0x223: {  	v15 =	vshll.u32 v11, $0x1  }
0x224: {  	v11 =	vand.u32 $0x7, v11;
	v15 =	vand.u32 $0xFFFFFFF0, v15  }
0x225: {  	v11 =	vor.u32 v11, v15  }
0x226: {  	v15 =	vperm.xlane v11, v0;
	_ =	sdelay $0x1  }
0x227: {  	v11 =	vperm.xlane v11, v2;
	v15 =	vadd.s32 v1, v15;
	_ =	sdelay $0x1  }
0x228: {  	v39 =	vld [tilespmem:s24+$0x8460];
	v11 =	vadd.s32 v1, v11  }
0x229: {  	v40 =	vld [tilespmem:s24+$0x8470]  }
0x22a: {  	v41 =	vld [tilespmem:s24+$0x84E0];
	s29 =	simm.s32 $0x8000;
	s25 =	simm.s32 $0x0  }
0x22b: {  	v42 =	vld [tilespmem:s24+$0x84F0];
	[tilespmem:s29], [sflag:$0x4] =	stream.indirect_vreg.gather [hbm4b:s1+s25], $0x80, v15, vm0, $0xb8  }
0x22c: {  	s28 =	simm.s32 $0x8800  }
0x22d: {  	[tilespmem:s28], [sflag:$0x4] =	stream.indirect_vreg.gather [hbm4b:s1+s25], $0x80, v11, vm0, $0xb8;
	[tilespmem:$0x12100] =	vst v63  }
0x22e: {  	v11 =	vld [tilespmem:s26+$0x70];
	_ =	sdelay $0x4  }
0x22f: {  	v15 =	vshll.u32 v11, $0x1  }
0x230: {  	v11 =	vand.u32 $0x7, v11;
	v15 =	vand.u32 $0xFFFFFFF0, v15  }
0x231: {  	v11 =	vor.u32 v11, v15  }
0x232: {  	v15 =	vperm.xlane v11, v0;
	_ =	sdelay $0x1  }
0x233: {  	v11 =	vperm.xlane v11, v2;
	v15 =	vadd.s32 v1, v15;
	_ =	sdelay $0x1  }
0x234: {  	v11 =	vadd.s32 v1, v11;
	_ =	sdelay $0x1  }
0x235: {  	s29 =	simm.s32 $0x9000  }
0x236: {  	[tilespmem:s29], [sflag:$0x4] =	stream.indirect_vreg.gather [hbm4b:s1+s25], $0x80, v15, vm0, $0xb8;
	[tilespmem:$0x12100] =	vst v63  }
0x237: {  	s26 =	simm.s32 $0x9800  }
0x238: {  	[tilespmem:s26], [sflag:$0x4] =	stream.indirect_vreg.gather [hbm4b:s1+s25], $0x80, v11, vm0, $0xb8;
	[tilespmem:$0x12100] =	vst v63  }
0x239: {  	_ =	swait.ge [sflag:s18], $0x2000  }
0x23a: {  	s28 =	sand.u32 $0x1800, s25;
	s29 =	sand.u32 $0x300, s25;
	[sflag:s18] =	ssyncset.done $0x0  }
0x23b: {  	s24 =	sor.u32 s29, s28;
	[sflag:s18] =	ssyncadd.s32 $0xFFFFE000  }
0x23c: {  	v43 =	vld [tilespmem:s24+$0xA080]  }
0x23d: {  	v44 =	vld [tilespmem:s24+$0xA090]  }
0x23e: {  	v45 =	vld [tilespmem:s24+$0xA0A0]  }
0x23f: {  	v46 =	vld [tilespmem:s24+$0xA0B0]  }
0x240: {  	v47 =	vld [tilespmem:s24+$0xA0C0]  }
0x241: {  	v48 =	vld [tilespmem:s24+$0xA0D0]  }
0x242: {  	v33 =	vld [tilespmem:s24+$0xA0E0]  }
0x243: {  	v34 =	vld [tilespmem:s24+$0xA0F0]  }
0x244: {  	v29 =	vld [tilespmem:s24+$0xA480]  }
0x245: {  	v30 =	vld [tilespmem:s24+$0xA490]  }
0x246: {  	v11 =	vld [tilespmem:s24+$0xA4A0]  }
0x247: {  	v15 =	vld [tilespmem:s24+$0xA4B0]  }
0x248: {  	v49 =	vadd.f32 v35, v3;
	v23 =	vadd.f32 v5, v23;
	v3 =	vld [tilespmem:s24+$0xA4C0]  }
0x249: {  	v14 =	vadd.f32 v14, v24;
	v12 =	vadd.f32 v13, v12;
	v63 =	vld [tilespmem:s24+$0xA000]  }
0x24a: {  	v18 =	vadd.f32 v37, v18;
	v23 =	vadd.f32 v31, v23;
	v31 =	vld [tilespmem:s24+$0xA010]  }
0x24b: {  	v13 =	vadd.f32 v20, v12;
	v7 =	vadd.f32 v16, v7;
	v12 =	vld [tilespmem:s24+$0xA020]  }
0x24c: {  	v24 =	vadd.f32 v32, v14;
	v14 =	vadd.f32 v21, v18;
	v16 =	vld [tilespmem:s24+$0xA030]  }
0x24d: {  	v8 =	vadd.f32 v17, v8;
	v7 =	vadd.f32 v4, v7;
	v4 =	vld [tilespmem:s24+$0xA050]  }
0x24e: {  	v9 =	vadd.f32 v39, v9;
	v10 =	vadd.f32 v40, v10;
	v21 =	vld [tilespmem:s24+$0xA060]  }
0x24f: {  	v38 =	vadd.f32 v36, v38;
	v8 =	vadd.f32 v6, v8;
	v5 =	vld [tilespmem:s24+$0xA4D0]  }
0x250: {  	v9 =	vadd.f32 v41, v9;
	v10 =	vadd.f32 v42, v10;
	v20 =	vld [tilespmem:s24+$0xA040]  }
0x251: {  	v17 =	vadd.f32 v63, v19;
	v18 =	vadd.f32 v31, v22;
	v22 =	vld [tilespmem:s24+$0xA070]  }
0x252: {  	v6 =	vld [tilespmem:s24+$0xA400];
	v12 =	vadd.f32 v12, v25;
	v19 =	vadd.f32 v16, v26  }
0x253: {  	v36 =	vld [tilespmem:s24+$0xA410];
	v25 =	vadd.f32 v4, v28;
	v4 =	vadd.f32 v21, v49  }
0x254: {  	v35 =	vld [tilespmem:s24+$0xA420];
	v16 =	vadd.f32 v43, v17;
	v17 =	vadd.f32 v44, v18  }
0x255: {  	v37 =	vld [tilespmem:s24+$0xA430];
	v18 =	vadd.f32 v45, v12;
	v12 =	vadd.f32 v20, v27  }
0x256: {  	v26 =	vld [tilespmem:s24+$0xA440];
	v19 =	vadd.f32 v46, v19;
	v38 =	vadd.f32 v22, v38  }
0x257: {  	s26 =	simm.s32 $0x100;
	v28 =	vld [tilespmem:s24+$0xA450];
	v21 =	vadd.f32 v48, v25;
	v20 =	vadd.f32 v47, v12  }
.LBB2_11:
0x258: {  	p0 =	sne.s32 s26, $0xF00;
	v12 =	vld [tilespmem:s24+$0xA460];
	v4 =	vadd.f32 v33, v4;
	v22 =	vadd.f32 v34, v38  }
0x259: {  	v6 =	vadd.f32 v6, v23;
	v24 =	vadd.f32 v36, v24;
	s25 =	sadd.s32 $0x200, s25;
	v25 =	vld [tilespmem:s24+$0xA470]  }
0x25a: {  	s29 =	sand.u32 $0x300, s26;
	s28 =	sand.u32 $0x1800, s25;
	v13 =	vadd.f32 v35, v13;
	v14 =	vadd.f32 v37, v14;
	v27 =	vld [tilespmem:s24+$0xA4E0]  }
0x25b: {  	v23 =	vadd.f32 v29, v6;
	v24 =	vadd.f32 v30, v24;
	v6 =	vld [tilespmem:s24+$0xA4F0];
	s24 =	sor.u32 s29, s28  }
0x25c: {  	v13 =	vadd.f32 v11, v13;
	v31 =	vld [tilespmem:s24+$0xA080];
	v14 =	vadd.f32 v15, v14  }
0x25d: {  	v7 =	vadd.f32 v26, v7;
	v8 =	vadd.f32 v28, v8;
	v32 =	vld [tilespmem:s24+$0xA090]  }
0x25e: {  	v9 =	vadd.f32 v12, v9;
	v26 =	vld [tilespmem:s24+$0xA0A0];
	v10 =	vadd.f32 v25, v10  }
0x25f: {  	v7 =	vadd.f32 v3, v7;
	v8 =	vadd.f32 v5, v8;
	v12 =	vld [tilespmem:s24+$0xA0B0]  }
0x260: {  	v9 =	vadd.f32 v27, v9;
	v25 =	vld [tilespmem:s24+$0xA0C0];
	v10 =	vadd.f32 v6, v10  }
0x261: {  	v27 =	vld [tilespmem:s24+$0xA0D0]  }
0x262: {  	v33 =	vld [tilespmem:s24+$0xA0E0]  }
0x263: {  	v34 =	vld [tilespmem:s24+$0xA0F0]  }
0x264: {  	v29 =	vld [tilespmem:s24+$0xA480]  }
0x265: {  	v30 =	vld [tilespmem:s24+$0xA490]  }
0x266: {  	v11 =	vld [tilespmem:s24+$0xA4A0]  }
0x267: {  	v15 =	vld [tilespmem:s24+$0xA4B0]  }
0x268: {  	v3 =	vld [tilespmem:s24+$0xA4C0]  }
0x269: {  	v5 =	vld [tilespmem:s24+$0xA4D0]  }
0x26a: {  	v6 =	vld [tilespmem:s24+$0xA000]  }
0x26b: {  	v28 =	vld [tilespmem:s24+$0xA010]  }
0x26c: {  	v35 =	vld [tilespmem:s24+$0xA020]  }
0x26d: {  	v36 =	vld [tilespmem:s24+$0xA030]  }
0x26e: {  	v37 =	vld [tilespmem:s24+$0xA040]  }
0x26f: {  	v38 =	vld [tilespmem:s24+$0xA050]  }
0x270: {  	v39 =	vld [tilespmem:s24+$0xA060]  }
0x271: {  	v16 =	vadd.f32 v6, v16;
	v17 =	vadd.f32 v28, v17;
	v28 =	vld [tilespmem:s24+$0xA070]  }
0x272: {  	v18 =	vadd.f32 v35, v18;
	v19 =	vadd.f32 v36, v19;
	v6 =	vld [tilespmem:s24+$0xA400]  }
.Ltmp4:
0x273: {  	v16 =	vadd.f32 v31, v16;
	v17 =	vadd.f32 v32, v17;
	v36 =	vld [tilespmem:s24+$0xA410];
	(pc) =	sbr.rel @p0 .LBB2_11-.Ltmp4, $4  }
0x274: {  	v18 =	vadd.f32 v26, v18;
	v35 =	vld [tilespmem:s24+$0xA420];
	v19 =	vadd.f32 v12, v19  }
0x275: {  	v12 =	vadd.f32 v37, v20;
	v21 =	vadd.f32 v38, v21;
	v37 =	vld [tilespmem:s24+$0xA430]  }
0x276: {  	v4 =	vadd.f32 v39, v4;
	v38 =	vadd.f32 v28, v22;
	v26 =	vld [tilespmem:s24+$0xA440]  }
0x277: {  	s26 =	sadd.s32 $0x100, s26;
	v20 =	vadd.f32 v25, v12;
	v21 =	vadd.f32 v27, v21;
	v28 =	vld [tilespmem:s24+$0xA450]  }
0x278: {  	s25 =	smin.u32 s23, $0xF3  }
0x279: {  	s25 =	sadd.s32 $0xC, s25  }
0x27a: {  	s26 =	sshll.u32 s25, $0x5;
	s28 =	sshll.u32 s25, $0x7  }
0x27b: {  	s25 =	sshll.u32 s25, $0x1;
	s29 =	sand.u32 $0x2000, s26;
	s28 =	sand.u32 $0x1E00, s28  }
0x27c: {  	s25 =	sand.u32 $0x180, s25;
	s28 =	sor.u32 s28, s29  }
0x27d: {  	s26 =	sand.u32 $0x60, s26;
	s25 =	sor.u32 s25, s28  }
0x27e: {  	s26 =	sor.u32 s26, s25  }
0x27f: {  	v12 =	vld [tilespmem:s26+$0x0];
	_ =	sdelay $0x4  }
0x280: {  	v22 =	vshll.u32 v12, $0x1  }
0x281: {  	v12 =	vand.u32 $0x7, v12;
	v22 =	vand.u32 $0xFFFFFFF0, v22  }
0x282: {  	v12 =	vor.u32 v12, v22  }
0x283: {  	v22 =	vperm.xlane v12, v0;
	_ =	sdelay $0x1  }
0x284: {  	v12 =	vperm.xlane v12, v2;
	v22 =	vadd.s32 v1, v22;
	_ =	sdelay $0x1  }
0x285: {  	v39 =	vld [tilespmem:s24+$0xA460];
	v12 =	vadd.s32 v1, v12  }
0x286: {  	v40 =	vld [tilespmem:s24+$0xA470]  }
0x287: {  	v41 =	vld [tilespmem:s24+$0xA4E0];
	s28 =	simm.s32 $0xA000;
	s25 =	simm.s32 $0x0  }
0x288: {  	v42 =	vld [tilespmem:s24+$0xA4F0];
	[tilespmem:s28], [sflag:$0x5] =	stream.indirect_vreg.gather [hbm4b:s1+s25], $0x80, v22, vm0, $0xb8  }
0x289: {  	s29 =	simm.s32 $0xA800  }
0x28a: {  	[tilespmem:s29], [sflag:$0x5] =	stream.indirect_vreg.gather [hbm4b:s1+s25], $0x80, v12, vm0, $0xb8;
	[tilespmem:$0x12100] =	vst v63  }
0x28b: {  	v12 =	vld [tilespmem:s26+$0x10];
	_ =	sdelay $0x4  }
0x28c: {  	v22 =	vshll.u32 v12, $0x1  }
0x28d: {  	v12 =	vand.u32 $0x7, v12;
	v22 =	vand.u32 $0xFFFFFFF0, v22  }
0x28e: {  	v12 =	vor.u32 v12, v22  }
0x28f: {  	v22 =	vperm.xlane v12, v0;
	_ =	sdelay $0x1  }
0x290: {  	v12 =	vperm.xlane v12, v2;
	v22 =	vadd.s32 v1, v22;
	_ =	sdelay $0x1  }
0x291: {  	v12 =	vadd.s32 v1, v12;
	_ =	sdelay $0x1  }
0x292: {  	s26 =	simm.s32 $0xB000  }
0x293: {  	[tilespmem:s26], [sflag:$0x5] =	stream.indirect_vreg.gather [hbm4b:s1+s25], $0x80, v22, vm0, $0xb8;
	[tilespmem:$0x12100] =	vst v63  }
0x294: {  	_ = 	snop  }
0x295: {  	[tilespmem:s30], [sflag:$0x5] =	stream.indirect_vreg.gather [hbm4b:s1+s25], $0x80, v12, vm0, $0xb8;
	[tilespmem:$0x12100] =	vst v63  }
0x296: {  	_ =	swait.ge [sflag:s19], $0x2000  }
0x297: {  	s28 =	sand.u32 $0x1800, s25;
	s29 =	sand.u32 $0x300, s25;
	[sflag:s19] =	ssyncset.done $0x0  }
0x298: {  	s24 =	sor.u32 s29, s28;
	[sflag:s19] =	ssyncadd.s32 $0xFFFFE000  }
0x299: {  	v43 =	vld [tilespmem:s24+$0xC080]  }
0x29a: {  	v44 =	vld [tilespmem:s24+$0xC090]  }
0x29b: {  	v45 =	vld [tilespmem:s24+$0xC0A0]  }
0x29c: {  	v46 =	vld [tilespmem:s24+$0xC0B0]  }
0x29d: {  	v47 =	vld [tilespmem:s24+$0xC0C0]  }
0x29e: {  	v48 =	vld [tilespmem:s24+$0xC0D0]  }
0x29f: {  	v31 =	vld [tilespmem:s24+$0xC0E0]  }
0x2a0: {  	v32 =	vld [tilespmem:s24+$0xC0F0]  }
0x2a1: {  	v25 =	vld [tilespmem:s24+$0xC480]  }
0x2a2: {  	v27 =	vld [tilespmem:s24+$0xC490]  }
0x2a3: {  	v12 =	vld [tilespmem:s24+$0xC4A0]  }
0x2a4: {  	v22 =	vld [tilespmem:s24+$0xC4B0]  }
0x2a5: {  	v33 =	vadd.f32 v33, v4;
	v34 =	vadd.f32 v34, v38;
	v4 =	vld [tilespmem:s24+$0xC4C0]  }
0x2a6: {  	v23 =	vadd.f32 v6, v23;
	v24 =	vadd.f32 v36, v24;
	v6 =	vld [tilespmem:s24+$0xC4D0]  }
0x2a7: {  	v13 =	vadd.f32 v35, v13;
	v14 =	vadd.f32 v37, v14;
	v63 =	vld [tilespmem:s24+$0xC000]  }
0x2a8: {  	v23 =	vadd.f32 v29, v23;
	v24 =	vadd.f32 v30, v24;
	v29 =	vld [tilespmem:s24+$0xC010]  }
0x2a9: {  	v13 =	vadd.f32 v11, v13;
	v7 =	vadd.f32 v26, v7;
	v11 =	vld [tilespmem:s24+$0xC020]  }
0x2aa: {  	v14 =	vadd.f32 v15, v14;
	v8 =	vadd.f32 v28, v8;
	v15 =	vld [tilespmem:s24+$0xC030]  }
0x2ab: {  	v9 =	vadd.f32 v39, v9;
	v10 =	vadd.f32 v40, v10;
	v26 =	vld [tilespmem:s24+$0xC040]  }
0x2ac: {  	v7 =	vadd.f32 v3, v7;
	v8 =	vadd.f32 v5, v8;
	v3 =	vld [tilespmem:s24+$0xC050]  }
0x2ad: {  	v9 =	vadd.f32 v41, v9;
	v10 =	vadd.f32 v42, v10;
	v28 =	vld [tilespmem:s24+$0xC060]  }
0x2ae: {  	v16 =	vadd.f32 v63, v16;
	v17 =	vadd.f32 v29, v17;
	v29 =	vld [tilespmem:s24+$0xC070]  }
0x2af: {  	v5 =	vld [tilespmem:s24+$0xC400];
	v11 =	vadd.f32 v11, v18;
	v18 =	vadd.f32 v15, v19  }
0x2b0: {  	v36 =	vld [tilespmem:s24+$0xC410];
	v15 =	vadd.f32 v43, v16;
	v16 =	vadd.f32 v44, v17  }
0x2b1: {  	v35 =	vld [tilespmem:s24+$0xC420];
	v17 =	vadd.f32 v45, v11;
	v18 =	vadd.f32 v46, v18  }
0x2b2: {  	v37 =	vld [tilespmem:s24+$0xC430];
	v11 =	vadd.f32 v26, v20;
	v20 =	vadd.f32 v3, v21  }
0x2b3: {  	v3 =	vadd.f32 v28, v33;
	v38 =	vadd.f32 v29, v34;
	v29 =	vld [tilespmem:s24+$0xC440]  }
0x2b4: {  	s26 =	simm.s32 $0x100;
	v19 =	vadd.f32 v47, v11;
	v20 =	vadd.f32 v48, v20;
	v34 =	vld [tilespmem:s24+$0xC450]  }
.LBB2_13:
0x2b5: {  	p0 =	sne.s32 s26, $0xF00;
	v11 =	vld [tilespmem:s24+$0xC460];
	v3 =	vadd.f32 v31, v3;
	v21 =	vadd.f32 v32, v38  }
0x2b6: {  	v5 =	vadd.f32 v5, v23;
	v24 =	vadd.f32 v36, v24;
	s25 =	sadd.s32 $0x200, s25;
	v26 =	vld [tilespmem:s24+$0xC470]  }
0x2b7: {  	s29 =	sand.u32 $0x300, s26;
	s28 =	sand.u32 $0x1800, s25;
	v13 =	vadd.f32 v35, v13;
	v14 =	vadd.f32 v37, v14;
	v28 =	vld [tilespmem:s24+$0xC4E0]  }
0x2b8: {  	v23 =	vadd.f32 v25, v5;
	v24 =	vadd.f32 v27, v24;
	v5 =	vld [tilespmem:s24+$0xC4F0];
	s24 =	sor.u32 s29, s28  }
0x2b9: {  	v13 =	vadd.f32 v12, v13;
	v30 =	vld [tilespmem:s24+$0xC080];
	v14 =	vadd.f32 v22, v14  }
0x2ba: {  	v7 =	vadd.f32 v29, v7;
	v8 =	vadd.f32 v34, v8;
	v33 =	vld [tilespmem:s24+$0xC090]  }
0x2bb: {  	v9 =	vadd.f32 v11, v9;
	v29 =	vld [tilespmem:s24+$0xC0A0];
	v10 =	vadd.f32 v26, v10  }
0x2bc: {  	v7 =	vadd.f32 v4, v7;
	v8 =	vadd.f32 v6, v8;
	v11 =	vld [tilespmem:s24+$0xC0B0]  }
0x2bd: {  	v9 =	vadd.f32 v28, v9;
	v26 =	vld [tilespmem:s24+$0xC0C0];
	v10 =	vadd.f32 v5, v10  }
0x2be: {  	v28 =	vld [tilespmem:s24+$0xC0D0]  }
0x2bf: {  	v31 =	vld [tilespmem:s24+$0xC0E0]  }
0x2c0: {  	v32 =	vld [tilespmem:s24+$0xC0F0]  }
0x2c1: {  	v25 =	vld [tilespmem:s24+$0xC480]  }
0x2c2: {  	v27 =	vld [tilespmem:s24+$0xC490]  }
0x2c3: {  	v12 =	vld [tilespmem:s24+$0xC4A0]  }
0x2c4: {  	v22 =	vld [tilespmem:s24+$0xC4B0]  }
0x2c5: {  	v4 =	vld [tilespmem:s24+$0xC4C0]  }
0x2c6: {  	v6 =	vld [tilespmem:s24+$0xC4D0]  }
0x2c7: {  	v5 =	vld [tilespmem:s24+$0xC000]  }
0x2c8: {  	v34 =	vld [tilespmem:s24+$0xC010]  }
0x2c9: {  	v35 =	vld [tilespmem:s24+$0xC020]  }
0x2ca: {  	v36 =	vld [tilespmem:s24+$0xC030]  }
0x2cb: {  	v37 =	vld [tilespmem:s24+$0xC040]  }
0x2cc: {  	v38 =	vld [tilespmem:s24+$0xC050]  }
0x2cd: {  	v39 =	vld [tilespmem:s24+$0xC060]  }
0x2ce: {  	v15 =	vadd.f32 v5, v15;
	v16 =	vadd.f32 v34, v16;
	v34 =	vld [tilespmem:s24+$0xC070]  }
0x2cf: {  	v17 =	vadd.f32 v35, v17;
	v18 =	vadd.f32 v36, v18;
	v5 =	vld [tilespmem:s24+$0xC400]  }
.Ltmp5:
0x2d0: {  	v15 =	vadd.f32 v30, v15;
	v16 =	vadd.f32 v33, v16;
	v36 =	vld [tilespmem:s24+$0xC410];
	(pc) =	sbr.rel @p0 .LBB2_13-.Ltmp5, $4  }
0x2d1: {  	v17 =	vadd.f32 v29, v17;
	v35 =	vld [tilespmem:s24+$0xC420];
	v18 =	vadd.f32 v11, v18  }
0x2d2: {  	v11 =	vadd.f32 v37, v19;
	v20 =	vadd.f32 v38, v20;
	v37 =	vld [tilespmem:s24+$0xC430]  }
0x2d3: {  	v3 =	vadd.f32 v39, v3;
	v38 =	vadd.f32 v34, v21;
	v29 =	vld [tilespmem:s24+$0xC440]  }
0x2d4: {  	s26 =	sadd.s32 $0x100, s26;
	v19 =	vadd.f32 v26, v11;
	v20 =	vadd.f32 v28, v20;
	v34 =	vld [tilespmem:s24+$0xC450]  }
0x2d5: {  	s25 =	smin.u32 s23, $0xF2  }
0x2d6: {  	s25 =	sadd.s32 $0xD, s25  }
0x2d7: {  	s26 =	sshll.u32 s25, $0x5;
	s28 =	sshll.u32 s25, $0x7  }
0x2d8: {  	s25 =	sshll.u32 s25, $0x1;
	s29 =	sand.u32 $0x2000, s26;
	s28 =	sand.u32 $0x1E00, s28  }
0x2d9: {  	s25 =	sand.u32 $0x180, s25;
	s28 =	sor.u32 s28, s29  }
0x2da: {  	s26 =	sand.u32 $0x60, s26;
	s25 =	sor.u32 s25, s28  }
0x2db: {  	s26 =	sor.u32 s26, s25  }
0x2dc: {  	v11 =	vld [tilespmem:s26+$0x0];
	_ =	sdelay $0x4  }
0x2dd: {  	v21 =	vshll.u32 v11, $0x1  }
0x2de: {  	v11 =	vand.u32 $0x7, v11;
	v21 =	vand.u32 $0xFFFFFFF0, v21  }
0x2df: {  	v11 =	vor.u32 v11, v21  }
0x2e0: {  	v21 =	vperm.xlane v11, v0;
	_ =	sdelay $0x1  }
0x2e1: {  	v11 =	vperm.xlane v11, v2;
	v21 =	vadd.s32 v1, v21;
	_ =	sdelay $0x1  }
0x2e2: {  	v39 =	vld [tilespmem:s24+$0xC460];
	v11 =	vadd.s32 v1, v11  }
0x2e3: {  	v40 =	vld [tilespmem:s24+$0xC470]  }
0x2e4: {  	v41 =	vld [tilespmem:s24+$0xC4E0];
	s25 =	simm.s32 $0x0  }
0x2e5: {  	v42 =	vld [tilespmem:s24+$0xC4F0];
	[tilespmem:s31], [sflag:$0x6] =	stream.indirect_vreg.gather [hbm4b:s1+s25], $0x80, v21, vm0, $0xb8  }
0x2e6: {  	_ = 	snop  }
0x2e7: {  	[tilespmem:s0], [sflag:$0x6] =	stream.indirect_vreg.gather [hbm4b:s1+s25], $0x80, v11, vm0, $0xb8;
	[tilespmem:$0x12100] =	vst v63  }
0x2e8: {  	v11 =	vld [tilespmem:s26+$0x10];
	_ =	sdelay $0x4  }
0x2e9: {  	v21 =	vshll.u32 v11, $0x1  }
0x2ea: {  	v11 =	vand.u32 $0x7, v11;
	v21 =	vand.u32 $0xFFFFFFF0, v21  }
0x2eb: {  	v11 =	vor.u32 v11, v21  }
0x2ec: {  	v21 =	vperm.xlane v11, v0;
	_ =	sdelay $0x1  }
0x2ed: {  	v11 =	vperm.xlane v11, v2;
	v21 =	vadd.s32 v1, v21;
	_ =	sdelay $0x1  }
0x2ee: {  	v11 =	vadd.s32 v1, v11;
	_ =	sdelay $0x2  }
0x2ef: {  	[tilespmem:s3], [sflag:$0x6] =	stream.indirect_vreg.gather [hbm4b:s1+s25], $0x80, v21, vm0, $0xb8;
	[tilespmem:$0x12100] =	vst v63  }
0x2f0: {  	_ = 	snop  }
0x2f1: {  	[tilespmem:s7], [sflag:$0x6] =	stream.indirect_vreg.gather [hbm4b:s1+s25], $0x80, v11, vm0, $0xb8;
	[tilespmem:$0x12100] =	vst v63  }
0x2f2: {  	_ =	swait.ge [sflag:s20], $0x2000  }
0x2f3: {  	s28 =	sand.u32 $0x1800, s25;
	s29 =	sand.u32 $0x300, s25;
	[sflag:s20] =	ssyncset.done $0x0  }
0x2f4: {  	s24 =	sor.u32 s29, s28;
	[sflag:s20] =	ssyncadd.s32 $0xFFFFE000  }
0x2f5: {  	v43 =	vld [tilespmem:s24+$0xE080]  }
0x2f6: {  	v44 =	vld [tilespmem:s24+$0xE090]  }
0x2f7: {  	v45 =	vld [tilespmem:s24+$0xE0A0]  }
0x2f8: {  	v46 =	vld [tilespmem:s24+$0xE0B0]  }
0x2f9: {  	v47 =	vld [tilespmem:s24+$0xE0C0]  }
0x2fa: {  	v48 =	vld [tilespmem:s24+$0xE0D0]  }
0x2fb: {  	v30 =	vld [tilespmem:s24+$0xE0E0]  }
0x2fc: {  	v33 =	vld [tilespmem:s24+$0xE0F0]  }
0x2fd: {  	v26 =	vld [tilespmem:s24+$0xE480]  }
0x2fe: {  	v28 =	vld [tilespmem:s24+$0xE490]  }
0x2ff: {  	v11 =	vld [tilespmem:s24+$0xE4A0]  }
0x300: {  	v21 =	vld [tilespmem:s24+$0xE4B0]  }
0x301: {  	v31 =	vadd.f32 v31, v3;
	v32 =	vadd.f32 v32, v38;
	v3 =	vld [tilespmem:s24+$0xE4C0]  }
0x302: {  	v23 =	vadd.f32 v5, v23;
	v24 =	vadd.f32 v36, v24;
	v5 =	vld [tilespmem:s24+$0xE4D0]  }
0x303: {  	v13 =	vadd.f32 v35, v13;
	v14 =	vadd.f32 v37, v14;
	v63 =	vld [tilespmem:s24+$0xE000]  }
0x304: {  	v23 =	vadd.f32 v25, v23;
	v24 =	vadd.f32 v27, v24;
	v25 =	vld [tilespmem:s24+$0xE010]  }
0x305: {  	v12 =	vadd.f32 v12, v13;
	v13 =	vadd.f32 v22, v14;
	v14 =	vld [tilespmem:s24+$0xE020]  }
0x306: {  	v7 =	vadd.f32 v29, v7;
	v8 =	vadd.f32 v34, v8;
	v22 =	vld [tilespmem:s24+$0xE030]  }
0x307: {  	v9 =	vadd.f32 v39, v9;
	v10 =	vadd.f32 v40, v10;
	v27 =	vld [tilespmem:s24+$0xE040]  }
0x308: {  	v4 =	vadd.f32 v4, v7;
	v7 =	vadd.f32 v6, v8;
	v6 =	vld [tilespmem:s24+$0xE050]  }
0x309: {  	v9 =	vadd.f32 v41, v9;
	v10 =	vadd.f32 v42, v10;
	v29 =	vld [tilespmem:s24+$0xE060]  }
0x30a: {  	v15 =	vadd.f32 v63, v15;
	v16 =	vadd.f32 v25, v16;
	v25 =	vld [tilespmem:s24+$0xE070]  }
0x30b: {  	v8 =	vld [tilespmem:s24+$0xE400];
	v17 =	vadd.f32 v14, v17;
	v18 =	vadd.f32 v22, v18  }
0x30c: {  	v36 =	vld [tilespmem:s24+$0xE410];
	v14 =	vadd.f32 v43, v15;
	v15 =	vadd.f32 v44, v16  }
0x30d: {  	v35 =	vld [tilespmem:s24+$0xE420];
	v16 =	vadd.f32 v45, v17;
	v17 =	vadd.f32 v46, v18  }
0x30e: {  	v37 =	vld [tilespmem:s24+$0xE430];
	v18 =	vadd.f32 v27, v19;
	v19 =	vadd.f32 v6, v20  }
0x30f: {  	v34 =	vld [tilespmem:s24+$0xE450];
	v6 =	vadd.f32 v29, v31;
	v38 =	vadd.f32 v25, v32  }
0x310: {  	s26 =	simm.s32 $0x100;
	v20 =	vld [tilespmem:s24+$0xE440];
	v18 =	vadd.f32 v47, v18;
	v19 =	vadd.f32 v48, v19  }
.LBB2_15:
0x311: {  	p0 =	sne.s32 s26, $0xF00;
	v22 =	vld [tilespmem:s24+$0xE460];
	v6 =	vadd.f32 v30, v6;
	v25 =	vadd.f32 v33, v38  }
0x312: {  	v8 =	vadd.f32 v8, v23;
	v24 =	vadd.f32 v36, v24;
	s25 =	sadd.s32 $0x200, s25;
	v27 =	vld [tilespmem:s24+$0xE470]  }
0x313: {  	s29 =	sand.u32 $0x300, s26;
	s28 =	sand.u32 $0x1800, s25;
	v12 =	vadd.f32 v35, v12;
	v13 =	vadd.f32 v37, v13;
	v29 =	vld [tilespmem:s24+$0xE4E0]  }
0x314: {  	v23 =	vadd.f32 v26, v8;
	v24 =	vadd.f32 v28, v24;
	v8 =	vld [tilespmem:s24+$0xE4F0];
	s24 =	sor.u32 s29, s28  }
0x315: {  	v12 =	vadd.f32 v11, v12;
	v31 =	vld [tilespmem:s24+$0xE080];
	v13 =	vadd.f32 v21, v13  }
0x316: {  	v4 =	vadd.f32 v20, v4;
	v7 =	vadd.f32 v34, v7;
	v32 =	vld [tilespmem:s24+$0xE090]  }
0x317: {  	v9 =	vadd.f32 v22, v9;
	v20 =	vld [tilespmem:s24+$0xE0A0];
	v10 =	vadd.f32 v27, v10  }
0x318: {  	v4 =	vadd.f32 v3, v4;
	v7 =	vadd.f32 v5, v7;
	v22 =	vld [tilespmem:s24+$0xE0B0]  }
0x319: {  	v9 =	vadd.f32 v29, v9;
	v27 =	vld [tilespmem:s24+$0xE0C0];
	v10 =	vadd.f32 v8, v10  }
0x31a: {  	v29 =	vld [tilespmem:s24+$0xE0D0]  }
0x31b: {  	v30 =	vld [tilespmem:s24+$0xE0E0]  }
0x31c: {  	v33 =	vld [tilespmem:s24+$0xE0F0]  }
0x31d: {  	v26 =	vld [tilespmem:s24+$0xE480]  }
0x31e: {  	v28 =	vld [tilespmem:s24+$0xE490]  }
0x31f: {  	v11 =	vld [tilespmem:s24+$0xE4A0]  }
0x320: {  	v21 =	vld [tilespmem:s24+$0xE4B0]  }
0x321: {  	v3 =	vld [tilespmem:s24+$0xE4C0]  }
0x322: {  	v5 =	vld [tilespmem:s24+$0xE4D0]  }
0x323: {  	v8 =	vld [tilespmem:s24+$0xE000]  }
0x324: {  	v34 =	vld [tilespmem:s24+$0xE010]  }
0x325: {  	v35 =	vld [tilespmem:s24+$0xE020]  }
0x326: {  	v36 =	vld [tilespmem:s24+$0xE030]  }
0x327: {  	v37 =	vld [tilespmem:s24+$0xE040]  }
0x328: {  	v38 =	vld [tilespmem:s24+$0xE050]  }
0x329: {  	v39 =	vld [tilespmem:s24+$0xE060]  }
0x32a: {  	v14 =	vadd.f32 v8, v14;
	v15 =	vadd.f32 v34, v15;
	v34 =	vld [tilespmem:s24+$0xE070]  }
0x32b: {  	v16 =	vadd.f32 v35, v16;
	v17 =	vadd.f32 v36, v17;
	v8 =	vld [tilespmem:s24+$0xE400]  }
.Ltmp6:
0x32c: {  	v14 =	vadd.f32 v31, v14;
	v15 =	vadd.f32 v32, v15;
	v36 =	vld [tilespmem:s24+$0xE410];
	(pc) =	sbr.rel @p0 .LBB2_15-.Ltmp6, $4  }
0x32d: {  	v16 =	vadd.f32 v20, v16;
	v35 =	vld [tilespmem:s24+$0xE420];
	v17 =	vadd.f32 v22, v17  }
0x32e: {  	v18 =	vadd.f32 v37, v18;
	v19 =	vadd.f32 v38, v19;
	v37 =	vld [tilespmem:s24+$0xE430]  }
0x32f: {  	v6 =	vadd.f32 v39, v6;
	v38 =	vadd.f32 v34, v25;
	v20 =	vld [tilespmem:s24+$0xE440]  }
0x330: {  	s26 =	sadd.s32 $0x100, s26;
	v18 =	vadd.f32 v27, v18;
	v19 =	vadd.f32 v29, v19;
	v34 =	vld [tilespmem:s24+$0xE450]  }
0x331: {  	s25 =	smin.u32 s23, $0xF1  }
0x332: {  	s25 =	sadd.s32 $0xE, s25  }
0x333: {  	s26 =	sshll.u32 s25, $0x5;
	s28 =	sshll.u32 s25, $0x7  }
0x334: {  	s25 =	sshll.u32 s25, $0x1;
	s29 =	sand.u32 $0x2000, s26;
	s28 =	sand.u32 $0x1E00, s28  }
0x335: {  	s25 =	sand.u32 $0x180, s25;
	s28 =	sor.u32 s28, s29  }
0x336: {  	s26 =	sand.u32 $0x60, s26;
	s25 =	sor.u32 s25, s28  }
0x337: {  	s26 =	sor.u32 s26, s25  }
0x338: {  	v22 =	vld [tilespmem:s26+$0x0];
	_ =	sdelay $0x4  }
0x339: {  	v25 =	vshll.u32 v22, $0x1  }
0x33a: {  	v22 =	vand.u32 $0x7, v22;
	v25 =	vand.u32 $0xFFFFFFF0, v25  }
0x33b: {  	v22 =	vor.u32 v22, v25  }
0x33c: {  	v25 =	vperm.xlane v22, v0;
	_ =	sdelay $0x1  }
0x33d: {  	v22 =	vperm.xlane v22, v2;
	v25 =	vadd.s32 v1, v25;
	_ =	sdelay $0x1  }
0x33e: {  	v39 =	vld [tilespmem:s24+$0xE460];
	v22 =	vadd.s32 v1, v22  }
0x33f: {  	v40 =	vld [tilespmem:s24+$0xE470]  }
0x340: {  	v41 =	vld [tilespmem:s24+$0xE4E0];
	s25 =	simm.s32 $0x0  }
0x341: {  	v42 =	vld [tilespmem:s24+$0xE4F0];
	[tilespmem:s8], [sflag:$0x7] =	stream.indirect_vreg.gather [hbm4b:s1+s25], $0x80, v25, vm0, $0xb8  }
0x342: {  	_ = 	snop  }
0x343: {  	[tilespmem:s4], [sflag:$0x7] =	stream.indirect_vreg.gather [hbm4b:s1+s25], $0x80, v22, vm0, $0xb8;
	[tilespmem:$0x12100] =	vst v63  }
0x344: {  	v22 =	vld [tilespmem:s26+$0x10];
	_ =	sdelay $0x4  }
0x345: {  	v25 =	vshll.u32 v22, $0x1  }
0x346: {  	v22 =	vand.u32 $0x7, v22;
	v25 =	vand.u32 $0xFFFFFFF0, v25  }
0x347: {  	v22 =	vor.u32 v22, v25  }
0x348: {  	v25 =	vperm.xlane v22, v0;
	_ =	sdelay $0x1  }
0x349: {  	v22 =	vperm.xlane v22, v2;
	v25 =	vadd.s32 v1, v25;
	_ =	sdelay $0x1  }
0x34a: {  	v22 =	vadd.s32 v1, v22;
	_ =	sdelay $0x2  }
0x34b: {  	[tilespmem:s6], [sflag:$0x7] =	stream.indirect_vreg.gather [hbm4b:s1+s25], $0x80, v25, vm0, $0xb8;
	[tilespmem:$0x12100] =	vst v63  }
0x34c: {  	_ = 	snop  }
0x34d: {  	[tilespmem:s9], [sflag:$0x7] =	stream.indirect_vreg.gather [hbm4b:s1+s25], $0x80, v22, vm0, $0xb8;
	[tilespmem:$0x12100] =	vst v63  }
0x34e: {  	_ =	swait.ge [sflag:s21], $0x2000  }
0x34f: {  	s28 =	sand.u32 $0x1800, s25;
	s29 =	sand.u32 $0x300, s25;
	[sflag:s21] =	ssyncset.done $0x0  }
0x350: {  	s24 =	sor.u32 s29, s28;
	[sflag:s21] =	ssyncadd.s32 $0xFFFFE000  }
0x351: {  	v43 =	vld [tilespmem:s24+$0x10080]  }
0x352: {  	v44 =	vld [tilespmem:s24+$0x10090]  }
0x353: {  	v45 =	vld [tilespmem:s24+$0x100A0]  }
0x354: {  	v46 =	vld [tilespmem:s24+$0x100B0]  }
0x355: {  	v47 =	vld [tilespmem:s24+$0x100C0]  }
0x356: {  	v48 =	vld [tilespmem:s24+$0x100D0]  }
0x357: {  	v32 =	vld [tilespmem:s24+$0x100E0]  }
0x358: {  	v31 =	vld [tilespmem:s24+$0x100F0]  }
0x359: {  	v29 =	vld [tilespmem:s24+$0x10480]  }
0x35a: {  	v27 =	vld [tilespmem:s24+$0x10490]  }
0x35b: {  	v25 =	vld [tilespmem:s24+$0x104A0]  }
0x35c: {  	v23 =	vadd.f32 v8, v23;
	v24 =	vadd.f32 v36, v24;
	v22 =	vld [tilespmem:s24+$0x104B0]  }
0x35d: {  	v57 =	vld [tilespmem:s24+$0x10000]  }
0x35e: {  	v26 =	vadd.f32 v26, v23;
	v23 =	vadd.f32 v28, v24;
	v28 =	vld [tilespmem:s24+$0x10010]  }
0x35f: {  	v30 =	vadd.f32 v30, v6;
	v33 =	vadd.f32 v33, v38;
	v58 =	vld [tilespmem:s24+$0x10020]  }
0x360: {  	v12 =	vadd.f32 v35, v12;
	v13 =	vadd.f32 v37, v13;
	v59 =	vld [tilespmem:s24+$0x10030]  }
0x361: {  	v4 =	vadd.f32 v20, v4;
	v9 =	vadd.f32 v39, v9;
	v60 =	vld [tilespmem:s24+$0x10040]  }
0x362: {  	v21 =	vadd.f32 v21, v13;
	v10 =	vadd.f32 v40, v10;
	v61 =	vld [tilespmem:s24+$0x10050]  }
0x363: {  	v7 =	vadd.f32 v34, v7;
	v13 =	vadd.f32 v41, v9;
	v9 =	vld [tilespmem:s24+$0x10060]  }
0x364: {  	v24 =	vadd.f32 v11, v12;
	v11 =	vadd.f32 v42, v10;
	v10 =	vld [tilespmem:s24+$0x10070]  }
0x365: {  	v20 =	vadd.f32 v3, v4;
	v12 =	vadd.f32 v5, v7;
	v6 =	vld [tilespmem:s24+$0x104C0]  }
0x366: {  	v8 =	vld [tilespmem:s24+$0x104D0];
	v3 =	vadd.f32 v57, v14;
	v4 =	vadd.f32 v28, v15  }
0x367: {  	v14 =	vadd.f32 v58, v16;
	v15 =	vadd.f32 v59, v17;
	v28 =	vld [tilespmem:s24+$0x10400]  }
0x368: {  	v16 =	vld [tilespmem:s24+$0x10410];
	v62 =	vadd.f32 v60, v18;
	v63 =	vadd.f32 v61, v19  }
0x369: {  	v17 =	vld [tilespmem:s24+$0x10420];
	v30 =	vadd.f32 v9, v30;
	v19 =	vadd.f32 v10, v33  }
0x36a: {  	v18 =	vld [tilespmem:s24+$0x10430];
	v5 =	vadd.f32 v43, v3;
	v7 =	vadd.f32 v44, v4  }
0x36b: {  	v3 =	vadd.f32 v45, v14;
	v4 =	vadd.f32 v46, v15;
	v15 =	vld [tilespmem:s24+$0x10440]  }
0x36c: {  	s26 =	simm.s32 $0x100;
	v14 =	vld [tilespmem:s24+$0x10450];
	v9 =	vadd.f32 v47, v62;
	v10 =	vadd.f32 v48, v63  }
.LBB2_17:
0x36d: {  	p0 =	sne.s32 s26, $0xF00;
	v33 =	vld [tilespmem:s24+$0x10460];
	v30 =	vadd.f32 v32, v30;
	v19 =	vadd.f32 v31, v19  }
0x36e: {  	v26 =	vadd.f32 v28, v26;
	v16 =	vadd.f32 v16, v23;
	s25 =	sadd.s32 $0x200, s25;
	v28 =	vld [tilespmem:s24+$0x10470]  }
0x36f: {  	s29 =	sand.u32 $0x300, s26;
	s28 =	sand.u32 $0x1800, s25;
	v17 =	vadd.f32 v17, v24;
	v18 =	vadd.f32 v18, v21;
	v31 =	vld [tilespmem:s24+$0x104E0]  }
0x370: {  	v26 =	vadd.f32 v29, v26;
	v23 =	vadd.f32 v27, v16;
	v16 =	vld [tilespmem:s24+$0x104F0];
	s24 =	sor.u32 s29, s28  }
0x371: {  	v24 =	vadd.f32 v25, v17;
	v34 =	vld [tilespmem:s24+$0x10080];
	v21 =	vadd.f32 v22, v18  }
0x372: {  	v15 =	vadd.f32 v15, v20;
	v12 =	vadd.f32 v14, v12;
	v17 =	vld [tilespmem:s24+$0x10090]  }
0x373: {  	v13 =	vadd.f32 v33, v13;
	v14 =	vld [tilespmem:s24+$0x100A0];
	v11 =	vadd.f32 v28, v11  }
0x374: {  	v20 =	vadd.f32 v6, v15;
	v12 =	vadd.f32 v8, v12;
	v18 =	vld [tilespmem:s24+$0x100B0]  }
0x375: {  	v13 =	vadd.f32 v31, v13;
	v33 =	vld [tilespmem:s24+$0x100C0];
	v11 =	vadd.f32 v16, v11  }
0x376: {  	v35 =	vld [tilespmem:s24+$0x100D0]  }
0x377: {  	v32 =	vld [tilespmem:s24+$0x100E0]  }
0x378: {  	v31 =	vld [tilespmem:s24+$0x100F0]  }
0x379: {  	v29 =	vld [tilespmem:s24+$0x10480]  }
0x37a: {  	v27 =	vld [tilespmem:s24+$0x10490]  }
0x37b: {  	v25 =	vld [tilespmem:s24+$0x104A0]  }
0x37c: {  	v22 =	vld [tilespmem:s24+$0x104B0]  }
0x37d: {  	v6 =	vld [tilespmem:s24+$0x104C0]  }
0x37e: {  	v8 =	vld [tilespmem:s24+$0x104D0]  }
0x37f: {  	v15 =	vld [tilespmem:s24+$0x10000]  }
0x380: {  	v16 =	vld [tilespmem:s24+$0x10010]  }
0x381: {  	v28 =	vld [tilespmem:s24+$0x10020]  }
0x382: {  	v36 =	vld [tilespmem:s24+$0x10030]  }
0x383: {  	v37 =	vld [tilespmem:s24+$0x10040]  }
0x384: {  	v38 =	vld [tilespmem:s24+$0x10050]  }
0x385: {  	v39 =	vld [tilespmem:s24+$0x10060]  }
0x386: {  	v5 =	vadd.f32 v15, v5;
	v7 =	vadd.f32 v16, v7;
	v15 =	vld [tilespmem:s24+$0x10070]  }
0x387: {  	v3 =	vadd.f32 v28, v3;
	v4 =	vadd.f32 v36, v4;
	v28 =	vld [tilespmem:s24+$0x10400]  }
.Ltmp7:
0x388: {  	v5 =	vadd.f32 v34, v5;
	v7 =	vadd.f32 v17, v7;
	v16 =	vld [tilespmem:s24+$0x10410];
	(pc) =	sbr.rel @p0 .LBB2_17-.Ltmp7, $4  }
0x389: {  	v3 =	vadd.f32 v14, v3;
	v17 =	vld [tilespmem:s24+$0x10420];
	v4 =	vadd.f32 v18, v4  }
0x38a: {  	v9 =	vadd.f32 v37, v9;
	v10 =	vadd.f32 v38, v10;
	v18 =	vld [tilespmem:s24+$0x10430]  }
0x38b: {  	v30 =	vadd.f32 v39, v30;
	v19 =	vadd.f32 v15, v19;
	v15 =	vld [tilespmem:s24+$0x10440]  }
0x38c: {  	s26 =	sadd.s32 $0x100, s26;
	v9 =	vadd.f32 v33, v9;
	v10 =	vadd.f32 v35, v10;
	v14 =	vld [tilespmem:s24+$0x10450]  }
0x38d: {  	s23 =	smin.u32 s23, $0xF0  }
0x38e: {  	s23 =	sadd.s32 $0xF, s23  }
0x38f: {  	s25 =	sshll.u32 s23, $0x5;
	s26 =	sshll.u32 s23, $0x7  }
0x390: {  	s23 =	sshll.u32 s23, $0x1;
	s25 =	sand.u32 $0x2000, s25;
	s26 =	sand.u32 $0x1E00, s26  }
0x391: {  	s23 =	sand.u32 $0x180, s23;
	s25 =	sor.u32 s26, s25  }
0x392: {  	s23 =	sor.u32 s23, s25  }
0x393: {  	v33 =	vld [tilespmem:s23+$0x60];
	_ =	sdelay $0x4  }
0x394: {  	v34 =	vshll.u32 v33, $0x1  }
0x395: {  	v33 =	vand.u32 $0x7, v33;
	v34 =	vand.u32 $0xFFFFFFF0, v34  }
0x396: {  	v33 =	vor.u32 v33, v34  }
0x397: {  	v34 =	vperm.xlane v33, v0;
	_ =	sdelay $0x1  }
0x398: {  	v33 =	vperm.xlane v33, v2;
	v34 =	vadd.s32 v1, v34;
	_ =	sdelay $0x1  }
0x399: {  	v35 =	vld [tilespmem:s24+$0x10460];
	v33 =	vadd.s32 v1, v33  }
0x39a: {  	v36 =	vld [tilespmem:s24+$0x10470]  }
0x39b: {  	v37 =	vld [tilespmem:s24+$0x104E0]  }
0x39c: {  	v38 =	vld [tilespmem:s24+$0x104F0];
	[tilespmem:s10], [sflag:$0x8] =	stream.indirect_vreg.gather [hbm4b:s1+s2], $0x80, v34, vm0, $0xb8  }
0x39d: {  	_ = 	snop  }
0x39e: {  	[tilespmem:s11], [sflag:$0x8] =	stream.indirect_vreg.gather [hbm4b:s1+s2], $0x80, v33, vm0, $0xb8;
	[tilespmem:$0x12100] =	vst v63  }
0x39f: {  	v33 =	vld [tilespmem:s23+$0x70];
	_ =	sdelay $0x4  }
0x3a0: {  	v63 =	vshll.u32 v33, $0x1  }
0x3a1: {  	v33 =	vand.u32 $0x7, v33;
	v34 =	vand.u32 $0xFFFFFFF0, v63  }
0x3a2: {  	v33 =	vor.u32 v33, v34  }
0x3a3: {  	v34 =	vperm.xlane v33, v0;
	_ =	sdelay $0x1  }
0x3a4: {  	v33 =	vperm.xlane v33, v2;
	v34 =	vadd.s32 v1, v34;
	_ =	sdelay $0x1  }
0x3a5: {  	v33 =	vadd.s32 v1, v33  }
0x3a6: {  	s29 =	sand.u32 $0x7, s22  }
0x3a7: {  	p0 =	sne.s32 s29, $0x7  }
0x3a8: {  	[tilespmem:s12], [sflag:$0x8] =	stream.indirect_vreg.gather [hbm4b:s1+s2], $0x80, v34, vm0, $0xb8;
	[tilespmem:$0x12100] =	vst v63  }
0x3a9: {  	v34 =	vmul.f32 @!p0 $4.882812500e-04, v5  }
0x3aa: {  	v30 =	vadd.f32 v32, v30;
	v32 =	vmul.f32 @!p0 $4.882812500e-04, v4;
	[tilespmem:s13], [sflag:$0x8] =	stream.indirect_vreg.gather [hbm4b:s1+s2], $0x80, v33, vm0, $0xb8;
	[tilespmem:$0x12100] =	vst v63  }
0x3ab: {  	v19 =	vadd.f32 v31, v19;
	v26 =	vadd.f32 v28, v26;
	v28 =	vmul.f32 @!p0 $4.882812500e-04, v9;
	[tilespmem:$0x12000] =	vst @!p0 v34  }
0x3ac: {  	v16 =	vadd.f32 v16, v23;
	v17 =	vadd.f32 v17, v24;
	v23 =	vmul.f32 @!p0 $4.882812500e-04, v10;
	[tilespmem:$0x12030] =	vst @!p0 v32  }
0x3ad: {  	v18 =	vadd.f32 v18, v21;
	v21 =	vadd.f32 v29, v26;
	v24 =	vmul.f32 @!p0 $4.882812500e-04, v30;
	[tilespmem:$0x12040] =	vst @!p0 v28  }
0x3ae: {  	v26 =	vadd.f32 v27, v16;
	v16 =	vmul.f32 @!p0 $4.882812500e-04, v19;
	[tilespmem:$0x12050] =	vst @!p0 v23  }
0x3af: {  	v25 =	vadd.f32 v25, v17;
	v15 =	vadd.f32 v15, v20;
	v17 =	vmul.f32 @!p0 $4.882812500e-04, v21;
	[tilespmem:$0x12060] =	vst @!p0 v24  }
0x3b0: {  	v12 =	vadd.f32 v14, v12;
	v14 =	vmul.f32 @!p0 $4.882812500e-04, v26;
	[tilespmem:$0x12070] =	vst @!p0 v16  }
0x3b1: {  	v6 =	vadd.f32 v6, v15;
	v15 =	vmul.f32 @!p0 $4.882812500e-04, v25;
	[tilespmem:$0x12080] =	vst @!p0 v17  }
0x3b2: {  	v22 =	vadd.f32 v22, v18;
	v11 =	vadd.f32 v36, v11;
	v33 =	vmul.f32 @!p0 $4.882812500e-04, v7;
	[tilespmem:$0x12090] =	vst @!p0 v14  }
0x3b3: {  	v13 =	vadd.f32 v35, v13;
	v34 =	vmul.f32 @!p0 $4.882812500e-04, v3;
	[tilespmem:$0x120A0] =	vst @!p0 v15  }
0x3b4: {  	v11 =	vadd.f32 v38, v11;
	v23 =	vadd.f32 v8, v12;
	v8 =	vmul.f32 @!p0 $4.882812500e-04, v22;
	[tilespmem:$0x12010] =	vst @!p0 v33  }
0x3b5: {  	v12 =	vmul.f32 @!p0 $4.882812500e-04, v6;
	[tilespmem:$0x12020] =	vst @!p0 v34  }
0x3b6: {  	v24 =	vadd.f32 v37, v13;
	v16 =	vmul.f32 @!p0 $4.882812500e-04, v11;
	[tilespmem:$0x120B0] =	vst @!p0 v8  }
0x3b7: {  	s23 =	simm.f32 @!p0 $0.0e+00;
	v8 =	vmul.f32 @!p0 $4.882812500e-04, v23;
	[tilespmem:$0x120C0] =	vst @!p0 v12  }
0x3b8: {  	s24 =	sshll.u32 @!p0 s22, $0x1;
	s22 =	sadd.s32 $0x1, s22;
	s23 =	simm.f32 @p0 $1.000000000e+00;
	v12 =	vmul.f32 @!p0 $4.882812500e-04, v24;
	[tilespmem:$0x120F0] =	vst @!p0 v16  }
0x3b9: {  	s28 =	simm.s32 @!p0 $0x12000;
	s24 =	sand.u32 @!p0 $0x30, s24;
	p1 =	sne.s32 s22, $0x20;
	v20 =	vmul.f32 s23, v9;
	v18 =	vmul.f32 s23, v10;
	[tilespmem:$0x120D0] =	vst @!p0 v8  }
0x3ba: {  	s24 =	sadd.s32 @!p0 s24, s5;
	s26 =	simm.s32 @!p0 $0x400;
	s25 =	simm.s32 @!p0 $0x80;
	v10 =	vmul.f32 s23, v21;
	v9 =	vmul.f32 s23, v26;
	[tilespmem:$0x120E0] =	vst @!p0 v12  }
0x3bb: {  	v15 =	vmul.f32 s23, v5;
	v14 =	vmul.f32 s23, v7;
	[hbm4b:s24+s25] =	stream.strided.scatter @!p0 [tilespmem:s28], [sflag:$0x9], $0x100, s26, s25, $0x38;
	[tilespmem:$0x12100] =	vst v63  }
.Ltmp8:
0x3bc: {  	v13 =	vmul.f32 s23, v3;
	v17 =	vmul.f32 s23, v30;
	(pc) =	sbr.rel @p1 .LBB2_2-.Ltmp8, $4  }
0x3bd: {  	v7 =	vmul.f32 s23, v22;
	v6 =	vmul.f32 s23, v6;
	s24 =	simm.s32 @!p0 $0x9  }
0x3be: {  	v3 =	vmul.f32 s23, v11;
	v16 =	vmul.f32 s23, v19;
	_ =	swait.ge @!p0 [sflag:s24], $0x100  }
0x3bf: {  	v5 =	vmul.f32 s23, v24;
	v12 =	vmul.f32 s23, v4;
	[sflag:s24] =	ssyncset.done @!p0 $0x0  }
0x3c0: {  	v8 =	vmul.f32 s23, v25;
	v4 =	vmul.f32 s23, v23;
	[sflag:s24] =	ssyncadd.s32 @!p0 $0xFFFFFF00  }
0x3c1: {  	_ =	swait.ge [sflag:s14], $0x2000  }
0x3c2: {  	[sflag:s14] =	ssyncset.done $0x0  }
0x3c3: {  	[sflag:s14] =	ssyncadd.s32 $0xFFFFE000  }
0x3c4: {  	_ =	swait.ge [sflag:s15], $0x2000  }
0x3c5: {  	[sflag:s15] =	ssyncset.done $0x0  }
0x3c6: {  	[sflag:s15] =	ssyncadd.s32 $0xFFFFE000  }
0x3c7: {  	_ =	swait.ge [sflag:s16], $0x2000  }
0x3c8: {  	[sflag:s16] =	ssyncset.done $0x0  }
0x3c9: {  	[sflag:s16] =	ssyncadd.s32 $0xFFFFE000  }
0x3ca: {  	_ =	swait.ge [sflag:s17], $0x2000  }
0x3cb: {  	[sflag:s17] =	ssyncset.done $0x0  }
0x3cc: {  	[sflag:s17] =	ssyncadd.s32 $0xFFFFE000  }
0x3cd: {  	_ =	swait.ge [sflag:s18], $0x2000  }
0x3ce: {  	[sflag:s18] =	ssyncset.done $0x0  }
0x3cf: {  	[sflag:s18] =	ssyncadd.s32 $0xFFFFE000  }
0x3d0: {  	_ =	swait.ge [sflag:s19], $0x2000  }
0x3d1: {  	[sflag:s19] =	ssyncset.done $0x0  }
0x3d2: {  	[sflag:s19] =	ssyncadd.s32 $0xFFFFE000  }
0x3d3: {  	_ =	swait.ge [sflag:s20], $0x2000  }
0x3d4: {  	[sflag:s20] =	ssyncset.done $0x0  }
0x3d5: {  	[sflag:s20] =	ssyncadd.s32 $0xFFFFE000  }
0x3d6: {  	_ =	swait.ge [sflag:s21], $0x2000  }
0x3d7: {  	s23 =	rddreg [dreg:$0x6]  }
0x3d8: {  	s22 =	rddreg [dreg:$0x5];
	s23 =	sadd.s32 $0x1, s23  }
0x3d9: {  	p0 =	sne.s32 s23, s22  }
.Ltmp9:
0x3da: {  	_ = 	snop;
	(pc) =	sbr.rel @p0 .LBB2_1-.Ltmp9, $3  }
0x3db: {  	_ =	sdelay $0x1  }
0x3dc: {  	[sflag:s21] =	ssyncset.done $0x0  }
0x3dd: {  	[sflag:s21] =	ssyncadd.s32 $0xFFFFE000  }
0x3de: {  	_ =	sfence.sel $0x180000  }
0x3df: {  	[bflag:$0x0] =	sbarrier.arrive $0xFFFF  }
0x3e0: {  	_ =	strace $0x90000047  }
0x3e1: {  	s0 =	stileid.u32;
	[bflag:$0x2] =	sbarrier.arrive $0xFFFF  }
0x3e2: {  	p0 =	sne.s32 s0, $0x0;
	s0 =	rddreg [dreg:$0x3]  }
0x3e3: {  	s0 =	sadd.s32 @!p0 $0x100000, s0  }
0x3e4: {  	[sflag:s0] =	ssyncadd.tile.s32 @!p0 $0x1;
	_ =	shalt  }
.Lfunc_end2:
_tile_overlayer_lowered:
.L_overlay_start_2:
0x3e5: {  	(tag) =	ssettag $0x2  }
0x3e6: {  	s0 =	rddreg [dreg:$0x0];
	s2 =	stileid.u32  }
0x3e7: {  	s1 =	rddreg [dreg:$0x1];
	p0 =	sne.s32 s2, $0x0  }
0x3e8: {  	s3 =	rddreg [dreg:$0x2];
	[bflag:$0x3] =	sbarrier.arrive $0xFFFF;
	s2 =	simm.s32 @!p0 $0x1C09  }
0x3e9: {  	[timem:s3], [sflag:s2] =	dma.local @!p0 [hbm:s0], s1  }
0x3ea: {  	s0 =	simm.s32 @!p0 $0x9  }
0x3eb: {  	_ =	swait.ge @!p0 [sflag:s0], s1  }
0x3ec: {  	s1 =	ssub.s32 @!p0 $0x0, s1;
	[sflag:s0] =	ssyncset.done @!p0 $0x0  }
0x3ed: {  	[sflag:s0] =	ssyncadd.s32 @!p0 s1  }
0x3ee: {  	[bflag:$0x3] =	sbarrier.arrive $0xFFFF  }
0x3ef: {  	_ =	shalt  }

</sc_bundles>
